<compile_context>
chip_gen: v7x
topology: tpu7x:2x2x1
jax: 0.10.2.dev20260603
libtpu: 0.0.44.dev20260713+nightly
codegen_flags: <defaults>
</compile_context>

<pallas_src>
import functools

import jax
import jax.numpy as jnp
from jax import lax
from jax.experimental import pallas as pl
from jax.experimental.pallas import tpu as pltpu
from jax.experimental.pallas import tpu_sc as plsc

SRC = 4.0
D_OUT = 64
NC, NS, LANES = 2, 16, 16
NW = NC * NS
VOL = 128 * 128 * 128
N_PIX = 4 * 128 * 128
PIX_PER_W = N_PIX // NW
GROUPS = PIX_PER_W // LANES
PIX_C = 1024
GROUPS_C = PIX_C // LANES


def _set_matrix(rtvec):
    B = rtvec.shape[0]
    rx, ry, rz = rtvec[:, 0], rtvec[:, 1], rtvec[:, 2]
    tx, ty, tz = rtvec[:, 3], rtvec[:, 4], rtvec[:, 5]
    z = jnp.zeros(B, dtype=rtvec.dtype); o = jnp.ones(B, dtype=rtvec.dtype)
    cx, sx = jnp.cos(rx), jnp.sin(rx)
    cy, sy = jnp.cos(ry), jnp.sin(ry)
    cz, sz = jnp.cos(rz), jnp.sin(rz)
    Rx = jnp.stack([o, z, z, z, z, cx, -sx, z, z, sx, cx, z, z, z, z, o], axis=1).reshape(B, 4, 4)
    Ry = jnp.stack([cy, z, sy, z, z, o, z, z, -sy, z, cy, z, z, z, z, o], axis=1).reshape(B, 4, 4)
    Rz = jnp.stack([cz, -sz, z, z, sz, cz, z, z, z, z, o, z, z, z, z, o], axis=1).reshape(B, 4, 4)
    T = jnp.stack([o, z, z, tx, z, o, z, ty, z, z, o, tz, z, z, z, o], axis=1).reshape(B, 4, 4)
    rot = jnp.einsum('bij,bjk->bik', jnp.einsum('bij,bjk->bik', Rz, Ry), Rx)
    M = jnp.einsum('bij,bjk->bik', rot, T)
    return M[:, :3, :]


def _raydist_range(M, pt, src):
    pt = pt - M[:, :3, 3][:, None, :]
    invR = jnp.linalg.inv(M[:, :3, :3])
    inv_pt = jnp.einsum('bnc,bcd->bnd', pt, invR)
    inv_pt = inv_pt.at[:, :, 2].set(src - inv_pt[:, :, 2])
    flat = inv_pt.reshape(-1, 3)
    d = jnp.sqrt(flat[:, 0] ** 2 + flat[:, 1] ** 2 + flat[:, 2] ** 2)
    return jnp.min(d), jnp.max(d)


def _sc_body(b0, vol_hbm, crd_hbm, dum_hbm, out_hbm,
             crd0, crd1, idx0, idx1, w0, w1, val0, val1, out_v, sem, csem):
    cid = lax.axis_index("c")
    sid = lax.axis_index("s")
    wid = sid * NC + cid
    bl = wid // 16
    sub = wid - bl * 16
    vol_base = (b0 + bl) * VOL

    def load_crd(g, crd_s, cs):
        row = bl * 1024 + (sub * 8 + g // 8) * 8 + (g - (g // 8) * 8)
        pltpu.async_copy(crd_hbm.at[row], crd_s, cs)

    def phase_a(crd_s, idx_s, w_s, cs):
        pltpu.make_async_copy(crd_hbm.at[0], crd_s, cs).wait()

        def step(d, _):
            vx = crd_s[0, d]
            vy = crd_s[1, d]
            vz = crd_s[2, d]
            x0i = jnp.clip(lax.convert_element_type(vx, jnp.int32), 0, 127)
            y0i = jnp.clip(lax.convert_element_type(vy, jnp.int32), 0, 127)
            z0i = jnp.clip(lax.convert_element_type(vz, jnp.int32), 0, 127)
            x0f = lax.convert_element_type(x0i, jnp.float32)
            y0f = lax.convert_element_type(y0i, jnp.float32)
            z0f = lax.convert_element_type(z0i, jnp.float32)
            x1f = jnp.minimum(x0f + 1.0, 127.0)
            y1f = jnp.minimum(y0f + 1.0, 127.0)
            z1f = jnp.minimum(z0f + 1.0, 127.0)
            x1i = lax.convert_element_type(x1f, jnp.int32)
            y1i = lax.convert_element_type(y1f, jnp.int32)
            z1i = lax.convert_element_type(z1f, jnp.int32)
            wx0 = x1f - vx; wx1 = vx - x0f
            wy0 = y1f - vy; wy1 = vy - y0f
            wz0 = z1f - vz; wz1 = vz - z0f
            inb = ((vx >= 0.0) & (vx <= 128.0) & (vy >= 0.0) & (vy <= 128.0)
                   & (vz >= 0.0) & (vz <= 128.0))
            msk = jnp.where(inb, 1.0, 0.0)
            wz0 = wz0 * msk
            wz1 = wz1 * msk
            r00 = vol_base + z0i * 16384 + y0i * 128
            r01 = vol_base + z0i * 16384 + y1i * 128
            r10 = vol_base + z1i * 16384 + y0i * 128
            r11 = vol_base + z1i * 16384 + y1i * 128
            o = d * 128
            idx_s[pl.ds(o + 0, 16)] = r00 + x0i
            idx_s[pl.ds(o + 16, 16)] = r00 + x1i
            idx_s[pl.ds(o + 32, 16)] = r01 + x0i
            idx_s[pl.ds(o + 48, 16)] = r01 + x1i
            idx_s[pl.ds(o + 64, 16)] = r10 + x0i
            idx_s[pl.ds(o + 80, 16)] = r10 + x1i
            idx_s[pl.ds(o + 96, 16)] = r11 + x0i
            idx_s[pl.ds(o + 112, 16)] = r11 + x1i
            w_s[d, 0:16] = wx0
            w_s[d, 16:32] = wx1
            w_s[d, 32:48] = wy0
            w_s[d, 48:64] = wy1
            w_s[d, 64:80] = wz0
            w_s[d, 80:96] = wz1
            return 0

        lax.fori_loop(0, D_OUT, step, 0)

    def fire(idx_s, val_s, s):
        pltpu.async_copy(vol_hbm.at[idx_s], val_s, s)

    def drain_combine(w_s, val_s, s):
        pltpu.make_async_copy(dum_hbm, val_s, s).wait()

        def cstep(d, acc):
            wx0 = w_s[d, 0:16]; wx1 = w_s[d, 16:32]
            wy0 = w_s[d, 32:48]; wy1 = w_s[d, 48:64]
            wz0 = w_s[d, 64:80]; wz1 = w_s[d, 80:96]
            o = d * 128
            va = val_s[pl.ds(o + 0, 16)]; vb = val_s[pl.ds(o + 16, 16)]
            vc = val_s[pl.ds(o + 32, 16)]; vd = val_s[pl.ds(o + 48, 16)]
            ve = val_s[pl.ds(o + 64, 16)]; vf = val_s[pl.ds(o + 80, 16)]
            vg = val_s[pl.ds(o + 96, 16)]; vh = val_s[pl.ds(o + 112, 16)]
            bot = wy0 * (wx0 * va + wx1 * vb) + wy1 * (wx0 * vc + wx1 * vd)
            top = wy0 * (wx0 * ve + wx1 * vf) + wy1 * (wx0 * vg + wx1 * vh)
            return acc + (wz0 * bot + wz1 * top)

        return lax.fori_loop(0, D_OUT, cstep, jnp.zeros((LANES,), jnp.float32))

    s0, s1 = sem.at[0], sem.at[1]
    c0, c1 = csem.at[0], csem.at[1]

    load_crd(0, crd0, c0)
    load_crd(1, crd1, c1)
    phase_a(crd0, idx0, w0, c0)
    fire(idx0, val0, s0)

    def pair(i, _):
        g = 2 * i

        @pl.when(g + 2 < GROUPS_C)
        def _():
            load_crd(g + 2, crd0, c0)

        phase_a(crd1, idx1, w1, c1)
        fire(idx1, val1, s1)
        acc = drain_combine(w0, val0, s0)
        out_v[pl.ds(g * 16, 16)] = acc * (1.0 / D_OUT)

        @pl.when(g + 3 < GROUPS_C)
        def _():
            load_crd(g + 3, crd1, c1)

        @pl.when(g + 2 < GROUPS_C)
        def _():
            phase_a(crd0, idx0, w0, c0)
            fire(idx0, val0, s0)

        acc = drain_combine(w1, val1, s1)
        out_v[pl.ds((g + 1) * 16, 16)] = acc * (1.0 / D_OUT)
        return 0

    lax.fori_loop(0, GROUPS_C // 2, pair, 0)
    pltpu.sync_copy(
        out_v, out_hbm.at[pl.ds(bl * 16384 + sub * PIX_C, PIX_C)])


_MESH = plsc.VectorSubcoreMesh(
    core_axis_name="c", subcore_axis_name="s", num_cores=NC, num_subcores=NS)

def _make_projector(b0):
    return functools.partial(
        pl.kernel,
        out_type=jax.ShapeDtypeStruct((2 * 16384,), jnp.float32),
        mesh=_MESH,
        scratch_types=[
            pltpu.VMEM((3, D_OUT, LANES), jnp.float32),
            pltpu.VMEM((3, D_OUT, LANES), jnp.float32),
            pltpu.VMEM((D_OUT * 128,), jnp.int32),
            pltpu.VMEM((D_OUT * 128,), jnp.int32),
            pltpu.VMEM((D_OUT, 96), jnp.float32),
            pltpu.VMEM((D_OUT, 96), jnp.float32),
            pltpu.VMEM((D_OUT * 128,), jnp.float32),
            pltpu.VMEM((D_OUT * 128,), jnp.float32),
            pltpu.VMEM((PIX_C,), jnp.float32),
            pltpu.SemaphoreType.DMA((2,)),
            pltpu.SemaphoreType.DMA((2,)),
        ],
    )(functools.partial(_sc_body, b0))


_projector0 = _make_projector(0)
_projector1 = _make_projector(2)


def _coords(M, scale, oH, oW, B):
    zs = jnp.linspace(-1.0, 1.0, D_OUT)
    ys = jnp.linspace(-1.0, 1.0, oH)
    xs = jnp.linspace(-1.0, 1.0, oW)
    gz, gy, gx = jnp.meshgrid(zs, ys, xs, indexing='ij')
    pts = jnp.stack([gx, gy, gz, jnp.ones_like(gx)], axis=-1).reshape(-1, 4)
    tp = jnp.einsum('bij,pj->bpi', M, pts)
    grid = (tp * scale).reshape(B, D_OUT, oH, oW, 3)
    crd = 128.0 * (grid * 0.5 + 0.5)
    crd = crd.reshape(B, D_OUT, oH, oW // LANES, LANES, 3)
    crd = jnp.transpose(crd, (0, 2, 3, 5, 1, 4))
    return crd.reshape(B * oH * (oW // LANES), 3, D_OUT, LANES)


def kernel(x, y, rtvec, corner_pt):
    B, C, D, H, W = x.shape
    oH, oW = y.shape[2], y.shape[3]
    M = _set_matrix(rtvec)
    dmin, dmax = _raydist_range(M, corner_pt, SRC)
    scale = 2.0 / (dmin + dmax + 1e-6)
    crd0 = _coords(M[0:2], scale, oH, oW, 2)
    crd1 = _coords(M[2:4], scale, oH, oW, 2)
    vol_flat = x.reshape(-1)
    dum = jnp.zeros((D_OUT * 128,), jnp.float32)
    out0 = _projector0(vol_flat, crd0, dum)
    out1 = _projector1(vol_flat, crd1, dum)
    out = jnp.concatenate([out0, out1])
    return out.reshape(B, C, oH, oW)

# --- scband reference (transcript-rebuilt; emitter-appended) ---
"""Pipeline reference for scband-pro-st-71889162600455 (READ-ONLY COPY).

The authoritative reference and input builder live on the scoring server;
editing this copy changes nothing except your own understanding.
"""

import jax, jax.numpy as jnp
import numpy as np

SRC = 4.0
D_OUT = 64

def set_matrix(rtvec):
    B = rtvec.shape[0]
    rx, ry, rz = rtvec[:, 0], rtvec[:, 1], rtvec[:, 2]
    tx, ty, tz = rtvec[:, 3], rtvec[:, 4], rtvec[:, 5]
    z = jnp.zeros(B, dtype=rtvec.dtype); o = jnp.ones(B, dtype=rtvec.dtype)
    cx, sx = jnp.cos(rx), jnp.sin(rx)
    cy, sy = jnp.cos(ry), jnp.sin(ry)
    cz, sz = jnp.cos(rz), jnp.sin(rz)
    Rx = jnp.stack([o, z, z, z, z, cx, -sx, z, z, sx, cx, z, z, z, z, o], axis=1).reshape(B, 4, 4)
    Ry = jnp.stack([cy, z, sy, z, z, o, z, z, -sy, z, cy, z, z, z, z, o], axis=1).reshape(B, 4, 4)
    Rz = jnp.stack([cz, -sz, z, z, sz, cz, z, z, z, z, o, z, z, z, z, o], axis=1).reshape(B, 4, 4)
    T = jnp.stack([o, z, z, tx, z, o, z, ty, z, z, o, tz, z, z, z, o], axis=1).reshape(B, 4, 4)
    rot = jnp.einsum('bij,bjk->bik', jnp.einsum('bij,bjk->bik', Rz, Ry), Rx)
    M = jnp.einsum('bij,bjk->bik', rot, T)
    return M[:, :3, :]

def inv_pose_vec(M, pt):
    pt = pt - M[:, :3, 3][:, None, :]
    invR = jnp.linalg.inv(M[:, :3, :3])
    return jnp.einsum('bnc,bcd->bnd', pt, invR)

def raydist_range(M, pt, src):
    inv_pt = inv_pose_vec(M, pt)
    inv_pt = inv_pt.at[:, :, 2].set(src - inv_pt[:, :, 2])
    flat = inv_pt.reshape(-1, 3)
    d = jnp.sqrt(flat[:, 0] * flat[:, 0] + flat[:, 1] * flat[:, 1] + flat[:, 2] * flat[:, 2])
    return jnp.min(d), jnp.max(d)

def trilinear_interp_5d(vol, grid):
    B, C, D, H, W = vol.shape
    volp = jnp.transpose(vol, (0, 2, 3, 4, 1))
    _, oD, oH, oW, _ = grid.shape
    x = W * (grid[..., 0] * 0.5 + 0.5)
    y = H * (grid[..., 1] * 0.5 + 0.5)
    z = D * (grid[..., 2] * 0.5 + 0.5)
    x = x.reshape(-1); y = y.reshape(-1); z = z.reshape(-1)
    oob = ~((x >= 0) & (x <= W) & (y >= 0) & (y <= H) & (z >= 0) & (z <= D))
    x0 = jnp.floor(x); x1 = x0 + 1
    y0 = jnp.floor(y); y1 = y0 + 1
    z0 = jnp.floor(z); z1 = z0 + 1
    x0 = jnp.clip(x0, 0, W - 1); x1 = jnp.clip(x1, 0, W - 1)
    y0 = jnp.clip(y0, 0, H - 1); y1 = jnp.clip(y1, 0, H - 1)
    z0 = jnp.clip(z0, 0, D - 1); z1 = jnp.clip(z1, 0, D - 1)
    dim3 = W; dim2 = W * H; dim1 = D * H * W
    base = jnp.repeat(jnp.arange(B, dtype=jnp.int32) * dim1, oD * oH * oW)
    def mk_idx(zz, yy, xx):
        return base + zz.astype(jnp.int32) * dim2 + yy.astype(jnp.int32) * dim3 + xx.astype(jnp.int32)
    im_flat = volp.reshape(-1, C)
    Ia = jnp.take(im_flat, mk_idx(z0, y0, x0), axis=0)
    Ib = jnp.take(im_flat, mk_idx(z0, y0, x1), axis=0)
    Ic = jnp.take(im_flat, mk_idx(z0, y1, x0), axis=0)
    Id = jnp.take(im_flat, mk_idx(z0, y1, x1), axis=0)
    Ie = jnp.take(im_flat, mk_idx(z1, y0, x0), axis=0)
    If = jnp.take(im_flat, mk_idx(z1, y0, x1), axis=0)
    Ig = jnp.take(im_flat, mk_idx(z1, y1, x0), axis=0)
    Ih = jnp.take(im_flat, mk_idx(z1, y1, x1), axis=0)
    wa = ((x1 - x) * (y1 - y) * (z1 - z))[:, None]
    wb = ((x - x0) * (y1 - y) * (z1 - z))[:, None]
    wc = ((x1 - x) * (y - y0) * (z1 - z))[:, None]
    wd = ((x - x0) * (y - y0) * (z1 - z))[:, None]
    we = ((x1 - x) * (y1 - y) * (z - z0))[:, None]
    wf = ((x - x0) * (y1 - y) * (z - z0))[:, None]
    wg = ((x1 - x) * (y - y0) * (z - z0))[:, None]
    wh = ((x - x0) * (y - y0) * (z - z0))[:, None]
    out = wa * Ia + wb * Ib + wc * Ic + wd * Id + we * Ie + wf * If + wg * Ig + wh * Ih
    out = jnp.where(oob[:, None], 0.0, out)
    out = out.reshape(B, oD, oH, oW, C)
    return jnp.transpose(out, (0, 4, 1, 2, 3))

def _forward(x, y, rtvec, corner_pt):
    B, C, D, H, W = x.shape
    oH, oW = y.shape[2], y.shape[3]
    M = set_matrix(rtvec)
    dmin, dmax = raydist_range(M, corner_pt, SRC)
    zs = jnp.linspace(-1.0, 1.0, D_OUT)
    ys = jnp.linspace(-1.0, 1.0, oH)
    xs = jnp.linspace(-1.0, 1.0, oW)
    gz, gy, gx = jnp.meshgrid(zs, ys, xs, indexing='ij')
    pts = jnp.stack([gx, gy, gz, jnp.ones_like(gx)], axis=-1).reshape(-1, 4)
    tp = jnp.einsum('bij,pj->bpi', M, pts)
    scale = 2.0 / (dmin + dmax + 1e-6)
    grid = (tp * scale).reshape(B, D_OUT, oH, oW, 3)
    x3d = trilinear_interp_5d(x, grid)
    x2d = jnp.sum(x3d, axis=2) * (1.0 / D_OUT)
    return x2d

def setup_inputs(seed: int = 0):
    key = jax.random.key(seed)
    k1, k2, k3, k4 = jax.random.split(key, 4)
    x = jax.random.normal(k1, (4, 1, 128, 128, 128), dtype=jnp.float32)
    y = jax.random.normal(k2, (4, 1, 128, 128), dtype=jnp.float32)
    rtvec = jax.random.normal(k3, (4, 6), dtype=jnp.float32) * 0.2
    corner_pt = jax.random.normal(k4, (4, 8, 3), dtype=jnp.float32)
    return {"x": x, "y": y, "rtvec": rtvec, "corner_pt": corner_pt}

def reference(x, y, rtvec, corner_pt):
    return _forward(x, y, rtvec, corner_pt)

if __name__ == "__main__":
    import jax
    _d = setup_inputs()
    print(jax.jit(kernel)(*tuple(_d.values())))

</pallas_src>

<mosaic_0001>
#map = affine_map<(d0, d1) -> (0)>
#map1 = affine_map<(d0, d1) -> (0, 0, 0, 0)>
module attributes {stable_mosaic.version = 14 : i64} {
  func.func @_sc_body(%arg0: i32, %arg1: i32, %arg2: memref<8388608xf32, #tpu.memory_space<hbm>>, %arg3: memref<2048x3x64x16xf32, #tpu.memory_space<hbm>>, %arg4: memref<8192xf32, #tpu.memory_space<hbm>>, %arg5: memref<32768xf32, #tpu.memory_space<hbm>>, %arg6: memref<3x64x16xf32, #tpu.memory_space<vmem>>, %arg7: memref<3x64x16xf32, #tpu.memory_space<vmem>>, %arg8: memref<8192xi32, #tpu.memory_space<vmem>>, %arg9: memref<8192xi32, #tpu.memory_space<vmem>>, %arg10: memref<64x96xf32, #tpu.memory_space<vmem>>, %arg11: memref<64x96xf32, #tpu.memory_space<vmem>>, %arg12: memref<8192xf32, #tpu.memory_space<vmem>>, %arg13: memref<8192xf32, #tpu.memory_space<vmem>>, %arg14: memref<1024xf32, #tpu.memory_space<vmem>>, %arg15: memref<2x!tpu.dma_semaphore, #tpu.memory_space<semaphore_mem>>, %arg16: memref<2x!tpu.dma_semaphore, #tpu.memory_space<semaphore_mem>>) attributes {dimension_semantics = [#tpu.dimension_semantics<core_parallel>, #tpu.dimension_semantics<subcore_parallel>], iteration_bounds = array<i64: 2, 16>, scalar_prefetch = 0 : i64, scratch_operands = 11 : i64, tpu.core_type = #tpu.core_type<sc_vector_subcore>, window_params = [{transform_indices = #map}, {transform_indices = #map1}, {transform_indices = #map}, {transform_indices = #map}]} {
    %mul3A = arith.constant 2 : i32
    %mul3A_0 = arith.muli %arg1, %mul3A : i32
    %add3A = arith.addi %mul3A_0, %arg0 : i32
    %jit3A = arith.constant 16 : i32
    %div3A = arith.divsi %add3A, %jit3A : i32
    %sign3A = arith.constant 0 : i32
    %sign3A_1 = arith.cmpi sgt, %add3A, %sign3A : i32
    %sign3A_2 = arith.extui %sign3A_1 : i1 to i32
    %sign3A_3 = arith.constant 0 : i32
    %sign3A_4 = arith.cmpi slt, %add3A, %sign3A_3 : i32
    %sign3A_5 = arith.extui %sign3A_4 : i1 to i32
    %sign3A_6 = arith.subi %sign3A_2, %sign3A_5 : i32
    %sign3A_7 = arith.constant 0 : i32
    %sign3A_8 = arith.cmpi sgt, %jit3A, %sign3A_7 : i32
    %sign3A_9 = arith.extui %sign3A_8 : i1 to i32
    %sign3A_10 = arith.constant 0 : i32
    %sign3A_11 = arith.cmpi slt, %jit3A, %sign3A_10 : i32
    %sign3A_12 = arith.extui %sign3A_11 : i1 to i32
    %sign3A_13 = arith.subi %sign3A_9, %sign3A_12 : i32
    %ne3A = arith.cmpi ne, %sign3A_6, %sign3A_13 : i32
    %rem3A = arith.remsi %add3A, %jit3A : i32
    %ne3A_14 = arith.constant 0 : i32
    %ne3A_15 = arith.cmpi ne, %rem3A, %ne3A_14 : i32
    %and3A = arith.andi %ne3A, %ne3A_15 : i1
    %sub3A = arith.constant 1 : i32
    %sub3A_16 = arith.subi %div3A, %sub3A : i32
    %select_n3A = arith.select %and3A, %sub3A_16, %div3A : i32
    %mul3A_17 = arith.constant 16 : i32
    %mul3A_18 = arith.muli %select_n3A, %mul3A_17 : i32
    %sub3A_19 = arith.subi %add3A, %mul3A_18 : i32
    %add3A_20 = arith.constant 2 : i32
    %add3A_21 = arith.addi %add3A_20, %select_n3A : i32
    %mul3A_22 = arith.constant 2097152 : i32
    %mul3A_23 = arith.muli %add3A_21, %mul3A_22 : i32
    %mul3A_24 = arith.constant 1024 : i32
    %mul3A_25 = arith.muli %select_n3A, %mul3A_24 : i32
    %mul3A_26 = arith.constant 8 : i32
    %mul3A_27 = arith.muli %sub3A_19, %mul3A_26 : i32
    %add3A_28 = arith.constant 0 : i32
    %add3A_29 = arith.addi %mul3A_27, %add3A_28 : i32
    %mul3A_30 = arith.constant 8 : i32
    %mul3A_31 = arith.muli %add3A_29, %mul3A_30 : i32
    %add3A_32 = arith.addi %mul3A_25, %mul3A_31 : i32
    %add3A_33 = arith.constant 0 : i32
    %add3A_34 = arith.addi %add3A_32, %add3A_33 : i32
    %dma_start3A = arith.constant 0 : i32
    %dma_start3A_35 = arith.constant 0 : i32
    %dma_start3A_36 = arith.constant 0 : i32
    %dma_start3A_37 = arith.constant 0 : i32
    %dma_start3A_38 = tpu.memref_slice %arg3[%add3A_34, %dma_start3A_35, %dma_start3A_36, %dma_start3A_37] : memref<2048x3x64x16xf32, #tpu.memory_space<hbm>> -> memref<1x3x64x16xf32, #tpu.memory_space<hbm>>
    %dma_start3A_39 = tpu.memref_squeeze %dma_start3A_38 : memref<1x3x64x16xf32, #tpu.memory_space<hbm>> -> memref<3x64x16xf32, #tpu.memory_space<hbm>>
    %dma_start3A_40 = tpu.memref_slice %arg16[%dma_start3A] : memref<2x!tpu.dma_semaphore, #tpu.memory_space<semaphore_mem>> -> memref<1x!tpu.dma_semaphore, #tpu.memory_space<semaphore_mem>>
    %dma_start3A_41 = tpu.memref_squeeze %dma_start3A_40 : memref<1x!tpu.dma_semaphore, #tpu.memory_space<semaphore_mem>> -> memref<!tpu.dma_semaphore, #tpu.memory_space<semaphore_mem>>
    %dma_start3A_42 = arith.constant 0 : i32
    %dma_start3A_43 = arith.constant 0 : i32
    %dma_start3A_44 = arith.constant 0 : i32
    %dma_start3A_45 = tpu.memref_slice %arg3[%add3A_34, %dma_start3A_42, %dma_start3A_43, %dma_start3A_44] : memref<2048x3x64x16xf32, #tpu.memory_space<hbm>> -> memref<1x3x64x16xf32, #tpu.memory_space<hbm>>
    %dma_start3A_46 = tpu.memref_squeeze %dma_start3A_45 : memref<1x3x64x16xf32, #tpu.memory_space<hbm>> -> memref<3x64x16xf32, #tpu.memory_space<hbm>>
    tpu.enqueue_dma source(%dma_start3A_46 : memref<3x64x16xf32, #tpu.memory_space<hbm>>) target(%arg6 : memref<3x64x16xf32, #tpu.memory_space<vmem>>) target_semaphore(%dma_start3A_41 : memref<!tpu.dma_semaphore, #tpu.memory_space<semaphore_mem>>)
    %mul3A_47 = arith.constant 1024 : i32
    %mul3A_48 = arith.muli %select_n3A, %mul3A_47 : i32
    %mul3A_49 = arith.constant 8 : i32
    %mul3A_50 = arith.muli %sub3A_19, %mul3A_49 : i32
    %add3A_51 = arith.constant 0 : i32
    %add3A_52 = arith.addi %mul3A_50, %add3A_51 : i32
    %mul3A_53 = arith.constant 8 : i32
    %mul3A_54 = arith.muli %add3A_52, %mul3A_53 : i32
    %add3A_55 = arith.addi %mul3A_48, %mul3A_54 : i32
    %add3A_56 = arith.constant 1 : i32
    %add3A_57 = arith.addi %add3A_55, %add3A_56 : i32
    %dma_start3A_58 = arith.constant 1 : i32
    %dma_start3A_59 = arith.constant 0 : i32
    %dma_start3A_60 = arith.constant 0 : i32
    %dma_start3A_61 = arith.constant 0 : i32
    %dma_start3A_62 = tpu.memref_slice %arg3[%add3A_57, %dma_start3A_59, %dma_start3A_60, %dma_start3A_61] : memref<2048x3x64x16xf32, #tpu.memory_space<hbm>> -> memref<1x3x64x16xf32, #tpu.memory_space<hbm>>
    %dma_start3A_63 = tpu.memref_squeeze %dma_start3A_62 : memref<1x3x64x16xf32, #tpu.memory_space<hbm>> -> memref<3x64x16xf32, #tpu.memory_space<hbm>>
    %dma_start3A_64 = tpu.memref_slice %arg16[%dma_start3A_58] : memref<2x!tpu.dma_semaphore, #tpu.memory_space<semaphore_mem>> -> memref<1x!tpu.dma_semaphore, #tpu.memory_space<semaphore_mem>>
    %dma_start3A_65 = tpu.memref_squeeze %dma_start3A_64 : memref<1x!tpu.dma_semaphore, #tpu.memory_space<semaphore_mem>> -> memref<!tpu.dma_semaphore, #tpu.memory_space<semaphore_mem>>
    %dma_start3A_66 = arith.constant 0 : i32
    %dma_start3A_67 = arith.constant 0 : i32
    %dma_start3A_68 = arith.constant 0 : i32
    %dma_start3A_69 = tpu.memref_slice %arg3[%add3A_57, %dma_start3A_66, %dma_start3A_67, %dma_start3A_68] : memref<2048x3x64x16xf32, #tpu.memory_space<hbm>> -> memref<1x3x64x16xf32, #tpu.memory_space<hbm>>
    %dma_start3A_70 = tpu.memref_squeeze %dma_start3A_69 : memref<1x3x64x16xf32, #tpu.memory_space<hbm>> -> memref<3x64x16xf32, #tpu.memory_space<hbm>>
    tpu.enqueue_dma source(%dma_start3A_70 : memref<3x64x16xf32, #tpu.memory_space<hbm>>) target(%arg7 : memref<3x64x16xf32, #tpu.memory_space<vmem>>) target_semaphore(%dma_start3A_65 : memref<!tpu.dma_semaphore, #tpu.memory_space<semaphore_mem>>)
    %dma_wait3A = arith.constant 0 : i32
    %dma_wait3A_71 = arith.constant 0 : i32
    %dma_wait3A_72 = arith.constant 0 : i32
    %dma_wait3A_73 = arith.constant 0 : i32
    %dma_wait3A_74 = arith.constant 0 : i32
    %dma_wait3A_75 = tpu.memref_slice %arg3[%dma_wait3A, %dma_wait3A_72, %dma_wait3A_73, %dma_wait3A_74] : memref<2048x3x64x16xf32, #tpu.memory_space<hbm>> -> memref<1x3x64x16xf32, #tpu.memory_space<hbm>>
    %dma_wait3A_76 = tpu.memref_squeeze %dma_wait3A_75 : memref<1x3x64x16xf32, #tpu.memory_space<hbm>> -> memref<3x64x16xf32, #tpu.memory_space<hbm>>
    %dma_wait3A_77 = tpu.memref_slice %arg16[%dma_wait3A_71] : memref<2x!tpu.dma_semaphore, #tpu.memory_space<semaphore_mem>> -> memref<1x!tpu.dma_semaphore, #tpu.memory_space<semaphore_mem>>
    %dma_wait3A_78 = tpu.memref_squeeze %dma_wait3A_77 : memref<1x!tpu.dma_semaphore, #tpu.memory_space<semaphore_mem>> -> memref<!tpu.dma_semaphore, #tpu.memory_space<semaphore_mem>>
    %dma_wait3A_79 = arith.constant 0 : i32
    %dma_wait3A_80 = arith.constant 0 : i32
    %dma_wait3A_81 = arith.constant 0 : i32
    %dma_wait3A_82 = tpu.memref_slice %arg3[%dma_wait3A, %dma_wait3A_79, %dma_wait3A_80, %dma_wait3A_81] : memref<2048x3x64x16xf32, #tpu.memory_space<hbm>> -> memref<1x3x64x16xf32, #tpu.memory_space<hbm>>
    %dma_wait3A_83 = tpu.memref_squeeze %dma_wait3A_82 : memref<1x3x64x16xf32, #tpu.memory_space<hbm>> -> memref<3x64x16xf32, #tpu.memory_space<hbm>>
    tpu.wait_dma2 semaphore(%dma_wait3A_78 : memref<!tpu.dma_semaphore, #tpu.memory_space<semaphore_mem>>) src(%dma_wait3A_83 : memref<3x64x16xf32, #tpu.memory_space<hbm>>) dst(%arg6 : memref<3x64x16xf32, #tpu.memory_space<vmem>>)
    %scan3A = arith.constant 0 : i32
    %scan3A_84 = arith.constant 0 : i32
    %scan3A_85 = arith.constant 64 : i32
    %scan3A_86 = arith.addi %scan3A_84, %scan3A_85 : i32
    %scan3A_87 = arith.constant 1 : i32
    %scan3A_88 = scf.for %scan3A_111 = %scan3A_84 to %scan3A_86 step %scan3A_87 iter_args(%scan3A_112 = %scan3A) -> (i32)  : i32 {
      %get3A = arith.constant 0 : i32
      %get3A_113 = arith.index_cast %get3A : i32 to index
      %get3A_114 = arith.index_cast %scan3A_111 : i32 to index
      %get3A_115 = arith.constant 0 : index
      %get3A_116 = tpu.vector_load %arg6[%get3A_113, %get3A_114, %get3A_115] {strides = array<i32>} : memref<3x64x16xf32, #tpu.memory_space<vmem>>, vector<1x1x16xf32>,
      %get3A_117 = vector.shape_cast %get3A_116 : vector<1x1x16xf32> to vector<16xf32>
      %get3A_118 = arith.constant 1 : i32
      %get3A_119 = arith.index_cast %get3A_118 : i32 to index
      %get3A_120 = arith.index_cast %scan3A_111 : i32 to index
      %get3A_121 = arith.constant 0 : index
      %get3A_122 = tpu.vector_load %arg6[%get3A_119, %get3A_120, %get3A_121] {strides = array<i32>} : memref<3x64x16xf32, #tpu.memory_space<vmem>>, vector<1x1x16xf32>,
      %get3A_123 = vector.shape_cast %get3A_122 : vector<1x1x16xf32> to vector<16xf32>
      %get3A_124 = arith.constant 2 : i32
      %get3A_125 = arith.index_cast %get3A_124 : i32 to index
      %get3A_126 = arith.index_cast %scan3A_111 : i32 to index
      %get3A_127 = arith.constant 0 : index
      %get3A_128 = tpu.vector_load %arg6[%get3A_125, %get3A_126, %get3A_127] {strides = array<i32>} : memref<3x64x16xf32, #tpu.memory_space<vmem>>, vector<1x1x16xf32>,
      %get3A_129 = vector.shape_cast %get3A_128 : vector<1x1x16xf32> to vector<16xf32>
      %convert_element_type3A = arith.fptosi %get3A_117 : vector<16xf32> to vector<16xi32>
      %jit3A_130 = arith.constant 0 : i32
      %jit3A_131 = arith.constant 127 : i32
      %max3A = vector.broadcast %jit3A_130 : i32 to vector<16xi32>
      %max3A_132 = arith.maxsi %max3A, %convert_element_type3A : vector<16xi32>
      %min3A = vector.broadcast %jit3A_131 : i32 to vector<16xi32>
      %min3A_133 = arith.minsi %min3A, %max3A_132 : vector<16xi32>
      %convert_element_type3A_134 = arith.fptosi %get3A_123 : vector<16xf32> to vector<16xi32>
      %jit3A_135 = arith.constant 0 : i32
      %jit3A_136 = arith.constant 127 : i32
      %max3A_137 = vector.broadcast %jit3A_135 : i32 to vector<16xi32>
      %max3A_138 = arith.maxsi %max3A_137, %convert_element_type3A_134 : vector<16xi32>
      %min3A_139 = vector.broadcast %jit3A_136 : i32 to vector<16xi32>
      %min3A_140 = arith.minsi %min3A_139, %max3A_138 : vector<16xi32>
      %convert_element_type3A_141 = arith.fptosi %get3A_129 : vector<16xf32> to vector<16xi32>
      %jit3A_142 = arith.constant 0 : i32
      %jit3A_143 = arith.constant 127 : i32
      %max3A_144 = vector.broadcast %jit3A_142 : i32 to vector<16xi32>
      %max3A_145 = arith.maxsi %max3A_144, %convert_element_type3A_141 : vector<16xi32>
      %min3A_146 = vector.broadcast %jit3A_143 : i32 to vector<16xi32>
      %min3A_147 = arith.minsi %min3A_146, %max3A_145 : vector<16xi32>
      %convert_element_type3A_148 = arith.sitofp %min3A_133 : vector<16xi32> to vector<16xf32>
      %convert_element_type3A_149 = arith.sitofp %min3A_140 : vector<16xi32> to vector<16xf32>
      %convert_element_type3A_150 = arith.sitofp %min3A_147 : vector<16xi32> to vector<16xf32>
      %add3A_151 = arith.constant 1.000000e+00 : f32
      %add3A_152 = vector.broadcast %add3A_151 : f32 to vector<16xf32>
      %add3A_153 = arith.addf %convert_element_type3A_148, %add3A_152 : vector<16xf32>
      %min3A_154 = arith.constant 1.270000e+02 : f32
      %min3A_155 = vector.broadcast %min3A_154 : f32 to vector<16xf32>
      %min3A_156 = arith.minimumf %add3A_153, %min3A_155 : vector<16xf32>
      %add3A_157 = arith.constant 1.000000e+00 : f32
      %add3A_158 = vector.broadcast %add3A_157 : f32 to vector<16xf32>
      %add3A_159 = arith.addf %convert_element_type3A_149, %add3A_158 : vector<16xf32>
      %min3A_160 = arith.constant 1.270000e+02 : f32
      %min3A_161 = vector.broadcast %min3A_160 : f32 to vector<16xf32>
      %min3A_162 = arith.minimumf %add3A_159, %min3A_161 : vector<16xf32>
      %add3A_163 = arith.constant 1.000000e+00 : f32
      %add3A_164 = vector.broadcast %add3A_163 : f32 to vector<16xf32>
      %add3A_165 = arith.addf %convert_element_type3A_150, %add3A_164 : vector<16xf32>
      %min3A_166 = arith.constant 1.270000e+02 : f32
      %min3A_167 = vector.broadcast %min3A_166 : f32 to vector<16xf32>
      %min3A_168 = arith.minimumf %add3A_165, %min3A_167 : vector<16xf32>
      %convert_element_type3A_169 = arith.fptosi %min3A_156 : vector<16xf32> to vector<16xi32>
      %convert_element_type3A_170 = arith.fptosi %min3A_162 : vector<16xf32> to vector<16xi32>
      %convert_element_type3A_171 = arith.fptosi %min3A_168 : vector<16xf32> to vector<16xi32>
      %sub3A_172 = arith.subf %min3A_156, %get3A_117 : vector<16xf32>
      %sub3A_173 = arith.subf %get3A_117, %convert_element_type3A_148 : vector<16xf32>
      %sub3A_174 = arith.subf %min3A_162, %get3A_123 : vector<16xf32>
      %sub3A_175 = arith.subf %get3A_123, %convert_element_type3A_149 : vector<16xf32>
      %sub3A_176 = arith.subf %min3A_168, %get3A_129 : vector<16xf32>
      %sub3A_177 = arith.subf %get3A_129, %convert_element_type3A_150 : vector<16xf32>
      %ge3A = arith.constant 0.000000e+00 : f32
      %ge3A_178 = vector.broadcast %ge3A : f32 to vector<16xf32>
      %ge3A_179 = arith.cmpf oge, %get3A_117, %ge3A_178 : vector<16xf32>
      %le3A = arith.constant 1.280000e+02 : f32
      %le3A_180 = vector.broadcast %le3A : f32 to vector<16xf32>
      %le3A_181 = arith.cmpf ole, %get3A_117, %le3A_180 : vector<16xf32>
      %and3A_182 = arith.andi %ge3A_179, %le3A_181 : vector<16xi1>
      %ge3A_183 = arith.constant 0.000000e+00 : f32
      %ge3A_184 = vector.broadcast %ge3A_183 : f32 to vector<16xf32>
      %ge3A_185 = arith.cmpf oge, %get3A_123, %ge3A_184 : vector<16xf32>
      %and3A_186 = arith.andi %and3A_182, %ge3A_185 : vector<16xi1>
      %le3A_187 = arith.constant 1.280000e+02 : f32
      %le3A_188 = vector.broadcast %le3A_187 : f32 to vector<16xf32>
      %le3A_189 = arith.cmpf ole, %get3A_123, %le3A_188 : vector<16xf32>
      %and3A_190 = arith.andi %and3A_186, %le3A_189 : vector<16xi1>
      %ge3A_191 = arith.constant 0.000000e+00 : f32
      %ge3A_192 = vector.broadcast %ge3A_191 : f32 to vector<16xf32>
      %ge3A_193 = arith.cmpf oge, %get3A_129, %ge3A_192 : vector<16xf32>
      %and3A_194 = arith.andi %and3A_190, %ge3A_193 : vector<16xi1>
      %le3A_195 = arith.constant 1.280000e+02 : f32
      %le3A_196 = vector.broadcast %le3A_195 : f32 to vector<16xf32>
      %le3A_197 = arith.cmpf ole, %get3A_129, %le3A_196 : vector<16xf32>
      %and3A_198 = arith.andi %and3A_194, %le3A_197 : vector<16xi1>
      %jit3A_199 = arith.constant 1.000000e+00 : f32
      %jit3A_200 = arith.constant 0.000000e+00 : f32
      %broadcast_in_dim3A = vector.broadcast %jit3A_199 : f32 to vector<16xf32>
      %broadcast_in_dim3A_201 = vector.broadcast %jit3A_200 : f32 to vector<16xf32>
      %select_n3A_202 = arith.select %and3A_198, %broadcast_in_dim3A, %broadcast_in_dim3A_201 : vector<16xi1>, vector<16xf32>
      %mul3A_203 = arith.mulf %sub3A_176, %select_n3A_202 : vector<16xf32>
      %mul3A_204 = arith.mulf %sub3A_177, %select_n3A_202 : vector<16xf32>
      %mul3A_205 = arith.constant 16384 : i32
      %mul3A_206 = vector.broadcast %mul3A_205 : i32 to vector<16xi32>
      %mul3A_207 = arith.muli %min3A_147, %mul3A_206 : vector<16xi32>
      %add3A_208 = vector.broadcast %mul3A_23 : i32 to vector<16xi32>
      %add3A_209 = arith.addi %add3A_208, %mul3A_207 : vector<16xi32>
      %mul3A_210 = arith.constant 128 : i32
      %mul3A_211 = vector.broadcast %mul3A_210 : i32 to vector<16xi32>
      %mul3A_212 = arith.muli %min3A_140, %mul3A_211 : vector<16xi32>
      %add3A_213 = arith.addi %add3A_209, %mul3A_212 : vector<16xi32>
      %mul3A_214 = arith.constant 16384 : i32
      %mul3A_215 = vector.broadcast %mul3A_214 : i32 to vector<16xi32>
      %mul3A_216 = arith.muli %min3A_147, %mul3A_215 : vector<16xi32>
      %add3A_217 = vector.broadcast %mul3A_23 : i32 to vector<16xi32>
      %add3A_218 = arith.addi %add3A_217, %mul3A_216 : vector<16xi32>
      %mul3A_219 = arith.constant 128 : i32
      %mul3A_220 = vector.broadcast %mul3A_219 : i32 to vector<16xi32>
      %mul3A_221 = arith.muli %convert_element_type3A_170, %mul3A_220 : vector<16xi32>
      %add3A_222 = arith.addi %add3A_218, %mul3A_221 : vector<16xi32>
      %mul3A_223 = arith.constant 16384 : i32
      %mul3A_224 = vector.broadcast %mul3A_223 : i32 to vector<16xi32>
      %mul3A_225 = arith.muli %convert_element_type3A_171, %mul3A_224 : vector<16xi32>
      %add3A_226 = vector.broadcast %mul3A_23 : i32 to vector<16xi32>
      %add3A_227 = arith.addi %add3A_226, %mul3A_225 : vector<16xi32>
      %mul3A_228 = arith.constant 128 : i32
      %mul3A_229 = vector.broadcast %mul3A_228 : i32 to vector<16xi32>
      %mul3A_230 = arith.muli %min3A_140, %mul3A_229 : vector<16xi32>
      %add3A_231 = arith.addi %add3A_227, %mul3A_230 : vector<16xi32>
      %mul3A_232 = arith.constant 16384 : i32
      %mul3A_233 = vector.broadcast %mul3A_232 : i32 to vector<16xi32>
      %mul3A_234 = arith.muli %convert_element_type3A_171, %mul3A_233 : vector<16xi32>
      %add3A_235 = vector.broadcast %mul3A_23 : i32 to vector<16xi32>
      %add3A_236 = arith.addi %add3A_235, %mul3A_234 : vector<16xi32>
      %mul3A_237 = arith.constant 128 : i32
      %mul3A_238 = vector.broadcast %mul3A_237 : i32 to vector<16xi32>
      %mul3A_239 = arith.muli %convert_element_type3A_170, %mul3A_238 : vector<16xi32>
      %add3A_240 = arith.addi %add3A_236, %mul3A_239 : vector<16xi32>
      %mul3A_241 = arith.constant 128 : i32
      %mul3A_242 = arith.muli %scan3A_111, %mul3A_241 : i32
      %add3A_243 = arith.addi %add3A_213, %min3A_133 : vector<16xi32>
      %add3A_244 = arith.constant 0 : i32
      %add3A_245 = arith.addi %mul3A_242, %add3A_244 : i32
      %swap3A = arith.index_cast %add3A_245 : i32 to index
      %swap3A_246 = tpu.vector_load %arg8[%swap3A] {strides = array<i32>} : memref<8192xi32, #tpu.memory_space<vmem>>, vector<16xi32>,
      %swap3A_247 = vector.shape_cast %swap3A_246 : vector<16xi32> to vector<16xi32>
      %swap3A_248 = vector.shape_cast %add3A_243 : vector<16xi32> to vector<16xi32>
      tpu.vector_store %arg8[%swap3A], %swap3A_248 {strides = array<i32>} : memref<8192xi32, #tpu.memory_space<vmem>>, vector<16xi32>,
      %add3A_249 = arith.addi %add3A_213, %convert_element_type3A_169 : vector<16xi32>
      %add3A_250 = arith.constant 16 : i32
      %add3A_251 = arith.addi %mul3A_242, %add3A_250 : i32
      %swap3A_252 = arith.index_cast %add3A_251 : i32 to index
      %swap3A_253 = tpu.vector_load %arg8[%swap3A_252] {strides = array<i32>} : memref<8192xi32, #tpu.memory_space<vmem>>, vector<16xi32>,
      %swap3A_254 = vector.shape_cast %swap3A_253 : vector<16xi32> to vector<16xi32>
      %swap3A_255 = vector.shape_cast %add3A_249 : vector<16xi32> to vector<16xi32>
      tpu.vector_store %arg8[%swap3A_252], %swap3A_255 {strides = array<i32>} : memref<8192xi32, #tpu.memory_space<vmem>>, vector<16xi32>,
      %add3A_256 = arith.addi %add3A_222, %min3A_133 : vector<16xi32>
      %add3A_257 = arith.constant 32 : i32
      %add3A_258 = arith.addi %mul3A_242, %add3A_257 : i32
      %swap3A_259 = arith.index_cast %add3A_258 : i32 to index
      %swap3A_260 = tpu.vector_load %arg8[%swap3A_259] {strides = array<i32>} : memref<8192xi32, #tpu.memory_space<vmem>>, vector<16xi32>,
      %swap3A_261 = vector.shape_cast %swap3A_260 : vector<16xi32> to vector<16xi32>
      %swap3A_262 = vector.shape_cast %add3A_256 : vector<16xi32> to vector<16xi32>
      tpu.vector_store %arg8[%swap3A_259], %swap3A_262 {strides = array<i32>} : memref<8192xi32, #tpu.memory_space<vmem>>, vector<16xi32>,
      %add3A_263 = arith.addi %add3A_222, %convert_element_type3A_169 : vector<16xi32>
      %add3A_264 = arith.constant 48 : i32
      %add3A_265 = arith.addi %mul3A_242, %add3A_264 : i32
      %swap3A_266 = arith.index_cast %add3A_265 : i32 to index
      %swap3A_267 = tpu.vector_load %arg8[%swap3A_266] {strides = array<i32>} : memref<8192xi32, #tpu.memory_space<vmem>>, vector<16xi32>,
      %swap3A_268 = vector.shape_cast %swap3A_267 : vector<16xi32> to vector<16xi32>
      %swap3A_269 = vector.shape_cast %add3A_263 : vector<16xi32> to vector<16xi32>
      tpu.vector_store %arg8[%swap3A_266], %swap3A_269 {strides = array<i32>} : memref<8192xi32, #tpu.memory_space<vmem>>, vector<16xi32>,
      %add3A_270 = arith.addi %add3A_231, %min3A_133 : vector<16xi32>
      %add3A_271 = arith.constant 64 : i32
      %add3A_272 = arith.addi %mul3A_242, %add3A_271 : i32
      %swap3A_273 = arith.index_cast %add3A_272 : i32 to index
      %swap3A_274 = tpu.vector_load %arg8[%swap3A_273] {strides = array<i32>} : memref<8192xi32, #tpu.memory_space<vmem>>, vector<16xi32>,
      %swap3A_275 = vector.shape_cast %swap3A_274 : vector<16xi32> to vector<16xi32>
      %swap3A_276 = vector.shape_cast %add3A_270 : vector<16xi32> to vector<16xi32>
      tpu.vector_store %arg8[%swap3A_273], %swap3A_276 {strides = array<i32>} : memref<8192xi32, #tpu.memory_space<vmem>>, vector<16xi32>,
      %add3A_277 = arith.addi %add3A_231, %convert_element_type3A_169 : vector<16xi32>
      %add3A_278 = arith.constant 80 : i32
      %add3A_279 = arith.addi %mul3A_242, %add3A_278 : i32
      %swap3A_280 = arith.index_cast %add3A_279 : i32 to index
      %swap3A_281 = tpu.vector_load %arg8[%swap3A_280] {strides = array<i32>} : memref<8192xi32, #tpu.memory_space<vmem>>, vector<16xi32>,
      %swap3A_282 = vector.shape_cast %swap3A_281 : vector<16xi32> to vector<16xi32>
      %swap3A_283 = vector.shape_cast %add3A_277 : vector<16xi32> to vector<16xi32>
      tpu.vector_store %arg8[%swap3A_280], %swap3A_283 {strides = array<i32>} : memref<8192xi32, #tpu.memory_space<vmem>>, vector<16xi32>,
      %add3A_284 = arith.addi %add3A_240, %min3A_133 : vector<16xi32>
      %add3A_285 = arith.constant 96 : i32
      %add3A_286 = arith.addi %mul3A_242, %add3A_285 : i32
      %swap3A_287 = arith.index_cast %add3A_286 : i32 to index
      %swap3A_288 = tpu.vector_load %arg8[%swap3A_287] {strides = array<i32>} : memref<8192xi32, #tpu.memory_space<vmem>>, vector<16xi32>,
      %swap3A_289 = vector.shape_cast %swap3A_288 : vector<16xi32> to vector<16xi32>
      %swap3A_290 = vector.shape_cast %add3A_284 : vector<16xi32> to vector<16xi32>
      tpu.vector_store %arg8[%swap3A_287], %swap3A_290 {strides = array<i32>} : memref<8192xi32, #tpu.memory_space<vmem>>, vector<16xi32>,
      %add3A_291 = arith.addi %add3A_240, %convert_element_type3A_169 : vector<16xi32>
      %add3A_292 = arith.constant 112 : i32
      %add3A_293 = arith.addi %mul3A_242, %add3A_292 : i32
      %swap3A_294 = arith.index_cast %add3A_293 : i32 to index
      %swap3A_295 = tpu.vector_load %arg8[%swap3A_294] {strides = array<i32>} : memref<8192xi32, #tpu.memory_space<vmem>>, vector<16xi32>,
      %swap3A_296 = vector.shape_cast %swap3A_295 : vector<16xi32> to vector<16xi32>
      %swap3A_297 = vector.shape_cast %add3A_291 : vector<16xi32> to vector<16xi32>
      tpu.vector_store %arg8[%swap3A_294], %swap3A_297 {strides = array<i32>} : memref<8192xi32, #tpu.memory_space<vmem>>, vector<16xi32>,
      %swap3A_298 = arith.index_cast %scan3A_111 : i32 to index
      %swap3A_299 = arith.constant 0 : index
      %swap3A_300 = tpu.vector_load %arg10[%swap3A_298, %swap3A_299] {strides = array<i32>} : memref<64x96xf32, #tpu.memory_space<vmem>>, vector<1x16xf32>,
      %swap3A_301 = vector.shape_cast %swap3A_300 : vector<1x16xf32> to vector<16xf32>
      %swap3A_302 = vector.shape_cast %sub3A_172 : vector<16xf32> to vector<1x16xf32>
      tpu.vector_store %arg10[%swap3A_298, %swap3A_299], %swap3A_302 {strides = array<i32>} : memref<64x96xf32, #tpu.memory_space<vmem>>, vector<1x16xf32>,
      %swap3A_303 = arith.index_cast %scan3A_111 : i32 to index
      %swap3A_304 = arith.constant 16 : index
      %swap3A_305 = tpu.vector_load %arg10[%swap3A_303, %swap3A_304] {strides = array<i32>} : memref<64x96xf32, #tpu.memory_space<vmem>>, vector<1x16xf32>,
      %swap3A_306 = vector.shape_cast %swap3A_305 : vector<1x16xf32> to vector<16xf32>
      %swap3A_307 = vector.shape_cast %sub3A_173 : vector<16xf32> to vector<1x16xf32>
      tpu.vector_store %arg10[%swap3A_303, %swap3A_304], %swap3A_307 {strides = array<i32>} : memref<64x96xf32, #tpu.memory_space<vmem>>, vector<1x16xf32>,
      %swap3A_308 = arith.index_cast %scan3A_111 : i32 to index
      %swap3A_309 = arith.constant 32 : index
      %swap3A_310 = tpu.vector_load %arg10[%swap3A_308, %swap3A_309] {strides = array<i32>} : memref<64x96xf32, #tpu.memory_space<vmem>>, vector<1x16xf32>,
      %swap3A_311 = vector.shape_cast %swap3A_310 : vector<1x16xf32> to vector<16xf32>
      %swap3A_312 = vector.shape_cast %sub3A_174 : vector<16xf32> to vector<1x16xf32>
      tpu.vector_store %arg10[%swap3A_308, %swap3A_309], %swap3A_312 {strides = array<i32>} : memref<64x96xf32, #tpu.memory_space<vmem>>, vector<1x16xf32>,
      %swap3A_313 = arith.index_cast %scan3A_111 : i32 to index
      %swap3A_314 = arith.constant 48 : index
      %swap3A_315 = tpu.vector_load %arg10[%swap3A_313, %swap3A_314] {strides = array<i32>} : memref<64x96xf32, #tpu.memory_space<vmem>>, vector<1x16xf32>,
      %swap3A_316 = vector.shape_cast %swap3A_315 : vector<1x16xf32> to vector<16xf32>
      %swap3A_317 = vector.shape_cast %sub3A_175 : vector<16xf32> to vector<1x16xf32>
      tpu.vector_store %arg10[%swap3A_313, %swap3A_314], %swap3A_317 {strides = array<i32>} : memref<64x96xf32, #tpu.memory_space<vmem>>, vector<1x16xf32>,
      %swap3A_318 = arith.index_cast %scan3A_111 : i32 to index
      %swap3A_319 = arith.constant 64 : index
      %swap3A_320 = tpu.vector_load %arg10[%swap3A_318, %swap3A_319] {strides = array<i32>} : memref<64x96xf32, #tpu.memory_space<vmem>>, vector<1x16xf32>,
      %swap3A_321 = vector.shape_cast %swap3A_320 : vector<1x16xf32> to vector<16xf32>
      %swap3A_322 = vector.shape_cast %mul3A_203 : vector<16xf32> to vector<1x16xf32>
      tpu.vector_store %arg10[%swap3A_318, %swap3A_319], %swap3A_322 {strides = array<i32>} : memref<64x96xf32, #tpu.memory_space<vmem>>, vector<1x16xf32>,
      %swap3A_323 = arith.index_cast %scan3A_111 : i32 to index
      %swap3A_324 = arith.constant 80 : index
      %swap3A_325 = tpu.vector_load %arg10[%swap3A_323, %swap3A_324] {strides = array<i32>} : memref<64x96xf32, #tpu.memory_space<vmem>>, vector<1x16xf32>,
      %swap3A_326 = vector.shape_cast %swap3A_325 : vector<1x16xf32> to vector<16xf32>
      %swap3A_327 = vector.shape_cast %mul3A_204 : vector<16xf32> to vector<1x16xf32>
      tpu.vector_store %arg10[%swap3A_323, %swap3A_324], %swap3A_327 {strides = array<i32>} : memref<64x96xf32, #tpu.memory_space<vmem>>, vector<1x16xf32>,
      %scan3A_328 = arith.constant 0 : i32
      scf.yield %scan3A_328 : i32
    }
    %scan3A_89 = arith.constant 64 : i32
    %dma_start3A_90 = arith.constant 0 : i32
    %dma_start3A_91 = arith.constant 0 : i32
    %dma_start3A_92 = tpu.memref_slice %arg2[%dma_start3A_91] : memref<8388608xf32, #tpu.memory_space<hbm>> -> memref<8388608xf32, #tpu.memory_space<hbm>>
    %dma_start3A_93 = tpu.memref_slice %arg15[%dma_start3A_90] : memref<2x!tpu.dma_semaphore, #tpu.memory_space<semaphore_mem>> -> memref<1x!tpu.dma_semaphore, #tpu.memory_space<semaphore_mem>>
    %dma_start3A_94 = tpu.memref_squeeze %dma_start3A_93 : memref<1x!tpu.dma_semaphore, #tpu.memory_space<semaphore_mem>> -> memref<!tpu.dma_semaphore, #tpu.memory_space<semaphore_mem>>
    tpu.enqueue_indirect_dma source(%dma_start3A_92 : memref<8388608xf32, #tpu.memory_space<hbm>>) target(%arg12 : memref<8192xf32, #tpu.memory_space<vmem>>) offsets(%arg8 : memref<8192xi32, #tpu.memory_space<vmem>>) semaphore(%dma_start3A_94 : memref<!tpu.dma_semaphore, #tpu.memory_space<semaphore_mem>>)
    %scan3A_95 = arith.constant 0 : i32
    %scan3A_96 = arith.constant 1 : i32
    %scan3A_97 = arith.constant 1 : i32
    %scan3A_98 = arith.constant 0 : i32
    %scan3A_99 = arith.constant 0 : i32
    %scan3A_100 = arith.constant 0 : i32
    %scan3A_101 = arith.constant 32 : i32
    %scan3A_102 = arith.addi %scan3A_100, %scan3A_101 : i32
    %scan3A_103 = arith.constant 1 : i32
    %scan3A_104 = scf.for %scan3A_111 = %scan3A_100 to %scan3A_102 step %scan3A_103 iter_args(%scan3A_112 = %scan3A_99) -> (i32)  : i32 {
      %mul3A_113 = arith.constant 2 : i32
      %mul3A_114 = arith.muli %mul3A_113, %scan3A_111 : i32
      %add3A_115 = arith.constant 2 : i32
      %add3A_116 = arith.addi %mul3A_114, %add3A_115 : i32
      %lt3A = arith.constant 64 : i32
      %lt3A_117 = arith.cmpi slt, %add3A_116, %lt3A : i32
      %convert_element_type3A = arith.extui %lt3A_117 : i1 to i32
      %cond3A = arith.constant 0 : i32
      %cond3A_118 = arith.cmpi ne, %convert_element_type3A, %cond3A : i32
      scf.if %cond3A_118 {
        %add3A_196 = arith.constant 2 : i32
        %add3A_197 = arith.addi %mul3A_114, %add3A_196 : i32
        %mul3A_198 = arith.constant 1024 : i32
        %mul3A_199 = arith.muli %select_n3A, %mul3A_198 : i32
        %mul3A_200 = arith.constant 8 : i32
        %mul3A_201 = arith.muli %sub3A_19, %mul3A_200 : i32
        %jit3A_202 = arith.constant 8 : i32
        %div3A_203 = arith.divsi %add3A_197, %jit3A_202 : i32
        %sign3A_204 = arith.constant 0 : i32
        %sign3A_205 = arith.cmpi sgt, %add3A_197, %sign3A_204 : i32
        %sign3A_206 = arith.extui %sign3A_205 : i1 to i32
        %sign3A_207 = arith.constant 0 : i32
        %sign3A_208 = arith.cmpi slt, %add3A_197, %sign3A_207 : i32
        %sign3A_209 = arith.extui %sign3A_208 : i1 to i32
        %sign3A_210 = arith.subi %sign3A_206, %sign3A_209 : i32
        %sign3A_211 = arith.constant 0 : i32
        %sign3A_212 = arith.cmpi sgt, %jit3A_202, %sign3A_211 : i32
        %sign3A_213 = arith.extui %sign3A_212 : i1 to i32
        %sign3A_214 = arith.constant 0 : i32
        %sign3A_215 = arith.cmpi slt, %jit3A_202, %sign3A_214 : i32
        %sign3A_216 = arith.extui %sign3A_215 : i1 to i32
        %sign3A_217 = arith.subi %sign3A_213, %sign3A_216 : i32
        %ne3A_218 = arith.cmpi ne, %sign3A_210, %sign3A_217 : i32
        %rem3A_219 = arith.remsi %add3A_197, %jit3A_202 : i32
        %ne3A_220 = arith.constant 0 : i32
        %ne3A_221 = arith.cmpi ne, %rem3A_219, %ne3A_220 : i32
        %and3A_222 = arith.andi %ne3A_218, %ne3A_221 : i1
        %sub3A_223 = arith.constant 1 : i32
        %sub3A_224 = arith.subi %div3A_203, %sub3A_223 : i32
        %select_n3A_225 = arith.select %and3A_222, %sub3A_224, %div3A_203 : i32
        %add3A_226 = arith.addi %mul3A_201, %select_n3A_225 : i32
        %mul3A_227 = arith.constant 8 : i32
        %mul3A_228 = arith.muli %add3A_226, %mul3A_227 : i32
        %add3A_229 = arith.addi %mul3A_199, %mul3A_228 : i32
        %jit3A_230 = arith.constant 8 : i32
        %div3A_231 = arith.divsi %add3A_197, %jit3A_230 : i32
        %sign3A_232 = arith.constant 0 : i32
        %sign3A_233 = arith.cmpi sgt, %add3A_197, %sign3A_232 : i32
        %sign3A_234 = arith.extui %sign3A_233 : i1 to i32
        %sign3A_235 = arith.constant 0 : i32
        %sign3A_236 = arith.cmpi slt, %add3A_197, %sign3A_235 : i32
        %sign3A_237 = arith.extui %sign3A_236 : i1 to i32
        %sign3A_238 = arith.subi %sign3A_234, %sign3A_237 : i32
        %sign3A_239 = arith.constant 0 : i32
        %sign3A_240 = arith.cmpi sgt, %jit3A_230, %sign3A_239 : i32
        %sign3A_241 = arith.extui %sign3A_240 : i1 to i32
        %sign3A_242 = arith.constant 0 : i32
        %sign3A_243 = arith.cmpi slt, %jit3A_230, %sign3A_242 : i32
        %sign3A_244 = arith.extui %sign3A_243 : i1 to i32
        %sign3A_245 = arith.subi %sign3A_241, %sign3A_244 : i32
        %ne3A_246 = arith.cmpi ne, %sign3A_238, %sign3A_245 : i32
        %rem3A_247 = arith.remsi %add3A_197, %jit3A_230 : i32
        %ne3A_248 = arith.constant 0 : i32
        %ne3A_249 = arith.cmpi ne, %rem3A_247, %ne3A_248 : i32
        %and3A_250 = arith.andi %ne3A_246, %ne3A_249 : i1
        %sub3A_251 = arith.constant 1 : i32
        %sub3A_252 = arith.subi %div3A_231, %sub3A_251 : i32
        %select_n3A_253 = arith.select %and3A_250, %sub3A_252, %div3A_231 : i32
        %mul3A_254 = arith.constant 8 : i32
        %mul3A_255 = arith.muli %select_n3A_253, %mul3A_254 : i32
        %sub3A_256 = arith.subi %add3A_197, %mul3A_255 : i32
        %add3A_257 = arith.addi %add3A_229, %sub3A_256 : i32
        %dma_start3A_258 = arith.constant 0 : i32
        %dma_start3A_259 = arith.constant 0 : i32
        %dma_start3A_260 = arith.constant 0 : i32
        %dma_start3A_261 = tpu.memref_slice %arg3[%add3A_257, %dma_start3A_258, %dma_start3A_259, %dma_start3A_260] : memref<2048x3x64x16xf32, #tpu.memory_space<hbm>> -> memref<1x3x64x16xf32, #tpu.memory_space<hbm>>
        %dma_start3A_262 = tpu.memref_squeeze %dma_start3A_261 : memref<1x3x64x16xf32, #tpu.memory_space<hbm>> -> memref<3x64x16xf32, #tpu.memory_space<hbm>>
        %dma_start3A_263 = tpu.memref_slice %arg16[%scan3A_95] : memref<2x!tpu.dma_semaphore, #tpu.memory_space<semaphore_mem>> -> memref<1x!tpu.dma_semaphore, #tpu.memory_space<semaphore_mem>>
        %dma_start3A_264 = tpu.memref_squeeze %dma_start3A_263 : memref<1x!tpu.dma_semaphore, #tpu.memory_space<semaphore_mem>> -> memref<!tpu.dma_semaphore, #tpu.memory_space<semaphore_mem>>
        %dma_start3A_265 = arith.constant 0 : i32
        %dma_start3A_266 = arith.constant 0 : i32
        %dma_start3A_267 = arith.constant 0 : i32
        %dma_start3A_268 = tpu.memref_slice %arg3[%add3A_257, %dma_start3A_265, %dma_start3A_266, %dma_start3A_267] : memref<2048x3x64x16xf32, #tpu.memory_space<hbm>> -> memref<1x3x64x16xf32, #tpu.memory_space<hbm>>
        %dma_start3A_269 = tpu.memref_squeeze %dma_start3A_268 : memref<1x3x64x16xf32, #tpu.memory_space<hbm>> -> memref<3x64x16xf32, #tpu.memory_space<hbm>>
        tpu.enqueue_dma source(%dma_start3A_269 : memref<3x64x16xf32, #tpu.memory_space<hbm>>) target(%arg6 : memref<3x64x16xf32, #tpu.memory_space<vmem>>) target_semaphore(%dma_start3A_264 : memref<!tpu.dma_semaphore, #tpu.memory_space<semaphore_mem>>)
      } else {
      }
      %dma_wait3A_119 = arith.constant 0 : i32
      %dma_wait3A_120 = arith.constant 0 : i32
      %dma_wait3A_121 = arith.constant 0 : i32
      %dma_wait3A_122 = arith.constant 0 : i32
      %dma_wait3A_123 = tpu.memref_slice %arg3[%dma_wait3A_119, %dma_wait3A_120, %dma_wait3A_121, %dma_wait3A_122] : memref<2048x3x64x16xf32, #tpu.memory_space<hbm>> -> memref<1x3x64x16xf32, #tpu.memory_space<hbm>>
      %dma_wait3A_124 = tpu.memref_squeeze %dma_wait3A_123 : memref<1x3x64x16xf32, #tpu.memory_space<hbm>> -> memref<3x64x16xf32, #tpu.memory_space<hbm>>
      %dma_wait3A_125 = tpu.memref_slice %arg16[%scan3A_96] : memref<2x!tpu.dma_semaphore, #tpu.memory_space<semaphore_mem>> -> memref<1x!tpu.dma_semaphore, #tpu.memory_space<semaphore_mem>>
      %dma_wait3A_126 = tpu.memref_squeeze %dma_wait3A_125 : memref<1x!tpu.dma_semaphore, #tpu.memory_space<semaphore_mem>> -> memref<!tpu.dma_semaphore, #tpu.memory_space<semaphore_mem>>
      %dma_wait3A_127 = arith.constant 0 : i32
      %dma_wait3A_128 = arith.constant 0 : i32
      %dma_wait3A_129 = arith.constant 0 : i32
      %dma_wait3A_130 = tpu.memref_slice %arg3[%dma_wait3A_119, %dma_wait3A_127, %dma_wait3A_128, %dma_wait3A_129] : memref<2048x3x64x16xf32, #tpu.memory_space<hbm>> -> memref<1x3x64x16xf32, #tpu.memory_space<hbm>>
      %dma_wait3A_131 = tpu.memref_squeeze %dma_wait3A_130 : memref<1x3x64x16xf32, #tpu.memory_space<hbm>> -> memref<3x64x16xf32, #tpu.memory_space<hbm>>
      tpu.wait_dma2 semaphore(%dma_wait3A_126 : memref<!tpu.dma_semaphore, #tpu.memory_space<semaphore_mem>>) src(%dma_wait3A_131 : memref<3x64x16xf32, #tpu.memory_space<hbm>>) dst(%arg7 : memref<3x64x16xf32, #tpu.memory_space<vmem>>)
      %scan3A_132 = arith.constant 0 : i32
      %scan3A_133 = arith.constant 0 : i32
      %scan3A_134 = arith.constant 64 : i32
      %scan3A_135 = arith.addi %scan3A_133, %scan3A_134 : i32
      %scan3A_136 = arith.constant 1 : i32
      %scan3A_137 = scf.for %scan3A_196 = %scan3A_133 to %scan3A_135 step %scan3A_136 iter_args(%scan3A_197 = %scan3A_132) -> (i32)  : i32 {
        %get3A = arith.constant 0 : i32
        %get3A_198 = arith.index_cast %get3A : i32 to index
        %get3A_199 = arith.index_cast %scan3A_196 : i32 to index
        %get3A_200 = arith.constant 0 : index
        %get3A_201 = tpu.vector_load %arg7[%get3A_198, %get3A_199, %get3A_200] {strides = array<i32>} : memref<3x64x16xf32, #tpu.memory_space<vmem>>, vector<1x1x16xf32>,
        %get3A_202 = vector.shape_cast %get3A_201 : vector<1x1x16xf32> to vector<16xf32>
        %get3A_203 = arith.constant 1 : i32
        %get3A_204 = arith.index_cast %get3A_203 : i32 to index
        %get3A_205 = arith.index_cast %scan3A_196 : i32 to index
        %get3A_206 = arith.constant 0 : index
        %get3A_207 = tpu.vector_load %arg7[%get3A_204, %get3A_205, %get3A_206] {strides = array<i32>} : memref<3x64x16xf32, #tpu.memory_space<vmem>>, vector<1x1x16xf32>,
        %get3A_208 = vector.shape_cast %get3A_207 : vector<1x1x16xf32> to vector<16xf32>
        %get3A_209 = arith.constant 2 : i32
        %get3A_210 = arith.index_cast %get3A_209 : i32 to index
        %get3A_211 = arith.index_cast %scan3A_196 : i32 to index
        %get3A_212 = arith.constant 0 : index
        %get3A_213 = tpu.vector_load %arg7[%get3A_210, %get3A_211, %get3A_212] {strides = array<i32>} : memref<3x64x16xf32, #tpu.memory_space<vmem>>, vector<1x1x16xf32>,
        %get3A_214 = vector.shape_cast %get3A_213 : vector<1x1x16xf32> to vector<16xf32>
        %convert_element_type3A_215 = arith.fptosi %get3A_202 : vector<16xf32> to vector<16xi32>
        %jit3A_216 = arith.constant 0 : i32
        %jit3A_217 = arith.constant 127 : i32
        %max3A = vector.broadcast %jit3A_216 : i32 to vector<16xi32>
        %max3A_218 = arith.maxsi %max3A, %convert_element_type3A_215 : vector<16xi32>
        %min3A = vector.broadcast %jit3A_217 : i32 to vector<16xi32>
        %min3A_219 = arith.minsi %min3A, %max3A_218 : vector<16xi32>
        %convert_element_type3A_220 = arith.fptosi %get3A_208 : vector<16xf32> to vector<16xi32>
        %jit3A_221 = arith.constant 0 : i32
        %jit3A_222 = arith.constant 127 : i32
        %max3A_223 = vector.broadcast %jit3A_221 : i32 to vector<16xi32>
        %max3A_224 = arith.maxsi %max3A_223, %convert_element_type3A_220 : vector<16xi32>
        %min3A_225 = vector.broadcast %jit3A_222 : i32 to vector<16xi32>
        %min3A_226 = arith.minsi %min3A_225, %max3A_224 : vector<16xi32>
        %convert_element_type3A_227 = arith.fptosi %get3A_214 : vector<16xf32> to vector<16xi32>
        %jit3A_228 = arith.constant 0 : i32
        %jit3A_229 = arith.constant 127 : i32
        %max3A_230 = vector.broadcast %jit3A_228 : i32 to vector<16xi32>
        %max3A_231 = arith.maxsi %max3A_230, %convert_element_type3A_227 : vector<16xi32>
        %min3A_232 = vector.broadcast %jit3A_229 : i32 to vector<16xi32>
        %min3A_233 = arith.minsi %min3A_232, %max3A_231 : vector<16xi32>
        %convert_element_type3A_234 = arith.sitofp %min3A_219 : vector<16xi32> to vector<16xf32>
        %convert_element_type3A_235 = arith.sitofp %min3A_226 : vector<16xi32> to vector<16xf32>
        %convert_element_type3A_236 = arith.sitofp %min3A_233 : vector<16xi32> to vector<16xf32>
        %add3A_237 = arith.constant 1.000000e+00 : f32
        %add3A_238 = vector.broadcast %add3A_237 : f32 to vector<16xf32>
        %add3A_239 = arith.addf %convert_element_type3A_234, %add3A_238 : vector<16xf32>
        %min3A_240 = arith.constant 1.270000e+02 : f32
        %min3A_241 = vector.broadcast %min3A_240 : f32 to vector<16xf32>
        %min3A_242 = arith.minimumf %add3A_239, %min3A_241 : vector<16xf32>
        %add3A_243 = arith.constant 1.000000e+00 : f32
        %add3A_244 = vector.broadcast %add3A_243 : f32 to vector<16xf32>
        %add3A_245 = arith.addf %convert_element_type3A_235, %add3A_244 : vector<16xf32>
        %min3A_246 = arith.constant 1.270000e+02 : f32
        %min3A_247 = vector.broadcast %min3A_246 : f32 to vector<16xf32>
        %min3A_248 = arith.minimumf %add3A_245, %min3A_247 : vector<16xf32>
        %add3A_249 = arith.constant 1.000000e+00 : f32
        %add3A_250 = vector.broadcast %add3A_249 : f32 to vector<16xf32>
        %add3A_251 = arith.addf %convert_element_type3A_236, %add3A_250 : vector<16xf32>
        %min3A_252 = arith.constant 1.270000e+02 : f32
        %min3A_253 = vector.broadcast %min3A_252 : f32 to vector<16xf32>
        %min3A_254 = arith.minimumf %add3A_251, %min3A_253 : vector<16xf32>
        %convert_element_type3A_255 = arith.fptosi %min3A_242 : vector<16xf32> to vector<16xi32>
        %convert_element_type3A_256 = arith.fptosi %min3A_248 : vector<16xf32> to vector<16xi32>
        %convert_element_type3A_257 = arith.fptosi %min3A_254 : vector<16xf32> to vector<16xi32>
        %sub3A_258 = arith.subf %min3A_242, %get3A_202 : vector<16xf32>
        %sub3A_259 = arith.subf %get3A_202, %convert_element_type3A_234 : vector<16xf32>
        %sub3A_260 = arith.subf %min3A_248, %get3A_208 : vector<16xf32>
        %sub3A_261 = arith.subf %get3A_208, %convert_element_type3A_235 : vector<16xf32>
        %sub3A_262 = arith.subf %min3A_254, %get3A_214 : vector<16xf32>
        %sub3A_263 = arith.subf %get3A_214, %convert_element_type3A_236 : vector<16xf32>
        %ge3A = arith.constant 0.000000e+00 : f32
        %ge3A_264 = vector.broadcast %ge3A : f32 to vector<16xf32>
        %ge3A_265 = arith.cmpf oge, %get3A_202, %ge3A_264 : vector<16xf32>
        %le3A = arith.constant 1.280000e+02 : f32
        %le3A_266 = vector.broadcast %le3A : f32 to vector<16xf32>
        %le3A_267 = arith.cmpf ole, %get3A_202, %le3A_266 : vector<16xf32>
        %and3A_268 = arith.andi %ge3A_265, %le3A_267 : vector<16xi1>
        %ge3A_269 = arith.constant 0.000000e+00 : f32
        %ge3A_270 = vector.broadcast %ge3A_269 : f32 to vector<16xf32>
        %ge3A_271 = arith.cmpf oge, %get3A_208, %ge3A_270 : vector<16xf32>
        %and3A_272 = arith.andi %and3A_268, %ge3A_271 : vector<16xi1>
        %le3A_273 = arith.constant 1.280000e+02 : f32
        %le3A_274 = vector.broadcast %le3A_273 : f32 to vector<16xf32>
        %le3A_275 = arith.cmpf ole, %get3A_208, %le3A_274 : vector<16xf32>
        %and3A_276 = arith.andi %and3A_272, %le3A_275 : vector<16xi1>
        %ge3A_277 = arith.constant 0.000000e+00 : f32
        %ge3A_278 = vector.broadcast %ge3A_277 : f32 to vector<16xf32>
        %ge3A_279 = arith.cmpf oge, %get3A_214, %ge3A_278 : vector<16xf32>
        %and3A_280 = arith.andi %and3A_276, %ge3A_279 : vector<16xi1>
        %le3A_281 = arith.constant 1.280000e+02 : f32
        %le3A_282 = vector.broadcast %le3A_281 : f32 to vector<16xf32>
        %le3A_283 = arith.cmpf ole, %get3A_214, %le3A_282 : vector<16xf32>
        %and3A_284 = arith.andi %and3A_280, %le3A_283 : vector<16xi1>
        %jit3A_285 = arith.constant 1.000000e+00 : f32
        %jit3A_286 = arith.constant 0.000000e+00 : f32
        %broadcast_in_dim3A_287 = vector.broadcast %jit3A_285 : f32 to vector<16xf32>
        %broadcast_in_dim3A_288 = vector.broadcast %jit3A_286 : f32 to vector<16xf32>
        %select_n3A_289 = arith.select %and3A_284, %broadcast_in_dim3A_287, %broadcast_in_dim3A_288 : vector<16xi1>, vector<16xf32>
        %mul3A_290 = arith.mulf %sub3A_262, %select_n3A_289 : vector<16xf32>
        %mul3A_291 = arith.mulf %sub3A_263, %select_n3A_289 : vector<16xf32>
        %mul3A_292 = arith.constant 16384 : i32
        %mul3A_293 = vector.broadcast %mul3A_292 : i32 to vector<16xi32>
        %mul3A_294 = arith.muli %min3A_233, %mul3A_293 : vector<16xi32>
        %add3A_295 = vector.broadcast %mul3A_23 : i32 to vector<16xi32>
        %add3A_296 = arith.addi %add3A_295, %mul3A_294 : vector<16xi32>
        %mul3A_297 = arith.constant 128 : i32
        %mul3A_298 = vector.broadcast %mul3A_297 : i32 to vector<16xi32>
        %mul3A_299 = arith.muli %min3A_226, %mul3A_298 : vector<16xi32>
        %add3A_300 = arith.addi %add3A_296, %mul3A_299 : vector<16xi32>
        %mul3A_301 = arith.constant 16384 : i32
        %mul3A_302 = vector.broadcast %mul3A_301 : i32 to vector<16xi32>
        %mul3A_303 = arith.muli %min3A_233, %mul3A_302 : vector<16xi32>
        %add3A_304 = vector.broadcast %mul3A_23 : i32 to vector<16xi32>
        %add3A_305 = arith.addi %add3A_304, %mul3A_303 : vector<16xi32>
        %mul3A_306 = arith.constant 128 : i32
        %mul3A_307 = vector.broadcast %mul3A_306 : i32 to vector<16xi32>
        %mul3A_308 = arith.muli %convert_element_type3A_256, %mul3A_307 : vector<16xi32>
        %add3A_309 = arith.addi %add3A_305, %mul3A_308 : vector<16xi32>
        %mul3A_310 = arith.constant 16384 : i32
        %mul3A_311 = vector.broadcast %mul3A_310 : i32 to vector<16xi32>
        %mul3A_312 = arith.muli %convert_element_type3A_257, %mul3A_311 : vector<16xi32>
        %add3A_313 = vector.broadcast %mul3A_23 : i32 to vector<16xi32>
        %add3A_314 = arith.addi %add3A_313, %mul3A_312 : vector<16xi32>
        %mul3A_315 = arith.constant 128 : i32
        %mul3A_316 = vector.broadcast %mul3A_315 : i32 to vector<16xi32>
        %mul3A_317 = arith.muli %min3A_226, %mul3A_316 : vector<16xi32>
        %add3A_318 = arith.addi %add3A_314, %mul3A_317 : vector<16xi32>
        %mul3A_319 = arith.constant 16384 : i32
        %mul3A_320 = vector.broadcast %mul3A_319 : i32 to vector<16xi32>
        %mul3A_321 = arith.muli %convert_element_type3A_257, %mul3A_320 : vector<16xi32>
        %add3A_322 = vector.broadcast %mul3A_23 : i32 to vector<16xi32>
        %add3A_323 = arith.addi %add3A_322, %mul3A_321 : vector<16xi32>
        %mul3A_324 = arith.constant 128 : i32
        %mul3A_325 = vector.broadcast %mul3A_324 : i32 to vector<16xi32>
        %mul3A_326 = arith.muli %convert_element_type3A_256, %mul3A_325 : vector<16xi32>
        %add3A_327 = arith.addi %add3A_323, %mul3A_326 : vector<16xi32>
        %mul3A_328 = arith.constant 128 : i32
        %mul3A_329 = arith.muli %scan3A_196, %mul3A_328 : i32
        %add3A_330 = arith.addi %add3A_300, %min3A_219 : vector<16xi32>
        %add3A_331 = arith.constant 0 : i32
        %add3A_332 = arith.addi %mul3A_329, %add3A_331 : i32
        %swap3A_333 = arith.index_cast %add3A_332 : i32 to index
        %swap3A_334 = tpu.vector_load %arg9[%swap3A_333] {strides = array<i32>} : memref<8192xi32, #tpu.memory_space<vmem>>, vector<16xi32>,
        %swap3A_335 = vector.shape_cast %swap3A_334 : vector<16xi32> to vector<16xi32>
        %swap3A_336 = vector.shape_cast %add3A_330 : vector<16xi32> to vector<16xi32>
        tpu.vector_store %arg9[%swap3A_333], %swap3A_336 {strides = array<i32>} : memref<8192xi32, #tpu.memory_space<vmem>>, vector<16xi32>,
        %add3A_337 = arith.addi %add3A_300, %convert_element_type3A_255 : vector<16xi32>
        %add3A_338 = arith.constant 16 : i32
        %add3A_339 = arith.addi %mul3A_329, %add3A_338 : i32
        %swap3A_340 = arith.index_cast %add3A_339 : i32 to index
        %swap3A_341 = tpu.vector_load %arg9[%swap3A_340] {strides = array<i32>} : memref<8192xi32, #tpu.memory_space<vmem>>, vector<16xi32>,
        %swap3A_342 = vector.shape_cast %swap3A_341 : vector<16xi32> to vector<16xi32>
        %swap3A_343 = vector.shape_cast %add3A_337 : vector<16xi32> to vector<16xi32>
        tpu.vector_store %arg9[%swap3A_340], %swap3A_343 {strides = array<i32>} : memref<8192xi32, #tpu.memory_space<vmem>>, vector<16xi32>,
        %add3A_344 = arith.addi %add3A_309, %min3A_219 : vector<16xi32>
        %add3A_345 = arith.constant 32 : i32
        %add3A_346 = arith.addi %mul3A_329, %add3A_345 : i32
        %swap3A_347 = arith.index_cast %add3A_346 : i32 to index
        %swap3A_348 = tpu.vector_load %arg9[%swap3A_347] {strides = array<i32>} : memref<8192xi32, #tpu.memory_space<vmem>>, vector<16xi32>,
        %swap3A_349 = vector.shape_cast %swap3A_348 : vector<16xi32> to vector<16xi32>
        %swap3A_350 = vector.shape_cast %add3A_344 : vector<16xi32> to vector<16xi32>
        tpu.vector_store %arg9[%swap3A_347], %swap3A_350 {strides = array<i32>} : memref<8192xi32, #tpu.memory_space<vmem>>, vector<16xi32>,
        %add3A_351 = arith.addi %add3A_309, %convert_element_type3A_255 : vector<16xi32>
        %add3A_352 = arith.constant 48 : i32
        %add3A_353 = arith.addi %mul3A_329, %add3A_352 : i32
        %swap3A_354 = arith.index_cast %add3A_353 : i32 to index
        %swap3A_355 = tpu.vector_load %arg9[%swap3A_354] {strides = array<i32>} : memref<8192xi32, #tpu.memory_space<vmem>>, vector<16xi32>,
        %swap3A_356 = vector.shape_cast %swap3A_355 : vector<16xi32> to vector<16xi32>
        %swap3A_357 = vector.shape_cast %add3A_351 : vector<16xi32> to vector<16xi32>
        tpu.vector_store %arg9[%swap3A_354], %swap3A_357 {strides = array<i32>} : memref<8192xi32, #tpu.memory_space<vmem>>, vector<16xi32>,
        %add3A_358 = arith.addi %add3A_318, %min3A_219 : vector<16xi32>
        %add3A_359 = arith.constant 64 : i32
        %add3A_360 = arith.addi %mul3A_329, %add3A_359 : i32
        %swap3A_361 = arith.index_cast %add3A_360 : i32 to index
        %swap3A_362 = tpu.vector_load %arg9[%swap3A_361] {strides = array<i32>} : memref<8192xi32, #tpu.memory_space<vmem>>, vector<16xi32>,
        %swap3A_363 = vector.shape_cast %swap3A_362 : vector<16xi32> to vector<16xi32>
        %swap3A_364 = vector.shape_cast %add3A_358 : vector<16xi32> to vector<16xi32>
        tpu.vector_store %arg9[%swap3A_361], %swap3A_364 {strides = array<i32>} : memref<8192xi32, #tpu.memory_space<vmem>>, vector<16xi32>,
        %add3A_365 = arith.addi %add3A_318, %convert_element_type3A_255 : vector<16xi32>
        %add3A_366 = arith.constant 80 : i32
        %add3A_367 = arith.addi %mul3A_329, %add3A_366 : i32
        %swap3A_368 = arith.index_cast %add3A_367 : i32 to index
        %swap3A_369 = tpu.vector_load %arg9[%swap3A_368] {strides = array<i32>} : memref<8192xi32, #tpu.memory_space<vmem>>, vector<16xi32>,
        %swap3A_370 = vector.shape_cast %swap3A_369 : vector<16xi32> to vector<16xi32>
        %swap3A_371 = vector.shape_cast %add3A_365 : vector<16xi32> to vector<16xi32>
        tpu.vector_store %arg9[%swap3A_368], %swap3A_371 {strides = array<i32>} : memref<8192xi32, #tpu.memory_space<vmem>>, vector<16xi32>,
        %add3A_372 = arith.addi %add3A_327, %min3A_219 : vector<16xi32>
        %add3A_373 = arith.constant 96 : i32
        %add3A_374 = arith.addi %mul3A_329, %add3A_373 : i32
        %swap3A_375 = arith.index_cast %add3A_374 : i32 to index
        %swap3A_376 = tpu.vector_load %arg9[%swap3A_375] {strides = array<i32>} : memref<8192xi32, #tpu.memory_space<vmem>>, vector<16xi32>,
        %swap3A_377 = vector.shape_cast %swap3A_376 : vector<16xi32> to vector<16xi32>
        %swap3A_378 = vector.shape_cast %add3A_372 : vector<16xi32> to vector<16xi32>
        tpu.vector_store %arg9[%swap3A_375], %swap3A_378 {strides = array<i32>} : memref<8192xi32, #tpu.memory_space<vmem>>, vector<16xi32>,
        %add3A_379 = arith.addi %add3A_327, %convert_element_type3A_255 : vector<16xi32>
        %add3A_380 = arith.constant 112 : i32
        %add3A_381 = arith.addi %mul3A_329, %add3A_380 : i32
        %swap3A_382 = arith.index_cast %add3A_381 : i32 to index
        %swap3A_383 = tpu.vector_load %arg9[%swap3A_382] {strides = array<i32>} : memref<8192xi32, #tpu.memory_space<vmem>>, vector<16xi32>,
        %swap3A_384 = vector.shape_cast %swap3A_383 : vector<16xi32> to vector<16xi32>
        %swap3A_385 = vector.shape_cast %add3A_379 : vector<16xi32> to vector<16xi32>
        tpu.vector_store %arg9[%swap3A_382], %swap3A_385 {strides = array<i32>} : memref<8192xi32, #tpu.memory_space<vmem>>, vector<16xi32>,
        %swap3A_386 = arith.index_cast %scan3A_196 : i32 to index
        %swap3A_387 = arith.constant 0 : index
        %swap3A_388 = tpu.vector_load %arg11[%swap3A_386, %swap3A_387] {strides = array<i32>} : memref<64x96xf32, #tpu.memory_space<vmem>>, vector<1x16xf32>,
        %swap3A_389 = vector.shape_cast %swap3A_388 : vector<1x16xf32> to vector<16xf32>
        %swap3A_390 = vector.shape_cast %sub3A_258 : vector<16xf32> to vector<1x16xf32>
        tpu.vector_store %arg11[%swap3A_386, %swap3A_387], %swap3A_390 {strides = array<i32>} : memref<64x96xf32, #tpu.memory_space<vmem>>, vector<1x16xf32>,
        %swap3A_391 = arith.index_cast %scan3A_196 : i32 to index
        %swap3A_392 = arith.constant 16 : index
        %swap3A_393 = tpu.vector_load %arg11[%swap3A_391, %swap3A_392] {strides = array<i32>} : memref<64x96xf32, #tpu.memory_space<vmem>>, vector<1x16xf32>,
        %swap3A_394 = vector.shape_cast %swap3A_393 : vector<1x16xf32> to vector<16xf32>
        %swap3A_395 = vector.shape_cast %sub3A_259 : vector<16xf32> to vector<1x16xf32>
        tpu.vector_store %arg11[%swap3A_391, %swap3A_392], %swap3A_395 {strides = array<i32>} : memref<64x96xf32, #tpu.memory_space<vmem>>, vector<1x16xf32>,
        %swap3A_396 = arith.index_cast %scan3A_196 : i32 to index
        %swap3A_397 = arith.constant 32 : index
        %swap3A_398 = tpu.vector_load %arg11[%swap3A_396, %swap3A_397] {strides = array<i32>} : memref<64x96xf32, #tpu.memory_space<vmem>>, vector<1x16xf32>,
        %swap3A_399 = vector.shape_cast %swap3A_398 : vector<1x16xf32> to vector<16xf32>
        %swap3A_400 = vector.shape_cast %sub3A_260 : vector<16xf32> to vector<1x16xf32>
        tpu.vector_store %arg11[%swap3A_396, %swap3A_397], %swap3A_400 {strides = array<i32>} : memref<64x96xf32, #tpu.memory_space<vmem>>, vector<1x16xf32>,
        %swap3A_401 = arith.index_cast %scan3A_196 : i32 to index
        %swap3A_402 = arith.constant 48 : index
        %swap3A_403 = tpu.vector_load %arg11[%swap3A_401, %swap3A_402] {strides = array<i32>} : memref<64x96xf32, #tpu.memory_space<vmem>>, vector<1x16xf32>,
        %swap3A_404 = vector.shape_cast %swap3A_403 : vector<1x16xf32> to vector<16xf32>
        %swap3A_405 = vector.shape_cast %sub3A_261 : vector<16xf32> to vector<1x16xf32>
        tpu.vector_store %arg11[%swap3A_401, %swap3A_402], %swap3A_405 {strides = array<i32>} : memref<64x96xf32, #tpu.memory_space<vmem>>, vector<1x16xf32>,
        %swap3A_406 = arith.index_cast %scan3A_196 : i32 to index
        %swap3A_407 = arith.constant 64 : index
        %swap3A_408 = tpu.vector_load %arg11[%swap3A_406, %swap3A_407] {strides = array<i32>} : memref<64x96xf32, #tpu.memory_space<vmem>>, vector<1x16xf32>,
        %swap3A_409 = vector.shape_cast %swap3A_408 : vector<1x16xf32> to vector<16xf32>
        %swap3A_410 = vector.shape_cast %mul3A_290 : vector<16xf32> to vector<1x16xf32>
        tpu.vector_store %arg11[%swap3A_406, %swap3A_407], %swap3A_410 {strides = array<i32>} : memref<64x96xf32, #tpu.memory_space<vmem>>, vector<1x16xf32>,
        %swap3A_411 = arith.index_cast %scan3A_196 : i32 to index
        %swap3A_412 = arith.constant 80 : index
        %swap3A_413 = tpu.vector_load %arg11[%swap3A_411, %swap3A_412] {strides = array<i32>} : memref<64x96xf32, #tpu.memory_space<vmem>>, vector<1x16xf32>,
        %swap3A_414 = vector.shape_cast %swap3A_413 : vector<1x16xf32> to vector<16xf32>
        %swap3A_415 = vector.shape_cast %mul3A_291 : vector<16xf32> to vector<1x16xf32>
        tpu.vector_store %arg11[%swap3A_411, %swap3A_412], %swap3A_415 {strides = array<i32>} : memref<64x96xf32, #tpu.memory_space<vmem>>, vector<1x16xf32>,
        %scan3A_416 = arith.constant 0 : i32
        scf.yield %scan3A_416 : i32
      }
      %scan3A_138 = arith.constant 64 : i32
      %dma_start3A_139 = arith.constant 0 : i32
      %dma_start3A_140 = tpu.memref_slice %arg2[%dma_start3A_139] : memref<8388608xf32, #tpu.memory_space<hbm>> -> memref<8388608xf32, #tpu.memory_space<hbm>>
      %dma_start3A_141 = tpu.memref_slice %arg15[%scan3A_97] : memref<2x!tpu.dma_semaphore, #tpu.memory_space<semaphore_mem>> -> memref<1x!tpu.dma_semaphore, #tpu.memory_space<semaphore_mem>>
      %dma_start3A_142 = tpu.memref_squeeze %dma_start3A_141 : memref<1x!tpu.dma_semaphore, #tpu.memory_space<semaphore_mem>> -> memref<!tpu.dma_semaphore, #tpu.memory_space<semaphore_mem>>
      tpu.enqueue_indirect_dma source(%dma_start3A_140 : memref<8388608xf32, #tpu.memory_space<hbm>>) target(%arg13 : memref<8192xf32, #tpu.memory_space<vmem>>) offsets(%arg9 : memref<8192xi32, #tpu.memory_space<vmem>>) semaphore(%dma_start3A_142 : memref<!tpu.dma_semaphore, #tpu.memory_space<semaphore_mem>>)
      %dma_wait3A_143 = tpu.memref_slice %arg15[%scan3A_98] : memref<2x!tpu.dma_semaphore, #tpu.memory_space<semaphore_mem>> -> memref<1x!tpu.dma_semaphore, #tpu.memory_space<semaphore_mem>>
      %dma_wait3A_144 = tpu.memref_squeeze %dma_wait3A_143 : memref<1x!tpu.dma_semaphore, #tpu.memory_space<semaphore_mem>> -> memref<!tpu.dma_semaphore, #tpu.memory_space<semaphore_mem>>
      tpu.wait_dma2 semaphore(%dma_wait3A_144 : memref<!tpu.dma_semaphore, #tpu.memory_space<semaphore_mem>>) src(%arg4 : memref<8192xf32, #tpu.memory_space<hbm>>) dst(%arg12 : memref<8192xf32, #tpu.memory_space<vmem>>)
      %broadcast_in_dim3A = arith.constant 0.000000e+00 : f32
      %broadcast_in_dim3A_145 = vector.broadcast %broadcast_in_dim3A : f32 to vector<16xf32>
      %scan3A_146 = arith.constant 0 : i32
      %scan3A_147 = arith.constant 64 : i32
      %scan3A_148 = arith.addi %scan3A_146, %scan3A_147 : i32
      %scan3A_149 = arith.constant 1 : i32
      %scan3A_150 = scf.for %scan3A_196 = %scan3A_146 to %scan3A_148 step %scan3A_149 iter_args(%scan3A_197 = %broadcast_in_dim3A_145) -> (vector<16xf32>)  : i32 {
        %get3A = arith.index_cast %scan3A_196 : i32 to index
        %get3A_198 = arith.constant 0 : index
        %get3A_199 = tpu.vector_load %arg10[%get3A, %get3A_198] {strides = array<i32>} : memref<64x96xf32, #tpu.memory_space<vmem>>, vector<1x16xf32>,
        %get3A_200 = vector.shape_cast %get3A_199 : vector<1x16xf32> to vector<16xf32>
        %get3A_201 = arith.index_cast %scan3A_196 : i32 to index
        %get3A_202 = arith.constant 16 : index
        %get3A_203 = tpu.vector_load %arg10[%get3A_201, %get3A_202] {strides = array<i32>} : memref<64x96xf32, #tpu.memory_space<vmem>>, vector<1x16xf32>,
        %get3A_204 = vector.shape_cast %get3A_203 : vector<1x16xf32> to vector<16xf32>
        %get3A_205 = arith.index_cast %scan3A_196 : i32 to index
        %get3A_206 = arith.constant 32 : index
        %get3A_207 = tpu.vector_load %arg10[%get3A_205, %get3A_206] {strides = array<i32>} : memref<64x96xf32, #tpu.memory_space<vmem>>, vector<1x16xf32>,
        %get3A_208 = vector.shape_cast %get3A_207 : vector<1x16xf32> to vector<16xf32>
        %get3A_209 = arith.index_cast %scan3A_196 : i32 to index
        %get3A_210 = arith.constant 48 : index
        %get3A_211 = tpu.vector_load %arg10[%get3A_209, %get3A_210] {strides = array<i32>} : memref<64x96xf32, #tpu.memory_space<vmem>>, vector<1x16xf32>,
        %get3A_212 = vector.shape_cast %get3A_211 : vector<1x16xf32> to vector<16xf32>
        %get3A_213 = arith.index_cast %scan3A_196 : i32 to index
        %get3A_214 = arith.constant 64 : index
        %get3A_215 = tpu.vector_load %arg10[%get3A_213, %get3A_214] {strides = array<i32>} : memref<64x96xf32, #tpu.memory_space<vmem>>, vector<1x16xf32>,
        %get3A_216 = vector.shape_cast %get3A_215 : vector<1x16xf32> to vector<16xf32>
        %get3A_217 = arith.index_cast %scan3A_196 : i32 to index
        %get3A_218 = arith.constant 80 : index
        %get3A_219 = tpu.vector_load %arg10[%get3A_217, %get3A_218] {strides = array<i32>} : memref<64x96xf32, #tpu.memory_space<vmem>>, vector<1x16xf32>,
        %get3A_220 = vector.shape_cast %get3A_219 : vector<1x16xf32> to vector<16xf32>
        %mul3A_221 = arith.constant 128 : i32
        %mul3A_222 = arith.muli %scan3A_196, %mul3A_221 : i32
        %add3A_223 = arith.constant 0 : i32
        %add3A_224 = arith.addi %mul3A_222, %add3A_223 : i32
        %get3A_225 = arith.index_cast %add3A_224 : i32 to index
        %get3A_226 = tpu.vector_load %arg12[%get3A_225] {strides = array<i32>} : memref<8192xf32, #tpu.memory_space<vmem>>, vector<16xf32>,
        %get3A_227 = vector.shape_cast %get3A_226 : vector<16xf32> to vector<16xf32>
        %add3A_228 = arith.constant 16 : i32
        %add3A_229 = arith.addi %mul3A_222, %add3A_228 : i32
        %get3A_230 = arith.index_cast %add3A_229 : i32 to index
        %get3A_231 = tpu.vector_load %arg12[%get3A_230] {strides = array<i32>} : memref<8192xf32, #tpu.memory_space<vmem>>, vector<16xf32>,
        %get3A_232 = vector.shape_cast %get3A_231 : vector<16xf32> to vector<16xf32>
        %add3A_233 = arith.constant 32 : i32
        %add3A_234 = arith.addi %mul3A_222, %add3A_233 : i32
        %get3A_235 = arith.index_cast %add3A_234 : i32 to index
        %get3A_236 = tpu.vector_load %arg12[%get3A_235] {strides = array<i32>} : memref<8192xf32, #tpu.memory_space<vmem>>, vector<16xf32>,
        %get3A_237 = vector.shape_cast %get3A_236 : vector<16xf32> to vector<16xf32>
        %add3A_238 = arith.constant 48 : i32
        %add3A_239 = arith.addi %mul3A_222, %add3A_238 : i32
        %get3A_240 = arith.index_cast %add3A_239 : i32 to index
        %get3A_241 = tpu.vector_load %arg12[%get3A_240] {strides = array<i32>} : memref<8192xf32, #tpu.memory_space<vmem>>, vector<16xf32>,
        %get3A_242 = vector.shape_cast %get3A_241 : vector<16xf32> to vector<16xf32>
        %add3A_243 = arith.constant 64 : i32
        %add3A_244 = arith.addi %mul3A_222, %add3A_243 : i32
        %get3A_245 = arith.index_cast %add3A_244 : i32 to index
        %get3A_246 = tpu.vector_load %arg12[%get3A_245] {strides = array<i32>} : memref<8192xf32, #tpu.memory_space<vmem>>, vector<16xf32>,
        %get3A_247 = vector.shape_cast %get3A_246 : vector<16xf32> to vector<16xf32>
        %add3A_248 = arith.constant 80 : i32
        %add3A_249 = arith.addi %mul3A_222, %add3A_248 : i32
        %get3A_250 = arith.index_cast %add3A_249 : i32 to index
        %get3A_251 = tpu.vector_load %arg12[%get3A_250] {strides = array<i32>} : memref<8192xf32, #tpu.memory_space<vmem>>, vector<16xf32>,
        %get3A_252 = vector.shape_cast %get3A_251 : vector<16xf32> to vector<16xf32>
        %add3A_253 = arith.constant 96 : i32
        %add3A_254 = arith.addi %mul3A_222, %add3A_253 : i32
        %get3A_255 = arith.index_cast %add3A_254 : i32 to index
        %get3A_256 = tpu.vector_load %arg12[%get3A_255] {strides = array<i32>} : memref<8192xf32, #tpu.memory_space<vmem>>, vector<16xf32>,
        %get3A_257 = vector.shape_cast %get3A_256 : vector<16xf32> to vector<16xf32>
        %add3A_258 = arith.constant 112 : i32
        %add3A_259 = arith.addi %mul3A_222, %add3A_258 : i32
        %get3A_260 = arith.index_cast %add3A_259 : i32 to index
        %get3A_261 = tpu.vector_load %arg12[%get3A_260] {strides = array<i32>} : memref<8192xf32, #tpu.memory_space<vmem>>, vector<16xf32>,
        %get3A_262 = vector.shape_cast %get3A_261 : vector<16xf32> to vector<16xf32>
        %mul3A_263 = arith.mulf %get3A_200, %get3A_227 : vector<16xf32>
        %mul3A_264 = arith.mulf %get3A_204, %get3A_232 : vector<16xf32>
        %add3A_265 = arith.addf %mul3A_263, %mul3A_264 : vector<16xf32>
        %mul3A_266 = arith.mulf %get3A_208, %add3A_265 : vector<16xf32>
        %mul3A_267 = arith.mulf %get3A_200, %get3A_237 : vector<16xf32>
        %mul3A_268 = arith.mulf %get3A_204, %get3A_242 : vector<16xf32>
        %add3A_269 = arith.addf %mul3A_267, %mul3A_268 : vector<16xf32>
        %mul3A_270 = arith.mulf %get3A_212, %add3A_269 : vector<16xf32>
        %add3A_271 = arith.addf %mul3A_266, %mul3A_270 : vector<16xf32>
        %mul3A_272 = arith.mulf %get3A_200, %get3A_247 : vector<16xf32>
        %mul3A_273 = arith.mulf %get3A_204, %get3A_252 : vector<16xf32>
        %add3A_274 = arith.addf %mul3A_272, %mul3A_273 : vector<16xf32>
        %mul3A_275 = arith.mulf %get3A_208, %add3A_274 : vector<16xf32>
        %mul3A_276 = arith.mulf %get3A_200, %get3A_257 : vector<16xf32>
        %mul3A_277 = arith.mulf %get3A_204, %get3A_262 : vector<16xf32>
        %add3A_278 = arith.addf %mul3A_276, %mul3A_277 : vector<16xf32>
        %mul3A_279 = arith.mulf %get3A_212, %add3A_278 : vector<16xf32>
        %add3A_280 = arith.addf %mul3A_275, %mul3A_279 : vector<16xf32>
        %mul3A_281 = arith.mulf %get3A_216, %add3A_271 : vector<16xf32>
        %mul3A_282 = arith.mulf %get3A_220, %add3A_280 : vector<16xf32>
        %add3A_283 = arith.addf %mul3A_281, %mul3A_282 : vector<16xf32>
        %add3A_284 = arith.addf %scan3A_197, %add3A_283 : vector<16xf32>
        scf.yield %add3A_284 : vector<16xf32>
      }
      %scan3A_151 = arith.constant 64 : i32
      %mul3A_152 = arith.constant 1.562500e-02 : f32
      %mul3A_153 = vector.broadcast %mul3A_152 : f32 to vector<16xf32>
      %mul3A_154 = arith.mulf %scan3A_150, %mul3A_153 : vector<16xf32>
      %mul3A_155 = arith.constant 16 : i32
      %mul3A_156 = arith.muli %mul3A_114, %mul3A_155 : i32
      %swap3A = arith.index_cast %mul3A_156 : i32 to index
      %swap3A_157 = tpu.vector_load %arg14[%swap3A] {strides = array<i32>} : memref<1024xf32, #tpu.memory_space<vmem>>, vector<16xf32>,
      %swap3A_158 = vector.shape_cast %swap3A_157 : vector<16xf32> to vector<16xf32>
      %swap3A_159 = vector.shape_cast %mul3A_154 : vector<16xf32> to vector<16xf32>
      tpu.vector_store %arg14[%swap3A], %swap3A_159 {strides = array<i32>} : memref<1024xf32, #tpu.memory_space<vmem>>, vector<16xf32>,
      %add3A_160 = arith.constant 3 : i32
      %add3A_161 = arith.addi %mul3A_114, %add3A_160 : i32
      %lt3A_162 = arith.constant 64 : i32
      %lt3A_163 = arith.cmpi slt, %add3A_161, %lt3A_162 : i32
      %convert_element_type3A_164 = arith.extui %lt3A_163 : i1 to i32
      %cond3A_165 = arith.constant 0 : i32
      %cond3A_166 = arith.cmpi ne, %convert_element_type3A_164, %cond3A_165 : i32
      scf.if %cond3A_166 {
        %add3A_196 = arith.constant 3 : i32
        %add3A_197 = arith.addi %mul3A_114, %add3A_196 : i32
        %mul3A_198 = arith.constant 1024 : i32
        %mul3A_199 = arith.muli %select_n3A, %mul3A_198 : i32
        %mul3A_200 = arith.constant 8 : i32
        %mul3A_201 = arith.muli %sub3A_19, %mul3A_200 : i32
        %jit3A_202 = arith.constant 8 : i32
        %div3A_203 = arith.divsi %add3A_197, %jit3A_202 : i32
        %sign3A_204 = arith.constant 0 : i32
        %sign3A_205 = arith.cmpi sgt, %add3A_197, %sign3A_204 : i32
        %sign3A_206 = arith.extui %sign3A_205 : i1 to i32
        %sign3A_207 = arith.constant 0 : i32
        %sign3A_208 = arith.cmpi slt, %add3A_197, %sign3A_207 : i32
        %sign3A_209 = arith.extui %sign3A_208 : i1 to i32
        %sign3A_210 = arith.subi %sign3A_206, %sign3A_209 : i32
        %sign3A_211 = arith.constant 0 : i32
        %sign3A_212 = arith.cmpi sgt, %jit3A_202, %sign3A_211 : i32
        %sign3A_213 = arith.extui %sign3A_212 : i1 to i32
        %sign3A_214 = arith.constant 0 : i32
        %sign3A_215 = arith.cmpi slt, %jit3A_202, %sign3A_214 : i32
        %sign3A_216 = arith.extui %sign3A_215 : i1 to i32
        %sign3A_217 = arith.subi %sign3A_213, %sign3A_216 : i32
        %ne3A_218 = arith.cmpi ne, %sign3A_210, %sign3A_217 : i32
        %rem3A_219 = arith.remsi %add3A_197, %jit3A_202 : i32
        %ne3A_220 = arith.constant 0 : i32
        %ne3A_221 = arith.cmpi ne, %rem3A_219, %ne3A_220 : i32
        %and3A_222 = arith.andi %ne3A_218, %ne3A_221 : i1
        %sub3A_223 = arith.constant 1 : i32
        %sub3A_224 = arith.subi %div3A_203, %sub3A_223 : i32
        %select_n3A_225 = arith.select %and3A_222, %sub3A_224, %div3A_203 : i32
        %add3A_226 = arith.addi %mul3A_201, %select_n3A_225 : i32
        %mul3A_227 = arith.constant 8 : i32
        %mul3A_228 = arith.muli %add3A_226, %mul3A_227 : i32
        %add3A_229 = arith.addi %mul3A_199, %mul3A_228 : i32
        %jit3A_230 = arith.constant 8 : i32
        %div3A_231 = arith.divsi %add3A_197, %jit3A_230 : i32
        %sign3A_232 = arith.constant 0 : i32
        %sign3A_233 = arith.cmpi sgt, %add3A_197, %sign3A_232 : i32
        %sign3A_234 = arith.extui %sign3A_233 : i1 to i32
        %sign3A_235 = arith.constant 0 : i32
        %sign3A_236 = arith.cmpi slt, %add3A_197, %sign3A_235 : i32
        %sign3A_237 = arith.extui %sign3A_236 : i1 to i32
        %sign3A_238 = arith.subi %sign3A_234, %sign3A_237 : i32
        %sign3A_239 = arith.constant 0 : i32
        %sign3A_240 = arith.cmpi sgt, %jit3A_230, %sign3A_239 : i32
        %sign3A_241 = arith.extui %sign3A_240 : i1 to i32
        %sign3A_242 = arith.constant 0 : i32
        %sign3A_243 = arith.cmpi slt, %jit3A_230, %sign3A_242 : i32
        %sign3A_244 = arith.extui %sign3A_243 : i1 to i32
        %sign3A_245 = arith.subi %sign3A_241, %sign3A_244 : i32
        %ne3A_246 = arith.cmpi ne, %sign3A_238, %sign3A_245 : i32
        %rem3A_247 = arith.remsi %add3A_197, %jit3A_230 : i32
        %ne3A_248 = arith.constant 0 : i32
        %ne3A_249 = arith.cmpi ne, %rem3A_247, %ne3A_248 : i32
        %and3A_250 = arith.andi %ne3A_246, %ne3A_249 : i1
        %sub3A_251 = arith.constant 1 : i32
        %sub3A_252 = arith.subi %div3A_231, %sub3A_251 : i32
        %select_n3A_253 = arith.select %and3A_250, %sub3A_252, %div3A_231 : i32
        %mul3A_254 = arith.constant 8 : i32
        %mul3A_255 = arith.muli %select_n3A_253, %mul3A_254 : i32
        %sub3A_256 = arith.subi %add3A_197, %mul3A_255 : i32
        %add3A_257 = arith.addi %add3A_229, %sub3A_256 : i32
        %dma_start3A_258 = arith.constant 0 : i32
        %dma_start3A_259 = arith.constant 0 : i32
        %dma_start3A_260 = arith.constant 0 : i32
        %dma_start3A_261 = tpu.memref_slice %arg3[%add3A_257, %dma_start3A_258, %dma_start3A_259, %dma_start3A_260] : memref<2048x3x64x16xf32, #tpu.memory_space<hbm>> -> memref<1x3x64x16xf32, #tpu.memory_space<hbm>>
        %dma_start3A_262 = tpu.memref_squeeze %dma_start3A_261 : memref<1x3x64x16xf32, #tpu.memory_space<hbm>> -> memref<3x64x16xf32, #tpu.memory_space<hbm>>
        %dma_start3A_263 = tpu.memref_slice %arg16[%scan3A_96] : memref<2x!tpu.dma_semaphore, #tpu.memory_space<semaphore_mem>> -> memref<1x!tpu.dma_semaphore, #tpu.memory_space<semaphore_mem>>
        %dma_start3A_264 = tpu.memref_squeeze %dma_start3A_263 : memref<1x!tpu.dma_semaphore, #tpu.memory_space<semaphore_mem>> -> memref<!tpu.dma_semaphore, #tpu.memory_space<semaphore_mem>>
        %dma_start3A_265 = arith.constant 0 : i32
        %dma_start3A_266 = arith.constant 0 : i32
        %dma_start3A_267 = arith.constant 0 : i32
        %dma_start3A_268 = tpu.memref_slice %arg3[%add3A_257, %dma_start3A_265, %dma_start3A_266, %dma_start3A_267] : memref<2048x3x64x16xf32, #tpu.memory_space<hbm>> -> memref<1x3x64x16xf32, #tpu.memory_space<hbm>>
        %dma_start3A_269 = tpu.memref_squeeze %dma_start3A_268 : memref<1x3x64x16xf32, #tpu.memory_space<hbm>> -> memref<3x64x16xf32, #tpu.memory_space<hbm>>
        tpu.enqueue_dma source(%dma_start3A_269 : memref<3x64x16xf32, #tpu.memory_space<hbm>>) target(%arg7 : memref<3x64x16xf32, #tpu.memory_space<vmem>>) target_semaphore(%dma_start3A_264 : memref<!tpu.dma_semaphore, #tpu.memory_space<semaphore_mem>>)
      } else {
      }
      %add3A_167 = arith.constant 2 : i32
      %add3A_168 = arith.addi %mul3A_114, %add3A_167 : i32
      %lt3A_169 = arith.constant 64 : i32
      %lt3A_170 = arith.cmpi slt, %add3A_168, %lt3A_169 : i32
      %convert_element_type3A_171 = arith.extui %lt3A_170 : i1 to i32
      %cond3A_172 = arith.constant 0 : i32
      %cond3A_173 = arith.cmpi ne, %convert_element_type3A_171, %cond3A_172 : i32
      scf.if %cond3A_173 {
        %dma_wait3A_196 = arith.constant 0 : i32
        %dma_wait3A_197 = arith.constant 0 : i32
        %dma_wait3A_198 = arith.constant 0 : i32
        %dma_wait3A_199 = arith.constant 0 : i32
        %dma_wait3A_200 = tpu.memref_slice %arg3[%dma_wait3A_196, %dma_wait3A_197, %dma_wait3A_198, %dma_wait3A_199] : memref<2048x3x64x16xf32, #tpu.memory_space<hbm>> -> memref<1x3x64x16xf32, #tpu.memory_space<hbm>>
        %dma_wait3A_201 = tpu.memref_squeeze %dma_wait3A_200 : memref<1x3x64x16xf32, #tpu.memory_space<hbm>> -> memref<3x64x16xf32, #tpu.memory_space<hbm>>
        %dma_wait3A_202 = tpu.memref_slice %arg16[%scan3A_95] : memref<2x!tpu.dma_semaphore, #tpu.memory_space<semaphore_mem>> -> memref<1x!tpu.dma_semaphore, #tpu.memory_space<semaphore_mem>>
        %dma_wait3A_203 = tpu.memref_squeeze %dma_wait3A_202 : memref<1x!tpu.dma_semaphore, #tpu.memory_space<semaphore_mem>> -> memref<!tpu.dma_semaphore, #tpu.memory_space<semaphore_mem>>
        %dma_wait3A_204 = arith.constant 0 : i32
        %dma_wait3A_205 = arith.constant 0 : i32
        %dma_wait3A_206 = arith.constant 0 : i32
        %dma_wait3A_207 = tpu.memref_slice %arg3[%dma_wait3A_196, %dma_wait3A_204, %dma_wait3A_205, %dma_wait3A_206] : memref<2048x3x64x16xf32, #tpu.memory_space<hbm>> -> memref<1x3x64x16xf32, #tpu.memory_space<hbm>>
        %dma_wait3A_208 = tpu.memref_squeeze %dma_wait3A_207 : memref<1x3x64x16xf32, #tpu.memory_space<hbm>> -> memref<3x64x16xf32, #tpu.memory_space<hbm>>
        tpu.wait_dma2 semaphore(%dma_wait3A_203 : memref<!tpu.dma_semaphore, #tpu.memory_space<semaphore_mem>>) src(%dma_wait3A_208 : memref<3x64x16xf32, #tpu.memory_space<hbm>>) dst(%arg6 : memref<3x64x16xf32, #tpu.memory_space<vmem>>)
        %scan3A_209 = arith.constant 0 : i32
        %scan3A_210 = arith.constant 0 : i32
        %scan3A_211 = arith.constant 64 : i32
        %scan3A_212 = arith.addi %scan3A_210, %scan3A_211 : i32
        %scan3A_213 = arith.constant 1 : i32
        %scan3A_214 = scf.for %scan3A_220 = %scan3A_210 to %scan3A_212 step %scan3A_213 iter_args(%scan3A_221 = %scan3A_209) -> (i32)  : i32 {
          %get3A = arith.constant 0 : i32
          %get3A_222 = arith.index_cast %get3A : i32 to index
          %get3A_223 = arith.index_cast %scan3A_220 : i32 to index
          %get3A_224 = arith.constant 0 : index
          %get3A_225 = tpu.vector_load %arg6[%get3A_222, %get3A_223, %get3A_224] {strides = array<i32>} : memref<3x64x16xf32, #tpu.memory_space<vmem>>, vector<1x1x16xf32>,
          %get3A_226 = vector.shape_cast %get3A_225 : vector<1x1x16xf32> to vector<16xf32>
          %get3A_227 = arith.constant 1 : i32
          %get3A_228 = arith.index_cast %get3A_227 : i32 to index
          %get3A_229 = arith.index_cast %scan3A_220 : i32 to index
          %get3A_230 = arith.constant 0 : index
          %get3A_231 = tpu.vector_load %arg6[%get3A_228, %get3A_229, %get3A_230] {strides = array<i32>} : memref<3x64x16xf32, #tpu.memory_space<vmem>>, vector<1x1x16xf32>,
          %get3A_232 = vector.shape_cast %get3A_231 : vector<1x1x16xf32> to vector<16xf32>
          %get3A_233 = arith.constant 2 : i32
          %get3A_234 = arith.index_cast %get3A_233 : i32 to index
          %get3A_235 = arith.index_cast %scan3A_220 : i32 to index
          %get3A_236 = arith.constant 0 : index
          %get3A_237 = tpu.vector_load %arg6[%get3A_234, %get3A_235, %get3A_236] {strides = array<i32>} : memref<3x64x16xf32, #tpu.memory_space<vmem>>, vector<1x1x16xf32>,
          %get3A_238 = vector.shape_cast %get3A_237 : vector<1x1x16xf32> to vector<16xf32>
          %convert_element_type3A_239 = arith.fptosi %get3A_226 : vector<16xf32> to vector<16xi32>
          %jit3A_240 = arith.constant 0 : i32
          %jit3A_241 = arith.constant 127 : i32
          %max3A = vector.broadcast %jit3A_240 : i32 to vector<16xi32>
          %max3A_242 = arith.maxsi %max3A, %convert_element_type3A_239 : vector<16xi32>
          %min3A = vector.broadcast %jit3A_241 : i32 to vector<16xi32>
          %min3A_243 = arith.minsi %min3A, %max3A_242 : vector<16xi32>
          %convert_element_type3A_244 = arith.fptosi %get3A_232 : vector<16xf32> to vector<16xi32>
          %jit3A_245 = arith.constant 0 : i32
          %jit3A_246 = arith.constant 127 : i32
          %max3A_247 = vector.broadcast %jit3A_245 : i32 to vector<16xi32>
          %max3A_248 = arith.maxsi %max3A_247, %convert_element_type3A_244 : vector<16xi32>
          %min3A_249 = vector.broadcast %jit3A_246 : i32 to vector<16xi32>
          %min3A_250 = arith.minsi %min3A_249, %max3A_248 : vector<16xi32>
          %convert_element_type3A_251 = arith.fptosi %get3A_238 : vector<16xf32> to vector<16xi32>
          %jit3A_252 = arith.constant 0 : i32
          %jit3A_253 = arith.constant 127 : i32
          %max3A_254 = vector.broadcast %jit3A_252 : i32 to vector<16xi32>
          %max3A_255 = arith.maxsi %max3A_254, %convert_element_type3A_251 : vector<16xi32>
          %min3A_256 = vector.broadcast %jit3A_253 : i32 to vector<16xi32>
          %min3A_257 = arith.minsi %min3A_256, %max3A_255 : vector<16xi32>
          %convert_element_type3A_258 = arith.sitofp %min3A_243 : vector<16xi32> to vector<16xf32>
          %convert_element_type3A_259 = arith.sitofp %min3A_250 : vector<16xi32> to vector<16xf32>
          %convert_element_type3A_260 = arith.sitofp %min3A_257 : vector<16xi32> to vector<16xf32>
          %add3A_261 = arith.constant 1.000000e+00 : f32
          %add3A_262 = vector.broadcast %add3A_261 : f32 to vector<16xf32>
          %add3A_263 = arith.addf %convert_element_type3A_258, %add3A_262 : vector<16xf32>
          %min3A_264 = arith.constant 1.270000e+02 : f32
          %min3A_265 = vector.broadcast %min3A_264 : f32 to vector<16xf32>
          %min3A_266 = arith.minimumf %add3A_263, %min3A_265 : vector<16xf32>
          %add3A_267 = arith.constant 1.000000e+00 : f32
          %add3A_268 = vector.broadcast %add3A_267 : f32 to vector<16xf32>
          %add3A_269 = arith.addf %convert_element_type3A_259, %add3A_268 : vector<16xf32>
          %min3A_270 = arith.constant 1.270000e+02 : f32
          %min3A_271 = vector.broadcast %min3A_270 : f32 to vector<16xf32>
          %min3A_272 = arith.minimumf %add3A_269, %min3A_271 : vector<16xf32>
          %add3A_273 = arith.constant 1.000000e+00 : f32
          %add3A_274 = vector.broadcast %add3A_273 : f32 to vector<16xf32>
          %add3A_275 = arith.addf %convert_element_type3A_260, %add3A_274 : vector<16xf32>
          %min3A_276 = arith.constant 1.270000e+02 : f32
          %min3A_277 = vector.broadcast %min3A_276 : f32 to vector<16xf32>
          %min3A_278 = arith.minimumf %add3A_275, %min3A_277 : vector<16xf32>
          %convert_element_type3A_279 = arith.fptosi %min3A_266 : vector<16xf32> to vector<16xi32>
          %convert_element_type3A_280 = arith.fptosi %min3A_272 : vector<16xf32> to vector<16xi32>
          %convert_element_type3A_281 = arith.fptosi %min3A_278 : vector<16xf32> to vector<16xi32>
          %sub3A_282 = arith.subf %min3A_266, %get3A_226 : vector<16xf32>
          %sub3A_283 = arith.subf %get3A_226, %convert_element_type3A_258 : vector<16xf32>
          %sub3A_284 = arith.subf %min3A_272, %get3A_232 : vector<16xf32>
          %sub3A_285 = arith.subf %get3A_232, %convert_element_type3A_259 : vector<16xf32>
          %sub3A_286 = arith.subf %min3A_278, %get3A_238 : vector<16xf32>
          %sub3A_287 = arith.subf %get3A_238, %convert_element_type3A_260 : vector<16xf32>
          %ge3A = arith.constant 0.000000e+00 : f32
          %ge3A_288 = vector.broadcast %ge3A : f32 to vector<16xf32>
          %ge3A_289 = arith.cmpf oge, %get3A_226, %ge3A_288 : vector<16xf32>
          %le3A = arith.constant 1.280000e+02 : f32
          %le3A_290 = vector.broadcast %le3A : f32 to vector<16xf32>
          %le3A_291 = arith.cmpf ole, %get3A_226, %le3A_290 : vector<16xf32>
          %and3A_292 = arith.andi %ge3A_289, %le3A_291 : vector<16xi1>
          %ge3A_293 = arith.constant 0.000000e+00 : f32
          %ge3A_294 = vector.broadcast %ge3A_293 : f32 to vector<16xf32>
          %ge3A_295 = arith.cmpf oge, %get3A_232, %ge3A_294 : vector<16xf32>
          %and3A_296 = arith.andi %and3A_292, %ge3A_295 : vector<16xi1>
          %le3A_297 = arith.constant 1.280000e+02 : f32
          %le3A_298 = vector.broadcast %le3A_297 : f32 to vector<16xf32>
          %le3A_299 = arith.cmpf ole, %get3A_232, %le3A_298 : vector<16xf32>
          %and3A_300 = arith.andi %and3A_296, %le3A_299 : vector<16xi1>
          %ge3A_301 = arith.constant 0.000000e+00 : f32
          %ge3A_302 = vector.broadcast %ge3A_301 : f32 to vector<16xf32>
          %ge3A_303 = arith.cmpf oge, %get3A_238, %ge3A_302 : vector<16xf32>
          %and3A_304 = arith.andi %and3A_300, %ge3A_303 : vector<16xi1>
          %le3A_305 = arith.constant 1.280000e+02 : f32
          %le3A_306 = vector.broadcast %le3A_305 : f32 to vector<16xf32>
          %le3A_307 = arith.cmpf ole, %get3A_238, %le3A_306 : vector<16xf32>
          %and3A_308 = arith.andi %and3A_304, %le3A_307 : vector<16xi1>
          %jit3A_309 = arith.constant 1.000000e+00 : f32
          %jit3A_310 = arith.constant 0.000000e+00 : f32
          %broadcast_in_dim3A_311 = vector.broadcast %jit3A_309 : f32 to vector<16xf32>
          %broadcast_in_dim3A_312 = vector.broadcast %jit3A_310 : f32 to vector<16xf32>
          %select_n3A_313 = arith.select %and3A_308, %broadcast_in_dim3A_311, %broadcast_in_dim3A_312 : vector<16xi1>, vector<16xf32>
          %mul3A_314 = arith.mulf %sub3A_286, %select_n3A_313 : vector<16xf32>
          %mul3A_315 = arith.mulf %sub3A_287, %select_n3A_313 : vector<16xf32>
          %mul3A_316 = arith.constant 16384 : i32
          %mul3A_317 = vector.broadcast %mul3A_316 : i32 to vector<16xi32>
          %mul3A_318 = arith.muli %min3A_257, %mul3A_317 : vector<16xi32>
          %add3A_319 = vector.broadcast %mul3A_23 : i32 to vector<16xi32>
          %add3A_320 = arith.addi %add3A_319, %mul3A_318 : vector<16xi32>
          %mul3A_321 = arith.constant 128 : i32
          %mul3A_322 = vector.broadcast %mul3A_321 : i32 to vector<16xi32>
          %mul3A_323 = arith.muli %min3A_250, %mul3A_322 : vector<16xi32>
          %add3A_324 = arith.addi %add3A_320, %mul3A_323 : vector<16xi32>
          %mul3A_325 = arith.constant 16384 : i32
          %mul3A_326 = vector.broadcast %mul3A_325 : i32 to vector<16xi32>
          %mul3A_327 = arith.muli %min3A_257, %mul3A_326 : vector<16xi32>
          %add3A_328 = vector.broadcast %mul3A_23 : i32 to vector<16xi32>
          %add3A_329 = arith.addi %add3A_328, %mul3A_327 : vector<16xi32>
          %mul3A_330 = arith.constant 128 : i32
          %mul3A_331 = vector.broadcast %mul3A_330 : i32 to vector<16xi32>
          %mul3A_332 = arith.muli %convert_element_type3A_280, %mul3A_331 : vector<16xi32>
          %add3A_333 = arith.addi %add3A_329, %mul3A_332 : vector<16xi32>
          %mul3A_334 = arith.constant 16384 : i32
          %mul3A_335 = vector.broadcast %mul3A_334 : i32 to vector<16xi32>
          %mul3A_336 = arith.muli %convert_element_type3A_281, %mul3A_335 : vector<16xi32>
          %add3A_337 = vector.broadcast %mul3A_23 : i32 to vector<16xi32>
          %add3A_338 = arith.addi %add3A_337, %mul3A_336 : vector<16xi32>
          %mul3A_339 = arith.constant 128 : i32
          %mul3A_340 = vector.broadcast %mul3A_339 : i32 to vector<16xi32>
          %mul3A_341 = arith.muli %min3A_250, %mul3A_340 : vector<16xi32>
          %add3A_342 = arith.addi %add3A_338, %mul3A_341 : vector<16xi32>
          %mul3A_343 = arith.constant 16384 : i32
          %mul3A_344 = vector.broadcast %mul3A_343 : i32 to vector<16xi32>
          %mul3A_345 = arith.muli %convert_element_type3A_281, %mul3A_344 : vector<16xi32>
          %add3A_346 = vector.broadcast %mul3A_23 : i32 to vector<16xi32>
          %add3A_347 = arith.addi %add3A_346, %mul3A_345 : vector<16xi32>
          %mul3A_348 = arith.constant 128 : i32
          %mul3A_349 = vector.broadcast %mul3A_348 : i32 to vector<16xi32>
          %mul3A_350 = arith.muli %convert_element_type3A_280, %mul3A_349 : vector<16xi32>
          %add3A_351 = arith.addi %add3A_347, %mul3A_350 : vector<16xi32>
          %mul3A_352 = arith.constant 128 : i32
          %mul3A_353 = arith.muli %scan3A_220, %mul3A_352 : i32
          %add3A_354 = arith.addi %add3A_324, %min3A_243 : vector<16xi32>
          %add3A_355 = arith.constant 0 : i32
          %add3A_356 = arith.addi %mul3A_353, %add3A_355 : i32
          %swap3A_357 = arith.index_cast %add3A_356 : i32 to index
          %swap3A_358 = tpu.vector_load %arg8[%swap3A_357] {strides = array<i32>} : memref<8192xi32, #tpu.memory_space<vmem>>, vector<16xi32>,
          %swap3A_359 = vector.shape_cast %swap3A_358 : vector<16xi32> to vector<16xi32>
          %swap3A_360 = vector.shape_cast %add3A_354 : vector<16xi32> to vector<16xi32>
          tpu.vector_store %arg8[%swap3A_357], %swap3A_360 {strides = array<i32>} : memref<8192xi32, #tpu.memory_space<vmem>>, vector<16xi32>,
          %add3A_361 = arith.addi %add3A_324, %convert_element_type3A_279 : vector<16xi32>
          %add3A_362 = arith.constant 16 : i32
          %add3A_363 = arith.addi %mul3A_353, %add3A_362 : i32
          %swap3A_364 = arith.index_cast %add3A_363 : i32 to index
          %swap3A_365 = tpu.vector_load %arg8[%swap3A_364] {strides = array<i32>} : memref<8192xi32, #tpu.memory_space<vmem>>, vector<16xi32>,
          %swap3A_366 = vector.shape_cast %swap3A_365 : vector<16xi32> to vector<16xi32>
          %swap3A_367 = vector.shape_cast %add3A_361 : vector<16xi32> to vector<16xi32>
          tpu.vector_store %arg8[%swap3A_364], %swap3A_367 {strides = array<i32>} : memref<8192xi32, #tpu.memory_space<vmem>>, vector<16xi32>,
          %add3A_368 = arith.addi %add3A_333, %min3A_243 : vector<16xi32>
          %add3A_369 = arith.constant 32 : i32
          %add3A_370 = arith.addi %mul3A_353, %add3A_369 : i32
          %swap3A_371 = arith.index_cast %add3A_370 : i32 to index
          %swap3A_372 = tpu.vector_load %arg8[%swap3A_371] {strides = array<i32>} : memref<8192xi32, #tpu.memory_space<vmem>>, vector<16xi32>,
          %swap3A_373 = vector.shape_cast %swap3A_372 : vector<16xi32> to vector<16xi32>
          %swap3A_374 = vector.shape_cast %add3A_368 : vector<16xi32> to vector<16xi32>
          tpu.vector_store %arg8[%swap3A_371], %swap3A_374 {strides = array<i32>} : memref<8192xi32, #tpu.memory_space<vmem>>, vector<16xi32>,
          %add3A_375 = arith.addi %add3A_333, %convert_element_type3A_279 : vector<16xi32>
          %add3A_376 = arith.constant 48 : i32
          %add3A_377 = arith.addi %mul3A_353, %add3A_376 : i32
          %swap3A_378 = arith.index_cast %add3A_377 : i32 to index
          %swap3A_379 = tpu.vector_load %arg8[%swap3A_378] {strides = array<i32>} : memref<8192xi32, #tpu.memory_space<vmem>>, vector<16xi32>,
          %swap3A_380 = vector.shape_cast %swap3A_379 : vector<16xi32> to vector<16xi32>
          %swap3A_381 = vector.shape_cast %add3A_375 : vector<16xi32> to vector<16xi32>
          tpu.vector_store %arg8[%swap3A_378], %swap3A_381 {strides = array<i32>} : memref<8192xi32, #tpu.memory_space<vmem>>, vector<16xi32>,
          %add3A_382 = arith.addi %add3A_342, %min3A_243 : vector<16xi32>
          %add3A_383 = arith.constant 64 : i32
          %add3A_384 = arith.addi %mul3A_353, %add3A_383 : i32
          %swap3A_385 = arith.index_cast %add3A_384 : i32 to index
          %swap3A_386 = tpu.vector_load %arg8[%swap3A_385] {strides = array<i32>} : memref<8192xi32, #tpu.memory_space<vmem>>, vector<16xi32>,
          %swap3A_387 = vector.shape_cast %swap3A_386 : vector<16xi32> to vector<16xi32>
          %swap3A_388 = vector.shape_cast %add3A_382 : vector<16xi32> to vector<16xi32>
          tpu.vector_store %arg8[%swap3A_385], %swap3A_388 {strides = array<i32>} : memref<8192xi32, #tpu.memory_space<vmem>>, vector<16xi32>,
          %add3A_389 = arith.addi %add3A_342, %convert_element_type3A_279 : vector<16xi32>
          %add3A_390 = arith.constant 80 : i32
          %add3A_391 = arith.addi %mul3A_353, %add3A_390 : i32
          %swap3A_392 = arith.index_cast %add3A_391 : i32 to index
          %swap3A_393 = tpu.vector_load %arg8[%swap3A_392] {strides = array<i32>} : memref<8192xi32, #tpu.memory_space<vmem>>, vector<16xi32>,
          %swap3A_394 = vector.shape_cast %swap3A_393 : vector<16xi32> to vector<16xi32>
          %swap3A_395 = vector.shape_cast %add3A_389 : vector<16xi32> to vector<16xi32>
          tpu.vector_store %arg8[%swap3A_392], %swap3A_395 {strides = array<i32>} : memref<8192xi32, #tpu.memory_space<vmem>>, vector<16xi32>,
          %add3A_396 = arith.addi %add3A_351, %min3A_243 : vector<16xi32>
          %add3A_397 = arith.constant 96 : i32
          %add3A_398 = arith.addi %mul3A_353, %add3A_397 : i32
          %swap3A_399 = arith.index_cast %add3A_398 : i32 to index
          %swap3A_400 = tpu.vector_load %arg8[%swap3A_399] {strides = array<i32>} : memref<8192xi32, #tpu.memory_space<vmem>>, vector<16xi32>,
          %swap3A_401 = vector.shape_cast %swap3A_400 : vector<16xi32> to vector<16xi32>
          %swap3A_402 = vector.shape_cast %add3A_396 : vector<16xi32> to vector<16xi32>
          tpu.vector_store %arg8[%swap3A_399], %swap3A_402 {strides = array<i32>} : memref<8192xi32, #tpu.memory_space<vmem>>, vector<16xi32>,
          %add3A_403 = arith.addi %add3A_351, %convert_element_type3A_279 : vector<16xi32>
          %add3A_404 = arith.constant 112 : i32
          %add3A_405 = arith.addi %mul3A_353, %add3A_404 : i32
          %swap3A_406 = arith.index_cast %add3A_405 : i32 to index
          %swap3A_407 = tpu.vector_load %arg8[%swap3A_406] {strides = array<i32>} : memref<8192xi32, #tpu.memory_space<vmem>>, vector<16xi32>,
          %swap3A_408 = vector.shape_cast %swap3A_407 : vector<16xi32> to vector<16xi32>
          %swap3A_409 = vector.shape_cast %add3A_403 : vector<16xi32> to vector<16xi32>
          tpu.vector_store %arg8[%swap3A_406], %swap3A_409 {strides = array<i32>} : memref<8192xi32, #tpu.memory_space<vmem>>, vector<16xi32>,
          %swap3A_410 = arith.index_cast %scan3A_220 : i32 to index
          %swap3A_411 = arith.constant 0 : index
          %swap3A_412 = tpu.vector_load %arg10[%swap3A_410, %swap3A_411] {strides = array<i32>} : memref<64x96xf32, #tpu.memory_space<vmem>>, vector<1x16xf32>,
          %swap3A_413 = vector.shape_cast %swap3A_412 : vector<1x16xf32> to vector<16xf32>
          %swap3A_414 = vector.shape_cast %sub3A_282 : vector<16xf32> to vector<1x16xf32>
          tpu.vector_store %arg10[%swap3A_410, %swap3A_411], %swap3A_414 {strides = array<i32>} : memref<64x96xf32, #tpu.memory_space<vmem>>, vector<1x16xf32>,
          %swap3A_415 = arith.index_cast %scan3A_220 : i32 to index
          %swap3A_416 = arith.constant 16 : index
          %swap3A_417 = tpu.vector_load %arg10[%swap3A_415, %swap3A_416] {strides = array<i32>} : memref<64x96xf32, #tpu.memory_space<vmem>>, vector<1x16xf32>,
          %swap3A_418 = vector.shape_cast %swap3A_417 : vector<1x16xf32> to vector<16xf32>
          %swap3A_419 = vector.shape_cast %sub3A_283 : vector<16xf32> to vector<1x16xf32>
          tpu.vector_store %arg10[%swap3A_415, %swap3A_416], %swap3A_419 {strides = array<i32>} : memref<64x96xf32, #tpu.memory_space<vmem>>, vector<1x16xf32>,
          %swap3A_420 = arith.index_cast %scan3A_220 : i32 to index
          %swap3A_421 = arith.constant 32 : index
          %swap3A_422 = tpu.vector_load %arg10[%swap3A_420, %swap3A_421] {strides = array<i32>} : memref<64x96xf32, #tpu.memory_space<vmem>>, vector<1x16xf32>,
          %swap3A_423 = vector.shape_cast %swap3A_422 : vector<1x16xf32> to vector<16xf32>
          %swap3A_424 = vector.shape_cast %sub3A_284 : vector<16xf32> to vector<1x16xf32>
          tpu.vector_store %arg10[%swap3A_420, %swap3A_421], %swap3A_424 {strides = array<i32>} : memref<64x96xf32, #tpu.memory_space<vmem>>, vector<1x16xf32>,
          %swap3A_425 = arith.index_cast %scan3A_220 : i32 to index
          %swap3A_426 = arith.constant 48 : index
          %swap3A_427 = tpu.vector_load %arg10[%swap3A_425, %swap3A_426] {strides = array<i32>} : memref<64x96xf32, #tpu.memory_space<vmem>>, vector<1x16xf32>,
          %swap3A_428 = vector.shape_cast %swap3A_427 : vector<1x16xf32> to vector<16xf32>
          %swap3A_429 = vector.shape_cast %sub3A_285 : vector<16xf32> to vector<1x16xf32>
          tpu.vector_store %arg10[%swap3A_425, %swap3A_426], %swap3A_429 {strides = array<i32>} : memref<64x96xf32, #tpu.memory_space<vmem>>, vector<1x16xf32>,
          %swap3A_430 = arith.index_cast %scan3A_220 : i32 to index
          %swap3A_431 = arith.constant 64 : index
          %swap3A_432 = tpu.vector_load %arg10[%swap3A_430, %swap3A_431] {strides = array<i32>} : memref<64x96xf32, #tpu.memory_space<vmem>>, vector<1x16xf32>,
          %swap3A_433 = vector.shape_cast %swap3A_432 : vector<1x16xf32> to vector<16xf32>
          %swap3A_434 = vector.shape_cast %mul3A_314 : vector<16xf32> to vector<1x16xf32>
          tpu.vector_store %arg10[%swap3A_430, %swap3A_431], %swap3A_434 {strides = array<i32>} : memref<64x96xf32, #tpu.memory_space<vmem>>, vector<1x16xf32>,
          %swap3A_435 = arith.index_cast %scan3A_220 : i32 to index
          %swap3A_436 = arith.constant 80 : index
          %swap3A_437 = tpu.vector_load %arg10[%swap3A_435, %swap3A_436] {strides = array<i32>} : memref<64x96xf32, #tpu.memory_space<vmem>>, vector<1x16xf32>,
          %swap3A_438 = vector.shape_cast %swap3A_437 : vector<1x16xf32> to vector<16xf32>
          %swap3A_439 = vector.shape_cast %mul3A_315 : vector<16xf32> to vector<1x16xf32>
          tpu.vector_store %arg10[%swap3A_435, %swap3A_436], %swap3A_439 {strides = array<i32>} : memref<64x96xf32, #tpu.memory_space<vmem>>, vector<1x16xf32>,
          %scan3A_440 = arith.constant 0 : i32
          scf.yield %scan3A_440 : i32
        }
        %scan3A_215 = arith.constant 64 : i32
        %dma_start3A_216 = arith.constant 0 : i32
        %dma_start3A_217 = tpu.memref_slice %arg2[%dma_start3A_216] : memref<8388608xf32, #tpu.memory_space<hbm>> -> memref<8388608xf32, #tpu.memory_space<hbm>>
        %dma_start3A_218 = tpu.memref_slice %arg15[%scan3A_98] : memref<2x!tpu.dma_semaphore, #tpu.memory_space<semaphore_mem>> -> memref<1x!tpu.dma_semaphore, #tpu.memory_space<semaphore_mem>>
        %dma_start3A_219 = tpu.memref_squeeze %dma_start3A_218 : memref<1x!tpu.dma_semaphore, #tpu.memory_space<semaphore_mem>> -> memref<!tpu.dma_semaphore, #tpu.memory_space<semaphore_mem>>
        tpu.enqueue_indirect_dma source(%dma_start3A_217 : memref<8388608xf32, #tpu.memory_space<hbm>>) target(%arg12 : memref<8192xf32, #tpu.memory_space<vmem>>) offsets(%arg8 : memref<8192xi32, #tpu.memory_space<vmem>>) semaphore(%dma_start3A_219 : memref<!tpu.dma_semaphore, #tpu.memory_space<semaphore_mem>>)
      } else {
      }
      %dma_wait3A_174 = tpu.memref_slice %arg15[%scan3A_97] : memref<2x!tpu.dma_semaphore, #tpu.memory_space<semaphore_mem>> -> memref<1x!tpu.dma_semaphore, #tpu.memory_space<semaphore_mem>>
      %dma_wait3A_175 = tpu.memref_squeeze %dma_wait3A_174 : memref<1x!tpu.dma_semaphore, #tpu.memory_space<semaphore_mem>> -> memref<!tpu.dma_semaphore, #tpu.memory_space<semaphore_mem>>
      tpu.wait_dma2 semaphore(%dma_wait3A_175 : memref<!tpu.dma_semaphore, #tpu.memory_space<semaphore_mem>>) src(%arg4 : memref<8192xf32, #tpu.memory_space<hbm>>) dst(%arg13 : memref<8192xf32, #tpu.memory_space<vmem>>)
      %broadcast_in_dim3A_176 = arith.constant 0.000000e+00 : f32
      %broadcast_in_dim3A_177 = vector.broadcast %broadcast_in_dim3A_176 : f32 to vector<16xf32>
      %scan3A_178 = arith.constant 0 : i32
      %scan3A_179 = arith.constant 64 : i32
      %scan3A_180 = arith.addi %scan3A_178, %scan3A_179 : i32
      %scan3A_181 = arith.constant 1 : i32
      %scan3A_182 = scf.for %scan3A_196 = %scan3A_178 to %scan3A_180 step %scan3A_181 iter_args(%scan3A_197 = %broadcast_in_dim3A_177) -> (vector<16xf32>)  : i32 {
        %get3A = arith.index_cast %scan3A_196 : i32 to index
        %get3A_198 = arith.constant 0 : index
        %get3A_199 = tpu.vector_load %arg11[%get3A, %get3A_198] {strides = array<i32>} : memref<64x96xf32, #tpu.memory_space<vmem>>, vector<1x16xf32>,
        %get3A_200 = vector.shape_cast %get3A_199 : vector<1x16xf32> to vector<16xf32>
        %get3A_201 = arith.index_cast %scan3A_196 : i32 to index
        %get3A_202 = arith.constant 16 : index
        %get3A_203 = tpu.vector_load %arg11[%get3A_201, %get3A_202] {strides = array<i32>} : memref<64x96xf32, #tpu.memory_space<vmem>>, vector<1x16xf32>,
        %get3A_204 = vector.shape_cast %get3A_203 : vector<1x16xf32> to vector<16xf32>
        %get3A_205 = arith.index_cast %scan3A_196 : i32 to index
        %get3A_206 = arith.constant 32 : index
        %get3A_207 = tpu.vector_load %arg11[%get3A_205, %get3A_206] {strides = array<i32>} : memref<64x96xf32, #tpu.memory_space<vmem>>, vector<1x16xf32>,
        %get3A_208 = vector.shape_cast %get3A_207 : vector<1x16xf32> to vector<16xf32>
        %get3A_209 = arith.index_cast %scan3A_196 : i32 to index
        %get3A_210 = arith.constant 48 : index
        %get3A_211 = tpu.vector_load %arg11[%get3A_209, %get3A_210] {strides = array<i32>} : memref<64x96xf32, #tpu.memory_space<vmem>>, vector<1x16xf32>,
        %get3A_212 = vector.shape_cast %get3A_211 : vector<1x16xf32> to vector<16xf32>
        %get3A_213 = arith.index_cast %scan3A_196 : i32 to index
        %get3A_214 = arith.constant 64 : index
        %get3A_215 = tpu.vector_load %arg11[%get3A_213, %get3A_214] {strides = array<i32>} : memref<64x96xf32, #tpu.memory_space<vmem>>, vector<1x16xf32>,
        %get3A_216 = vector.shape_cast %get3A_215 : vector<1x16xf32> to vector<16xf32>
        %get3A_217 = arith.index_cast %scan3A_196 : i32 to index
        %get3A_218 = arith.constant 80 : index
        %get3A_219 = tpu.vector_load %arg11[%get3A_217, %get3A_218] {strides = array<i32>} : memref<64x96xf32, #tpu.memory_space<vmem>>, vector<1x16xf32>,
        %get3A_220 = vector.shape_cast %get3A_219 : vector<1x16xf32> to vector<16xf32>
        %mul3A_221 = arith.constant 128 : i32
        %mul3A_222 = arith.muli %scan3A_196, %mul3A_221 : i32
        %add3A_223 = arith.constant 0 : i32
        %add3A_224 = arith.addi %mul3A_222, %add3A_223 : i32
        %get3A_225 = arith.index_cast %add3A_224 : i32 to index
        %get3A_226 = tpu.vector_load %arg13[%get3A_225] {strides = array<i32>} : memref<8192xf32, #tpu.memory_space<vmem>>, vector<16xf32>,
        %get3A_227 = vector.shape_cast %get3A_226 : vector<16xf32> to vector<16xf32>
        %add3A_228 = arith.constant 16 : i32
        %add3A_229 = arith.addi %mul3A_222, %add3A_228 : i32
        %get3A_230 = arith.index_cast %add3A_229 : i32 to index
        %get3A_231 = tpu.vector_load %arg13[%get3A_230] {strides = array<i32>} : memref<8192xf32, #tpu.memory_space<vmem>>, vector<16xf32>,
        %get3A_232 = vector.shape_cast %get3A_231 : vector<16xf32> to vector<16xf32>
        %add3A_233 = arith.constant 32 : i32
        %add3A_234 = arith.addi %mul3A_222, %add3A_233 : i32
        %get3A_235 = arith.index_cast %add3A_234 : i32 to index
        %get3A_236 = tpu.vector_load %arg13[%get3A_235] {strides = array<i32>} : memref<8192xf32, #tpu.memory_space<vmem>>, vector<16xf32>,
        %get3A_237 = vector.shape_cast %get3A_236 : vector<16xf32> to vector<16xf32>
        %add3A_238 = arith.constant 48 : i32
        %add3A_239 = arith.addi %mul3A_222, %add3A_238 : i32
        %get3A_240 = arith.index_cast %add3A_239 : i32 to index
        %get3A_241 = tpu.vector_load %arg13[%get3A_240] {strides = array<i32>} : memref<8192xf32, #tpu.memory_space<vmem>>, vector<16xf32>,
        %get3A_242 = vector.shape_cast %get3A_241 : vector<16xf32> to vector<16xf32>
        %add3A_243 = arith.constant 64 : i32
        %add3A_244 = arith.addi %mul3A_222, %add3A_243 : i32
        %get3A_245 = arith.index_cast %add3A_244 : i32 to index
        %get3A_246 = tpu.vector_load %arg13[%get3A_245] {strides = array<i32>} : memref<8192xf32, #tpu.memory_space<vmem>>, vector<16xf32>,
        %get3A_247 = vector.shape_cast %get3A_246 : vector<16xf32> to vector<16xf32>
        %add3A_248 = arith.constant 80 : i32
        %add3A_249 = arith.addi %mul3A_222, %add3A_248 : i32
        %get3A_250 = arith.index_cast %add3A_249 : i32 to index
        %get3A_251 = tpu.vector_load %arg13[%get3A_250] {strides = array<i32>} : memref<8192xf32, #tpu.memory_space<vmem>>, vector<16xf32>,
        %get3A_252 = vector.shape_cast %get3A_251 : vector<16xf32> to vector<16xf32>
        %add3A_253 = arith.constant 96 : i32
        %add3A_254 = arith.addi %mul3A_222, %add3A_253 : i32
        %get3A_255 = arith.index_cast %add3A_254 : i32 to index
        %get3A_256 = tpu.vector_load %arg13[%get3A_255] {strides = array<i32>} : memref<8192xf32, #tpu.memory_space<vmem>>, vector<16xf32>,
        %get3A_257 = vector.shape_cast %get3A_256 : vector<16xf32> to vector<16xf32>
        %add3A_258 = arith.constant 112 : i32
        %add3A_259 = arith.addi %mul3A_222, %add3A_258 : i32
        %get3A_260 = arith.index_cast %add3A_259 : i32 to index
        %get3A_261 = tpu.vector_load %arg13[%get3A_260] {strides = array<i32>} : memref<8192xf32, #tpu.memory_space<vmem>>, vector<16xf32>,
        %get3A_262 = vector.shape_cast %get3A_261 : vector<16xf32> to vector<16xf32>
        %mul3A_263 = arith.mulf %get3A_200, %get3A_227 : vector<16xf32>
        %mul3A_264 = arith.mulf %get3A_204, %get3A_232 : vector<16xf32>
        %add3A_265 = arith.addf %mul3A_263, %mul3A_264 : vector<16xf32>
        %mul3A_266 = arith.mulf %get3A_208, %add3A_265 : vector<16xf32>
        %mul3A_267 = arith.mulf %get3A_200, %get3A_237 : vector<16xf32>
        %mul3A_268 = arith.mulf %get3A_204, %get3A_242 : vector<16xf32>
        %add3A_269 = arith.addf %mul3A_267, %mul3A_268 : vector<16xf32>
        %mul3A_270 = arith.mulf %get3A_212, %add3A_269 : vector<16xf32>
        %add3A_271 = arith.addf %mul3A_266, %mul3A_270 : vector<16xf32>
        %mul3A_272 = arith.mulf %get3A_200, %get3A_247 : vector<16xf32>
        %mul3A_273 = arith.mulf %get3A_204, %get3A_252 : vector<16xf32>
        %add3A_274 = arith.addf %mul3A_272, %mul3A_273 : vector<16xf32>
        %mul3A_275 = arith.mulf %get3A_208, %add3A_274 : vector<16xf32>
        %mul3A_276 = arith.mulf %get3A_200, %get3A_257 : vector<16xf32>
        %mul3A_277 = arith.mulf %get3A_204, %get3A_262 : vector<16xf32>
        %add3A_278 = arith.addf %mul3A_276, %mul3A_277 : vector<16xf32>
        %mul3A_279 = arith.mulf %get3A_212, %add3A_278 : vector<16xf32>
        %add3A_280 = arith.addf %mul3A_275, %mul3A_279 : vector<16xf32>
        %mul3A_281 = arith.mulf %get3A_216, %add3A_271 : vector<16xf32>
        %mul3A_282 = arith.mulf %get3A_220, %add3A_280 : vector<16xf32>
        %add3A_283 = arith.addf %mul3A_281, %mul3A_282 : vector<16xf32>
        %add3A_284 = arith.addf %scan3A_197, %add3A_283 : vector<16xf32>
        scf.yield %add3A_284 : vector<16xf32>
      }
      %scan3A_183 = arith.constant 64 : i32
      %mul3A_184 = arith.constant 1.562500e-02 : f32
      %mul3A_185 = vector.broadcast %mul3A_184 : f32 to vector<16xf32>
      %mul3A_186 = arith.mulf %scan3A_182, %mul3A_185 : vector<16xf32>
      %add3A_187 = arith.constant 1 : i32
      %add3A_188 = arith.addi %mul3A_114, %add3A_187 : i32
      %mul3A_189 = arith.constant 16 : i32
      %mul3A_190 = arith.muli %add3A_188, %mul3A_189 : i32
      %swap3A_191 = arith.index_cast %mul3A_190 : i32 to index
      %swap3A_192 = tpu.vector_load %arg14[%swap3A_191] {strides = array<i32>} : memref<1024xf32, #tpu.memory_space<vmem>>, vector<16xf32>,
      %swap3A_193 = vector.shape_cast %swap3A_192 : vector<16xf32> to vector<16xf32>
      %swap3A_194 = vector.shape_cast %mul3A_186 : vector<16xf32> to vector<16xf32>
      tpu.vector_store %arg14[%swap3A_191], %swap3A_194 {strides = array<i32>} : memref<1024xf32, #tpu.memory_space<vmem>>, vector<16xf32>,
      %scan3A_195 = arith.constant 0 : i32
      scf.yield %scan3A_195 : i32
    }
    %scan3A_105 = arith.constant 32 : i32
    %mul3A_106 = arith.constant 16384 : i32
    %mul3A_107 = arith.muli %select_n3A, %mul3A_106 : i32
    %mul3A_108 = arith.constant 1024 : i32
    %mul3A_109 = arith.muli %sub3A_19, %mul3A_108 : i32
    %add3A_110 = arith.addi %mul3A_107, %mul3A_109 : i32
    "tpu.region"() ({
      %run_scoped3A = tpu.sem_alloc : memref<!tpu.dma_semaphore, #tpu.memory_space<semaphore_mem>>
      %dma_start3A_111 = tpu.memref_slice %arg5[%add3A_110] : memref<32768xf32, #tpu.memory_space<hbm>> -> memref<1024xf32, #tpu.memory_space<hbm>>
      %dma_start3A_112 = tpu.memref_slice %arg5[%add3A_110] : memref<32768xf32, #tpu.memory_space<hbm>> -> memref<1024xf32, #tpu.memory_space<hbm>>
      tpu.enqueue_dma source(%arg14 : memref<1024xf32, #tpu.memory_space<vmem>>) target(%dma_start3A_112 : memref<1024xf32, #tpu.memory_space<hbm>>) target_semaphore(%run_scoped3A : memref<!tpu.dma_semaphore, #tpu.memory_space<semaphore_mem>>)
      %dma_wait3A_113 = tpu.memref_slice %arg5[%add3A_110] : memref<32768xf32, #tpu.memory_space<hbm>> -> memref<1024xf32, #tpu.memory_space<hbm>>
      %dma_wait3A_114 = tpu.memref_slice %arg5[%add3A_110] : memref<32768xf32, #tpu.memory_space<hbm>> -> memref<1024xf32, #tpu.memory_space<hbm>>
      tpu.wait_dma2 semaphore(%run_scoped3A : memref<!tpu.dma_semaphore, #tpu.memory_space<semaphore_mem>>) src(%arg14 : memref<1024xf32, #tpu.memory_space<vmem>>) dst(%dma_wait3A_114 : memref<1024xf32, #tpu.memory_space<hbm>>)
      tpu.yield
    }) : () -> ()
    return
  }
}

#map = affine_map<(d0, d1) -> (0)>
#map1 = affine_map<(d0, d1) -> (0, 0, 0, 0)>
module attributes {stable_mosaic.version = 14 : i64} {
  func.func @_sc_body(%arg0: i32, %arg1: i32, %arg2: memref<8388608xf32, #tpu.memory_space<hbm>>, %arg3: memref<2048x3x64x16xf32, #tpu.memory_space<hbm>>, %arg4: memref<8192xf32, #tpu.memory_space<hbm>>, %arg5: memref<32768xf32, #tpu.memory_space<hbm>>, %arg6: memref<3x64x16xf32, #tpu.memory_space<vmem>>, %arg7: memref<3x64x16xf32, #tpu.memory_space<vmem>>, %arg8: memref<8192xi32, #tpu.memory_space<vmem>>, %arg9: memref<8192xi32, #tpu.memory_space<vmem>>, %arg10: memref<64x96xf32, #tpu.memory_space<vmem>>, %arg11: memref<64x96xf32, #tpu.memory_space<vmem>>, %arg12: memref<8192xf32, #tpu.memory_space<vmem>>, %arg13: memref<8192xf32, #tpu.memory_space<vmem>>, %arg14: memref<1024xf32, #tpu.memory_space<vmem>>, %arg15: memref<2x!tpu.dma_semaphore, #tpu.memory_space<semaphore_mem>>, %arg16: memref<2x!tpu.dma_semaphore, #tpu.memory_space<semaphore_mem>>) attributes {dimension_semantics = [#tpu.dimension_semantics<core_parallel>, #tpu.dimension_semantics<subcore_parallel>], iteration_bounds = array<i64: 2, 16>, scalar_prefetch = 0 : i64, scratch_operands = 11 : i64, tpu.core_type = #tpu.core_type<sc_vector_subcore>, window_params = [{transform_indices = #map}, {transform_indices = #map1}, {transform_indices = #map}, {transform_indices = #map}]} {
    %mul3A = arith.constant 2 : i32
    %mul3A_0 = arith.muli %arg1, %mul3A : i32
    %add3A = arith.addi %mul3A_0, %arg0 : i32
    %jit3A = arith.constant 16 : i32
    %div3A = arith.divsi %add3A, %jit3A : i32
    %sign3A = arith.constant 0 : i32
    %sign3A_1 = arith.cmpi sgt, %add3A, %sign3A : i32
    %sign3A_2 = arith.extui %sign3A_1 : i1 to i32
    %sign3A_3 = arith.constant 0 : i32
    %sign3A_4 = arith.cmpi slt, %add3A, %sign3A_3 : i32
    %sign3A_5 = arith.extui %sign3A_4 : i1 to i32
    %sign3A_6 = arith.subi %sign3A_2, %sign3A_5 : i32
    %sign3A_7 = arith.constant 0 : i32
    %sign3A_8 = arith.cmpi sgt, %jit3A, %sign3A_7 : i32
    %sign3A_9 = arith.extui %sign3A_8 : i1 to i32
    %sign3A_10 = arith.constant 0 : i32
    %sign3A_11 = arith.cmpi slt, %jit3A, %sign3A_10 : i32
    %sign3A_12 = arith.extui %sign3A_11 : i1 to i32
    %sign3A_13 = arith.subi %sign3A_9, %sign3A_12 : i32
    %ne3A = arith.cmpi ne, %sign3A_6, %sign3A_13 : i32
    %rem3A = arith.remsi %add3A, %jit3A : i32
    %ne3A_14 = arith.constant 0 : i32
    %ne3A_15 = arith.cmpi ne, %rem3A, %ne3A_14 : i32
    %and3A = arith.andi %ne3A, %ne3A_15 : i1
    %sub3A = arith.constant 1 : i32
    %sub3A_16 = arith.subi %div3A, %sub3A : i32
    %select_n3A = arith.select %and3A, %sub3A_16, %div3A : i32
    %mul3A_17 = arith.constant 16 : i32
    %mul3A_18 = arith.muli %select_n3A, %mul3A_17 : i32
    %sub3A_19 = arith.subi %add3A, %mul3A_18 : i32
    %add3A_20 = arith.constant 0 : i32
    %add3A_21 = arith.addi %add3A_20, %select_n3A : i32
    %mul3A_22 = arith.constant 2097152 : i32
    %mul3A_23 = arith.muli %add3A_21, %mul3A_22 : i32
    %mul3A_24 = arith.constant 1024 : i32
    %mul3A_25 = arith.muli %select_n3A, %mul3A_24 : i32
    %mul3A_26 = arith.constant 8 : i32
    %mul3A_27 = arith.muli %sub3A_19, %mul3A_26 : i32
    %add3A_28 = arith.constant 0 : i32
    %add3A_29 = arith.addi %mul3A_27, %add3A_28 : i32
    %mul3A_30 = arith.constant 8 : i32
    %mul3A_31 = arith.muli %add3A_29, %mul3A_30 : i32
    %add3A_32 = arith.addi %mul3A_25, %mul3A_31 : i32
    %add3A_33 = arith.constant 0 : i32
    %add3A_34 = arith.addi %add3A_32, %add3A_33 : i32
    %dma_start3A = arith.constant 0 : i32
    %dma_start3A_35 = arith.constant 0 : i32
    %dma_start3A_36 = arith.constant 0 : i32
    %dma_start3A_37 = arith.constant 0 : i32
    %dma_start3A_38 = tpu.memref_slice %arg3[%add3A_34, %dma_start3A_35, %dma_start3A_36, %dma_start3A_37] : memref<2048x3x64x16xf32, #tpu.memory_space<hbm>> -> memref<1x3x64x16xf32, #tpu.memory_space<hbm>>
    %dma_start3A_39 = tpu.memref_squeeze %dma_start3A_38 : memref<1x3x64x16xf32, #tpu.memory_space<hbm>> -> memref<3x64x16xf32, #tpu.memory_space<hbm>>
    %dma_start3A_40 = tpu.memref_slice %arg16[%dma_start3A] : memref<2x!tpu.dma_semaphore, #tpu.memory_space<semaphore_mem>> -> memref<1x!tpu.dma_semaphore, #tpu.memory_space<semaphore_mem>>
    %dma_start3A_41 = tpu.memref_squeeze %dma_start3A_40 : memref<1x!tpu.dma_semaphore, #tpu.memory_space<semaphore_mem>> -> memref<!tpu.dma_semaphore, #tpu.memory_space<semaphore_mem>>
    %dma_start3A_42 = arith.constant 0 : i32
    %dma_start3A_43 = arith.constant 0 : i32
    %dma_start3A_44 = arith.constant 0 : i32
    %dma_start3A_45 = tpu.memref_slice %arg3[%add3A_34, %dma_start3A_42, %dma_start3A_43, %dma_start3A_44] : memref<2048x3x64x16xf32, #tpu.memory_space<hbm>> -> memref<1x3x64x16xf32, #tpu.memory_space<hbm>>
    %dma_start3A_46 = tpu.memref_squeeze %dma_start3A_45 : memref<1x3x64x16xf32, #tpu.memory_space<hbm>> -> memref<3x64x16xf32, #tpu.memory_space<hbm>>
    tpu.enqueue_dma source(%dma_start3A_46 : memref<3x64x16xf32, #tpu.memory_space<hbm>>) target(%arg6 : memref<3x64x16xf32, #tpu.memory_space<vmem>>) target_semaphore(%dma_start3A_41 : memref<!tpu.dma_semaphore, #tpu.memory_space<semaphore_mem>>)
    %mul3A_47 = arith.constant 1024 : i32
    %mul3A_48 = arith.muli %select_n3A, %mul3A_47 : i32
    %mul3A_49 = arith.constant 8 : i32
    %mul3A_50 = arith.muli %sub3A_19, %mul3A_49 : i32
    %add3A_51 = arith.constant 0 : i32
    %add3A_52 = arith.addi %mul3A_50, %add3A_51 : i32
    %mul3A_53 = arith.constant 8 : i32
    %mul3A_54 = arith.muli %add3A_52, %mul3A_53 : i32
    %add3A_55 = arith.addi %mul3A_48, %mul3A_54 : i32
    %add3A_56 = arith.constant 1 : i32
    %add3A_57 = arith.addi %add3A_55, %add3A_56 : i32
    %dma_start3A_58 = arith.constant 1 : i32
    %dma_start3A_59 = arith.constant 0 : i32
    %dma_start3A_60 = arith.constant 0 : i32
    %dma_start3A_61 = arith.constant 0 : i32
    %dma_start3A_62 = tpu.memref_slice %arg3[%add3A_57, %dma_start3A_59, %dma_start3A_60, %dma_start3A_61] : memref<2048x3x64x16xf32, #tpu.memory_space<hbm>> -> memref<1x3x64x16xf32, #tpu.memory_space<hbm>>
    %dma_start3A_63 = tpu.memref_squeeze %dma_start3A_62 : memref<1x3x64x16xf32, #tpu.memory_space<hbm>> -> memref<3x64x16xf32, #tpu.memory_space<hbm>>
    %dma_start3A_64 = tpu.memref_slice %arg16[%dma_start3A_58] : memref<2x!tpu.dma_semaphore, #tpu.memory_space<semaphore_mem>> -> memref<1x!tpu.dma_semaphore, #tpu.memory_space<semaphore_mem>>
    %dma_start3A_65 = tpu.memref_squeeze %dma_start3A_64 : memref<1x!tpu.dma_semaphore, #tpu.memory_space<semaphore_mem>> -> memref<!tpu.dma_semaphore, #tpu.memory_space<semaphore_mem>>
    %dma_start3A_66 = arith.constant 0 : i32
    %dma_start3A_67 = arith.constant 0 : i32
    %dma_start3A_68 = arith.constant 0 : i32
    %dma_start3A_69 = tpu.memref_slice %arg3[%add3A_57, %dma_start3A_66, %dma_start3A_67, %dma_start3A_68] : memref<2048x3x64x16xf32, #tpu.memory_space<hbm>> -> memref<1x3x64x16xf32, #tpu.memory_space<hbm>>
    %dma_start3A_70 = tpu.memref_squeeze %dma_start3A_69 : memref<1x3x64x16xf32, #tpu.memory_space<hbm>> -> memref<3x64x16xf32, #tpu.memory_space<hbm>>
    tpu.enqueue_dma source(%dma_start3A_70 : memref<3x64x16xf32, #tpu.memory_space<hbm>>) target(%arg7 : memref<3x64x16xf32, #tpu.memory_space<vmem>>) target_semaphore(%dma_start3A_65 : memref<!tpu.dma_semaphore, #tpu.memory_space<semaphore_mem>>)
    %dma_wait3A = arith.constant 0 : i32
    %dma_wait3A_71 = arith.constant 0 : i32
    %dma_wait3A_72 = arith.constant 0 : i32
    %dma_wait3A_73 = arith.constant 0 : i32
    %dma_wait3A_74 = arith.constant 0 : i32
    %dma_wait3A_75 = tpu.memref_slice %arg3[%dma_wait3A, %dma_wait3A_72, %dma_wait3A_73, %dma_wait3A_74] : memref<2048x3x64x16xf32, #tpu.memory_space<hbm>> -> memref<1x3x64x16xf32, #tpu.memory_space<hbm>>
    %dma_wait3A_76 = tpu.memref_squeeze %dma_wait3A_75 : memref<1x3x64x16xf32, #tpu.memory_space<hbm>> -> memref<3x64x16xf32, #tpu.memory_space<hbm>>
    %dma_wait3A_77 = tpu.memref_slice %arg16[%dma_wait3A_71] : memref<2x!tpu.dma_semaphore, #tpu.memory_space<semaphore_mem>> -> memref<1x!tpu.dma_semaphore, #tpu.memory_space<semaphore_mem>>
    %dma_wait3A_78 = tpu.memref_squeeze %dma_wait3A_77 : memref<1x!tpu.dma_semaphore, #tpu.memory_space<semaphore_mem>> -> memref<!tpu.dma_semaphore, #tpu.memory_space<semaphore_mem>>
    %dma_wait3A_79 = arith.constant 0 : i32
    %dma_wait3A_80 = arith.constant 0 : i32
    %dma_wait3A_81 = arith.constant 0 : i32
    %dma_wait3A_82 = tpu.memref_slice %arg3[%dma_wait3A, %dma_wait3A_79, %dma_wait3A_80, %dma_wait3A_81] : memref<2048x3x64x16xf32, #tpu.memory_space<hbm>> -> memref<1x3x64x16xf32, #tpu.memory_space<hbm>>
    %dma_wait3A_83 = tpu.memref_squeeze %dma_wait3A_82 : memref<1x3x64x16xf32, #tpu.memory_space<hbm>> -> memref<3x64x16xf32, #tpu.memory_space<hbm>>
    tpu.wait_dma2 semaphore(%dma_wait3A_78 : memref<!tpu.dma_semaphore, #tpu.memory_space<semaphore_mem>>) src(%dma_wait3A_83 : memref<3x64x16xf32, #tpu.memory_space<hbm>>) dst(%arg6 : memref<3x64x16xf32, #tpu.memory_space<vmem>>)
    %scan3A = arith.constant 0 : i32
    %scan3A_84 = arith.constant 0 : i32
    %scan3A_85 = arith.constant 64 : i32
    %scan3A_86 = arith.addi %scan3A_84, %scan3A_85 : i32
    %scan3A_87 = arith.constant 1 : i32
    %scan3A_88 = scf.for %scan3A_111 = %scan3A_84 to %scan3A_86 step %scan3A_87 iter_args(%scan3A_112 = %scan3A) -> (i32)  : i32 {
      %get3A = arith.constant 0 : i32
      %get3A_113 = arith.index_cast %get3A : i32 to index
      %get3A_114 = arith.index_cast %scan3A_111 : i32 to index
      %get3A_115 = arith.constant 0 : index
      %get3A_116 = tpu.vector_load %arg6[%get3A_113, %get3A_114, %get3A_115] {strides = array<i32>} : memref<3x64x16xf32, #tpu.memory_space<vmem>>, vector<1x1x16xf32>,
      %get3A_117 = vector.shape_cast %get3A_116 : vector<1x1x16xf32> to vector<16xf32>
      %get3A_118 = arith.constant 1 : i32
      %get3A_119 = arith.index_cast %get3A_118 : i32 to index
      %get3A_120 = arith.index_cast %scan3A_111 : i32 to index
      %get3A_121 = arith.constant 0 : index
      %get3A_122 = tpu.vector_load %arg6[%get3A_119, %get3A_120, %get3A_121] {strides = array<i32>} : memref<3x64x16xf32, #tpu.memory_space<vmem>>, vector<1x1x16xf32>,
      %get3A_123 = vector.shape_cast %get3A_122 : vector<1x1x16xf32> to vector<16xf32>
      %get3A_124 = arith.constant 2 : i32
      %get3A_125 = arith.index_cast %get3A_124 : i32 to index
      %get3A_126 = arith.index_cast %scan3A_111 : i32 to index
      %get3A_127 = arith.constant 0 : index
      %get3A_128 = tpu.vector_load %arg6[%get3A_125, %get3A_126, %get3A_127] {strides = array<i32>} : memref<3x64x16xf32, #tpu.memory_space<vmem>>, vector<1x1x16xf32>,
      %get3A_129 = vector.shape_cast %get3A_128 : vector<1x1x16xf32> to vector<16xf32>
      %convert_element_type3A = arith.fptosi %get3A_117 : vector<16xf32> to vector<16xi32>
      %jit3A_130 = arith.constant 0 : i32
      %jit3A_131 = arith.constant 127 : i32
      %max3A = vector.broadcast %jit3A_130 : i32 to vector<16xi32>
      %max3A_132 = arith.maxsi %max3A, %convert_element_type3A : vector<16xi32>
      %min3A = vector.broadcast %jit3A_131 : i32 to vector<16xi32>
      %min3A_133 = arith.minsi %min3A, %max3A_132 : vector<16xi32>
      %convert_element_type3A_134 = arith.fptosi %get3A_123 : vector<16xf32> to vector<16xi32>
      %jit3A_135 = arith.constant 0 : i32
      %jit3A_136 = arith.constant 127 : i32
      %max3A_137 = vector.broadcast %jit3A_135 : i32 to vector<16xi32>
      %max3A_138 = arith.maxsi %max3A_137, %convert_element_type3A_134 : vector<16xi32>
      %min3A_139 = vector.broadcast %jit3A_136 : i32 to vector<16xi32>
      %min3A_140 = arith.minsi %min3A_139, %max3A_138 : vector<16xi32>
      %convert_element_type3A_141 = arith.fptosi %get3A_129 : vector<16xf32> to vector<16xi32>
      %jit3A_142 = arith.constant 0 : i32
      %jit3A_143 = arith.constant 127 : i32
      %max3A_144 = vector.broadcast %jit3A_142 : i32 to vector<16xi32>
      %max3A_145 = arith.maxsi %max3A_144, %convert_element_type3A_141 : vector<16xi32>
      %min3A_146 = vector.broadcast %jit3A_143 : i32 to vector<16xi32>
      %min3A_147 = arith.minsi %min3A_146, %max3A_145 : vector<16xi32>
      %convert_element_type3A_148 = arith.sitofp %min3A_133 : vector<16xi32> to vector<16xf32>
      %convert_element_type3A_149 = arith.sitofp %min3A_140 : vector<16xi32> to vector<16xf32>
      %convert_element_type3A_150 = arith.sitofp %min3A_147 : vector<16xi32> to vector<16xf32>
      %add3A_151 = arith.constant 1.000000e+00 : f32
      %add3A_152 = vector.broadcast %add3A_151 : f32 to vector<16xf32>
      %add3A_153 = arith.addf %convert_element_type3A_148, %add3A_152 : vector<16xf32>
      %min3A_154 = arith.constant 1.270000e+02 : f32
      %min3A_155 = vector.broadcast %min3A_154 : f32 to vector<16xf32>
      %min3A_156 = arith.minimumf %add3A_153, %min3A_155 : vector<16xf32>
      %add3A_157 = arith.constant 1.000000e+00 : f32
      %add3A_158 = vector.broadcast %add3A_157 : f32 to vector<16xf32>
      %add3A_159 = arith.addf %convert_element_type3A_149, %add3A_158 : vector<16xf32>
      %min3A_160 = arith.constant 1.270000e+02 : f32
      %min3A_161 = vector.broadcast %min3A_160 : f32 to vector<16xf32>
      %min3A_162 = arith.minimumf %add3A_159, %min3A_161 : vector<16xf32>
      %add3A_163 = arith.constant 1.000000e+00 : f32
      %add3A_164 = vector.broadcast %add3A_163 : f32 to vector<16xf32>
      %add3A_165 = arith.addf %convert_element_type3A_150, %add3A_164 : vector<16xf32>
      %min3A_166 = arith.constant 1.270000e+02 : f32
      %min3A_167 = vector.broadcast %min3A_166 : f32 to vector<16xf32>
      %min3A_168 = arith.minimumf %add3A_165, %min3A_167 : vector<16xf32>
      %convert_element_type3A_169 = arith.fptosi %min3A_156 : vector<16xf32> to vector<16xi32>
      %convert_element_type3A_170 = arith.fptosi %min3A_162 : vector<16xf32> to vector<16xi32>
      %convert_element_type3A_171 = arith.fptosi %min3A_168 : vector<16xf32> to vector<16xi32>
      %sub3A_172 = arith.subf %min3A_156, %get3A_117 : vector<16xf32>
      %sub3A_173 = arith.subf %get3A_117, %convert_element_type3A_148 : vector<16xf32>
      %sub3A_174 = arith.subf %min3A_162, %get3A_123 : vector<16xf32>
      %sub3A_175 = arith.subf %get3A_123, %convert_element_type3A_149 : vector<16xf32>
      %sub3A_176 = arith.subf %min3A_168, %get3A_129 : vector<16xf32>
      %sub3A_177 = arith.subf %get3A_129, %convert_element_type3A_150 : vector<16xf32>
      %ge3A = arith.constant 0.000000e+00 : f32
      %ge3A_178 = vector.broadcast %ge3A : f32 to vector<16xf32>
      %ge3A_179 = arith.cmpf oge, %get3A_117, %ge3A_178 : vector<16xf32>
      %le3A = arith.constant 1.280000e+02 : f32
      %le3A_180 = vector.broadcast %le3A : f32 to vector<16xf32>
      %le3A_181 = arith.cmpf ole, %get3A_117, %le3A_180 : vector<16xf32>
      %and3A_182 = arith.andi %ge3A_179, %le3A_181 : vector<16xi1>
      %ge3A_183 = arith.constant 0.000000e+00 : f32
      %ge3A_184 = vector.broadcast %ge3A_183 : f32 to vector<16xf32>
      %ge3A_185 = arith.cmpf oge, %get3A_123, %ge3A_184 : vector<16xf32>
      %and3A_186 = arith.andi %and3A_182, %ge3A_185 : vector<16xi1>
      %le3A_187 = arith.constant 1.280000e+02 : f32
      %le3A_188 = vector.broadcast %le3A_187 : f32 to vector<16xf32>
      %le3A_189 = arith.cmpf ole, %get3A_123, %le3A_188 : vector<16xf32>
      %and3A_190 = arith.andi %and3A_186, %le3A_189 : vector<16xi1>
      %ge3A_191 = arith.constant 0.000000e+00 : f32
      %ge3A_192 = vector.broadcast %ge3A_191 : f32 to vector<16xf32>
      %ge3A_193 = arith.cmpf oge, %get3A_129, %ge3A_192 : vector<16xf32>
      %and3A_194 = arith.andi %and3A_190, %ge3A_193 : vector<16xi1>
      %le3A_195 = arith.constant 1.280000e+02 : f32
      %le3A_196 = vector.broadcast %le3A_195 : f32 to vector<16xf32>
      %le3A_197 = arith.cmpf ole, %get3A_129, %le3A_196 : vector<16xf32>
      %and3A_198 = arith.andi %and3A_194, %le3A_197 : vector<16xi1>
      %jit3A_199 = arith.constant 1.000000e+00 : f32
      %jit3A_200 = arith.constant 0.000000e+00 : f32
      %broadcast_in_dim3A = vector.broadcast %jit3A_199 : f32 to vector<16xf32>
      %broadcast_in_dim3A_201 = vector.broadcast %jit3A_200 : f32 to vector<16xf32>
      %select_n3A_202 = arith.select %and3A_198, %broadcast_in_dim3A, %broadcast_in_dim3A_201 : vector<16xi1>, vector<16xf32>
      %mul3A_203 = arith.mulf %sub3A_176, %select_n3A_202 : vector<16xf32>
      %mul3A_204 = arith.mulf %sub3A_177, %select_n3A_202 : vector<16xf32>
      %mul3A_205 = arith.constant 16384 : i32
      %mul3A_206 = vector.broadcast %mul3A_205 : i32 to vector<16xi32>
      %mul3A_207 = arith.muli %min3A_147, %mul3A_206 : vector<16xi32>
      %add3A_208 = vector.broadcast %mul3A_23 : i32 to vector<16xi32>
      %add3A_209 = arith.addi %add3A_208, %mul3A_207 : vector<16xi32>
      %mul3A_210 = arith.constant 128 : i32
      %mul3A_211 = vector.broadcast %mul3A_210 : i32 to vector<16xi32>
      %mul3A_212 = arith.muli %min3A_140, %mul3A_211 : vector<16xi32>
      %add3A_213 = arith.addi %add3A_209, %mul3A_212 : vector<16xi32>
      %mul3A_214 = arith.constant 16384 : i32
      %mul3A_215 = vector.broadcast %mul3A_214 : i32 to vector<16xi32>
      %mul3A_216 = arith.muli %min3A_147, %mul3A_215 : vector<16xi32>
      %add3A_217 = vector.broadcast %mul3A_23 : i32 to vector<16xi32>
      %add3A_218 = arith.addi %add3A_217, %mul3A_216 : vector<16xi32>
      %mul3A_219 = arith.constant 128 : i32
      %mul3A_220 = vector.broadcast %mul3A_219 : i32 to vector<16xi32>
      %mul3A_221 = arith.muli %convert_element_type3A_170, %mul3A_220 : vector<16xi32>
      %add3A_222 = arith.addi %add3A_218, %mul3A_221 : vector<16xi32>
      %mul3A_223 = arith.constant 16384 : i32
      %mul3A_224 = vector.broadcast %mul3A_223 : i32 to vector<16xi32>
      %mul3A_225 = arith.muli %convert_element_type3A_171, %mul3A_224 : vector<16xi32>
      %add3A_226 = vector.broadcast %mul3A_23 : i32 to vector<16xi32>
      %add3A_227 = arith.addi %add3A_226, %mul3A_225 : vector<16xi32>
      %mul3A_228 = arith.constant 128 : i32
      %mul3A_229 = vector.broadcast %mul3A_228 : i32 to vector<16xi32>
      %mul3A_230 = arith.muli %min3A_140, %mul3A_229 : vector<16xi32>
      %add3A_231 = arith.addi %add3A_227, %mul3A_230 : vector<16xi32>
      %mul3A_232 = arith.constant 16384 : i32
      %mul3A_233 = vector.broadcast %mul3A_232 : i32 to vector<16xi32>
      %mul3A_234 = arith.muli %convert_element_type3A_171, %mul3A_233 : vector<16xi32>
      %add3A_235 = vector.broadcast %mul3A_23 : i32 to vector<16xi32>
      %add3A_236 = arith.addi %add3A_235, %mul3A_234 : vector<16xi32>
      %mul3A_237 = arith.constant 128 : i32
      %mul3A_238 = vector.broadcast %mul3A_237 : i32 to vector<16xi32>
      %mul3A_239 = arith.muli %convert_element_type3A_170, %mul3A_238 : vector<16xi32>
      %add3A_240 = arith.addi %add3A_236, %mul3A_239 : vector<16xi32>
      %mul3A_241 = arith.constant 128 : i32
      %mul3A_242 = arith.muli %scan3A_111, %mul3A_241 : i32
      %add3A_243 = arith.addi %add3A_213, %min3A_133 : vector<16xi32>
      %add3A_244 = arith.constant 0 : i32
      %add3A_245 = arith.addi %mul3A_242, %add3A_244 : i32
      %swap3A = arith.index_cast %add3A_245 : i32 to index
      %swap3A_246 = tpu.vector_load %arg8[%swap3A] {strides = array<i32>} : memref<8192xi32, #tpu.memory_space<vmem>>, vector<16xi32>,
      %swap3A_247 = vector.shape_cast %swap3A_246 : vector<16xi32> to vector<16xi32>
      %swap3A_248 = vector.shape_cast %add3A_243 : vector<16xi32> to vector<16xi32>
      tpu.vector_store %arg8[%swap3A], %swap3A_248 {strides = array<i32>} : memref<8192xi32, #tpu.memory_space<vmem>>, vector<16xi32>,
      %add3A_249 = arith.addi %add3A_213, %convert_element_type3A_169 : vector<16xi32>
      %add3A_250 = arith.constant 16 : i32
      %add3A_251 = arith.addi %mul3A_242, %add3A_250 : i32
      %swap3A_252 = arith.index_cast %add3A_251 : i32 to index
      %swap3A_253 = tpu.vector_load %arg8[%swap3A_252] {strides = array<i32>} : memref<8192xi32, #tpu.memory_space<vmem>>, vector<16xi32>,
      %swap3A_254 = vector.shape_cast %swap3A_253 : vector<16xi32> to vector<16xi32>
      %swap3A_255 = vector.shape_cast %add3A_249 : vector<16xi32> to vector<16xi32>
      tpu.vector_store %arg8[%swap3A_252], %swap3A_255 {strides = array<i32>} : memref<8192xi32, #tpu.memory_space<vmem>>, vector<16xi32>,
      %add3A_256 = arith.addi %add3A_222, %min3A_133 : vector<16xi32>
      %add3A_257 = arith.constant 32 : i32
      %add3A_258 = arith.addi %mul3A_242, %add3A_257 : i32
      %swap3A_259 = arith.index_cast %add3A_258 : i32 to index
      %swap3A_260 = tpu.vector_load %arg8[%swap3A_259] {strides = array<i32>} : memref<8192xi32, #tpu.memory_space<vmem>>, vector<16xi32>,
      %swap3A_261 = vector.shape_cast %swap3A_260 : vector<16xi32> to vector<16xi32>
      %swap3A_262 = vector.shape_cast %add3A_256 : vector<16xi32> to vector<16xi32>
      tpu.vector_store %arg8[%swap3A_259], %swap3A_262 {strides = array<i32>} : memref<8192xi32, #tpu.memory_space<vmem>>, vector<16xi32>,
      %add3A_263 = arith.addi %add3A_222, %convert_element_type3A_169 : vector<16xi32>
      %add3A_264 = arith.constant 48 : i32
      %add3A_265 = arith.addi %mul3A_242, %add3A_264 : i32
      %swap3A_266 = arith.index_cast %add3A_265 : i32 to index
      %swap3A_267 = tpu.vector_load %arg8[%swap3A_266] {strides = array<i32>} : memref<8192xi32, #tpu.memory_space<vmem>>, vector<16xi32>,
      %swap3A_268 = vector.shape_cast %swap3A_267 : vector<16xi32> to vector<16xi32>
      %swap3A_269 = vector.shape_cast %add3A_263 : vector<16xi32> to vector<16xi32>
      tpu.vector_store %arg8[%swap3A_266], %swap3A_269 {strides = array<i32>} : memref<8192xi32, #tpu.memory_space<vmem>>, vector<16xi32>,
      %add3A_270 = arith.addi %add3A_231, %min3A_133 : vector<16xi32>
      %add3A_271 = arith.constant 64 : i32
      %add3A_272 = arith.addi %mul3A_242, %add3A_271 : i32
      %swap3A_273 = arith.index_cast %add3A_272 : i32 to index
      %swap3A_274 = tpu.vector_load %arg8[%swap3A_273] {strides = array<i32>} : memref<8192xi32, #tpu.memory_space<vmem>>, vector<16xi32>,
      %swap3A_275 = vector.shape_cast %swap3A_274 : vector<16xi32> to vector<16xi32>
      %swap3A_276 = vector.shape_cast %add3A_270 : vector<16xi32> to vector<16xi32>
      tpu.vector_store %arg8[%swap3A_273], %swap3A_276 {strides = array<i32>} : memref<8192xi32, #tpu.memory_space<vmem>>, vector<16xi32>,
      %add3A_277 = arith.addi %add3A_231, %convert_element_type3A_169 : vector<16xi32>
      %add3A_278 = arith.constant 80 : i32
      %add3A_279 = arith.addi %mul3A_242, %add3A_278 : i32
      %swap3A_280 = arith.index_cast %add3A_279 : i32 to index
      %swap3A_281 = tpu.vector_load %arg8[%swap3A_280] {strides = array<i32>} : memref<8192xi32, #tpu.memory_space<vmem>>, vector<16xi32>,
      %swap3A_282 = vector.shape_cast %swap3A_281 : vector<16xi32> to vector<16xi32>
      %swap3A_283 = vector.shape_cast %add3A_277 : vector<16xi32> to vector<16xi32>
      tpu.vector_store %arg8[%swap3A_280], %swap3A_283 {strides = array<i32>} : memref<8192xi32, #tpu.memory_space<vmem>>, vector<16xi32>,
      %add3A_284 = arith.addi %add3A_240, %min3A_133 : vector<16xi32>
      %add3A_285 = arith.constant 96 : i32
      %add3A_286 = arith.addi %mul3A_242, %add3A_285 : i32
      %swap3A_287 = arith.index_cast %add3A_286 : i32 to index
      %swap3A_288 = tpu.vector_load %arg8[%swap3A_287] {strides = array<i32>} : memref<8192xi32, #tpu.memory_space<vmem>>, vector<16xi32>,
      %swap3A_289 = vector.shape_cast %swap3A_288 : vector<16xi32> to vector<16xi32>
      %swap3A_290 = vector.shape_cast %add3A_284 : vector<16xi32> to vector<16xi32>
      tpu.vector_store %arg8[%swap3A_287], %swap3A_290 {strides = array<i32>} : memref<8192xi32, #tpu.memory_space<vmem>>, vector<16xi32>,
      %add3A_291 = arith.addi %add3A_240, %convert_element_type3A_169 : vector<16xi32>
      %add3A_292 = arith.constant 112 : i32
      %add3A_293 = arith.addi %mul3A_242, %add3A_292 : i32
      %swap3A_294 = arith.index_cast %add3A_293 : i32 to index
      %swap3A_295 = tpu.vector_load %arg8[%swap3A_294] {strides = array<i32>} : memref<8192xi32, #tpu.memory_space<vmem>>, vector<16xi32>,
      %swap3A_296 = vector.shape_cast %swap3A_295 : vector<16xi32> to vector<16xi32>
      %swap3A_297 = vector.shape_cast %add3A_291 : vector<16xi32> to vector<16xi32>
      tpu.vector_store %arg8[%swap3A_294], %swap3A_297 {strides = array<i32>} : memref<8192xi32, #tpu.memory_space<vmem>>, vector<16xi32>,
      %swap3A_298 = arith.index_cast %scan3A_111 : i32 to index
      %swap3A_299 = arith.constant 0 : index
      %swap3A_300 = tpu.vector_load %arg10[%swap3A_298, %swap3A_299] {strides = array<i32>} : memref<64x96xf32, #tpu.memory_space<vmem>>, vector<1x16xf32>,
      %swap3A_301 = vector.shape_cast %swap3A_300 : vector<1x16xf32> to vector<16xf32>
      %swap3A_302 = vector.shape_cast %sub3A_172 : vector<16xf32> to vector<1x16xf32>
      tpu.vector_store %arg10[%swap3A_298, %swap3A_299], %swap3A_302 {strides = array<i32>} : memref<64x96xf32, #tpu.memory_space<vmem>>, vector<1x16xf32>,
      %swap3A_303 = arith.index_cast %scan3A_111 : i32 to index
      %swap3A_304 = arith.constant 16 : index
      %swap3A_305 = tpu.vector_load %arg10[%swap3A_303, %swap3A_304] {strides = array<i32>} : memref<64x96xf32, #tpu.memory_space<vmem>>, vector<1x16xf32>,
      %swap3A_306 = vector.shape_cast %swap3A_305 : vector<1x16xf32> to vector<16xf32>
      %swap3A_307 = vector.shape_cast %sub3A_173 : vector<16xf32> to vector<1x16xf32>
      tpu.vector_store %arg10[%swap3A_303, %swap3A_304], %swap3A_307 {strides = array<i32>} : memref<64x96xf32, #tpu.memory_space<vmem>>, vector<1x16xf32>,
      %swap3A_308 = arith.index_cast %scan3A_111 : i32 to index
      %swap3A_309 = arith.constant 32 : index
      %swap3A_310 = tpu.vector_load %arg10[%swap3A_308, %swap3A_309] {strides = array<i32>} : memref<64x96xf32, #tpu.memory_space<vmem>>, vector<1x16xf32>,
      %swap3A_311 = vector.shape_cast %swap3A_310 : vector<1x16xf32> to vector<16xf32>
      %swap3A_312 = vector.shape_cast %sub3A_174 : vector<16xf32> to vector<1x16xf32>
      tpu.vector_store %arg10[%swap3A_308, %swap3A_309], %swap3A_312 {strides = array<i32>} : memref<64x96xf32, #tpu.memory_space<vmem>>, vector<1x16xf32>,
      %swap3A_313 = arith.index_cast %scan3A_111 : i32 to index
      %swap3A_314 = arith.constant 48 : index
      %swap3A_315 = tpu.vector_load %arg10[%swap3A_313, %swap3A_314] {strides = array<i32>} : memref<64x96xf32, #tpu.memory_space<vmem>>, vector<1x16xf32>,
      %swap3A_316 = vector.shape_cast %swap3A_315 : vector<1x16xf32> to vector<16xf32>
      %swap3A_317 = vector.shape_cast %sub3A_175 : vector<16xf32> to vector<1x16xf32>
      tpu.vector_store %arg10[%swap3A_313, %swap3A_314], %swap3A_317 {strides = array<i32>} : memref<64x96xf32, #tpu.memory_space<vmem>>, vector<1x16xf32>,
      %swap3A_318 = arith.index_cast %scan3A_111 : i32 to index
      %swap3A_319 = arith.constant 64 : index
      %swap3A_320 = tpu.vector_load %arg10[%swap3A_318, %swap3A_319] {strides = array<i32>} : memref<64x96xf32, #tpu.memory_space<vmem>>, vector<1x16xf32>,
      %swap3A_321 = vector.shape_cast %swap3A_320 : vector<1x16xf32> to vector<16xf32>
      %swap3A_322 = vector.shape_cast %mul3A_203 : vector<16xf32> to vector<1x16xf32>
      tpu.vector_store %arg10[%swap3A_318, %swap3A_319], %swap3A_322 {strides = array<i32>} : memref<64x96xf32, #tpu.memory_space<vmem>>, vector<1x16xf32>,
      %swap3A_323 = arith.index_cast %scan3A_111 : i32 to index
      %swap3A_324 = arith.constant 80 : index
      %swap3A_325 = tpu.vector_load %arg10[%swap3A_323, %swap3A_324] {strides = array<i32>} : memref<64x96xf32, #tpu.memory_space<vmem>>, vector<1x16xf32>,
      %swap3A_326 = vector.shape_cast %swap3A_325 : vector<1x16xf32> to vector<16xf32>
      %swap3A_327 = vector.shape_cast %mul3A_204 : vector<16xf32> to vector<1x16xf32>
      tpu.vector_store %arg10[%swap3A_323, %swap3A_324], %swap3A_327 {strides = array<i32>} : memref<64x96xf32, #tpu.memory_space<vmem>>, vector<1x16xf32>,
      %scan3A_328 = arith.constant 0 : i32
      scf.yield %scan3A_328 : i32
    }
    %scan3A_89 = arith.constant 64 : i32
    %dma_start3A_90 = arith.constant 0 : i32
    %dma_start3A_91 = arith.constant 0 : i32
    %dma_start3A_92 = tpu.memref_slice %arg2[%dma_start3A_91] : memref<8388608xf32, #tpu.memory_space<hbm>> -> memref<8388608xf32, #tpu.memory_space<hbm>>
    %dma_start3A_93 = tpu.memref_slice %arg15[%dma_start3A_90] : memref<2x!tpu.dma_semaphore, #tpu.memory_space<semaphore_mem>> -> memref<1x!tpu.dma_semaphore, #tpu.memory_space<semaphore_mem>>
    %dma_start3A_94 = tpu.memref_squeeze %dma_start3A_93 : memref<1x!tpu.dma_semaphore, #tpu.memory_space<semaphore_mem>> -> memref<!tpu.dma_semaphore, #tpu.memory_space<semaphore_mem>>
    tpu.enqueue_indirect_dma source(%dma_start3A_92 : memref<8388608xf32, #tpu.memory_space<hbm>>) target(%arg12 : memref<8192xf32, #tpu.memory_space<vmem>>) offsets(%arg8 : memref<8192xi32, #tpu.memory_space<vmem>>) semaphore(%dma_start3A_94 : memref<!tpu.dma_semaphore, #tpu.memory_space<semaphore_mem>>)
    %scan3A_95 = arith.constant 0 : i32
    %scan3A_96 = arith.constant 1 : i32
    %scan3A_97 = arith.constant 1 : i32
    %scan3A_98 = arith.constant 0 : i32
    %scan3A_99 = arith.constant 0 : i32
    %scan3A_100 = arith.constant 0 : i32
    %scan3A_101 = arith.constant 32 : i32
    %scan3A_102 = arith.addi %scan3A_100, %scan3A_101 : i32
    %scan3A_103 = arith.constant 1 : i32
    %scan3A_104 = scf.for %scan3A_111 = %scan3A_100 to %scan3A_102 step %scan3A_103 iter_args(%scan3A_112 = %scan3A_99) -> (i32)  : i32 {
      %mul3A_113 = arith.constant 2 : i32
      %mul3A_114 = arith.muli %mul3A_113, %scan3A_111 : i32
      %add3A_115 = arith.constant 2 : i32
      %add3A_116 = arith.addi %mul3A_114, %add3A_115 : i32
      %lt3A = arith.constant 64 : i32
      %lt3A_117 = arith.cmpi slt, %add3A_116, %lt3A : i32
      %convert_element_type3A = arith.extui %lt3A_117 : i1 to i32
      %cond3A = arith.constant 0 : i32
      %cond3A_118 = arith.cmpi ne, %convert_element_type3A, %cond3A : i32
      scf.if %cond3A_118 {
        %add3A_196 = arith.constant 2 : i32
        %add3A_197 = arith.addi %mul3A_114, %add3A_196 : i32
        %mul3A_198 = arith.constant 1024 : i32
        %mul3A_199 = arith.muli %select_n3A, %mul3A_198 : i32
        %mul3A_200 = arith.constant 8 : i32
        %mul3A_201 = arith.muli %sub3A_19, %mul3A_200 : i32
        %jit3A_202 = arith.constant 8 : i32
        %div3A_203 = arith.divsi %add3A_197, %jit3A_202 : i32
        %sign3A_204 = arith.constant 0 : i32
        %sign3A_205 = arith.cmpi sgt, %add3A_197, %sign3A_204 : i32
        %sign3A_206 = arith.extui %sign3A_205 : i1 to i32
        %sign3A_207 = arith.constant 0 : i32
        %sign3A_208 = arith.cmpi slt, %add3A_197, %sign3A_207 : i32
        %sign3A_209 = arith.extui %sign3A_208 : i1 to i32
        %sign3A_210 = arith.subi %sign3A_206, %sign3A_209 : i32
        %sign3A_211 = arith.constant 0 : i32
        %sign3A_212 = arith.cmpi sgt, %jit3A_202, %sign3A_211 : i32
        %sign3A_213 = arith.extui %sign3A_212 : i1 to i32
        %sign3A_214 = arith.constant 0 : i32
        %sign3A_215 = arith.cmpi slt, %jit3A_202, %sign3A_214 : i32
        %sign3A_216 = arith.extui %sign3A_215 : i1 to i32
        %sign3A_217 = arith.subi %sign3A_213, %sign3A_216 : i32
        %ne3A_218 = arith.cmpi ne, %sign3A_210, %sign3A_217 : i32
        %rem3A_219 = arith.remsi %add3A_197, %jit3A_202 : i32
        %ne3A_220 = arith.constant 0 : i32
        %ne3A_221 = arith.cmpi ne, %rem3A_219, %ne3A_220 : i32
        %and3A_222 = arith.andi %ne3A_218, %ne3A_221 : i1
        %sub3A_223 = arith.constant 1 : i32
        %sub3A_224 = arith.subi %div3A_203, %sub3A_223 : i32
        %select_n3A_225 = arith.select %and3A_222, %sub3A_224, %div3A_203 : i32
        %add3A_226 = arith.addi %mul3A_201, %select_n3A_225 : i32
        %mul3A_227 = arith.constant 8 : i32
        %mul3A_228 = arith.muli %add3A_226, %mul3A_227 : i32
        %add3A_229 = arith.addi %mul3A_199, %mul3A_228 : i32
        %jit3A_230 = arith.constant 8 : i32
        %div3A_231 = arith.divsi %add3A_197, %jit3A_230 : i32
        %sign3A_232 = arith.constant 0 : i32
        %sign3A_233 = arith.cmpi sgt, %add3A_197, %sign3A_232 : i32
        %sign3A_234 = arith.extui %sign3A_233 : i1 to i32
        %sign3A_235 = arith.constant 0 : i32
        %sign3A_236 = arith.cmpi slt, %add3A_197, %sign3A_235 : i32
        %sign3A_237 = arith.extui %sign3A_236 : i1 to i32
        %sign3A_238 = arith.subi %sign3A_234, %sign3A_237 : i32
        %sign3A_239 = arith.constant 0 : i32
        %sign3A_240 = arith.cmpi sgt, %jit3A_230, %sign3A_239 : i32
        %sign3A_241 = arith.extui %sign3A_240 : i1 to i32
        %sign3A_242 = arith.constant 0 : i32
        %sign3A_243 = arith.cmpi slt, %jit3A_230, %sign3A_242 : i32
        %sign3A_244 = arith.extui %sign3A_243 : i1 to i32
        %sign3A_245 = arith.subi %sign3A_241, %sign3A_244 : i32
        %ne3A_246 = arith.cmpi ne, %sign3A_238, %sign3A_245 : i32
        %rem3A_247 = arith.remsi %add3A_197, %jit3A_230 : i32
        %ne3A_248 = arith.constant 0 : i32
        %ne3A_249 = arith.cmpi ne, %rem3A_247, %ne3A_248 : i32
        %and3A_250 = arith.andi %ne3A_246, %ne3A_249 : i1
        %sub3A_251 = arith.constant 1 : i32
        %sub3A_252 = arith.subi %div3A_231, %sub3A_251 : i32
        %select_n3A_253 = arith.select %and3A_250, %sub3A_252, %div3A_231 : i32
        %mul3A_254 = arith.constant 8 : i32
        %mul3A_255 = arith.muli %select_n3A_253, %mul3A_254 : i32
        %sub3A_256 = arith.subi %add3A_197, %mul3A_255 : i32
        %add3A_257 = arith.addi %add3A_229, %sub3A_256 : i32
        %dma_start3A_258 = arith.constant 0 : i32
        %dma_start3A_259 = arith.constant 0 : i32
        %dma_start3A_260 = arith.constant 0 : i32
        %dma_start3A_261 = tpu.memref_slice %arg3[%add3A_257, %dma_start3A_258, %dma_start3A_259, %dma_start3A_260] : memref<2048x3x64x16xf32, #tpu.memory_space<hbm>> -> memref<1x3x64x16xf32, #tpu.memory_space<hbm>>
        %dma_start3A_262 = tpu.memref_squeeze %dma_start3A_261 : memref<1x3x64x16xf32, #tpu.memory_space<hbm>> -> memref<3x64x16xf32, #tpu.memory_space<hbm>>
        %dma_start3A_263 = tpu.memref_slice %arg16[%scan3A_95] : memref<2x!tpu.dma_semaphore, #tpu.memory_space<semaphore_mem>> -> memref<1x!tpu.dma_semaphore, #tpu.memory_space<semaphore_mem>>
        %dma_start3A_264 = tpu.memref_squeeze %dma_start3A_263 : memref<1x!tpu.dma_semaphore, #tpu.memory_space<semaphore_mem>> -> memref<!tpu.dma_semaphore, #tpu.memory_space<semaphore_mem>>
        %dma_start3A_265 = arith.constant 0 : i32
        %dma_start3A_266 = arith.constant 0 : i32
        %dma_start3A_267 = arith.constant 0 : i32
        %dma_start3A_268 = tpu.memref_slice %arg3[%add3A_257, %dma_start3A_265, %dma_start3A_266, %dma_start3A_267] : memref<2048x3x64x16xf32, #tpu.memory_space<hbm>> -> memref<1x3x64x16xf32, #tpu.memory_space<hbm>>
        %dma_start3A_269 = tpu.memref_squeeze %dma_start3A_268 : memref<1x3x64x16xf32, #tpu.memory_space<hbm>> -> memref<3x64x16xf32, #tpu.memory_space<hbm>>
        tpu.enqueue_dma source(%dma_start3A_269 : memref<3x64x16xf32, #tpu.memory_space<hbm>>) target(%arg6 : memref<3x64x16xf32, #tpu.memory_space<vmem>>) target_semaphore(%dma_start3A_264 : memref<!tpu.dma_semaphore, #tpu.memory_space<semaphore_mem>>)
      } else {
      }
      %dma_wait3A_119 = arith.constant 0 : i32
      %dma_wait3A_120 = arith.constant 0 : i32
      %dma_wait3A_121 = arith.constant 0 : i32
      %dma_wait3A_122 = arith.constant 0 : i32
      %dma_wait3A_123 = tpu.memref_slice %arg3[%dma_wait3A_119, %dma_wait3A_120, %dma_wait3A_121, %dma_wait3A_122] : memref<2048x3x64x16xf32, #tpu.memory_space<hbm>> -> memref<1x3x64x16xf32, #tpu.memory_space<hbm>>
      %dma_wait3A_124 = tpu.memref_squeeze %dma_wait3A_123 : memref<1x3x64x16xf32, #tpu.memory_space<hbm>> -> memref<3x64x16xf32, #tpu.memory_space<hbm>>
      %dma_wait3A_125 = tpu.memref_slice %arg16[%scan3A_96] : memref<2x!tpu.dma_semaphore, #tpu.memory_space<semaphore_mem>> -> memref<1x!tpu.dma_semaphore, #tpu.memory_space<semaphore_mem>>
      %dma_wait3A_126 = tpu.memref_squeeze %dma_wait3A_125 : memref<1x!tpu.dma_semaphore, #tpu.memory_space<semaphore_mem>> -> memref<!tpu.dma_semaphore, #tpu.memory_space<semaphore_mem>>
      %dma_wait3A_127 = arith.constant 0 : i32
      %dma_wait3A_128 = arith.constant 0 : i32
      %dma_wait3A_129 = arith.constant 0 : i32
      %dma_wait3A_130 = tpu.memref_slice %arg3[%dma_wait3A_119, %dma_wait3A_127, %dma_wait3A_128, %dma_wait3A_129] : memref<2048x3x64x16xf32, #tpu.memory_space<hbm>> -> memref<1x3x64x16xf32, #tpu.memory_space<hbm>>
      %dma_wait3A_131 = tpu.memref_squeeze %dma_wait3A_130 : memref<1x3x64x16xf32, #tpu.memory_space<hbm>> -> memref<3x64x16xf32, #tpu.memory_space<hbm>>
      tpu.wait_dma2 semaphore(%dma_wait3A_126 : memref<!tpu.dma_semaphore, #tpu.memory_space<semaphore_mem>>) src(%dma_wait3A_131 : memref<3x64x16xf32, #tpu.memory_space<hbm>>) dst(%arg7 : memref<3x64x16xf32, #tpu.memory_space<vmem>>)
      %scan3A_132 = arith.constant 0 : i32
      %scan3A_133 = arith.constant 0 : i32
      %scan3A_134 = arith.constant 64 : i32
      %scan3A_135 = arith.addi %scan3A_133, %scan3A_134 : i32
      %scan3A_136 = arith.constant 1 : i32
      %scan3A_137 = scf.for %scan3A_196 = %scan3A_133 to %scan3A_135 step %scan3A_136 iter_args(%scan3A_197 = %scan3A_132) -> (i32)  : i32 {
        %get3A = arith.constant 0 : i32
        %get3A_198 = arith.index_cast %get3A : i32 to index
        %get3A_199 = arith.index_cast %scan3A_196 : i32 to index
        %get3A_200 = arith.constant 0 : index
        %get3A_201 = tpu.vector_load %arg7[%get3A_198, %get3A_199, %get3A_200] {strides = array<i32>} : memref<3x64x16xf32, #tpu.memory_space<vmem>>, vector<1x1x16xf32>,
        %get3A_202 = vector.shape_cast %get3A_201 : vector<1x1x16xf32> to vector<16xf32>
        %get3A_203 = arith.constant 1 : i32
        %get3A_204 = arith.index_cast %get3A_203 : i32 to index
        %get3A_205 = arith.index_cast %scan3A_196 : i32 to index
        %get3A_206 = arith.constant 0 : index
        %get3A_207 = tpu.vector_load %arg7[%get3A_204, %get3A_205, %get3A_206] {strides = array<i32>} : memref<3x64x16xf32, #tpu.memory_space<vmem>>, vector<1x1x16xf32>,
        %get3A_208 = vector.shape_cast %get3A_207 : vector<1x1x16xf32> to vector<16xf32>
        %get3A_209 = arith.constant 2 : i32
        %get3A_210 = arith.index_cast %get3A_209 : i32 to index
        %get3A_211 = arith.index_cast %scan3A_196 : i32 to index
        %get3A_212 = arith.constant 0 : index
        %get3A_213 = tpu.vector_load %arg7[%get3A_210, %get3A_211, %get3A_212] {strides = array<i32>} : memref<3x64x16xf32, #tpu.memory_space<vmem>>, vector<1x1x16xf32>,
        %get3A_214 = vector.shape_cast %get3A_213 : vector<1x1x16xf32> to vector<16xf32>
        %convert_element_type3A_215 = arith.fptosi %get3A_202 : vector<16xf32> to vector<16xi32>
        %jit3A_216 = arith.constant 0 : i32
        %jit3A_217 = arith.constant 127 : i32
        %max3A = vector.broadcast %jit3A_216 : i32 to vector<16xi32>
        %max3A_218 = arith.maxsi %max3A, %convert_element_type3A_215 : vector<16xi32>
        %min3A = vector.broadcast %jit3A_217 : i32 to vector<16xi32>
        %min3A_219 = arith.minsi %min3A, %max3A_218 : vector<16xi32>
        %convert_element_type3A_220 = arith.fptosi %get3A_208 : vector<16xf32> to vector<16xi32>
        %jit3A_221 = arith.constant 0 : i32
        %jit3A_222 = arith.constant 127 : i32
        %max3A_223 = vector.broadcast %jit3A_221 : i32 to vector<16xi32>
        %max3A_224 = arith.maxsi %max3A_223, %convert_element_type3A_220 : vector<16xi32>
        %min3A_225 = vector.broadcast %jit3A_222 : i32 to vector<16xi32>
        %min3A_226 = arith.minsi %min3A_225, %max3A_224 : vector<16xi32>
        %convert_element_type3A_227 = arith.fptosi %get3A_214 : vector<16xf32> to vector<16xi32>
        %jit3A_228 = arith.constant 0 : i32
        %jit3A_229 = arith.constant 127 : i32
        %max3A_230 = vector.broadcast %jit3A_228 : i32 to vector<16xi32>
        %max3A_231 = arith.maxsi %max3A_230, %convert_element_type3A_227 : vector<16xi32>
        %min3A_232 = vector.broadcast %jit3A_229 : i32 to vector<16xi32>
        %min3A_233 = arith.minsi %min3A_232, %max3A_231 : vector<16xi32>
        %convert_element_type3A_234 = arith.sitofp %min3A_219 : vector<16xi32> to vector<16xf32>
        %convert_element_type3A_235 = arith.sitofp %min3A_226 : vector<16xi32> to vector<16xf32>
        %convert_element_type3A_236 = arith.sitofp %min3A_233 : vector<16xi32> to vector<16xf32>
        %add3A_237 = arith.constant 1.000000e+00 : f32
        %add3A_238 = vector.broadcast %add3A_237 : f32 to vector<16xf32>
        %add3A_239 = arith.addf %convert_element_type3A_234, %add3A_238 : vector<16xf32>
        %min3A_240 = arith.constant 1.270000e+02 : f32
        %min3A_241 = vector.broadcast %min3A_240 : f32 to vector<16xf32>
        %min3A_242 = arith.minimumf %add3A_239, %min3A_241 : vector<16xf32>
        %add3A_243 = arith.constant 1.000000e+00 : f32
        %add3A_244 = vector.broadcast %add3A_243 : f32 to vector<16xf32>
        %add3A_245 = arith.addf %convert_element_type3A_235, %add3A_244 : vector<16xf32>
        %min3A_246 = arith.constant 1.270000e+02 : f32
        %min3A_247 = vector.broadcast %min3A_246 : f32 to vector<16xf32>
        %min3A_248 = arith.minimumf %add3A_245, %min3A_247 : vector<16xf32>
        %add3A_249 = arith.constant 1.000000e+00 : f32
        %add3A_250 = vector.broadcast %add3A_249 : f32 to vector<16xf32>
        %add3A_251 = arith.addf %convert_element_type3A_236, %add3A_250 : vector<16xf32>
        %min3A_252 = arith.constant 1.270000e+02 : f32
        %min3A_253 = vector.broadcast %min3A_252 : f32 to vector<16xf32>
        %min3A_254 = arith.minimumf %add3A_251, %min3A_253 : vector<16xf32>
        %convert_element_type3A_255 = arith.fptosi %min3A_242 : vector<16xf32> to vector<16xi32>
        %convert_element_type3A_256 = arith.fptosi %min3A_248 : vector<16xf32> to vector<16xi32>
        %convert_element_type3A_257 = arith.fptosi %min3A_254 : vector<16xf32> to vector<16xi32>
        %sub3A_258 = arith.subf %min3A_242, %get3A_202 : vector<16xf32>
        %sub3A_259 = arith.subf %get3A_202, %convert_element_type3A_234 : vector<16xf32>
        %sub3A_260 = arith.subf %min3A_248, %get3A_208 : vector<16xf32>
        %sub3A_261 = arith.subf %get3A_208, %convert_element_type3A_235 : vector<16xf32>
        %sub3A_262 = arith.subf %min3A_254, %get3A_214 : vector<16xf32>
        %sub3A_263 = arith.subf %get3A_214, %convert_element_type3A_236 : vector<16xf32>
        %ge3A = arith.constant 0.000000e+00 : f32
        %ge3A_264 = vector.broadcast %ge3A : f32 to vector<16xf32>
        %ge3A_265 = arith.cmpf oge, %get3A_202, %ge3A_264 : vector<16xf32>
        %le3A = arith.constant 1.280000e+02 : f32
        %le3A_266 = vector.broadcast %le3A : f32 to vector<16xf32>
        %le3A_267 = arith.cmpf ole, %get3A_202, %le3A_266 : vector<16xf32>
        %and3A_268 = arith.andi %ge3A_265, %le3A_267 : vector<16xi1>
        %ge3A_269 = arith.constant 0.000000e+00 : f32
        %ge3A_270 = vector.broadcast %ge3A_269 : f32 to vector<16xf32>
        %ge3A_271 = arith.cmpf oge, %get3A_208, %ge3A_270 : vector<16xf32>
        %and3A_272 = arith.andi %and3A_268, %ge3A_271 : vector<16xi1>
        %le3A_273 = arith.constant 1.280000e+02 : f32
        %le3A_274 = vector.broadcast %le3A_273 : f32 to vector<16xf32>
        %le3A_275 = arith.cmpf ole, %get3A_208, %le3A_274 : vector<16xf32>
        %and3A_276 = arith.andi %and3A_272, %le3A_275 : vector<16xi1>
        %ge3A_277 = arith.constant 0.000000e+00 : f32
        %ge3A_278 = vector.broadcast %ge3A_277 : f32 to vector<16xf32>
        %ge3A_279 = arith.cmpf oge, %get3A_214, %ge3A_278 : vector<16xf32>
        %and3A_280 = arith.andi %and3A_276, %ge3A_279 : vector<16xi1>
        %le3A_281 = arith.constant 1.280000e+02 : f32
        %le3A_282 = vector.broadcast %le3A_281 : f32 to vector<16xf32>
        %le3A_283 = arith.cmpf ole, %get3A_214, %le3A_282 : vector<16xf32>
        %and3A_284 = arith.andi %and3A_280, %le3A_283 : vector<16xi1>
        %jit3A_285 = arith.constant 1.000000e+00 : f32
        %jit3A_286 = arith.constant 0.000000e+00 : f32
        %broadcast_in_dim3A_287 = vector.broadcast %jit3A_285 : f32 to vector<16xf32>
        %broadcast_in_dim3A_288 = vector.broadcast %jit3A_286 : f32 to vector<16xf32>
        %select_n3A_289 = arith.select %and3A_284, %broadcast_in_dim3A_287, %broadcast_in_dim3A_288 : vector<16xi1>, vector<16xf32>
        %mul3A_290 = arith.mulf %sub3A_262, %select_n3A_289 : vector<16xf32>
        %mul3A_291 = arith.mulf %sub3A_263, %select_n3A_289 : vector<16xf32>
        %mul3A_292 = arith.constant 16384 : i32
        %mul3A_293 = vector.broadcast %mul3A_292 : i32 to vector<16xi32>
        %mul3A_294 = arith.muli %min3A_233, %mul3A_293 : vector<16xi32>
        %add3A_295 = vector.broadcast %mul3A_23 : i32 to vector<16xi32>
        %add3A_296 = arith.addi %add3A_295, %mul3A_294 : vector<16xi32>
        %mul3A_297 = arith.constant 128 : i32
        %mul3A_298 = vector.broadcast %mul3A_297 : i32 to vector<16xi32>
        %mul3A_299 = arith.muli %min3A_226, %mul3A_298 : vector<16xi32>
        %add3A_300 = arith.addi %add3A_296, %mul3A_299 : vector<16xi32>
        %mul3A_301 = arith.constant 16384 : i32
        %mul3A_302 = vector.broadcast %mul3A_301 : i32 to vector<16xi32>
        %mul3A_303 = arith.muli %min3A_233, %mul3A_302 : vector<16xi32>
        %add3A_304 = vector.broadcast %mul3A_23 : i32 to vector<16xi32>
        %add3A_305 = arith.addi %add3A_304, %mul3A_303 : vector<16xi32>
        %mul3A_306 = arith.constant 128 : i32
        %mul3A_307 = vector.broadcast %mul3A_306 : i32 to vector<16xi32>
        %mul3A_308 = arith.muli %convert_element_type3A_256, %mul3A_307 : vector<16xi32>
        %add3A_309 = arith.addi %add3A_305, %mul3A_308 : vector<16xi32>
        %mul3A_310 = arith.constant 16384 : i32
        %mul3A_311 = vector.broadcast %mul3A_310 : i32 to vector<16xi32>
        %mul3A_312 = arith.muli %convert_element_type3A_257, %mul3A_311 : vector<16xi32>
        %add3A_313 = vector.broadcast %mul3A_23 : i32 to vector<16xi32>
        %add3A_314 = arith.addi %add3A_313, %mul3A_312 : vector<16xi32>
        %mul3A_315 = arith.constant 128 : i32
        %mul3A_316 = vector.broadcast %mul3A_315 : i32 to vector<16xi32>
        %mul3A_317 = arith.muli %min3A_226, %mul3A_316 : vector<16xi32>
        %add3A_318 = arith.addi %add3A_314, %mul3A_317 : vector<16xi32>
        %mul3A_319 = arith.constant 16384 : i32
        %mul3A_320 = vector.broadcast %mul3A_319 : i32 to vector<16xi32>
        %mul3A_321 = arith.muli %convert_element_type3A_257, %mul3A_320 : vector<16xi32>
        %add3A_322 = vector.broadcast %mul3A_23 : i32 to vector<16xi32>
        %add3A_323 = arith.addi %add3A_322, %mul3A_321 : vector<16xi32>
        %mul3A_324 = arith.constant 128 : i32
        %mul3A_325 = vector.broadcast %mul3A_324 : i32 to vector<16xi32>
        %mul3A_326 = arith.muli %convert_element_type3A_256, %mul3A_325 : vector<16xi32>
        %add3A_327 = arith.addi %add3A_323, %mul3A_326 : vector<16xi32>
        %mul3A_328 = arith.constant 128 : i32
        %mul3A_329 = arith.muli %scan3A_196, %mul3A_328 : i32
        %add3A_330 = arith.addi %add3A_300, %min3A_219 : vector<16xi32>
        %add3A_331 = arith.constant 0 : i32
        %add3A_332 = arith.addi %mul3A_329, %add3A_331 : i32
        %swap3A_333 = arith.index_cast %add3A_332 : i32 to index
        %swap3A_334 = tpu.vector_load %arg9[%swap3A_333] {strides = array<i32>} : memref<8192xi32, #tpu.memory_space<vmem>>, vector<16xi32>,
        %swap3A_335 = vector.shape_cast %swap3A_334 : vector<16xi32> to vector<16xi32>
        %swap3A_336 = vector.shape_cast %add3A_330 : vector<16xi32> to vector<16xi32>
        tpu.vector_store %arg9[%swap3A_333], %swap3A_336 {strides = array<i32>} : memref<8192xi32, #tpu.memory_space<vmem>>, vector<16xi32>,
        %add3A_337 = arith.addi %add3A_300, %convert_element_type3A_255 : vector<16xi32>
        %add3A_338 = arith.constant 16 : i32
        %add3A_339 = arith.addi %mul3A_329, %add3A_338 : i32
        %swap3A_340 = arith.index_cast %add3A_339 : i32 to index
        %swap3A_341 = tpu.vector_load %arg9[%swap3A_340] {strides = array<i32>} : memref<8192xi32, #tpu.memory_space<vmem>>, vector<16xi32>,
        %swap3A_342 = vector.shape_cast %swap3A_341 : vector<16xi32> to vector<16xi32>
        %swap3A_343 = vector.shape_cast %add3A_337 : vector<16xi32> to vector<16xi32>
        tpu.vector_store %arg9[%swap3A_340], %swap3A_343 {strides = array<i32>} : memref<8192xi32, #tpu.memory_space<vmem>>, vector<16xi32>,
        %add3A_344 = arith.addi %add3A_309, %min3A_219 : vector<16xi32>
        %add3A_345 = arith.constant 32 : i32
        %add3A_346 = arith.addi %mul3A_329, %add3A_345 : i32
        %swap3A_347 = arith.index_cast %add3A_346 : i32 to index
        %swap3A_348 = tpu.vector_load %arg9[%swap3A_347] {strides = array<i32>} : memref<8192xi32, #tpu.memory_space<vmem>>, vector<16xi32>,
        %swap3A_349 = vector.shape_cast %swap3A_348 : vector<16xi32> to vector<16xi32>
        %swap3A_350 = vector.shape_cast %add3A_344 : vector<16xi32> to vector<16xi32>
        tpu.vector_store %arg9[%swap3A_347], %swap3A_350 {strides = array<i32>} : memref<8192xi32, #tpu.memory_space<vmem>>, vector<16xi32>,
        %add3A_351 = arith.addi %add3A_309, %convert_element_type3A_255 : vector<16xi32>
        %add3A_352 = arith.constant 48 : i32
        %add3A_353 = arith.addi %mul3A_329, %add3A_352 : i32
        %swap3A_354 = arith.index_cast %add3A_353 : i32 to index
        %swap3A_355 = tpu.vector_load %arg9[%swap3A_354] {strides = array<i32>} : memref<8192xi32, #tpu.memory_space<vmem>>, vector<16xi32>,
        %swap3A_356 = vector.shape_cast %swap3A_355 : vector<16xi32> to vector<16xi32>
        %swap3A_357 = vector.shape_cast %add3A_351 : vector<16xi32> to vector<16xi32>
        tpu.vector_store %arg9[%swap3A_354], %swap3A_357 {strides = array<i32>} : memref<8192xi32, #tpu.memory_space<vmem>>, vector<16xi32>,
        %add3A_358 = arith.addi %add3A_318, %min3A_219 : vector<16xi32>
        %add3A_359 = arith.constant 64 : i32
        %add3A_360 = arith.addi %mul3A_329, %add3A_359 : i32
        %swap3A_361 = arith.index_cast %add3A_360 : i32 to index
        %swap3A_362 = tpu.vector_load %arg9[%swap3A_361] {strides = array<i32>} : memref<8192xi32, #tpu.memory_space<vmem>>, vector<16xi32>,
        %swap3A_363 = vector.shape_cast %swap3A_362 : vector<16xi32> to vector<16xi32>
        %swap3A_364 = vector.shape_cast %add3A_358 : vector<16xi32> to vector<16xi32>
        tpu.vector_store %arg9[%swap3A_361], %swap3A_364 {strides = array<i32>} : memref<8192xi32, #tpu.memory_space<vmem>>, vector<16xi32>,
        %add3A_365 = arith.addi %add3A_318, %convert_element_type3A_255 : vector<16xi32>
        %add3A_366 = arith.constant 80 : i32
        %add3A_367 = arith.addi %mul3A_329, %add3A_366 : i32
        %swap3A_368 = arith.index_cast %add3A_367 : i32 to index
        %swap3A_369 = tpu.vector_load %arg9[%swap3A_368] {strides = array<i32>} : memref<8192xi32, #tpu.memory_space<vmem>>, vector<16xi32>,
        %swap3A_370 = vector.shape_cast %swap3A_369 : vector<16xi32> to vector<16xi32>
        %swap3A_371 = vector.shape_cast %add3A_365 : vector<16xi32> to vector<16xi32>
        tpu.vector_store %arg9[%swap3A_368], %swap3A_371 {strides = array<i32>} : memref<8192xi32, #tpu.memory_space<vmem>>, vector<16xi32>,
        %add3A_372 = arith.addi %add3A_327, %min3A_219 : vector<16xi32>
        %add3A_373 = arith.constant 96 : i32
        %add3A_374 = arith.addi %mul3A_329, %add3A_373 : i32
        %swap3A_375 = arith.index_cast %add3A_374 : i32 to index
        %swap3A_376 = tpu.vector_load %arg9[%swap3A_375] {strides = array<i32>} : memref<8192xi32, #tpu.memory_space<vmem>>, vector<16xi32>,
        %swap3A_377 = vector.shape_cast %swap3A_376 : vector<16xi32> to vector<16xi32>
        %swap3A_378 = vector.shape_cast %add3A_372 : vector<16xi32> to vector<16xi32>
        tpu.vector_store %arg9[%swap3A_375], %swap3A_378 {strides = array<i32>} : memref<8192xi32, #tpu.memory_space<vmem>>, vector<16xi32>,
        %add3A_379 = arith.addi %add3A_327, %convert_element_type3A_255 : vector<16xi32>
        %add3A_380 = arith.constant 112 : i32
        %add3A_381 = arith.addi %mul3A_329, %add3A_380 : i32
        %swap3A_382 = arith.index_cast %add3A_381 : i32 to index
        %swap3A_383 = tpu.vector_load %arg9[%swap3A_382] {strides = array<i32>} : memref<8192xi32, #tpu.memory_space<vmem>>, vector<16xi32>,
        %swap3A_384 = vector.shape_cast %swap3A_383 : vector<16xi32> to vector<16xi32>
        %swap3A_385 = vector.shape_cast %add3A_379 : vector<16xi32> to vector<16xi32>
        tpu.vector_store %arg9[%swap3A_382], %swap3A_385 {strides = array<i32>} : memref<8192xi32, #tpu.memory_space<vmem>>, vector<16xi32>,
        %swap3A_386 = arith.index_cast %scan3A_196 : i32 to index
        %swap3A_387 = arith.constant 0 : index
        %swap3A_388 = tpu.vector_load %arg11[%swap3A_386, %swap3A_387] {strides = array<i32>} : memref<64x96xf32, #tpu.memory_space<vmem>>, vector<1x16xf32>,
        %swap3A_389 = vector.shape_cast %swap3A_388 : vector<1x16xf32> to vector<16xf32>
        %swap3A_390 = vector.shape_cast %sub3A_258 : vector<16xf32> to vector<1x16xf32>
        tpu.vector_store %arg11[%swap3A_386, %swap3A_387], %swap3A_390 {strides = array<i32>} : memref<64x96xf32, #tpu.memory_space<vmem>>, vector<1x16xf32>,
        %swap3A_391 = arith.index_cast %scan3A_196 : i32 to index
        %swap3A_392 = arith.constant 16 : index
        %swap3A_393 = tpu.vector_load %arg11[%swap3A_391, %swap3A_392] {strides = array<i32>} : memref<64x96xf32, #tpu.memory_space<vmem>>, vector<1x16xf32>,
        %swap3A_394 = vector.shape_cast %swap3A_393 : vector<1x16xf32> to vector<16xf32>
        %swap3A_395 = vector.shape_cast %sub3A_259 : vector<16xf32> to vector<1x16xf32>
        tpu.vector_store %arg11[%swap3A_391, %swap3A_392], %swap3A_395 {strides = array<i32>} : memref<64x96xf32, #tpu.memory_space<vmem>>, vector<1x16xf32>,
        %swap3A_396 = arith.index_cast %scan3A_196 : i32 to index
        %swap3A_397 = arith.constant 32 : index
        %swap3A_398 = tpu.vector_load %arg11[%swap3A_396, %swap3A_397] {strides = array<i32>} : memref<64x96xf32, #tpu.memory_space<vmem>>, vector<1x16xf32>,
        %swap3A_399 = vector.shape_cast %swap3A_398 : vector<1x16xf32> to vector<16xf32>
        %swap3A_400 = vector.shape_cast %sub3A_260 : vector<16xf32> to vector<1x16xf32>
        tpu.vector_store %arg11[%swap3A_396, %swap3A_397], %swap3A_400 {strides = array<i32>} : memref<64x96xf32, #tpu.memory_space<vmem>>, vector<1x16xf32>,
        %swap3A_401 = arith.index_cast %scan3A_196 : i32 to index
        %swap3A_402 = arith.constant 48 : index
        %swap3A_403 = tpu.vector_load %arg11[%swap3A_401, %swap3A_402] {strides = array<i32>} : memref<64x96xf32, #tpu.memory_space<vmem>>, vector<1x16xf32>,
        %swap3A_404 = vector.shape_cast %swap3A_403 : vector<1x16xf32> to vector<16xf32>
        %swap3A_405 = vector.shape_cast %sub3A_261 : vector<16xf32> to vector<1x16xf32>
        tpu.vector_store %arg11[%swap3A_401, %swap3A_402], %swap3A_405 {strides = array<i32>} : memref<64x96xf32, #tpu.memory_space<vmem>>, vector<1x16xf32>,
        %swap3A_406 = arith.index_cast %scan3A_196 : i32 to index
        %swap3A_407 = arith.constant 64 : index
        %swap3A_408 = tpu.vector_load %arg11[%swap3A_406, %swap3A_407] {strides = array<i32>} : memref<64x96xf32, #tpu.memory_space<vmem>>, vector<1x16xf32>,
        %swap3A_409 = vector.shape_cast %swap3A_408 : vector<1x16xf32> to vector<16xf32>
        %swap3A_410 = vector.shape_cast %mul3A_290 : vector<16xf32> to vector<1x16xf32>
        tpu.vector_store %arg11[%swap3A_406, %swap3A_407], %swap3A_410 {strides = array<i32>} : memref<64x96xf32, #tpu.memory_space<vmem>>, vector<1x16xf32>,
        %swap3A_411 = arith.index_cast %scan3A_196 : i32 to index
        %swap3A_412 = arith.constant 80 : index
        %swap3A_413 = tpu.vector_load %arg11[%swap3A_411, %swap3A_412] {strides = array<i32>} : memref<64x96xf32, #tpu.memory_space<vmem>>, vector<1x16xf32>,
        %swap3A_414 = vector.shape_cast %swap3A_413 : vector<1x16xf32> to vector<16xf32>
        %swap3A_415 = vector.shape_cast %mul3A_291 : vector<16xf32> to vector<1x16xf32>
        tpu.vector_store %arg11[%swap3A_411, %swap3A_412], %swap3A_415 {strides = array<i32>} : memref<64x96xf32, #tpu.memory_space<vmem>>, vector<1x16xf32>,
        %scan3A_416 = arith.constant 0 : i32
        scf.yield %scan3A_416 : i32
      }
      %scan3A_138 = arith.constant 64 : i32
      %dma_start3A_139 = arith.constant 0 : i32
      %dma_start3A_140 = tpu.memref_slice %arg2[%dma_start3A_139] : memref<8388608xf32, #tpu.memory_space<hbm>> -> memref<8388608xf32, #tpu.memory_space<hbm>>
      %dma_start3A_141 = tpu.memref_slice %arg15[%scan3A_97] : memref<2x!tpu.dma_semaphore, #tpu.memory_space<semaphore_mem>> -> memref<1x!tpu.dma_semaphore, #tpu.memory_space<semaphore_mem>>
      %dma_start3A_142 = tpu.memref_squeeze %dma_start3A_141 : memref<1x!tpu.dma_semaphore, #tpu.memory_space<semaphore_mem>> -> memref<!tpu.dma_semaphore, #tpu.memory_space<semaphore_mem>>
      tpu.enqueue_indirect_dma source(%dma_start3A_140 : memref<8388608xf32, #tpu.memory_space<hbm>>) target(%arg13 : memref<8192xf32, #tpu.memory_space<vmem>>) offsets(%arg9 : memref<8192xi32, #tpu.memory_space<vmem>>) semaphore(%dma_start3A_142 : memref<!tpu.dma_semaphore, #tpu.memory_space<semaphore_mem>>)
      %dma_wait3A_143 = tpu.memref_slice %arg15[%scan3A_98] : memref<2x!tpu.dma_semaphore, #tpu.memory_space<semaphore_mem>> -> memref<1x!tpu.dma_semaphore, #tpu.memory_space<semaphore_mem>>
      %dma_wait3A_144 = tpu.memref_squeeze %dma_wait3A_143 : memref<1x!tpu.dma_semaphore, #tpu.memory_space<semaphore_mem>> -> memref<!tpu.dma_semaphore, #tpu.memory_space<semaphore_mem>>
      tpu.wait_dma2 semaphore(%dma_wait3A_144 : memref<!tpu.dma_semaphore, #tpu.memory_space<semaphore_mem>>) src(%arg4 : memref<8192xf32, #tpu.memory_space<hbm>>) dst(%arg12 : memref<8192xf32, #tpu.memory_space<vmem>>)
      %broadcast_in_dim3A = arith.constant 0.000000e+00 : f32
      %broadcast_in_dim3A_145 = vector.broadcast %broadcast_in_dim3A : f32 to vector<16xf32>
      %scan3A_146 = arith.constant 0 : i32
      %scan3A_147 = arith.constant 64 : i32
      %scan3A_148 = arith.addi %scan3A_146, %scan3A_147 : i32
      %scan3A_149 = arith.constant 1 : i32
      %scan3A_150 = scf.for %scan3A_196 = %scan3A_146 to %scan3A_148 step %scan3A_149 iter_args(%scan3A_197 = %broadcast_in_dim3A_145) -> (vector<16xf32>)  : i32 {
        %get3A = arith.index_cast %scan3A_196 : i32 to index
        %get3A_198 = arith.constant 0 : index
        %get3A_199 = tpu.vector_load %arg10[%get3A, %get3A_198] {strides = array<i32>} : memref<64x96xf32, #tpu.memory_space<vmem>>, vector<1x16xf32>,
        %get3A_200 = vector.shape_cast %get3A_199 : vector<1x16xf32> to vector<16xf32>
        %get3A_201 = arith.index_cast %scan3A_196 : i32 to index
        %get3A_202 = arith.constant 16 : index
        %get3A_203 = tpu.vector_load %arg10[%get3A_201, %get3A_202] {strides = array<i32>} : memref<64x96xf32, #tpu.memory_space<vmem>>, vector<1x16xf32>,
        %get3A_204 = vector.shape_cast %get3A_203 : vector<1x16xf32> to vector<16xf32>
        %get3A_205 = arith.index_cast %scan3A_196 : i32 to index
        %get3A_206 = arith.constant 32 : index
        %get3A_207 = tpu.vector_load %arg10[%get3A_205, %get3A_206] {strides = array<i32>} : memref<64x96xf32, #tpu.memory_space<vmem>>, vector<1x16xf32>,
        %get3A_208 = vector.shape_cast %get3A_207 : vector<1x16xf32> to vector<16xf32>
        %get3A_209 = arith.index_cast %scan3A_196 : i32 to index
        %get3A_210 = arith.constant 48 : index
        %get3A_211 = tpu.vector_load %arg10[%get3A_209, %get3A_210] {strides = array<i32>} : memref<64x96xf32, #tpu.memory_space<vmem>>, vector<1x16xf32>,
        %get3A_212 = vector.shape_cast %get3A_211 : vector<1x16xf32> to vector<16xf32>
        %get3A_213 = arith.index_cast %scan3A_196 : i32 to index
        %get3A_214 = arith.constant 64 : index
        %get3A_215 = tpu.vector_load %arg10[%get3A_213, %get3A_214] {strides = array<i32>} : memref<64x96xf32, #tpu.memory_space<vmem>>, vector<1x16xf32>,
        %get3A_216 = vector.shape_cast %get3A_215 : vector<1x16xf32> to vector<16xf32>
        %get3A_217 = arith.index_cast %scan3A_196 : i32 to index
        %get3A_218 = arith.constant 80 : index
        %get3A_219 = tpu.vector_load %arg10[%get3A_217, %get3A_218] {strides = array<i32>} : memref<64x96xf32, #tpu.memory_space<vmem>>, vector<1x16xf32>,
        %get3A_220 = vector.shape_cast %get3A_219 : vector<1x16xf32> to vector<16xf32>
        %mul3A_221 = arith.constant 128 : i32
        %mul3A_222 = arith.muli %scan3A_196, %mul3A_221 : i32
        %add3A_223 = arith.constant 0 : i32
        %add3A_224 = arith.addi %mul3A_222, %add3A_223 : i32
        %get3A_225 = arith.index_cast %add3A_224 : i32 to index
        %get3A_226 = tpu.vector_load %arg12[%get3A_225] {strides = array<i32>} : memref<8192xf32, #tpu.memory_space<vmem>>, vector<16xf32>,
        %get3A_227 = vector.shape_cast %get3A_226 : vector<16xf32> to vector<16xf32>
        %add3A_228 = arith.constant 16 : i32
        %add3A_229 = arith.addi %mul3A_222, %add3A_228 : i32
        %get3A_230 = arith.index_cast %add3A_229 : i32 to index
        %get3A_231 = tpu.vector_load %arg12[%get3A_230] {strides = array<i32>} : memref<8192xf32, #tpu.memory_space<vmem>>, vector<16xf32>,
        %get3A_232 = vector.shape_cast %get3A_231 : vector<16xf32> to vector<16xf32>
        %add3A_233 = arith.constant 32 : i32
        %add3A_234 = arith.addi %mul3A_222, %add3A_233 : i32
        %get3A_235 = arith.index_cast %add3A_234 : i32 to index
        %get3A_236 = tpu.vector_load %arg12[%get3A_235] {strides = array<i32>} : memref<8192xf32, #tpu.memory_space<vmem>>, vector<16xf32>,
        %get3A_237 = vector.shape_cast %get3A_236 : vector<16xf32> to vector<16xf32>
        %add3A_238 = arith.constant 48 : i32
        %add3A_239 = arith.addi %mul3A_222, %add3A_238 : i32
        %get3A_240 = arith.index_cast %add3A_239 : i32 to index
        %get3A_241 = tpu.vector_load %arg12[%get3A_240] {strides = array<i32>} : memref<8192xf32, #tpu.memory_space<vmem>>, vector<16xf32>,
        %get3A_242 = vector.shape_cast %get3A_241 : vector<16xf32> to vector<16xf32>
        %add3A_243 = arith.constant 64 : i32
        %add3A_244 = arith.addi %mul3A_222, %add3A_243 : i32
        %get3A_245 = arith.index_cast %add3A_244 : i32 to index
        %get3A_246 = tpu.vector_load %arg12[%get3A_245] {strides = array<i32>} : memref<8192xf32, #tpu.memory_space<vmem>>, vector<16xf32>,
        %get3A_247 = vector.shape_cast %get3A_246 : vector<16xf32> to vector<16xf32>
        %add3A_248 = arith.constant 80 : i32
        %add3A_249 = arith.addi %mul3A_222, %add3A_248 : i32
        %get3A_250 = arith.index_cast %add3A_249 : i32 to index
        %get3A_251 = tpu.vector_load %arg12[%get3A_250] {strides = array<i32>} : memref<8192xf32, #tpu.memory_space<vmem>>, vector<16xf32>,
        %get3A_252 = vector.shape_cast %get3A_251 : vector<16xf32> to vector<16xf32>
        %add3A_253 = arith.constant 96 : i32
        %add3A_254 = arith.addi %mul3A_222, %add3A_253 : i32
        %get3A_255 = arith.index_cast %add3A_254 : i32 to index
        %get3A_256 = tpu.vector_load %arg12[%get3A_255] {strides = array<i32>} : memref<8192xf32, #tpu.memory_space<vmem>>, vector<16xf32>,
        %get3A_257 = vector.shape_cast %get3A_256 : vector<16xf32> to vector<16xf32>
        %add3A_258 = arith.constant 112 : i32
        %add3A_259 = arith.addi %mul3A_222, %add3A_258 : i32
        %get3A_260 = arith.index_cast %add3A_259 : i32 to index
        %get3A_261 = tpu.vector_load %arg12[%get3A_260] {strides = array<i32>} : memref<8192xf32, #tpu.memory_space<vmem>>, vector<16xf32>,
        %get3A_262 = vector.shape_cast %get3A_261 : vector<16xf32> to vector<16xf32>
        %mul3A_263 = arith.mulf %get3A_200, %get3A_227 : vector<16xf32>
        %mul3A_264 = arith.mulf %get3A_204, %get3A_232 : vector<16xf32>
        %add3A_265 = arith.addf %mul3A_263, %mul3A_264 : vector<16xf32>
        %mul3A_266 = arith.mulf %get3A_208, %add3A_265 : vector<16xf32>
        %mul3A_267 = arith.mulf %get3A_200, %get3A_237 : vector<16xf32>
        %mul3A_268 = arith.mulf %get3A_204, %get3A_242 : vector<16xf32>
        %add3A_269 = arith.addf %mul3A_267, %mul3A_268 : vector<16xf32>
        %mul3A_270 = arith.mulf %get3A_212, %add3A_269 : vector<16xf32>
        %add3A_271 = arith.addf %mul3A_266, %mul3A_270 : vector<16xf32>
        %mul3A_272 = arith.mulf %get3A_200, %get3A_247 : vector<16xf32>
        %mul3A_273 = arith.mulf %get3A_204, %get3A_252 : vector<16xf32>
        %add3A_274 = arith.addf %mul3A_272, %mul3A_273 : vector<16xf32>
        %mul3A_275 = arith.mulf %get3A_208, %add3A_274 : vector<16xf32>
        %mul3A_276 = arith.mulf %get3A_200, %get3A_257 : vector<16xf32>
        %mul3A_277 = arith.mulf %get3A_204, %get3A_262 : vector<16xf32>
        %add3A_278 = arith.addf %mul3A_276, %mul3A_277 : vector<16xf32>
        %mul3A_279 = arith.mulf %get3A_212, %add3A_278 : vector<16xf32>
        %add3A_280 = arith.addf %mul3A_275, %mul3A_279 : vector<16xf32>
        %mul3A_281 = arith.mulf %get3A_216, %add3A_271 : vector<16xf32>
        %mul3A_282 = arith.mulf %get3A_220, %add3A_280 : vector<16xf32>
        %add3A_283 = arith.addf %mul3A_281, %mul3A_282 : vector<16xf32>
        %add3A_284 = arith.addf %scan3A_197, %add3A_283 : vector<16xf32>
        scf.yield %add3A_284 : vector<16xf32>
      }
      %scan3A_151 = arith.constant 64 : i32
      %mul3A_152 = arith.constant 1.562500e-02 : f32
      %mul3A_153 = vector.broadcast %mul3A_152 : f32 to vector<16xf32>
      %mul3A_154 = arith.mulf %scan3A_150, %mul3A_153 : vector<16xf32>
      %mul3A_155 = arith.constant 16 : i32
      %mul3A_156 = arith.muli %mul3A_114, %mul3A_155 : i32
      %swap3A = arith.index_cast %mul3A_156 : i32 to index
      %swap3A_157 = tpu.vector_load %arg14[%swap3A] {strides = array<i32>} : memref<1024xf32, #tpu.memory_space<vmem>>, vector<16xf32>,
      %swap3A_158 = vector.shape_cast %swap3A_157 : vector<16xf32> to vector<16xf32>
      %swap3A_159 = vector.shape_cast %mul3A_154 : vector<16xf32> to vector<16xf32>
      tpu.vector_store %arg14[%swap3A], %swap3A_159 {strides = array<i32>} : memref<1024xf32, #tpu.memory_space<vmem>>, vector<16xf32>,
      %add3A_160 = arith.constant 3 : i32
      %add3A_161 = arith.addi %mul3A_114, %add3A_160 : i32
      %lt3A_162 = arith.constant 64 : i32
      %lt3A_163 = arith.cmpi slt, %add3A_161, %lt3A_162 : i32
      %convert_element_type3A_164 = arith.extui %lt3A_163 : i1 to i32
      %cond3A_165 = arith.constant 0 : i32
      %cond3A_166 = arith.cmpi ne, %convert_element_type3A_164, %cond3A_165 : i32
      scf.if %cond3A_166 {
        %add3A_196 = arith.constant 3 : i32
        %add3A_197 = arith.addi %mul3A_114, %add3A_196 : i32
        %mul3A_198 = arith.constant 1024 : i32
        %mul3A_199 = arith.muli %select_n3A, %mul3A_198 : i32
        %mul3A_200 = arith.constant 8 : i32
        %mul3A_201 = arith.muli %sub3A_19, %mul3A_200 : i32
        %jit3A_202 = arith.constant 8 : i32
        %div3A_203 = arith.divsi %add3A_197, %jit3A_202 : i32
        %sign3A_204 = arith.constant 0 : i32
        %sign3A_205 = arith.cmpi sgt, %add3A_197, %sign3A_204 : i32
        %sign3A_206 = arith.extui %sign3A_205 : i1 to i32
        %sign3A_207 = arith.constant 0 : i32
        %sign3A_208 = arith.cmpi slt, %add3A_197, %sign3A_207 : i32
        %sign3A_209 = arith.extui %sign3A_208 : i1 to i32
        %sign3A_210 = arith.subi %sign3A_206, %sign3A_209 : i32
        %sign3A_211 = arith.constant 0 : i32
        %sign3A_212 = arith.cmpi sgt, %jit3A_202, %sign3A_211 : i32
        %sign3A_213 = arith.extui %sign3A_212 : i1 to i32
        %sign3A_214 = arith.constant 0 : i32
        %sign3A_215 = arith.cmpi slt, %jit3A_202, %sign3A_214 : i32
        %sign3A_216 = arith.extui %sign3A_215 : i1 to i32
        %sign3A_217 = arith.subi %sign3A_213, %sign3A_216 : i32
        %ne3A_218 = arith.cmpi ne, %sign3A_210, %sign3A_217 : i32
        %rem3A_219 = arith.remsi %add3A_197, %jit3A_202 : i32
        %ne3A_220 = arith.constant 0 : i32
        %ne3A_221 = arith.cmpi ne, %rem3A_219, %ne3A_220 : i32
        %and3A_222 = arith.andi %ne3A_218, %ne3A_221 : i1
        %sub3A_223 = arith.constant 1 : i32
        %sub3A_224 = arith.subi %div3A_203, %sub3A_223 : i32
        %select_n3A_225 = arith.select %and3A_222, %sub3A_224, %div3A_203 : i32
        %add3A_226 = arith.addi %mul3A_201, %select_n3A_225 : i32
        %mul3A_227 = arith.constant 8 : i32
        %mul3A_228 = arith.muli %add3A_226, %mul3A_227 : i32
        %add3A_229 = arith.addi %mul3A_199, %mul3A_228 : i32
        %jit3A_230 = arith.constant 8 : i32
        %div3A_231 = arith.divsi %add3A_197, %jit3A_230 : i32
        %sign3A_232 = arith.constant 0 : i32
        %sign3A_233 = arith.cmpi sgt, %add3A_197, %sign3A_232 : i32
        %sign3A_234 = arith.extui %sign3A_233 : i1 to i32
        %sign3A_235 = arith.constant 0 : i32
        %sign3A_236 = arith.cmpi slt, %add3A_197, %sign3A_235 : i32
        %sign3A_237 = arith.extui %sign3A_236 : i1 to i32
        %sign3A_238 = arith.subi %sign3A_234, %sign3A_237 : i32
        %sign3A_239 = arith.constant 0 : i32
        %sign3A_240 = arith.cmpi sgt, %jit3A_230, %sign3A_239 : i32
        %sign3A_241 = arith.extui %sign3A_240 : i1 to i32
        %sign3A_242 = arith.constant 0 : i32
        %sign3A_243 = arith.cmpi slt, %jit3A_230, %sign3A_242 : i32
        %sign3A_244 = arith.extui %sign3A_243 : i1 to i32
        %sign3A_245 = arith.subi %sign3A_241, %sign3A_244 : i32
        %ne3A_246 = arith.cmpi ne, %sign3A_238, %sign3A_245 : i32
        %rem3A_247 = arith.remsi %add3A_197, %jit3A_230 : i32
        %ne3A_248 = arith.constant 0 : i32
        %ne3A_249 = arith.cmpi ne, %rem3A_247, %ne3A_248 : i32
        %and3A_250 = arith.andi %ne3A_246, %ne3A_249 : i1
        %sub3A_251 = arith.constant 1 : i32
        %sub3A_252 = arith.subi %div3A_231, %sub3A_251 : i32
        %select_n3A_253 = arith.select %and3A_250, %sub3A_252, %div3A_231 : i32
        %mul3A_254 = arith.constant 8 : i32
        %mul3A_255 = arith.muli %select_n3A_253, %mul3A_254 : i32
        %sub3A_256 = arith.subi %add3A_197, %mul3A_255 : i32
        %add3A_257 = arith.addi %add3A_229, %sub3A_256 : i32
        %dma_start3A_258 = arith.constant 0 : i32
        %dma_start3A_259 = arith.constant 0 : i32
        %dma_start3A_260 = arith.constant 0 : i32
        %dma_start3A_261 = tpu.memref_slice %arg3[%add3A_257, %dma_start3A_258, %dma_start3A_259, %dma_start3A_260] : memref<2048x3x64x16xf32, #tpu.memory_space<hbm>> -> memref<1x3x64x16xf32, #tpu.memory_space<hbm>>
        %dma_start3A_262 = tpu.memref_squeeze %dma_start3A_261 : memref<1x3x64x16xf32, #tpu.memory_space<hbm>> -> memref<3x64x16xf32, #tpu.memory_space<hbm>>
        %dma_start3A_263 = tpu.memref_slice %arg16[%scan3A_96] : memref<2x!tpu.dma_semaphore, #tpu.memory_space<semaphore_mem>> -> memref<1x!tpu.dma_semaphore, #tpu.memory_space<semaphore_mem>>
        %dma_start3A_264 = tpu.memref_squeeze %dma_start3A_263 : memref<1x!tpu.dma_semaphore, #tpu.memory_space<semaphore_mem>> -> memref<!tpu.dma_semaphore, #tpu.memory_space<semaphore_mem>>
        %dma_start3A_265 = arith.constant 0 : i32
        %dma_start3A_266 = arith.constant 0 : i32
        %dma_start3A_267 = arith.constant 0 : i32
        %dma_start3A_268 = tpu.memref_slice %arg3[%add3A_257, %dma_start3A_265, %dma_start3A_266, %dma_start3A_267] : memref<2048x3x64x16xf32, #tpu.memory_space<hbm>> -> memref<1x3x64x16xf32, #tpu.memory_space<hbm>>
        %dma_start3A_269 = tpu.memref_squeeze %dma_start3A_268 : memref<1x3x64x16xf32, #tpu.memory_space<hbm>> -> memref<3x64x16xf32, #tpu.memory_space<hbm>>
        tpu.enqueue_dma source(%dma_start3A_269 : memref<3x64x16xf32, #tpu.memory_space<hbm>>) target(%arg7 : memref<3x64x16xf32, #tpu.memory_space<vmem>>) target_semaphore(%dma_start3A_264 : memref<!tpu.dma_semaphore, #tpu.memory_space<semaphore_mem>>)
      } else {
      }
      %add3A_167 = arith.constant 2 : i32
      %add3A_168 = arith.addi %mul3A_114, %add3A_167 : i32
      %lt3A_169 = arith.constant 64 : i32
      %lt3A_170 = arith.cmpi slt, %add3A_168, %lt3A_169 : i32
      %convert_element_type3A_171 = arith.extui %lt3A_170 : i1 to i32
      %cond3A_172 = arith.constant 0 : i32
      %cond3A_173 = arith.cmpi ne, %convert_element_type3A_171, %cond3A_172 : i32
      scf.if %cond3A_173 {
        %dma_wait3A_196 = arith.constant 0 : i32
        %dma_wait3A_197 = arith.constant 0 : i32
        %dma_wait3A_198 = arith.constant 0 : i32
        %dma_wait3A_199 = arith.constant 0 : i32
        %dma_wait3A_200 = tpu.memref_slice %arg3[%dma_wait3A_196, %dma_wait3A_197, %dma_wait3A_198, %dma_wait3A_199] : memref<2048x3x64x16xf32, #tpu.memory_space<hbm>> -> memref<1x3x64x16xf32, #tpu.memory_space<hbm>>
        %dma_wait3A_201 = tpu.memref_squeeze %dma_wait3A_200 : memref<1x3x64x16xf32, #tpu.memory_space<hbm>> -> memref<3x64x16xf32, #tpu.memory_space<hbm>>
        %dma_wait3A_202 = tpu.memref_slice %arg16[%scan3A_95] : memref<2x!tpu.dma_semaphore, #tpu.memory_space<semaphore_mem>> -> memref<1x!tpu.dma_semaphore, #tpu.memory_space<semaphore_mem>>
        %dma_wait3A_203 = tpu.memref_squeeze %dma_wait3A_202 : memref<1x!tpu.dma_semaphore, #tpu.memory_space<semaphore_mem>> -> memref<!tpu.dma_semaphore, #tpu.memory_space<semaphore_mem>>
        %dma_wait3A_204 = arith.constant 0 : i32
        %dma_wait3A_205 = arith.constant 0 : i32
        %dma_wait3A_206 = arith.constant 0 : i32
        %dma_wait3A_207 = tpu.memref_slice %arg3[%dma_wait3A_196, %dma_wait3A_204, %dma_wait3A_205, %dma_wait3A_206] : memref<2048x3x64x16xf32, #tpu.memory_space<hbm>> -> memref<1x3x64x16xf32, #tpu.memory_space<hbm>>
        %dma_wait3A_208 = tpu.memref_squeeze %dma_wait3A_207 : memref<1x3x64x16xf32, #tpu.memory_space<hbm>> -> memref<3x64x16xf32, #tpu.memory_space<hbm>>
        tpu.wait_dma2 semaphore(%dma_wait3A_203 : memref<!tpu.dma_semaphore, #tpu.memory_space<semaphore_mem>>) src(%dma_wait3A_208 : memref<3x64x16xf32, #tpu.memory_space<hbm>>) dst(%arg6 : memref<3x64x16xf32, #tpu.memory_space<vmem>>)
        %scan3A_209 = arith.constant 0 : i32
        %scan3A_210 = arith.constant 0 : i32
        %scan3A_211 = arith.constant 64 : i32
        %scan3A_212 = arith.addi %scan3A_210, %scan3A_211 : i32
        %scan3A_213 = arith.constant 1 : i32
        %scan3A_214 = scf.for %scan3A_220 = %scan3A_210 to %scan3A_212 step %scan3A_213 iter_args(%scan3A_221 = %scan3A_209) -> (i32)  : i32 {
          %get3A = arith.constant 0 : i32
          %get3A_222 = arith.index_cast %get3A : i32 to index
          %get3A_223 = arith.index_cast %scan3A_220 : i32 to index
          %get3A_224 = arith.constant 0 : index
          %get3A_225 = tpu.vector_load %arg6[%get3A_222, %get3A_223, %get3A_224] {strides = array<i32>} : memref<3x64x16xf32, #tpu.memory_space<vmem>>, vector<1x1x16xf32>,
          %get3A_226 = vector.shape_cast %get3A_225 : vector<1x1x16xf32> to vector<16xf32>
          %get3A_227 = arith.constant 1 : i32
          %get3A_228 = arith.index_cast %get3A_227 : i32 to index
          %get3A_229 = arith.index_cast %scan3A_220 : i32 to index
          %get3A_230 = arith.constant 0 : index
          %get3A_231 = tpu.vector_load %arg6[%get3A_228, %get3A_229, %get3A_230] {strides = array<i32>} : memref<3x64x16xf32, #tpu.memory_space<vmem>>, vector<1x1x16xf32>,
          %get3A_232 = vector.shape_cast %get3A_231 : vector<1x1x16xf32> to vector<16xf32>
          %get3A_233 = arith.constant 2 : i32
          %get3A_234 = arith.index_cast %get3A_233 : i32 to index
          %get3A_235 = arith.index_cast %scan3A_220 : i32 to index
          %get3A_236 = arith.constant 0 : index
          %get3A_237 = tpu.vector_load %arg6[%get3A_234, %get3A_235, %get3A_236] {strides = array<i32>} : memref<3x64x16xf32, #tpu.memory_space<vmem>>, vector<1x1x16xf32>,
          %get3A_238 = vector.shape_cast %get3A_237 : vector<1x1x16xf32> to vector<16xf32>
          %convert_element_type3A_239 = arith.fptosi %get3A_226 : vector<16xf32> to vector<16xi32>
          %jit3A_240 = arith.constant 0 : i32
          %jit3A_241 = arith.constant 127 : i32
          %max3A = vector.broadcast %jit3A_240 : i32 to vector<16xi32>
          %max3A_242 = arith.maxsi %max3A, %convert_element_type3A_239 : vector<16xi32>
          %min3A = vector.broadcast %jit3A_241 : i32 to vector<16xi32>
          %min3A_243 = arith.minsi %min3A, %max3A_242 : vector<16xi32>
          %convert_element_type3A_244 = arith.fptosi %get3A_232 : vector<16xf32> to vector<16xi32>
          %jit3A_245 = arith.constant 0 : i32
          %jit3A_246 = arith.constant 127 : i32
          %max3A_247 = vector.broadcast %jit3A_245 : i32 to vector<16xi32>
          %max3A_248 = arith.maxsi %max3A_247, %convert_element_type3A_244 : vector<16xi32>
          %min3A_249 = vector.broadcast %jit3A_246 : i32 to vector<16xi32>
          %min3A_250 = arith.minsi %min3A_249, %max3A_248 : vector<16xi32>
          %convert_element_type3A_251 = arith.fptosi %get3A_238 : vector<16xf32> to vector<16xi32>
          %jit3A_252 = arith.constant 0 : i32
          %jit3A_253 = arith.constant 127 : i32
          %max3A_254 = vector.broadcast %jit3A_252 : i32 to vector<16xi32>
          %max3A_255 = arith.maxsi %max3A_254, %convert_element_type3A_251 : vector<16xi32>
          %min3A_256 = vector.broadcast %jit3A_253 : i32 to vector<16xi32>
          %min3A_257 = arith.minsi %min3A_256, %max3A_255 : vector<16xi32>
          %convert_element_type3A_258 = arith.sitofp %min3A_243 : vector<16xi32> to vector<16xf32>
          %convert_element_type3A_259 = arith.sitofp %min3A_250 : vector<16xi32> to vector<16xf32>
          %convert_element_type3A_260 = arith.sitofp %min3A_257 : vector<16xi32> to vector<16xf32>
          %add3A_261 = arith.constant 1.000000e+00 : f32
          %add3A_262 = vector.broadcast %add3A_261 : f32 to vector<16xf32>
          %add3A_263 = arith.addf %convert_element_type3A_258, %add3A_262 : vector<16xf32>
          %min3A_264 = arith.constant 1.270000e+02 : f32
          %min3A_265 = vector.broadcast %min3A_264 : f32 to vector<16xf32>
          %min3A_266 = arith.minimumf %add3A_263, %min3A_265 : vector<16xf32>
          %add3A_267 = arith.constant 1.000000e+00 : f32
          %add3A_268 = vector.broadcast %add3A_267 : f32 to vector<16xf32>
          %add3A_269 = arith.addf %convert_element_type3A_259, %add3A_268 : vector<16xf32>
          %min3A_270 = arith.constant 1.270000e+02 : f32
          %min3A_271 = vector.broadcast %min3A_270 : f32 to vector<16xf32>
          %min3A_272 = arith.minimumf %add3A_269, %min3A_271 : vector<16xf32>
          %add3A_273 = arith.constant 1.000000e+00 : f32
          %add3A_274 = vector.broadcast %add3A_273 : f32 to vector<16xf32>
          %add3A_275 = arith.addf %convert_element_type3A_260, %add3A_274 : vector<16xf32>
          %min3A_276 = arith.constant 1.270000e+02 : f32
          %min3A_277 = vector.broadcast %min3A_276 : f32 to vector<16xf32>
          %min3A_278 = arith.minimumf %add3A_275, %min3A_277 : vector<16xf32>
          %convert_element_type3A_279 = arith.fptosi %min3A_266 : vector<16xf32> to vector<16xi32>
          %convert_element_type3A_280 = arith.fptosi %min3A_272 : vector<16xf32> to vector<16xi32>
          %convert_element_type3A_281 = arith.fptosi %min3A_278 : vector<16xf32> to vector<16xi32>
          %sub3A_282 = arith.subf %min3A_266, %get3A_226 : vector<16xf32>
          %sub3A_283 = arith.subf %get3A_226, %convert_element_type3A_258 : vector<16xf32>
          %sub3A_284 = arith.subf %min3A_272, %get3A_232 : vector<16xf32>
          %sub3A_285 = arith.subf %get3A_232, %convert_element_type3A_259 : vector<16xf32>
          %sub3A_286 = arith.subf %min3A_278, %get3A_238 : vector<16xf32>
          %sub3A_287 = arith.subf %get3A_238, %convert_element_type3A_260 : vector<16xf32>
          %ge3A = arith.constant 0.000000e+00 : f32
          %ge3A_288 = vector.broadcast %ge3A : f32 to vector<16xf32>
          %ge3A_289 = arith.cmpf oge, %get3A_226, %ge3A_288 : vector<16xf32>
          %le3A = arith.constant 1.280000e+02 : f32
          %le3A_290 = vector.broadcast %le3A : f32 to vector<16xf32>
          %le3A_291 = arith.cmpf ole, %get3A_226, %le3A_290 : vector<16xf32>
          %and3A_292 = arith.andi %ge3A_289, %le3A_291 : vector<16xi1>
          %ge3A_293 = arith.constant 0.000000e+00 : f32
          %ge3A_294 = vector.broadcast %ge3A_293 : f32 to vector<16xf32>
          %ge3A_295 = arith.cmpf oge, %get3A_232, %ge3A_294 : vector<16xf32>
          %and3A_296 = arith.andi %and3A_292, %ge3A_295 : vector<16xi1>
          %le3A_297 = arith.constant 1.280000e+02 : f32
          %le3A_298 = vector.broadcast %le3A_297 : f32 to vector<16xf32>
          %le3A_299 = arith.cmpf ole, %get3A_232, %le3A_298 : vector<16xf32>
          %and3A_300 = arith.andi %and3A_296, %le3A_299 : vector<16xi1>
          %ge3A_301 = arith.constant 0.000000e+00 : f32
          %ge3A_302 = vector.broadcast %ge3A_301 : f32 to vector<16xf32>
          %ge3A_303 = arith.cmpf oge, %get3A_238, %ge3A_302 : vector<16xf32>
          %and3A_304 = arith.andi %and3A_300, %ge3A_303 : vector<16xi1>
          %le3A_305 = arith.constant 1.280000e+02 : f32
          %le3A_306 = vector.broadcast %le3A_305 : f32 to vector<16xf32>
          %le3A_307 = arith.cmpf ole, %get3A_238, %le3A_306 : vector<16xf32>
          %and3A_308 = arith.andi %and3A_304, %le3A_307 : vector<16xi1>
          %jit3A_309 = arith.constant 1.000000e+00 : f32
          %jit3A_310 = arith.constant 0.000000e+00 : f32
          %broadcast_in_dim3A_311 = vector.broadcast %jit3A_309 : f32 to vector<16xf32>
          %broadcast_in_dim3A_312 = vector.broadcast %jit3A_310 : f32 to vector<16xf32>
          %select_n3A_313 = arith.select %and3A_308, %broadcast_in_dim3A_311, %broadcast_in_dim3A_312 : vector<16xi1>, vector<16xf32>
          %mul3A_314 = arith.mulf %sub3A_286, %select_n3A_313 : vector<16xf32>
          %mul3A_315 = arith.mulf %sub3A_287, %select_n3A_313 : vector<16xf32>
          %mul3A_316 = arith.constant 16384 : i32
          %mul3A_317 = vector.broadcast %mul3A_316 : i32 to vector<16xi32>
          %mul3A_318 = arith.muli %min3A_257, %mul3A_317 : vector<16xi32>
          %add3A_319 = vector.broadcast %mul3A_23 : i32 to vector<16xi32>
          %add3A_320 = arith.addi %add3A_319, %mul3A_318 : vector<16xi32>
          %mul3A_321 = arith.constant 128 : i32
          %mul3A_322 = vector.broadcast %mul3A_321 : i32 to vector<16xi32>
          %mul3A_323 = arith.muli %min3A_250, %mul3A_322 : vector<16xi32>
          %add3A_324 = arith.addi %add3A_320, %mul3A_323 : vector<16xi32>
          %mul3A_325 = arith.constant 16384 : i32
          %mul3A_326 = vector.broadcast %mul3A_325 : i32 to vector<16xi32>
          %mul3A_327 = arith.muli %min3A_257, %mul3A_326 : vector<16xi32>
          %add3A_328 = vector.broadcast %mul3A_23 : i32 to vector<16xi32>
          %add3A_329 = arith.addi %add3A_328, %mul3A_327 : vector<16xi32>
          %mul3A_330 = arith.constant 128 : i32
          %mul3A_331 = vector.broadcast %mul3A_330 : i32 to vector<16xi32>
          %mul3A_332 = arith.muli %convert_element_type3A_280, %mul3A_331 : vector<16xi32>
          %add3A_333 = arith.addi %add3A_329, %mul3A_332 : vector<16xi32>
          %mul3A_334 = arith.constant 16384 : i32
          %mul3A_335 = vector.broadcast %mul3A_334 : i32 to vector<16xi32>
          %mul3A_336 = arith.muli %convert_element_type3A_281, %mul3A_335 : vector<16xi32>
          %add3A_337 = vector.broadcast %mul3A_23 : i32 to vector<16xi32>
          %add3A_338 = arith.addi %add3A_337, %mul3A_336 : vector<16xi32>
          %mul3A_339 = arith.constant 128 : i32
          %mul3A_340 = vector.broadcast %mul3A_339 : i32 to vector<16xi32>
          %mul3A_341 = arith.muli %min3A_250, %mul3A_340 : vector<16xi32>
          %add3A_342 = arith.addi %add3A_338, %mul3A_341 : vector<16xi32>
          %mul3A_343 = arith.constant 16384 : i32
          %mul3A_344 = vector.broadcast %mul3A_343 : i32 to vector<16xi32>
          %mul3A_345 = arith.muli %convert_element_type3A_281, %mul3A_344 : vector<16xi32>
          %add3A_346 = vector.broadcast %mul3A_23 : i32 to vector<16xi32>
          %add3A_347 = arith.addi %add3A_346, %mul3A_345 : vector<16xi32>
          %mul3A_348 = arith.constant 128 : i32
          %mul3A_349 = vector.broadcast %mul3A_348 : i32 to vector<16xi32>
          %mul3A_350 = arith.muli %convert_element_type3A_280, %mul3A_349 : vector<16xi32>
          %add3A_351 = arith.addi %add3A_347, %mul3A_350 : vector<16xi32>
          %mul3A_352 = arith.constant 128 : i32
          %mul3A_353 = arith.muli %scan3A_220, %mul3A_352 : i32
          %add3A_354 = arith.addi %add3A_324, %min3A_243 : vector<16xi32>
          %add3A_355 = arith.constant 0 : i32
          %add3A_356 = arith.addi %mul3A_353, %add3A_355 : i32
          %swap3A_357 = arith.index_cast %add3A_356 : i32 to index
          %swap3A_358 = tpu.vector_load %arg8[%swap3A_357] {strides = array<i32>} : memref<8192xi32, #tpu.memory_space<vmem>>, vector<16xi32>,
          %swap3A_359 = vector.shape_cast %swap3A_358 : vector<16xi32> to vector<16xi32>
          %swap3A_360 = vector.shape_cast %add3A_354 : vector<16xi32> to vector<16xi32>
          tpu.vector_store %arg8[%swap3A_357], %swap3A_360 {strides = array<i32>} : memref<8192xi32, #tpu.memory_space<vmem>>, vector<16xi32>,
          %add3A_361 = arith.addi %add3A_324, %convert_element_type3A_279 : vector<16xi32>
          %add3A_362 = arith.constant 16 : i32
          %add3A_363 = arith.addi %mul3A_353, %add3A_362 : i32
          %swap3A_364 = arith.index_cast %add3A_363 : i32 to index
          %swap3A_365 = tpu.vector_load %arg8[%swap3A_364] {strides = array<i32>} : memref<8192xi32, #tpu.memory_space<vmem>>, vector<16xi32>,
          %swap3A_366 = vector.shape_cast %swap3A_365 : vector<16xi32> to vector<16xi32>
          %swap3A_367 = vector.shape_cast %add3A_361 : vector<16xi32> to vector<16xi32>
          tpu.vector_store %arg8[%swap3A_364], %swap3A_367 {strides = array<i32>} : memref<8192xi32, #tpu.memory_space<vmem>>, vector<16xi32>,
          %add3A_368 = arith.addi %add3A_333, %min3A_243 : vector<16xi32>
          %add3A_369 = arith.constant 32 : i32
          %add3A_370 = arith.addi %mul3A_353, %add3A_369 : i32
          %swap3A_371 = arith.index_cast %add3A_370 : i32 to index
          %swap3A_372 = tpu.vector_load %arg8[%swap3A_371] {strides = array<i32>} : memref<8192xi32, #tpu.memory_space<vmem>>, vector<16xi32>,
          %swap3A_373 = vector.shape_cast %swap3A_372 : vector<16xi32> to vector<16xi32>
          %swap3A_374 = vector.shape_cast %add3A_368 : vector<16xi32> to vector<16xi32>
          tpu.vector_store %arg8[%swap3A_371], %swap3A_374 {strides = array<i32>} : memref<8192xi32, #tpu.memory_space<vmem>>, vector<16xi32>,
          %add3A_375 = arith.addi %add3A_333, %convert_element_type3A_279 : vector<16xi32>
          %add3A_376 = arith.constant 48 : i32
          %add3A_377 = arith.addi %mul3A_353, %add3A_376 : i32
          %swap3A_378 = arith.index_cast %add3A_377 : i32 to index
          %swap3A_379 = tpu.vector_load %arg8[%swap3A_378] {strides = array<i32>} : memref<8192xi32, #tpu.memory_space<vmem>>, vector<16xi32>,
          %swap3A_380 = vector.shape_cast %swap3A_379 : vector<16xi32> to vector<16xi32>
          %swap3A_381 = vector.shape_cast %add3A_375 : vector<16xi32> to vector<16xi32>
          tpu.vector_store %arg8[%swap3A_378], %swap3A_381 {strides = array<i32>} : memref<8192xi32, #tpu.memory_space<vmem>>, vector<16xi32>,
          %add3A_382 = arith.addi %add3A_342, %min3A_243 : vector<16xi32>
          %add3A_383 = arith.constant 64 : i32
          %add3A_384 = arith.addi %mul3A_353, %add3A_383 : i32
          %swap3A_385 = arith.index_cast %add3A_384 : i32 to index
          %swap3A_386 = tpu.vector_load %arg8[%swap3A_385] {strides = array<i32>} : memref<8192xi32, #tpu.memory_space<vmem>>, vector<16xi32>,
          %swap3A_387 = vector.shape_cast %swap3A_386 : vector<16xi32> to vector<16xi32>
          %swap3A_388 = vector.shape_cast %add3A_382 : vector<16xi32> to vector<16xi32>
          tpu.vector_store %arg8[%swap3A_385], %swap3A_388 {strides = array<i32>} : memref<8192xi32, #tpu.memory_space<vmem>>, vector<16xi32>,
          %add3A_389 = arith.addi %add3A_342, %convert_element_type3A_279 : vector<16xi32>
          %add3A_390 = arith.constant 80 : i32
          %add3A_391 = arith.addi %mul3A_353, %add3A_390 : i32
          %swap3A_392 = arith.index_cast %add3A_391 : i32 to index
          %swap3A_393 = tpu.vector_load %arg8[%swap3A_392] {strides = array<i32>} : memref<8192xi32, #tpu.memory_space<vmem>>, vector<16xi32>,
          %swap3A_394 = vector.shape_cast %swap3A_393 : vector<16xi32> to vector<16xi32>
          %swap3A_395 = vector.shape_cast %add3A_389 : vector<16xi32> to vector<16xi32>
          tpu.vector_store %arg8[%swap3A_392], %swap3A_395 {strides = array<i32>} : memref<8192xi32, #tpu.memory_space<vmem>>, vector<16xi32>,
          %add3A_396 = arith.addi %add3A_351, %min3A_243 : vector<16xi32>
          %add3A_397 = arith.constant 96 : i32
          %add3A_398 = arith.addi %mul3A_353, %add3A_397 : i32
          %swap3A_399 = arith.index_cast %add3A_398 : i32 to index
          %swap3A_400 = tpu.vector_load %arg8[%swap3A_399] {strides = array<i32>} : memref<8192xi32, #tpu.memory_space<vmem>>, vector<16xi32>,
          %swap3A_401 = vector.shape_cast %swap3A_400 : vector<16xi32> to vector<16xi32>
          %swap3A_402 = vector.shape_cast %add3A_396 : vector<16xi32> to vector<16xi32>
          tpu.vector_store %arg8[%swap3A_399], %swap3A_402 {strides = array<i32>} : memref<8192xi32, #tpu.memory_space<vmem>>, vector<16xi32>,
          %add3A_403 = arith.addi %add3A_351, %convert_element_type3A_279 : vector<16xi32>
          %add3A_404 = arith.constant 112 : i32
          %add3A_405 = arith.addi %mul3A_353, %add3A_404 : i32
          %swap3A_406 = arith.index_cast %add3A_405 : i32 to index
          %swap3A_407 = tpu.vector_load %arg8[%swap3A_406] {strides = array<i32>} : memref<8192xi32, #tpu.memory_space<vmem>>, vector<16xi32>,
          %swap3A_408 = vector.shape_cast %swap3A_407 : vector<16xi32> to vector<16xi32>
          %swap3A_409 = vector.shape_cast %add3A_403 : vector<16xi32> to vector<16xi32>
          tpu.vector_store %arg8[%swap3A_406], %swap3A_409 {strides = array<i32>} : memref<8192xi32, #tpu.memory_space<vmem>>, vector<16xi32>,
          %swap3A_410 = arith.index_cast %scan3A_220 : i32 to index
          %swap3A_411 = arith.constant 0 : index
          %swap3A_412 = tpu.vector_load %arg10[%swap3A_410, %swap3A_411] {strides = array<i32>} : memref<64x96xf32, #tpu.memory_space<vmem>>, vector<1x16xf32>,
          %swap3A_413 = vector.shape_cast %swap3A_412 : vector<1x16xf32> to vector<16xf32>
          %swap3A_414 = vector.shape_cast %sub3A_282 : vector<16xf32> to vector<1x16xf32>
          tpu.vector_store %arg10[%swap3A_410, %swap3A_411], %swap3A_414 {strides = array<i32>} : memref<64x96xf32, #tpu.memory_space<vmem>>, vector<1x16xf32>,
          %swap3A_415 = arith.index_cast %scan3A_220 : i32 to index
          %swap3A_416 = arith.constant 16 : index
          %swap3A_417 = tpu.vector_load %arg10[%swap3A_415, %swap3A_416] {strides = array<i32>} : memref<64x96xf32, #tpu.memory_space<vmem>>, vector<1x16xf32>,
          %swap3A_418 = vector.shape_cast %swap3A_417 : vector<1x16xf32> to vector<16xf32>
          %swap3A_419 = vector.shape_cast %sub3A_283 : vector<16xf32> to vector<1x16xf32>
          tpu.vector_store %arg10[%swap3A_415, %swap3A_416], %swap3A_419 {strides = array<i32>} : memref<64x96xf32, #tpu.memory_space<vmem>>, vector<1x16xf32>,
          %swap3A_420 = arith.index_cast %scan3A_220 : i32 to index
          %swap3A_421 = arith.constant 32 : index
          %swap3A_422 = tpu.vector_load %arg10[%swap3A_420, %swap3A_421] {strides = array<i32>} : memref<64x96xf32, #tpu.memory_space<vmem>>, vector<1x16xf32>,
          %swap3A_423 = vector.shape_cast %swap3A_422 : vector<1x16xf32> to vector<16xf32>
          %swap3A_424 = vector.shape_cast %sub3A_284 : vector<16xf32> to vector<1x16xf32>
          tpu.vector_store %arg10[%swap3A_420, %swap3A_421], %swap3A_424 {strides = array<i32>} : memref<64x96xf32, #tpu.memory_space<vmem>>, vector<1x16xf32>,
          %swap3A_425 = arith.index_cast %scan3A_220 : i32 to index
          %swap3A_426 = arith.constant 48 : index
          %swap3A_427 = tpu.vector_load %arg10[%swap3A_425, %swap3A_426] {strides = array<i32>} : memref<64x96xf32, #tpu.memory_space<vmem>>, vector<1x16xf32>,
          %swap3A_428 = vector.shape_cast %swap3A_427 : vector<1x16xf32> to vector<16xf32>
          %swap3A_429 = vector.shape_cast %sub3A_285 : vector<16xf32> to vector<1x16xf32>
          tpu.vector_store %arg10[%swap3A_425, %swap3A_426], %swap3A_429 {strides = array<i32>} : memref<64x96xf32, #tpu.memory_space<vmem>>, vector<1x16xf32>,
          %swap3A_430 = arith.index_cast %scan3A_220 : i32 to index
          %swap3A_431 = arith.constant 64 : index
          %swap3A_432 = tpu.vector_load %arg10[%swap3A_430, %swap3A_431] {strides = array<i32>} : memref<64x96xf32, #tpu.memory_space<vmem>>, vector<1x16xf32>,
          %swap3A_433 = vector.shape_cast %swap3A_432 : vector<1x16xf32> to vector<16xf32>
          %swap3A_434 = vector.shape_cast %mul3A_314 : vector<16xf32> to vector<1x16xf32>
          tpu.vector_store %arg10[%swap3A_430, %swap3A_431], %swap3A_434 {strides = array<i32>} : memref<64x96xf32, #tpu.memory_space<vmem>>, vector<1x16xf32>,
          %swap3A_435 = arith.index_cast %scan3A_220 : i32 to index
          %swap3A_436 = arith.constant 80 : index
          %swap3A_437 = tpu.vector_load %arg10[%swap3A_435, %swap3A_436] {strides = array<i32>} : memref<64x96xf32, #tpu.memory_space<vmem>>, vector<1x16xf32>,
          %swap3A_438 = vector.shape_cast %swap3A_437 : vector<1x16xf32> to vector<16xf32>
          %swap3A_439 = vector.shape_cast %mul3A_315 : vector<16xf32> to vector<1x16xf32>
          tpu.vector_store %arg10[%swap3A_435, %swap3A_436], %swap3A_439 {strides = array<i32>} : memref<64x96xf32, #tpu.memory_space<vmem>>, vector<1x16xf32>,
          %scan3A_440 = arith.constant 0 : i32
          scf.yield %scan3A_440 : i32
        }
        %scan3A_215 = arith.constant 64 : i32
        %dma_start3A_216 = arith.constant 0 : i32
        %dma_start3A_217 = tpu.memref_slice %arg2[%dma_start3A_216] : memref<8388608xf32, #tpu.memory_space<hbm>> -> memref<8388608xf32, #tpu.memory_space<hbm>>
        %dma_start3A_218 = tpu.memref_slice %arg15[%scan3A_98] : memref<2x!tpu.dma_semaphore, #tpu.memory_space<semaphore_mem>> -> memref<1x!tpu.dma_semaphore, #tpu.memory_space<semaphore_mem>>
        %dma_start3A_219 = tpu.memref_squeeze %dma_start3A_218 : memref<1x!tpu.dma_semaphore, #tpu.memory_space<semaphore_mem>> -> memref<!tpu.dma_semaphore, #tpu.memory_space<semaphore_mem>>
        tpu.enqueue_indirect_dma source(%dma_start3A_217 : memref<8388608xf32, #tpu.memory_space<hbm>>) target(%arg12 : memref<8192xf32, #tpu.memory_space<vmem>>) offsets(%arg8 : memref<8192xi32, #tpu.memory_space<vmem>>) semaphore(%dma_start3A_219 : memref<!tpu.dma_semaphore, #tpu.memory_space<semaphore_mem>>)
      } else {
      }
      %dma_wait3A_174 = tpu.memref_slice %arg15[%scan3A_97] : memref<2x!tpu.dma_semaphore, #tpu.memory_space<semaphore_mem>> -> memref<1x!tpu.dma_semaphore, #tpu.memory_space<semaphore_mem>>
      %dma_wait3A_175 = tpu.memref_squeeze %dma_wait3A_174 : memref<1x!tpu.dma_semaphore, #tpu.memory_space<semaphore_mem>> -> memref<!tpu.dma_semaphore, #tpu.memory_space<semaphore_mem>>
      tpu.wait_dma2 semaphore(%dma_wait3A_175 : memref<!tpu.dma_semaphore, #tpu.memory_space<semaphore_mem>>) src(%arg4 : memref<8192xf32, #tpu.memory_space<hbm>>) dst(%arg13 : memref<8192xf32, #tpu.memory_space<vmem>>)
      %broadcast_in_dim3A_176 = arith.constant 0.000000e+00 : f32
      %broadcast_in_dim3A_177 = vector.broadcast %broadcast_in_dim3A_176 : f32 to vector<16xf32>
      %scan3A_178 = arith.constant 0 : i32
      %scan3A_179 = arith.constant 64 : i32
      %scan3A_180 = arith.addi %scan3A_178, %scan3A_179 : i32
      %scan3A_181 = arith.constant 1 : i32
      %scan3A_182 = scf.for %scan3A_196 = %scan3A_178 to %scan3A_180 step %scan3A_181 iter_args(%scan3A_197 = %broadcast_in_dim3A_177) -> (vector<16xf32>)  : i32 {
        %get3A = arith.index_cast %scan3A_196 : i32 to index
        %get3A_198 = arith.constant 0 : index
        %get3A_199 = tpu.vector_load %arg11[%get3A, %get3A_198] {strides = array<i32>} : memref<64x96xf32, #tpu.memory_space<vmem>>, vector<1x16xf32>,
        %get3A_200 = vector.shape_cast %get3A_199 : vector<1x16xf32> to vector<16xf32>
        %get3A_201 = arith.index_cast %scan3A_196 : i32 to index
        %get3A_202 = arith.constant 16 : index
        %get3A_203 = tpu.vector_load %arg11[%get3A_201, %get3A_202] {strides = array<i32>} : memref<64x96xf32, #tpu.memory_space<vmem>>, vector<1x16xf32>,
        %get3A_204 = vector.shape_cast %get3A_203 : vector<1x16xf32> to vector<16xf32>
        %get3A_205 = arith.index_cast %scan3A_196 : i32 to index
        %get3A_206 = arith.constant 32 : index
        %get3A_207 = tpu.vector_load %arg11[%get3A_205, %get3A_206] {strides = array<i32>} : memref<64x96xf32, #tpu.memory_space<vmem>>, vector<1x16xf32>,
        %get3A_208 = vector.shape_cast %get3A_207 : vector<1x16xf32> to vector<16xf32>
        %get3A_209 = arith.index_cast %scan3A_196 : i32 to index
        %get3A_210 = arith.constant 48 : index
        %get3A_211 = tpu.vector_load %arg11[%get3A_209, %get3A_210] {strides = array<i32>} : memref<64x96xf32, #tpu.memory_space<vmem>>, vector<1x16xf32>,
        %get3A_212 = vector.shape_cast %get3A_211 : vector<1x16xf32> to vector<16xf32>
        %get3A_213 = arith.index_cast %scan3A_196 : i32 to index
        %get3A_214 = arith.constant 64 : index
        %get3A_215 = tpu.vector_load %arg11[%get3A_213, %get3A_214] {strides = array<i32>} : memref<64x96xf32, #tpu.memory_space<vmem>>, vector<1x16xf32>,
        %get3A_216 = vector.shape_cast %get3A_215 : vector<1x16xf32> to vector<16xf32>
        %get3A_217 = arith.index_cast %scan3A_196 : i32 to index
        %get3A_218 = arith.constant 80 : index
        %get3A_219 = tpu.vector_load %arg11[%get3A_217, %get3A_218] {strides = array<i32>} : memref<64x96xf32, #tpu.memory_space<vmem>>, vector<1x16xf32>,
        %get3A_220 = vector.shape_cast %get3A_219 : vector<1x16xf32> to vector<16xf32>
        %mul3A_221 = arith.constant 128 : i32
        %mul3A_222 = arith.muli %scan3A_196, %mul3A_221 : i32
        %add3A_223 = arith.constant 0 : i32
        %add3A_224 = arith.addi %mul3A_222, %add3A_223 : i32
        %get3A_225 = arith.index_cast %add3A_224 : i32 to index
        %get3A_226 = tpu.vector_load %arg13[%get3A_225] {strides = array<i32>} : memref<8192xf32, #tpu.memory_space<vmem>>, vector<16xf32>,
        %get3A_227 = vector.shape_cast %get3A_226 : vector<16xf32> to vector<16xf32>
        %add3A_228 = arith.constant 16 : i32
        %add3A_229 = arith.addi %mul3A_222, %add3A_228 : i32
        %get3A_230 = arith.index_cast %add3A_229 : i32 to index
        %get3A_231 = tpu.vector_load %arg13[%get3A_230] {strides = array<i32>} : memref<8192xf32, #tpu.memory_space<vmem>>, vector<16xf32>,
        %get3A_232 = vector.shape_cast %get3A_231 : vector<16xf32> to vector<16xf32>
        %add3A_233 = arith.constant 32 : i32
        %add3A_234 = arith.addi %mul3A_222, %add3A_233 : i32
        %get3A_235 = arith.index_cast %add3A_234 : i32 to index
        %get3A_236 = tpu.vector_load %arg13[%get3A_235] {strides = array<i32>} : memref<8192xf32, #tpu.memory_space<vmem>>, vector<16xf32>,
        %get3A_237 = vector.shape_cast %get3A_236 : vector<16xf32> to vector<16xf32>
        %add3A_238 = arith.constant 48 : i32
        %add3A_239 = arith.addi %mul3A_222, %add3A_238 : i32
        %get3A_240 = arith.index_cast %add3A_239 : i32 to index
        %get3A_241 = tpu.vector_load %arg13[%get3A_240] {strides = array<i32>} : memref<8192xf32, #tpu.memory_space<vmem>>, vector<16xf32>,
        %get3A_242 = vector.shape_cast %get3A_241 : vector<16xf32> to vector<16xf32>
        %add3A_243 = arith.constant 64 : i32
        %add3A_244 = arith.addi %mul3A_222, %add3A_243 : i32
        %get3A_245 = arith.index_cast %add3A_244 : i32 to index
        %get3A_246 = tpu.vector_load %arg13[%get3A_245] {strides = array<i32>} : memref<8192xf32, #tpu.memory_space<vmem>>, vector<16xf32>,
        %get3A_247 = vector.shape_cast %get3A_246 : vector<16xf32> to vector<16xf32>
        %add3A_248 = arith.constant 80 : i32
        %add3A_249 = arith.addi %mul3A_222, %add3A_248 : i32
        %get3A_250 = arith.index_cast %add3A_249 : i32 to index
        %get3A_251 = tpu.vector_load %arg13[%get3A_250] {strides = array<i32>} : memref<8192xf32, #tpu.memory_space<vmem>>, vector<16xf32>,
        %get3A_252 = vector.shape_cast %get3A_251 : vector<16xf32> to vector<16xf32>
        %add3A_253 = arith.constant 96 : i32
        %add3A_254 = arith.addi %mul3A_222, %add3A_253 : i32
        %get3A_255 = arith.index_cast %add3A_254 : i32 to index
        %get3A_256 = tpu.vector_load %arg13[%get3A_255] {strides = array<i32>} : memref<8192xf32, #tpu.memory_space<vmem>>, vector<16xf32>,
        %get3A_257 = vector.shape_cast %get3A_256 : vector<16xf32> to vector<16xf32>
        %add3A_258 = arith.constant 112 : i32
        %add3A_259 = arith.addi %mul3A_222, %add3A_258 : i32
        %get3A_260 = arith.index_cast %add3A_259 : i32 to index
        %get3A_261 = tpu.vector_load %arg13[%get3A_260] {strides = array<i32>} : memref<8192xf32, #tpu.memory_space<vmem>>, vector<16xf32>,
        %get3A_262 = vector.shape_cast %get3A_261 : vector<16xf32> to vector<16xf32>
        %mul3A_263 = arith.mulf %get3A_200, %get3A_227 : vector<16xf32>
        %mul3A_264 = arith.mulf %get3A_204, %get3A_232 : vector<16xf32>
        %add3A_265 = arith.addf %mul3A_263, %mul3A_264 : vector<16xf32>
        %mul3A_266 = arith.mulf %get3A_208, %add3A_265 : vector<16xf32>
        %mul3A_267 = arith.mulf %get3A_200, %get3A_237 : vector<16xf32>
        %mul3A_268 = arith.mulf %get3A_204, %get3A_242 : vector<16xf32>
        %add3A_269 = arith.addf %mul3A_267, %mul3A_268 : vector<16xf32>
        %mul3A_270 = arith.mulf %get3A_212, %add3A_269 : vector<16xf32>
        %add3A_271 = arith.addf %mul3A_266, %mul3A_270 : vector<16xf32>
        %mul3A_272 = arith.mulf %get3A_200, %get3A_247 : vector<16xf32>
        %mul3A_273 = arith.mulf %get3A_204, %get3A_252 : vector<16xf32>
        %add3A_274 = arith.addf %mul3A_272, %mul3A_273 : vector<16xf32>
        %mul3A_275 = arith.mulf %get3A_208, %add3A_274 : vector<16xf32>
        %mul3A_276 = arith.mulf %get3A_200, %get3A_257 : vector<16xf32>
        %mul3A_277 = arith.mulf %get3A_204, %get3A_262 : vector<16xf32>
        %add3A_278 = arith.addf %mul3A_276, %mul3A_277 : vector<16xf32>
        %mul3A_279 = arith.mulf %get3A_212, %add3A_278 : vector<16xf32>
        %add3A_280 = arith.addf %mul3A_275, %mul3A_279 : vector<16xf32>
        %mul3A_281 = arith.mulf %get3A_216, %add3A_271 : vector<16xf32>
        %mul3A_282 = arith.mulf %get3A_220, %add3A_280 : vector<16xf32>
        %add3A_283 = arith.addf %mul3A_281, %mul3A_282 : vector<16xf32>
        %add3A_284 = arith.addf %scan3A_197, %add3A_283 : vector<16xf32>
        scf.yield %add3A_284 : vector<16xf32>
      }
      %scan3A_183 = arith.constant 64 : i32
      %mul3A_184 = arith.constant 1.562500e-02 : f32
      %mul3A_185 = vector.broadcast %mul3A_184 : f32 to vector<16xf32>
      %mul3A_186 = arith.mulf %scan3A_182, %mul3A_185 : vector<16xf32>
      %add3A_187 = arith.constant 1 : i32
      %add3A_188 = arith.addi %mul3A_114, %add3A_187 : i32
      %mul3A_189 = arith.constant 16 : i32
      %mul3A_190 = arith.muli %add3A_188, %mul3A_189 : i32
      %swap3A_191 = arith.index_cast %mul3A_190 : i32 to index
      %swap3A_192 = tpu.vector_load %arg14[%swap3A_191] {strides = array<i32>} : memref<1024xf32, #tpu.memory_space<vmem>>, vector<16xf32>,
      %swap3A_193 = vector.shape_cast %swap3A_192 : vector<16xf32> to vector<16xf32>
      %swap3A_194 = vector.shape_cast %mul3A_186 : vector<16xf32> to vector<16xf32>
      tpu.vector_store %arg14[%swap3A_191], %swap3A_194 {strides = array<i32>} : memref<1024xf32, #tpu.memory_space<vmem>>, vector<16xf32>,
      %scan3A_195 = arith.constant 0 : i32
      scf.yield %scan3A_195 : i32
    }
    %scan3A_105 = arith.constant 32 : i32
    %mul3A_106 = arith.constant 16384 : i32
    %mul3A_107 = arith.muli %select_n3A, %mul3A_106 : i32
    %mul3A_108 = arith.constant 1024 : i32
    %mul3A_109 = arith.muli %sub3A_19, %mul3A_108 : i32
    %add3A_110 = arith.addi %mul3A_107, %mul3A_109 : i32
    "tpu.region"() ({
      %run_scoped3A = tpu.sem_alloc : memref<!tpu.dma_semaphore, #tpu.memory_space<semaphore_mem>>
      %dma_start3A_111 = tpu.memref_slice %arg5[%add3A_110] : memref<32768xf32, #tpu.memory_space<hbm>> -> memref<1024xf32, #tpu.memory_space<hbm>>
      %dma_start3A_112 = tpu.memref_slice %arg5[%add3A_110] : memref<32768xf32, #tpu.memory_space<hbm>> -> memref<1024xf32, #tpu.memory_space<hbm>>
      tpu.enqueue_dma source(%arg14 : memref<1024xf32, #tpu.memory_space<vmem>>) target(%dma_start3A_112 : memref<1024xf32, #tpu.memory_space<hbm>>) target_semaphore(%run_scoped3A : memref<!tpu.dma_semaphore, #tpu.memory_space<semaphore_mem>>)
      %dma_wait3A_113 = tpu.memref_slice %arg5[%add3A_110] : memref<32768xf32, #tpu.memory_space<hbm>> -> memref<1024xf32, #tpu.memory_space<hbm>>
      %dma_wait3A_114 = tpu.memref_slice %arg5[%add3A_110] : memref<32768xf32, #tpu.memory_space<hbm>> -> memref<1024xf32, #tpu.memory_space<hbm>>
      tpu.wait_dma2 semaphore(%run_scoped3A : memref<!tpu.dma_semaphore, #tpu.memory_space<semaphore_mem>>) src(%arg14 : memref<1024xf32, #tpu.memory_space<vmem>>) dst(%dma_wait3A_114 : memref<1024xf32, #tpu.memory_space<hbm>>)
      tpu.yield
    }) : () -> ()
    return
  }
}

</mosaic_0001>

<sc_bundles>
// kernel: kernel.4.cloned.1.call-start
scs
__scs_entry_jumppad:
0x0: {  	(pc) =	sbr.rel $0x88, $3  }
0x1: {  	(tag) =	ssettag $0x0;
	lr =	simm.s32 $0x1  }
0x2: {  	[smem:$0x3F9E] =	sst lr;
	_ =	strace $0xD0000000  }
0x3: {  	_ = 	snop  }
0x4: {  	_ = 	snop  }
0x5: {  	_ = 	snop  }
0x6: {  	_ = 	snop  }
0x7: {  	_ = 	snop  }
__scs_overlays_trampoline_lowered:
0x8: {  	[smem:$0x3FAD] =	sst s0  }
0x9: {  	[smem:$0x3FAE] =	sst s1  }
0xa: {  	[smem:$0x3FAF] =	sst s2  }
0xb: {  	[smem:$0x3FB0] =	sst s3  }
0xc: {  	[smem:$0x3FB1] =	sst s4  }
0xd: {  	[smem:$0x3FB2] =	sst s5  }
0xe: {  	[smem:$0x3FB3] =	sst s6  }
0xf: {  	[smem:$0x3FB4] =	sst s7  }
0x10: {  	[smem:$0x3FB5] =	sst s8  }
0x11: {  	[smem:$0x3FB6] =	sst s9;
	s0 =	simm.s32 @!p0 $0x0  }
0x12: {  	s1 =	sld [smem:$0x3F9C];
	s0 =	simm.s32 @p0 $0x1  }
0x13: {  	[smem:$0x3FB7] =	sst s0;
	s0 =	simm.s32 @!p1 $0x0  }
0x14: {  	s2 =	sld [smem:$0x3F9B];
	s0 =	simm.s32 @p1 $0x1  }
0x15: {  	[smem:$0x3FB8] =	sst s0;
	s0 =	simm.s32 @!p2 $0x0  }
0x16: {  	s3 =	sld [smem:$0x3FDB];
	s0 =	simm.s32 @p2 $0x1  }
0x17: {  	s4 =	simm.s32 $0x1BF5;
	[smem:$0x3FBA] =	sst s0  }
0x18: {  	s0 =	sld [smem:$0x3F9D];
	_ =	swait.ge [sflag:s4], $0x0  }
0x19: {  	s7 =	sld [smem:$0x3F9E]  }
0x1a: {  	s8 =	sadd.s32 $0xFFFFE003, lr  }
0x1b: {  	s9 =	sadd.s32 $0xFFFFFEF7, lr;
	s5 =	simm.s32 $0xFFFFFFFF;
	p2 =	slt.u32 s8, $0xFFFFF086  }
0x1c: {  	p1 =	slt.u32 s9, $0xF7A;
	s5 =	simm.s32 @!p2 $0x0  }
0x1d: {  	s5 =	simm.s32 @p1 $0x1;
	p0 =	seq.s32 s7, s2  }
0x1e: {  	s7 =	smul.u32 @!p0 $0xF7A, s2;
	p2 =	seq.s32 @!p0 s5, $0x0  }
0x1f: {  	s9 =	smul.u32 $0xF7A, s1;
	s8 =	simm.s32 @!p0 $0x1BF5;
	p2 =	por !p2, p0  }
0x20: {  	[sflag:s8] =	ssyncset.s32 @!p0 $0xFFFFF086;
	s6 =	sadd.s32 @!p0 s3, s7;
	s7 =	simm.s32 @!p0 $0x108  }
0x21: {  	s3 =	sadd.s32 s3, s9;
	s6 =	sadd.s32 @!p0 $0x88, s6;
	s7 =	simm.s32 @p2 $0x1082  }
0x22: {  	[simem:s7], [sflag:s8] =	dma.local @!p0 [hbm:s6], $0xF7A  }
0x23: {  	s9 =	sor.u32 $0xD0000000, s2;
	s6 =	simm.s32 $0x108;
	_ =	swait.ge @!p0 [sflag:s8], $0x0  }
0x24: {  	s3 =	sadd.s32 $0x88, s3;
	s6 =	simm.s32 @!p1 $0x1082;
	[sflag:s4] =	ssyncset.s32 $0xFFFFF086  }
0x25: {  	[simem:s6], [sflag:s4] =	dma.local [hbm:s3], $0xF7A  }
0x26: {  	[smem:$0x3F9E] =	sst s1;
	(tag) =	ssettag s2;
	_ =	strace s9  }
0x27: {  	s1 =	sld [smem:$0x3FAE]  }
0x28: {  	s2 =	sld [smem:$0x3FAF]  }
0x29: {  	s4 =	sld [smem:$0x3FB1]  }
0x2a: {  	p0 =	seq.s32 s5, $0x0;
	s5 =	sld [smem:$0x3FB2]  }
0x2b: {  	s6 =	sld [smem:$0x3FB3]  }
0x2c: {  	s7 =	sld [smem:$0x3FB4]  }
0x2d: {  	s3 =	simm.s32 $0x108;
	s8 =	sld [smem:$0x3FB5]  }
0x2e: {  	s3 =	simm.s32 @!p0 $0x1082;
	s9 =	sld [smem:$0x3FB6]  }
0x2f: {  	lr =	sadd.s32 s0, s3;
	s0 =	sld [smem:$0x3FAD]  }
0x30: {  	s3 =	sld [smem:$0x3FB0]  }
0x31: {  	[smem:$0x3FB9] =	sst s10  }
0x32: {  	s10 =	sld [smem:$0x3FB7];
	_ =	sdelay $0x3  }
0x33: {  	p0 =	seq.s32 s10, $0x1;
	s10 =	sld [smem:$0x3FB9];
	_ =	sdelay $0x3  }
0x34: {  	[smem:$0x3FB9] =	sst s10  }
0x35: {  	s10 =	sld [smem:$0x3FB8];
	_ =	sdelay $0x3  }
0x36: {  	p1 =	seq.s32 s10, $0x1;
	s10 =	sld [smem:$0x3FB9];
	_ =	sdelay $0x3  }
0x37: {  	[smem:$0x3FB9] =	sst s10  }
0x38: {  	s10 =	sld [smem:$0x3FBA]  }
0x39: {  	_ = 	snop;
	(pc) =	sbr.ind lr, $3  }
0x3a: {  	_ = 	snop  }
0x3b: {  	_ = 	snop  }
0x3c: {  	p2 =	seq.s32 s10, $0x1;
	s10 =	sld [smem:$0x3FB9]  }
0x3d: {  	_ =	shalt  }
0x3e: {  	_ =	shalt  }
0x3f: {  	_ =	shalt  }
0x40: {  	_ =	shalt  }
0x41: {  	_ =	shalt  }
0x42: {  	_ =	shalt  }
0x43: {  	_ =	shalt  }
0x44: {  	_ =	shalt  }
0x45: {  	_ =	shalt  }
0x46: {  	_ =	shalt  }
0x47: {  	_ =	shalt  }
0x48: {  	_ =	shalt  }
0x49: {  	_ =	shalt  }
0x4a: {  	_ =	shalt  }
0x4b: {  	_ =	shalt  }
0x4c: {  	_ =	shalt  }
0x4d: {  	_ =	shalt  }
0x4e: {  	_ =	shalt  }
0x4f: {  	_ =	shalt  }
0x50: {  	_ =	shalt  }
0x51: {  	_ =	shalt  }
0x52: {  	_ =	shalt  }
0x53: {  	_ =	shalt  }
0x54: {  	_ =	shalt  }
0x55: {  	_ =	shalt  }
0x56: {  	_ =	shalt  }
0x57: {  	_ =	shalt  }
0x58: {  	_ =	shalt  }
0x59: {  	_ =	shalt  }
0x5a: {  	_ =	shalt  }
0x5b: {  	_ =	shalt  }
0x5c: {  	_ =	shalt  }
0x5d: {  	_ =	shalt  }
0x5e: {  	_ =	shalt  }
0x5f: {  	_ =	shalt  }
0x60: {  	_ =	shalt  }
0x61: {  	_ =	shalt  }
0x62: {  	_ =	shalt  }
0x63: {  	_ =	shalt  }
0x64: {  	_ =	shalt  }
0x65: {  	_ =	shalt  }
0x66: {  	_ =	shalt  }
0x67: {  	_ =	shalt  }
0x68: {  	_ =	shalt  }
0x69: {  	_ =	shalt  }
0x6a: {  	_ =	shalt  }
0x6b: {  	_ =	shalt  }
0x6c: {  	_ =	shalt  }
0x6d: {  	_ =	shalt  }
0x6e: {  	_ =	shalt  }
0x6f: {  	_ =	shalt  }
0x70: {  	_ =	shalt  }
0x71: {  	_ =	shalt  }
0x72: {  	_ =	shalt  }
0x73: {  	_ =	shalt  }
0x74: {  	_ =	shalt  }
0x75: {  	_ =	shalt  }
0x76: {  	_ =	shalt  }
0x77: {  	_ =	shalt  }
0x78: {  	_ =	shalt  }
0x79: {  	_ =	shalt  }
0x7a: {  	_ =	shalt  }
0x7b: {  	_ =	shalt  }
0x7c: {  	_ =	shalt  }
0x7d: {  	_ =	shalt  }
0x7e: {  	_ =	shalt  }
0x7f: {  	_ =	shalt  }
0x80: {  	_ =	shalt  }
0x81: {  	_ =	shalt  }
0x82: {  	_ =	shalt  }
0x83: {  	_ =	shalt  }
0x84: {  	_ =	shalt  }
0x85: {  	_ =	shalt  }
0x86: {  	_ =	shalt  }
0x87: {  	_ =	shalt  }
.Lfunc_end0:
.L_simem_size_0:
called_computation_lowered:
.L_overlay_start_0:
0x88: {  	s2 =	sld [smem:$0x3FD9]  }
0x89: {  	s3 =	sld [smem:$0x3FFE];
	_ =	sdelay $0x1  }
0x8a: {  	s1 =	srdreg.scid  }
0x8b: {  	s0 =	sand.u32 $0x1, s1  }
0x8c: {  	s17 =	sshll.u32 s0, $0xA;
	s2 =	sadd.s32 s3, s2  }
0x8d: {  	s2 =	sadd.s32 s2, s17  }
0x8e: {  	[smem:$0x3FC5] =	sst s2  }
0x8f: {  	_ = 	snop  }
0x90: {  	s2 =	sld [smem:$0x3FC9];
	(tm) =	ssettm $0x1  }
0x91: {  	s18 =	sld [smem:$0x3FFB];
	_ =	sdelay $0x3  }
0x92: {  	_ =	strace s18  }
0x93: {  	s3 =	sld [smem:$0x3FFC];
	_ =	sdelay $0x3  }
0x94: {  	_ =	strace s3  }
0x95: {  	s3 =	sld [smem:$0x3FFD];
	_ =	sdelay $0x3  }
0x96: {  	_ =	strace s3  }
0x97: {  	_ =	strace $0x8FFFFFFF  }
0x98: {  	s19 =	sld [smem:$0x3FDB];
	_ =	sdelay $0x1  }
0x99: {  	s4 =	simm.s32 $_scs_section_size  }
0x9a: {  	s5 =	simm.s32 $_size__tile_overlayer_lowered;
	s6 =	simm.s32 $_tile_overlayer_lowered  }
0x9b: {  	s22 =	simm.s32 $0x1BFF;
	s21 =	sshll.u32 s6, $0x1;
	s3 =	sadd.s32 s4, s19  }
0x9c: {  	s7 =	simm.s32 $0x0;
	s20 =	sshll.u32 s5, $0x1;
	s5 =	sadd.s32 s21, s3  }
0x9d: {  	[timem:s7], [sflag:s22] =	dma.local [hbm:s5], s20  }
0x9e: {  	_ =	swait.ge [sflag:s22], s20  }
0x9f: {  	s4 =	ssub.s32 $0x0, s20;
	[sflag:s22] =	ssyncset.done $0x0  }
0xa0: {  	[sflag:s22] =	ssyncadd.s32 s4;
	_ =	sdelay $0x1  }
0xa1: {  	s23 =	simm.s32 $0x1B8B  }
0xa2: {  	_ =	swait.ge [sflag:s23], $0x1  }
0xa3: {  	[sflag:s23] =	ssyncset.done $0x0  }
0xa4: {  	s25 =	simm.s32 $0x1B8E;
	s24 =	sld [smem:$0x3FFE];
	[sflag:s23] =	ssyncadd.s32 $0xFFFFFFFF  }
0xa5: {  	s26 =	simm.s32 $execute0_lowered;
	[smem:$0x3FD2] =	sst s25  }
0xa6: {  	s5 =	sshll.u32 s26, $0x1;
	_ =	strace $0x80000046;
	[dreg:$0x1] =	wrdreg $0xFFFFFFFF  }
0xa7: {  	s28 =	simm.s32 $_size_execute0_lowered;
	s3 =	sadd.s32 s3, s5;
	[dreg:$0x0] =	wrdreg $0x0  }
0xa8: {  	s5 =	sshll.u32 s28, $0x1;
	[dreg:$0x2] =	wrdreg s3  }
0xa9: {  	[dreg:$0x3] =	wrdreg s5  }
0xaa: {  	[dreg:$0x4] =	wrdreg $0xC0  }
0xab: {  	_ =	task [dreg:s7], $0x5FFFF  }
0xac: {  	[dreg:$0x1] =	wrdreg $0xFFFFFFFF  }
0xad: {  	[dreg:$0x0] =	wrdreg $0x60  }
0xae: {  	[dreg:$0x2] =	wrdreg s2  }
0xaf: {  	[dreg:$0x3] =	wrdreg s24  }
0xb0: {  	[dreg:$0x4] =	wrdreg $0x9  }
0xb1: {  	_ =	task.clear_ibuf [dreg:s7], $0x5FFFF;
	_ =	strace $0x90000046  }
0xb2: {  	s29 =	simm.s32 $0x9;
	_ =	strace $0x80000048  }
0xb3: {  	_ =	swait.ge [sflag:s29], $0x1  }
0xb4: {  	[sflag:s29] =	ssyncadd.s32 $0xFFFFFFFF  }
0xb5: {  	_ =	strace $0x90000048  }
0xb6: {  	_ =	sfence  }
0xb7: {  	s30 =	sld [smem:$0x0];
	_ =	sdelay $0x2  }
0xb8: {  	s31 =	sshll.u32 s1, $0xD;
	s1 =	sshrl.u32 s1, $0x2  }
0xb9: {  	s3 =	sand.u32 $0x4000, s31;
	s1 =	sadd.s32 s1, s30  }
0xba: {  	s0 =	sor.u32 s3, s0;
	s1 =	sshll.u32 s1, $0x11  }
0xbb: {  	s0 =	sor.u32 s1, s0  }
0xbc: {  	s0 =	sadd.s32 $0x8F2B, s0  }
0xbd: {  	[sflag:s0] =	ssyncadd.remote.s32 $0x1  }
0xbe: {  	_ =	sfence.sel $0xFFFF  }
0xbf: {  	[dreg:$0x0] =	wrdreg $0xFFFFFFFF;
	(pc) =	sbr.abs _section_cstart, $3  }
0xc0: {  	[dreg:$0x1] =	wrdreg $0xFFFFFFFF  }
0xc1: {  	_ =	task.clear_ibuf [dreg:s7], $0x2FFFF;
	_ =	strace $0x9FFFFFFF  }
0xc2: {  	(tm) =	ssettm $0x7FFFFFFF  }
0xc3: {  	_ =	shalt  }
tec
execute0_lowered:
.L_overlay_start_1:
0x0: {  	(tag) =	ssettag $0x1  }
0x1: {  	s1 =	rddreg [dreg:$0x0];
	s2 =	srdreg.scid  }
0x2: {  	s0 =	stileid.u32;
	s8 =	rddreg [dreg:$0x1]  }
0x3: {  	s12 =	simm.s32 $0x2000;
	s13 =	simm.s32 $0xC000;
	s14 =	simm.s32 $0x14000  }
0x4: {  	s15 =	simm.s32 $0x4;
	s16 =	simm.s32 $0xE000;
	s17 =	simm.s32 $0x16000  }
0x5: {  	s18 =	simm.s32 $0x1;
	s19 =	simm.s32 $0x2;
	s21 =	simm.s32 $0x5  }
0x6: {  	s22 =	simm.s32 $0x0;
	s6 =	sand.u32 $0x1, s2;
	s25 =	sshll.u32 s0, $0x1  }
0x7: {  	s7 =	sshrl.u32 s0, $0x3;
	s2 =	rddreg [dreg:$0x2];
	s3 =	sor.u32 s6, s25  }
0x8: {  	s4 =	sshll.u32 s7, $0x4;
	s26 =	sshll.u32 s7, $0xA;
	s28 =	sshll.u32 s7, $0xE  }
0x9: {  	s29 =	ssub.s32 $0x2, s6;
	s20 =	sshll.u32 s7, $0x15;
	s5 =	ssub.s32 s3, s4  }
0xa: {  	s3 =	simm.s32 $0x0;
	s31 =	sshrl.u32 s29, $0x1;
	s9 =	sshll.u32 s5, $0x6  }
0xb: {  	v0 =	vmov s20;
	s20 =	simm.s32 $0x18000;
	s10 =	sshll.u32 s5, $0xA;
	s4 =	sadd.s32 s26, s9  }
0xc: {  	[smem:$0x7FF] =	sst s3;
	s9 =	sadd.s32 s28, s10;
	s11 =	smul.u32 $0x6000, s4  }
0xd: {  	s5 =	sadd.s32 $0x641400, s8;
	_ =	strace $0x80000047;
	s9 =	sshrl.u32 s9, $0x3  }
0xe: {  	s10 =	simm.s32 $0x6000;
	s8 =	sadd.s32 s9, s8;
	s30 =	sshrl.u32 s11, $0x3  }
0xf: {  	s9 =	ssub.s32 s29, s31;
	s8 =	sadd.s32 $0x41400, s8;
	s6 =	sadd.s32 s5, s30  }
0x10: {  	v1 =	vimm.f32 $0.0e+00;
	s9 =	smax.u32 s9, $0x1;
	s11 =	simm.s32 $0x3;
	s7 =	sadd.s32 $0xC00, s6  }
.LBB2_1:
0x11: {  	[tilespmem:s3], [sflag:$0x3] =	stream.linear.gather [hbm4b:s6+s3], $0x6000, $0x38;
	[tilespmem:$0x18400] =	vst v63  }
0x12: {  	_ = 	snop  }
0x13: {  	[tilespmem:s10], [sflag:$0x4] =	stream.linear.gather [hbm4b:s7+s3], $0x6000, $0x38;
	[tilespmem:$0x18400] =	vst v63  }
0x14: {  	_ =	swait.ge [sflag:s11], $0x6000  }
0x15: {  	[sflag:s11] =	ssyncset.done $0x0  }
0x16: {  	s23 =	simm.s32 $0x0;
	[sflag:s11] =	ssyncadd.s32 $0xFFFFA000  }
0x17: {  	v8 =	vld [tilespmem:s23+$0x4000]  }
0x18: {  	v3 =	vld [tilespmem:s23+$0x2000]  }
0x19: {  	v2 =	vld [tilespmem:s23+$0x0];
	_ =	sdelay $0x2  }
0x1a: {  	v4 =	vtrunc.f32 v8;
	vm1 =	vge.f32 v8, $0.0e+00;
	vm0 =	vle.f32 v8, $1.280000000e+02  }
0x1b: {  	v5 =	vtrunc.f32 v3;
	vm2 =	vge.f32 v3, $0.0e+00;
	v4 =	vcvt.f32.s32 v4  }
0x1c: {  	vm3 =	vle.f32 v3, $1.280000000e+02;
	v6 =	vtrunc.f32 v2;
	v5 =	vcvt.f32.s32 v5  }
0x1d: {  	vm5 =	vge.f32 v2, $0.0e+00;
	vm15 =	vle.f32 v2, $1.280000000e+02;
	vm4 =	vgt.s32 v4, $0x0  }
0x1e: {  	v6 =	vcvt.f32.s32 v6;
	vm6 =	vgt.s32 v5, $0x0;
	v4 =	vnsel vm4, $0x0, v4  }
0x1f: {  	vm2 =	vmand vm5, vm2;
	v5 =	vnsel vm6, $0x0, v5;
	v10 =	vmin.u32 v4, $0x7F  }
0x20: {  	vm14 =	vgt.s32 v6, $0x0;
	v11 =	vmin.u32 v5, $0x7F;
	v7 =	vcvt.s32.f32 v10  }
0x21: {  	vm2 =	vmand vm2, vm15;
	v4 =	vnsel vm14, $0x0, v6;
	v5 =	vcvt.s32.f32 v11  }
0x22: {  	vm2 =	vmand vm3, vm2;
	v4 =	vmin.u32 v4, $0x7F;
	v9 =	vadd.f32 $1.000000000e+00, v7  }
0x23: {  	vm1 =	vmand vm1, vm2;
	v6 =	vcvt.s32.f32 v4;
	v12 =	vadd.f32 $1.000000000e+00, v5  }
0x24: {  	vm0 =	vmand vm0, vm1;
	v13 =	vmin.f32 v9, $1.270000000e+02  }
0x25: {  	v14 =	vadd.f32 $1.000000000e+00, v6;
	v9 =	vmin.f32 v12, $1.270000000e+02;
	v12 =	vtrunc.f32 v13  }
0x26: {  	v10 =	vshll.u32 v10, $0xE;
	v15 =	vtrunc.f32 v9;
	v16 =	vcvt.f32.s32 v12  }
0x27: {  	v12 =	vsub.f32 v13, v8;
	v13 =	vmin.f32 v14, $1.270000000e+02;
	v14 =	vcvt.f32.s32 v15  }
0x28: {  	v7 =	vsub.f32 v8, v7;
	v8 =	vtrunc.f32 v13;
	v15 =	vshll.u32 v16, $0xE  }
0x29: {  	v8 =	vcvt.f32.s32 v8;
	v18 =	vshll.u32 v14, $0x7;
	v17 =	vadd.s32 v0, v15  }
0x2a: {  	v14 =	vor.u32 v0, v10;
	v16 =	vshll.u32 v11, $0x7;
	v10 =	vadd.s32 v18, v17  }
0x2b: {  	s24 =	simm.s32 $0x80;
	s25 =	simm.s32 $0x400;
	v15 =	vsel vm0, $0x3F800000, v1;
	v11 =	vadd.s32 v14, v18;
	v18 =	vadd.s32 v8, v10  }
.LBB2_2:
0x2c: {  	p0 =	sne.s32 s25, $0x7E00;
	v19 =	vld [tilespmem:s24+$0x4000];
	v13 =	vsub.f32 v13, v2;
	v12 =	vmul.f32 v12, v15;
	v17 =	vor.u32 v16, v17;
	[tilespmem:s23+$0xC070] =	vst v18  }
0x2d: {  	v6 =	vsub.f32 v2, v6;
	v9 =	vsub.f32 v9, v3;
	v7 =	vmul.f32 v15, v7;
	v18 =	vld [tilespmem:s24+$0x2000]  }
0x2e: {  	v15 =	vsub.f32 v3, v5;
	v3 =	vor.u32 v16, v14;
	v5 =	vor.u32 v4, v17;
	[tilespmem:s23+$0x10040] =	vst v12  }
0x2f: {  	v10 =	vor.u32 v4, v10;
	v12 =	vor.u32 v4, v11;
	v2 =	vld [tilespmem:s24+$0x0];
	[tilespmem:s23+$0xC040] =	vst v5;
	v5 =	vadd.s32 v8, v17  }
0x30: {  	v14 =	vadd.s32 v8, v3;
	v4 =	vor.u32 v4, v3;
	v8 =	vadd.s32 v8, v11;
	[tilespmem:s23+$0xC050] =	vst v5  }
0x31: {  	v11 =	vtrunc.f32 v19;
	vm1 =	vge.f32 v19, $0.0e+00;
	vm0 =	vle.f32 v19, $1.280000000e+02;
	[tilespmem:s23+$0xC060] =	vst v10  }
0x32: {  	v5 =	vtrunc.f32 v18;
	v10 =	vcvt.f32.s32 v11;
	vm3 =	vge.f32 v18, $0.0e+00;
	[tilespmem:s23+$0xC020] =	vst v12;
	v3 =	vmovc v18  }
0x33: {  	v5 =	vcvt.f32.s32 v5;
	vm2 =	vle.f32 v3, $1.280000000e+02;
	[tilespmem:s23+$0xC030] =	vst v8  }
0x34: {  	v8 =	vtrunc.f32 v2;
	vm4 =	vgt.s32 v10, $0x0;
	vm5 =	vge.f32 v2, $0.0e+00;
	[tilespmem:s23+$0xC010] =	vst v14  }
0x35: {  	v8 =	vcvt.f32.s32 v8;
	vm6 =	vgt.s32 v5, $0x0;
	v10 =	vnsel vm4, $0x0, v10;
	[tilespmem:s23+$0x10000] =	vst v13  }
0x36: {  	vm3 =	vmand vm5, vm3;
	v5 =	vnsel vm6, $0x0, v5;
	v10 =	vmin.u32 v10, $0x7F;
	[tilespmem:s23+$0x10020] =	vst v9  }
0x37: {  	vm4 =	vgt.s32 v8, $0x0;
	v11 =	vmin.u32 v5, $0x7F;
	v9 =	vcvt.s32.f32 v10;
	[tilespmem:s23+$0x10050] =	vst v7  }
0x38: {  	v7 =	vnsel vm4, $0x0, v8;
	v5 =	vcvt.s32.f32 v11;
	vm4 =	vle.f32 v2, $1.280000000e+02;
	[tilespmem:s23+$0xC000] =	vst v4  }
0x39: {  	v4 =	vmin.u32 v7, $0x7F;
	v7 =	vadd.f32 $1.000000000e+00, v9;
	vm3 =	vmand vm3, vm4;
	[tilespmem:s23+$0x10010] =	vst v6  }
0x3a: {  	v6 =	vcvt.s32.f32 v4;
	v8 =	vadd.f32 $1.000000000e+00, v5;
	vm2 =	vmand vm2, vm3;
	[tilespmem:s23+$0x10030] =	vst v15;
	s23 =	smov.u32 s24  }
0x3b: {  	v12 =	vmin.f32 v7, $1.270000000e+02;
	v7 =	vsub.f32 v19, v9;
	vm1 =	vmand vm1, vm2  }
0x3c: {  	v13 =	vadd.f32 $1.000000000e+00, v6;
	v9 =	vmin.f32 v8, $1.270000000e+02;
	v8 =	vtrunc.f32 v12  }
0x3d: {  	v12 =	vsub.f32 v12, v19;
	v14 =	vtrunc.f32 v9;
	v8 =	vcvt.f32.s32 v8  }
.Ltmp0:
0x3e: {  	v10 =	vshll.u32 v10, $0xE;
	v13 =	vmin.f32 v13, $1.270000000e+02;
	v14 =	vcvt.f32.s32 v14;
	(pc) =	sbr.rel @p0 .LBB2_2-.Ltmp0, $4  }
0x3f: {  	vm0 =	vmand vm0, vm1;
	v15 =	vtrunc.f32 v13;
	v16 =	vshll.u32 v8, $0xE  }
0x40: {  	v8 =	vcvt.f32.s32 v15;
	v18 =	vshll.u32 v14, $0x7;
	v17 =	vadd.s32 v0, v16  }
0x41: {  	v15 =	vsel vm0, $0x3F800000, v1;
	v14 =	vor.u32 v0, v10;
	v10 =	vadd.s32 v18, v17  }
0x42: {  	s24 =	sshra.s32 s25, $0x2;
	s25 =	sadd.s32 $0x200, s25;
	v16 =	vshll.u32 v11, $0x7;
	v11 =	vadd.s32 v14, v18;
	v18 =	vadd.s32 v8, v10  }
0x43: {  	v19 =	vld [tilespmem:s24+$0x4000];
	v12 =	vmul.f32 v12, v15  }
0x44: {  	[tilespmem:s23+$0xC070] =	vst v18;
	v13 =	vsub.f32 v13, v2;
	v17 =	vor.u32 v16, v17  }
0x45: {  	v2 =	vsub.f32 v2, v6;
	v25 =	vsub.f32 v9, v3;
	v7 =	vmul.f32 v15, v7;
	v18 =	vld [tilespmem:s24+$0x2000];
	[tilespmem:s23+$0x10040] =	vst v12  }
0x46: {  	v3 =	vsub.f32 v3, v5;
	v26 =	vor.u32 v16, v14;
	v28 =	vor.u32 v4, v11;
	v12 =	vld [tilespmem:s24+$0x0]  }
0x47: {  	v10 =	vor.u32 v4, v10;
	v32 =	vadd.s32 v8, v11;
	v27 =	vor.u32 v4, v17  }
0x48: {  	v29 =	vadd.s32 v8, v17;
	v5 =	vadd.s32 v8, v26;
	v31 =	vtrunc.f32 v19  }
0x49: {  	vm0 =	vge.f32 v19, $0.0e+00;
	vm15 =	vle.f32 v19, $1.280000000e+02;
	v16 =	vcvt.f32.s32 v31  }
0x4a: {  	v33 =	vtrunc.f32 v18;
	vm1 =	vge.f32 v18, $0.0e+00;
	vm2 =	vle.f32 v18, $1.280000000e+02  }
0x4b: {  	[tilespmem:s23+$0xC040] =	vst v27;
	v11 =	vcvt.f32.s32 v33;
	v34 =	vtrunc.f32 v12;
	vm3 =	vgt.s32 v16, $0x0  }
0x4c: {  	[tilespmem:s23+$0xC050] =	vst v29;
	vm12 =	vge.f32 v12, $0.0e+00;
	vm14 =	vle.f32 v12, $1.280000000e+02;
	v17 =	vcvt.f32.s32 v34  }
0x4d: {  	[tilespmem:s23+$0xC060] =	vst v10;
	vm4 =	vgt.s32 v11, $0x0;
	v16 =	vnsel vm3, $0x0, v16;
	vm1 =	vmand vm12, vm1  }
0x4e: {  	[tilespmem:s23+$0xC020] =	vst v28;
	v11 =	vnsel vm4, $0x0, v11;
	v16 =	vmin.u32 v16, $0x7F;
	vm1 =	vmand vm1, vm14  }
0x4f: {  	[tilespmem:s23+$0xC030] =	vst v32;
	vm13 =	vgt.s32 v17, $0x0;
	v35 =	vmin.u32 v11, $0x7F;
	v36 =	vcvt.s32.f32 v16  }
0x50: {  	[tilespmem:s23+$0xC010] =	vst v5;
	vm1 =	vmand vm2, vm1;
	v37 =	vnsel vm13, $0x0, v17;
	v38 =	vcvt.s32.f32 v35  }
0x51: {  	[tilespmem:s23+$0x10000] =	vst v13;
	vm0 =	vmand vm0, vm1;
	v39 =	vmin.u32 v37, $0x7F;
	v40 =	vadd.f32 $1.000000000e+00, v36  }
0x52: {  	[tilespmem:s23+$0x10020] =	vst v25;
	vm0 =	vmand vm15, vm0;
	v41 =	vcvt.s32.f32 v39;
	v20 =	vadd.f32 $1.000000000e+00, v38  }
0x53: {  	v30 =	vor.u32 v4, v26;
	[tilespmem:s23+$0x10010] =	vst v2;
	v61 =	vsub.f32 v19, v36;
	v2 =	vsel vm0, $0x3F800000, v1  }
0x54: {  	[tilespmem:s23+$0x10050] =	vst v7;
	v42 =	vmin.f32 v40, $1.270000000e+02;
	v43 =	vadd.f32 $1.000000000e+00, v41;
	v44 =	vmin.f32 v20, $1.270000000e+02  }
0x55: {  	[tilespmem:s23+$0xC000] =	vst v30;
	v45 =	vtrunc.f32 v42;
	v47 =	vsub.f32 v42, v19;
	v63 =	vsub.f32 v12, v41  }
0x56: {  	[tilespmem:s23+$0x10030] =	vst v3;
	v46 =	vtrunc.f32 v44;
	v20 =	vcvt.f32.s32 v45;
	v62 =	vsub.f32 v44, v18  }
0x57: {  	v5 =	vmin.f32 v43, $1.270000000e+02;
	v48 =	vcvt.f32.s32 v46;
	v6 =	vmul.f32 v47, v2;
	[tilespmem:s24+$0x10010] =	vst v63  }
0x58: {  	v2 =	vmul.f32 v2, v61;
	v49 =	vtrunc.f32 v5;
	[tilespmem:s24+$0x10020] =	vst v62  }
0x59: {  	v50 =	vshll.u32 v20, $0xE;
	v5 =	vsub.f32 v5, v12;
	v51 =	vcvt.f32.s32 v49;
	[tilespmem:s24+$0x10040] =	vst v6  }
0x5a: {  	v52 =	vshll.u32 v48, $0x7;
	v53 =	vadd.s32 v0, v50;
	[tilespmem:s24+$0x10050] =	vst v2;
	v2 =	vsub.f32 v18, v38  }
0x5b: {  	v3 =	vshll.u32 v35, $0x7;
	v13 =	vadd.s32 v52, v53;
	[tilespmem:s24+$0x10000] =	vst v5  }
0x5c: {  	v8 =	vor.u32 v3, v53;
	v54 =	vadd.s32 v51, v13;
	[tilespmem:s24+$0x10030] =	vst v2  }
0x5d: {  	v55 =	vshll.u32 v16, $0xE;
	v56 =	vor.u32 v39, v8;
	[tilespmem:s24+$0xC070] =	vst v54  }
0x5e: {  	v57 =	vor.u32 v0, v55;
	v8 =	vadd.s32 v51, v8;
	[tilespmem:s24+$0xC040] =	vst v56  }
0x5f: {  	v7 =	vadd.s32 v57, v52;
	v58 =	vor.u32 v39, v13;
	[tilespmem:s24+$0xC050] =	vst v8  }
0x60: {  	v59 =	vor.u32 v39, v7;
	[tilespmem:s24+$0xC060] =	vst v58  }
0x61: {  	v3 =	vor.u32 v3, v57;
	v60 =	vadd.s32 v51, v7;
	[tilespmem:s24+$0xC020] =	vst v59  }
0x62: {  	v4 =	vadd.s32 v51, v3;
	[tilespmem:s24+$0xC030] =	vst v60  }
0x63: {  	v3 =	vor.u32 v39, v3;
	[tilespmem:s24+$0xC010] =	vst v4  }
0x64: {  	s23 =	simm.s32 $0x0;
	[tilespmem:s24+$0xC000] =	vst v3  }
0x65: {  	[tilespmem:s14], [sflag:$0x1] =	stream.indirect.gather [hbm4b:s1+s12], $0x1, s13, s12, $0xb8;
	[tilespmem:$0x18400] =	vst v63  }
.LBB2_4:
0x66: {  	s24 =	sshll.u32 s23, $0x1;
	p0 =	seq.s32 s23, $0x1F  }
0x67: {  	s25 =	sadd.s32 @!p0 $0x2, s24  }
0x68: {  	s26 =	sand.u32 @!p0 $0x78, s25  }
0x69: {  	s25 =	sand.u32 @!p0 $0x6, s25;
	s26 =	sadd.s32 @!p0 s26, s4  }
0x6a: {  	s25 =	sor.u32 @!p0 s25, s26  }
0x6b: {  	s25 =	smul.u32 @!p0 $0x6000, s25;
	_ =	sdelay $0x1  }
0x6c: {  	s25 =	sshrl.u32 @!p0 s25, $0x3  }
0x6d: {  	s26 =	simm.s32 @!p0 $0x0;
	s25 =	sadd.s32 @!p0 s5, s25  }
0x6e: {  	[tilespmem:s26], [sflag:$0x3] =	stream.linear.gather @!p0 [hbm4b:s25+s26], $0x6000, $0x38;
	[tilespmem:$0x18400] =	vst v63  }
0x6f: {  	_ =	swait.ge [sflag:s15], $0x6000  }
0x70: {  	[sflag:s15] =	ssyncset.done $0x0  }
0x71: {  	s25 =	simm.s32 $0x0;
	[sflag:s15] =	ssyncadd.s32 $0xFFFFA000  }
0x72: {  	v8 =	vld [tilespmem:s25+$0xA000]  }
0x73: {  	v3 =	vld [tilespmem:s25+$0x8000]  }
0x74: {  	v2 =	vld [tilespmem:s25+$0x6000];
	_ =	sdelay $0x2  }
0x75: {  	v4 =	vtrunc.f32 v8;
	vm1 =	vge.f32 v8, $0.0e+00;
	vm0 =	vle.f32 v8, $1.280000000e+02  }
0x76: {  	v5 =	vtrunc.f32 v3;
	vm2 =	vge.f32 v3, $0.0e+00;
	v4 =	vcvt.f32.s32 v4  }
0x77: {  	vm3 =	vle.f32 v3, $1.280000000e+02;
	v6 =	vtrunc.f32 v2;
	v5 =	vcvt.f32.s32 v5  }
0x78: {  	vm5 =	vge.f32 v2, $0.0e+00;
	vm15 =	vle.f32 v2, $1.280000000e+02;
	vm4 =	vgt.s32 v4, $0x0  }
0x79: {  	v6 =	vcvt.f32.s32 v6;
	vm6 =	vgt.s32 v5, $0x0;
	v4 =	vnsel vm4, $0x0, v4  }
0x7a: {  	vm2 =	vmand vm5, vm2;
	v5 =	vnsel vm6, $0x0, v5;
	v10 =	vmin.u32 v4, $0x7F  }
0x7b: {  	vm14 =	vgt.s32 v6, $0x0;
	v11 =	vmin.u32 v5, $0x7F;
	v7 =	vcvt.s32.f32 v10  }
0x7c: {  	vm2 =	vmand vm2, vm15;
	v4 =	vnsel vm14, $0x0, v6;
	v5 =	vcvt.s32.f32 v11  }
0x7d: {  	vm2 =	vmand vm3, vm2;
	v4 =	vmin.u32 v4, $0x7F;
	v9 =	vadd.f32 $1.000000000e+00, v7  }
0x7e: {  	vm1 =	vmand vm1, vm2;
	v6 =	vcvt.s32.f32 v4;
	v12 =	vadd.f32 $1.000000000e+00, v5  }
0x7f: {  	vm0 =	vmand vm0, vm1;
	v13 =	vmin.f32 v9, $1.270000000e+02  }
0x80: {  	v14 =	vadd.f32 $1.000000000e+00, v6;
	v9 =	vmin.f32 v12, $1.270000000e+02;
	v12 =	vtrunc.f32 v13  }
0x81: {  	v10 =	vshll.u32 v10, $0xE;
	v15 =	vtrunc.f32 v9;
	v16 =	vcvt.f32.s32 v12  }
0x82: {  	v12 =	vsub.f32 v13, v8;
	v13 =	vmin.f32 v14, $1.270000000e+02;
	v14 =	vcvt.f32.s32 v15  }
0x83: {  	v7 =	vsub.f32 v8, v7;
	v8 =	vtrunc.f32 v13;
	v15 =	vshll.u32 v16, $0xE  }
0x84: {  	v8 =	vcvt.f32.s32 v8;
	v18 =	vshll.u32 v14, $0x7;
	v17 =	vadd.s32 v0, v15  }
0x85: {  	v14 =	vor.u32 v0, v10;
	v16 =	vshll.u32 v11, $0x7;
	v10 =	vadd.s32 v18, v17  }
0x86: {  	s28 =	simm.s32 $0x400;
	s26 =	simm.s32 $0x80;
	v15 =	vsel vm0, $0x3F800000, v1;
	v11 =	vadd.s32 v14, v18;
	v18 =	vadd.s32 v8, v10  }
.LBB2_5:
0x87: {  	p1 =	sne.s32 s28, $0x7E00;
	v19 =	vld [tilespmem:s26+$0xA000];
	v13 =	vsub.f32 v13, v2;
	v12 =	vmul.f32 v12, v15;
	v17 =	vor.u32 v16, v17;
	[tilespmem:s25+$0xE070] =	vst v18  }
0x88: {  	v6 =	vsub.f32 v2, v6;
	v9 =	vsub.f32 v9, v3;
	v7 =	vmul.f32 v15, v7;
	v18 =	vld [tilespmem:s26+$0x8000]  }
0x89: {  	v15 =	vsub.f32 v3, v5;
	v3 =	vor.u32 v16, v14;
	v5 =	vor.u32 v4, v17;
	[tilespmem:s25+$0x12040] =	vst v12  }
0x8a: {  	v10 =	vor.u32 v4, v10;
	v12 =	vor.u32 v4, v11;
	v2 =	vld [tilespmem:s26+$0x6000];
	[tilespmem:s25+$0xE040] =	vst v5;
	v5 =	vadd.s32 v8, v17  }
0x8b: {  	v14 =	vadd.s32 v8, v3;
	v4 =	vor.u32 v4, v3;
	v8 =	vadd.s32 v8, v11;
	[tilespmem:s25+$0xE050] =	vst v5  }
0x8c: {  	v11 =	vtrunc.f32 v19;
	vm1 =	vge.f32 v19, $0.0e+00;
	vm0 =	vle.f32 v19, $1.280000000e+02;
	[tilespmem:s25+$0xE060] =	vst v10  }
0x8d: {  	v5 =	vtrunc.f32 v18;
	v10 =	vcvt.f32.s32 v11;
	vm3 =	vge.f32 v18, $0.0e+00;
	[tilespmem:s25+$0xE020] =	vst v12;
	v3 =	vmovc v18  }
0x8e: {  	v5 =	vcvt.f32.s32 v5;
	vm2 =	vle.f32 v3, $1.280000000e+02;
	[tilespmem:s25+$0xE030] =	vst v8  }
0x8f: {  	v8 =	vtrunc.f32 v2;
	vm4 =	vgt.s32 v10, $0x0;
	vm5 =	vge.f32 v2, $0.0e+00;
	[tilespmem:s25+$0xE010] =	vst v14  }
0x90: {  	v8 =	vcvt.f32.s32 v8;
	vm6 =	vgt.s32 v5, $0x0;
	v10 =	vnsel vm4, $0x0, v10;
	[tilespmem:s25+$0x12000] =	vst v13  }
0x91: {  	vm3 =	vmand vm5, vm3;
	v5 =	vnsel vm6, $0x0, v5;
	v10 =	vmin.u32 v10, $0x7F;
	[tilespmem:s25+$0x12020] =	vst v9  }
0x92: {  	vm4 =	vgt.s32 v8, $0x0;
	v11 =	vmin.u32 v5, $0x7F;
	v9 =	vcvt.s32.f32 v10;
	[tilespmem:s25+$0x12050] =	vst v7  }
0x93: {  	v7 =	vnsel vm4, $0x0, v8;
	v5 =	vcvt.s32.f32 v11;
	vm4 =	vle.f32 v2, $1.280000000e+02;
	[tilespmem:s25+$0xE000] =	vst v4  }
0x94: {  	v4 =	vmin.u32 v7, $0x7F;
	v7 =	vadd.f32 $1.000000000e+00, v9;
	vm3 =	vmand vm3, vm4;
	[tilespmem:s25+$0x12010] =	vst v6  }
0x95: {  	v6 =	vcvt.s32.f32 v4;
	v8 =	vadd.f32 $1.000000000e+00, v5;
	vm2 =	vmand vm2, vm3;
	[tilespmem:s25+$0x12030] =	vst v15;
	s25 =	smov.u32 s26  }
0x96: {  	v12 =	vmin.f32 v7, $1.270000000e+02;
	v7 =	vsub.f32 v19, v9;
	vm1 =	vmand vm1, vm2  }
0x97: {  	v13 =	vadd.f32 $1.000000000e+00, v6;
	v9 =	vmin.f32 v8, $1.270000000e+02;
	v8 =	vtrunc.f32 v12  }
0x98: {  	v12 =	vsub.f32 v12, v19;
	v14 =	vtrunc.f32 v9;
	v8 =	vcvt.f32.s32 v8  }
.Ltmp1:
0x99: {  	v10 =	vshll.u32 v10, $0xE;
	v13 =	vmin.f32 v13, $1.270000000e+02;
	v14 =	vcvt.f32.s32 v14;
	(pc) =	sbr.rel @p1 .LBB2_5-.Ltmp1, $4  }
0x9a: {  	vm0 =	vmand vm0, vm1;
	v15 =	vtrunc.f32 v13;
	v16 =	vshll.u32 v8, $0xE  }
0x9b: {  	v8 =	vcvt.f32.s32 v15;
	v18 =	vshll.u32 v14, $0x7;
	v17 =	vadd.s32 v0, v16  }
0x9c: {  	v15 =	vsel vm0, $0x3F800000, v1;
	v14 =	vor.u32 v0, v10;
	v10 =	vadd.s32 v18, v17  }
0x9d: {  	s26 =	sshra.s32 s28, $0x2;
	s28 =	sadd.s32 $0x200, s28;
	v16 =	vshll.u32 v11, $0x7;
	v11 =	vadd.s32 v14, v18;
	v18 =	vadd.s32 v8, v10  }
0x9e: {  	v19 =	vld [tilespmem:s26+$0xA000];
	v12 =	vmul.f32 v12, v15  }
0x9f: {  	[tilespmem:s25+$0xE070] =	vst v18;
	v13 =	vsub.f32 v13, v2;
	v17 =	vor.u32 v16, v17  }
0xa0: {  	v2 =	vsub.f32 v2, v6;
	v6 =	vsub.f32 v9, v3;
	v7 =	vmul.f32 v15, v7;
	v18 =	vld [tilespmem:s26+$0x8000];
	[tilespmem:s25+$0x12040] =	vst v12  }
0xa1: {  	v3 =	vsub.f32 v3, v5;
	v5 =	vor.u32 v16, v14;
	v14 =	vor.u32 v4, v11;
	v12 =	vld [tilespmem:s26+$0x6000]  }
0xa2: {  	v10 =	vor.u32 v4, v10;
	v9 =	vor.u32 v4, v17;
	v15 =	vadd.s32 v8, v17  }
0xa3: {  	v4 =	vor.u32 v4, v5;
	v5 =	vadd.s32 v8, v5;
	v58 =	vtrunc.f32 v19  }
0xa4: {  	v8 =	vadd.s32 v8, v11;
	vm0 =	vge.f32 v19, $0.0e+00;
	v16 =	vcvt.f32.s32 v58  }
0xa5: {  	v11 =	vtrunc.f32 v18;
	vm1 =	vge.f32 v18, $0.0e+00;
	vm2 =	vle.f32 v18, $1.280000000e+02  }
0xa6: {  	v11 =	vcvt.f32.s32 v11;
	v59 =	vtrunc.f32 v12;
	vm3 =	vgt.s32 v16, $0x0  }
0xa7: {  	vm12 =	vge.f32 v12, $0.0e+00;
	vm14 =	vle.f32 v12, $1.280000000e+02;
	v17 =	vcvt.f32.s32 v59  }
0xa8: {  	[tilespmem:s25+$0xE040] =	vst v9;
	vm4 =	vgt.s32 v11, $0x0;
	v16 =	vnsel vm3, $0x0, v16;
	vm1 =	vmand vm12, vm1  }
0xa9: {  	[tilespmem:s25+$0xE050] =	vst v15;
	v11 =	vnsel vm4, $0x0, v11;
	v16 =	vmin.u32 v16, $0x7F;
	vm13 =	vgt.s32 v17, $0x0  }
0xaa: {  	[tilespmem:s25+$0xE060] =	vst v10;
	v9 =	vmin.u32 v11, $0x7F;
	v11 =	vcvt.s32.f32 v16;
	v15 =	vnsel vm13, $0x0, v17  }
0xab: {  	[tilespmem:s25+$0xE020] =	vst v14;
	vm1 =	vmand vm1, vm14;
	v60 =	vcvt.s32.f32 v9;
	v10 =	vmin.u32 v15, $0x7F  }
0xac: {  	[tilespmem:s25+$0xE030] =	vst v8;
	vm1 =	vmand vm2, vm1;
	v15 =	vadd.f32 $1.000000000e+00, v11;
	v14 =	vcvt.s32.f32 v10  }
0xad: {  	[tilespmem:s25+$0xE010] =	vst v5;
	vm15 =	vle.f32 v19, $1.280000000e+02;
	vm0 =	vmand vm0, vm1;
	v20 =	vadd.f32 $1.000000000e+00, v60  }
0xae: {  	[tilespmem:s25+$0x12000] =	vst v13;
	vm0 =	vmand vm15, vm0;
	v8 =	vmin.f32 v15, $1.270000000e+02;
	v5 =	vadd.f32 $1.000000000e+00, v14  }
0xaf: {  	[tilespmem:s25+$0x12020] =	vst v6;
	v15 =	vmin.f32 v20, $1.270000000e+02;
	v61 =	vtrunc.f32 v8;
	v6 =	vsub.f32 v8, v19  }
0xb0: {  	[tilespmem:s25+$0x12010] =	vst v2;
	v2 =	vsel vm0, $0x3F800000, v1;
	v13 =	vtrunc.f32 v15;
	v20 =	vcvt.f32.s32 v61  }
0xb1: {  	[tilespmem:s25+$0x12050] =	vst v7;
	v5 =	vmin.f32 v5, $1.270000000e+02;
	v8 =	vcvt.f32.s32 v13;
	v6 =	vmul.f32 v6, v2  }
0xb2: {  	[tilespmem:s25+$0xE000] =	vst v4;
	v7 =	vtrunc.f32 v5;
	v13 =	vshll.u32 v20, $0xE;
	v5 =	vsub.f32 v5, v12  }
0xb3: {  	[tilespmem:s25+$0x12030] =	vst v3;
	v4 =	vcvt.f32.s32 v7;
	v7 =	vshll.u32 v8, $0x7;
	v8 =	vadd.s32 v0, v13  }
0xb4: {  	v3 =	vshll.u32 v9, $0x7;
	[tilespmem:s26+$0x12040] =	vst v6;
	v13 =	vadd.s32 v7, v8  }
0xb5: {  	v8 =	vor.u32 v3, v8;
	[tilespmem:s26+$0x12000] =	vst v5;
	v9 =	vadd.s32 v4, v13  }
0xb6: {  	v62 =	vor.u32 v10, v8;
	[tilespmem:s26+$0xE070] =	vst v9;
	v9 =	vshll.u32 v16, $0xE  }
0xb7: {  	v8 =	vadd.s32 v4, v8;
	[tilespmem:s26+$0xE040] =	vst v62;
	v6 =	vor.u32 v0, v9  }
0xb8: {  	[tilespmem:s26+$0xE050] =	vst v8;
	v9 =	vor.u32 v10, v13;
	v7 =	vadd.s32 v6, v7  }
0xb9: {  	[tilespmem:s26+$0xE060] =	vst v9;
	v8 =	vor.u32 v10, v7  }
0xba: {  	v3 =	vor.u32 v3, v6;
	v6 =	vadd.s32 v4, v7;
	[tilespmem:s26+$0xE020] =	vst v8  }
0xbb: {  	v7 =	vsub.f32 v19, v11;
	v4 =	vadd.s32 v4, v3;
	[tilespmem:s26+$0xE030] =	vst v6  }
0xbc: {  	v3 =	vor.u32 v10, v3;
	v6 =	vsub.f32 v15, v18;
	[tilespmem:s26+$0xE010] =	vst v4  }
0xbd: {  	[tilespmem:s26+$0xE000] =	vst v3;
	v2 =	vmul.f32 v2, v7  }
0xbe: {  	v4 =	vsub.f32 v12, v14;
	[tilespmem:s26+$0x12020] =	vst v6  }
0xbf: {  	[tilespmem:s26+$0x12050] =	vst v2;
	v2 =	vsub.f32 v18, v60  }
0xc0: {  	[tilespmem:s26+$0x12010] =	vst v4  }
0xc1: {  	[tilespmem:s26+$0x12030] =	vst v2  }
0xc2: {  	[tilespmem:s17], [sflag:$0x2] =	stream.indirect.gather [hbm4b:s1+s12], $0x1, s16, s12, $0xb8;
	[tilespmem:$0x18400] =	vst v63  }
0xc3: {  	_ =	swait.ge [sflag:s18], $0x2000  }
0xc4: {  	[sflag:s18] =	ssyncset.done $0x0  }
0xc5: {  	s31 =	simm.s32 $0x0;
	[sflag:s18] =	ssyncadd.s32 $0xFFFFE000  }
0xc6: {  	v3 =	vld [tilespmem:s31+$0x10000]  }
0xc7: {  	v4 =	vld [tilespmem:s31+$0x10010]  }
0xc8: {  	v2 =	vld [tilespmem:s31+$0x14000]  }
0xc9: {  	v5 =	vld [tilespmem:s31+$0x14010]  }
0xca: {  	v6 =	vld [tilespmem:s31+$0x14020]  }
0xcb: {  	v7 =	vld [tilespmem:s31+$0x14030]  }
0xcc: {  	v8 =	vld [tilespmem:s31+$0x14040]  }
0xcd: {  	v9 =	vld [tilespmem:s31+$0x14050]  }
0xce: {  	v10 =	vld [tilespmem:s31+$0x14060]  }
0xcf: {  	v11 =	vld [tilespmem:s31+$0x14070]  }
0xd0: {  	v12 =	vld [tilespmem:s31+$0x10040]  }
0xd1: {  	v13 =	vld [tilespmem:s31+$0x10020];
	v14 =	vmul.f32 v2, v3;
	v5 =	vmul.f32 v5, v4  }
0xd2: {  	v15 =	vld [tilespmem:s31+$0x10030];
	v6 =	vmul.f32 v6, v3;
	v7 =	vmul.f32 v7, v4  }
0xd3: {  	s25 =	simm.s32 $0x80;
	v63 =	vld [tilespmem:s31+$0x10050];
	v8 =	vmul.f32 v8, v3;
	v9 =	vmul.f32 v9, v4  }
0xd4: {  	v2 =	vld [tilespmem:s25+$0x10000];
	v3 =	vmul.f32 v10, v3;
	v10 =	vmul.f32 v11, v4  }
0xd5: {  	v4 =	vld [tilespmem:s25+$0x10010];
	v11 =	vadd.f32 v5, v14;
	v7 =	vadd.f32 v7, v6  }
0xd6: {  	v5 =	vld [tilespmem:s25+$0x14000];
	v8 =	vadd.f32 v9, v8;
	v3 =	vadd.f32 v10, v3  }
0xd7: {  	v6 =	vld [tilespmem:s25+$0x14010];
	v10 =	vmul.f32 v11, v13;
	v11 =	vmul.f32 v7, v15  }
0xd8: {  	v9 =	vld [tilespmem:s25+$0x14030];
	v13 =	vmul.f32 v8, v13;
	v3 =	vmul.f32 v3, v15  }
0xd9: {  	v7 =	vld [tilespmem:s25+$0x14020]  }
0xda: {  	v8 =	vld [tilespmem:s25+$0x14040];
	v14 =	vadd.f32 v11, v10;
	v13 =	vadd.f32 v3, v13  }
0xdb: {  	v10 =	vld [tilespmem:s25+$0x14050]  }
0xdc: {  	s26 =	simm.s32 $0x400;
	v3 =	vimm.f32 $0.0e+00;
	v11 =	vld [tilespmem:s25+$0x14060];
	v12 =	vmul.f32 v14, v12;
	v13 =	vmul.f32 v13, v63  }
.LBB2_7:
0xdd: {  	p1 =	sne.s32 s26, $0x7E00;
	v14 =	vld [tilespmem:s25+$0x14070]  }
0xde: {  	v15 =	vld [tilespmem:s25+$0x10040];
	v12 =	vadd.f32 v13, v12  }
0xdf: {  	v5 =	vmul.f32 v5, v2;
	v6 =	vmul.f32 v6, v4;
	v13 =	vld [tilespmem:s25+$0x10020]  }
0xe0: {  	v7 =	vmul.f32 v7, v2;
	v9 =	vmul.f32 v9, v4;
	v16 =	vld [tilespmem:s25+$0x10030];
	v3 =	vadd.f32 v12, v3  }
0xe1: {  	v8 =	vmul.f32 v8, v2;
	v10 =	vmul.f32 v10, v4;
	v17 =	vld [tilespmem:s25+$0x10050];
	s25 =	sshra.s32 s26, $0x2  }
0xe2: {  	v11 =	vmul.f32 v11, v2;
	v2 =	vld [tilespmem:s25+$0x10000];
	v12 =	vmul.f32 v14, v4  }
0xe3: {  	v7 =	vadd.f32 v9, v7;
	v14 =	vadd.f32 v6, v5;
	v4 =	vld [tilespmem:s25+$0x10010]  }
0xe4: {  	v8 =	vadd.f32 v10, v8;
	v5 =	vld [tilespmem:s25+$0x14000];
	v9 =	vadd.f32 v12, v11  }
0xe5: {  	v10 =	vmul.f32 v14, v13;
	v6 =	vld [tilespmem:s25+$0x14010];
	v11 =	vmul.f32 v7, v16  }
.Ltmp2:
0xe6: {  	v12 =	vmul.f32 v8, v13;
	v7 =	vld [tilespmem:s25+$0x14020];
	v13 =	vmul.f32 v9, v16;
	(pc) =	sbr.rel @p1 .LBB2_7-.Ltmp2, $4  }
0xe7: {  	v9 =	vld [tilespmem:s25+$0x14030]  }
0xe8: {  	v14 =	vadd.f32 v11, v10;
	v8 =	vld [tilespmem:s25+$0x14040];
	v13 =	vadd.f32 v13, v12  }
0xe9: {  	v10 =	vld [tilespmem:s25+$0x14050]  }
0xea: {  	s26 =	sadd.s32 $0x200, s26;
	v12 =	vmul.f32 v14, v15;
	v11 =	vld [tilespmem:s25+$0x14060];
	v13 =	vmul.f32 v13, v17  }
0xeb: {  	v14 =	vld [tilespmem:s25+$0x14070];
	_ =	sdelay $0x1  }
0xec: {  	v15 =	vld [tilespmem:s25+$0x10020];
	v5 =	vmul.f32 v5, v2;
	v6 =	vmul.f32 v6, v4  }
0xed: {  	v16 =	vld [tilespmem:s25+$0x10030];
	v7 =	vmul.f32 v7, v2;
	v9 =	vmul.f32 v9, v4  }
0xee: {  	v8 =	vmul.f32 v8, v2;
	v10 =	vmul.f32 v10, v4  }
0xef: {  	v2 =	vmul.f32 v11, v2;
	v59 =	vmul.f32 v14, v4  }
0xf0: {  	v5 =	vadd.f32 v6, v5;
	v60 =	vadd.f32 v9, v7  }
0xf1: {  	v61 =	vld [tilespmem:s25+$0x10040];
	v8 =	vadd.f32 v10, v8;
	v2 =	vadd.f32 v59, v2  }
0xf2: {  	v62 =	vld [tilespmem:s25+$0x10050];
	v5 =	vmul.f32 v5, v15;
	v6 =	vmul.f32 v60, v16  }
0xf3: {  	v8 =	vmul.f32 v8, v15;
	v2 =	vmul.f32 v2, v16;
	_ =	sdelay $0x1  }
0xf4: {  	v5 =	vadd.f32 v6, v5;
	v2 =	vadd.f32 v2, v8;
	_ =	sdelay $0x1  }
0xf5: {  	v63 =	vadd.f32 v13, v12;
	v5 =	vmul.f32 v5, v61;
	v2 =	vmul.f32 v2, v62;
	_ =	sdelay $0x1  }
0xf6: {  	v3 =	vadd.f32 v63, v3;
	v2 =	vadd.f32 v2, v5;
	_ =	sdelay $0x1  }
.Ltmp3:
0xf7: {  	v2 =	vadd.f32 v2, v3;
	(pc) =	sbr.rel @p0 .LBB2_12-.Ltmp3, $4  }
0xf8: {  	_ = 	snop  }
0xf9: {  	s31 =	sshll.u32 s23, $0x5;
	v2 =	vmul.f32 $1.562500000e-02, v2  }
0xfa: {  	s25 =	sand.u32 $0x3FFFFFE0, s31  }
0xfb: {  	[tilespmem:s25+$0x18000] =	vst v2  }
0xfc: {  	s24 =	sadd.s32 $0x3, s24  }
0xfd: {  	s26 =	sand.u32 $0x78, s24  }
0xfe: {  	s24 =	sand.u32 $0x7, s24;
	s26 =	sadd.s32 s26, s4  }
0xff: {  	s24 =	sor.u32 s24, s26  }
0x100: {  	s24 =	smul.u32 $0x6000, s24;
	_ =	sdelay $0x1  }
0x101: {  	s24 =	sshrl.u32 s24, $0x3  }
0x102: {  	s31 =	simm.s32 $0x0;
	s24 =	sadd.s32 s5, s24  }
0x103: {  	[tilespmem:s10], [sflag:$0x4] =	stream.linear.gather [hbm4b:s24+s31], $0x6000, $0x38;
	[tilespmem:$0x18400] =	vst v63  }
0x104: {  	_ =	swait.ge [sflag:s11], $0x6000  }
0x105: {  	[sflag:s11] =	ssyncset.done $0x0  }
0x106: {  	s24 =	simm.s32 $0x0;
	[sflag:s11] =	ssyncadd.s32 $0xFFFFA000  }
0x107: {  	v8 =	vld [tilespmem:s24+$0x4000]  }
0x108: {  	v3 =	vld [tilespmem:s24+$0x2000]  }
0x109: {  	v2 =	vld [tilespmem:s24+$0x0];
	_ =	sdelay $0x2  }
0x10a: {  	v4 =	vtrunc.f32 v8;
	vm1 =	vge.f32 v8, $0.0e+00;
	vm0 =	vle.f32 v8, $1.280000000e+02  }
0x10b: {  	v5 =	vtrunc.f32 v3;
	vm2 =	vge.f32 v3, $0.0e+00;
	v4 =	vcvt.f32.s32 v4  }
0x10c: {  	vm3 =	vle.f32 v3, $1.280000000e+02;
	v6 =	vtrunc.f32 v2;
	v5 =	vcvt.f32.s32 v5  }
0x10d: {  	vm5 =	vge.f32 v2, $0.0e+00;
	vm15 =	vle.f32 v2, $1.280000000e+02;
	vm4 =	vgt.s32 v4, $0x0  }
0x10e: {  	v6 =	vcvt.f32.s32 v6;
	vm6 =	vgt.s32 v5, $0x0;
	v4 =	vnsel vm4, $0x0, v4  }
0x10f: {  	vm2 =	vmand vm5, vm2;
	v5 =	vnsel vm6, $0x0, v5;
	v10 =	vmin.u32 v4, $0x7F  }
0x110: {  	vm14 =	vgt.s32 v6, $0x0;
	v11 =	vmin.u32 v5, $0x7F;
	v7 =	vcvt.s32.f32 v10  }
0x111: {  	vm2 =	vmand vm2, vm15;
	v4 =	vnsel vm14, $0x0, v6;
	v5 =	vcvt.s32.f32 v11  }
0x112: {  	vm2 =	vmand vm3, vm2;
	v4 =	vmin.u32 v4, $0x7F;
	v9 =	vadd.f32 $1.000000000e+00, v7  }
0x113: {  	vm1 =	vmand vm1, vm2;
	v6 =	vcvt.s32.f32 v4;
	v12 =	vadd.f32 $1.000000000e+00, v5  }
0x114: {  	vm0 =	vmand vm0, vm1;
	v13 =	vmin.f32 v9, $1.270000000e+02  }
0x115: {  	v14 =	vadd.f32 $1.000000000e+00, v6;
	v9 =	vmin.f32 v12, $1.270000000e+02;
	v12 =	vtrunc.f32 v13  }
0x116: {  	v10 =	vshll.u32 v10, $0xE;
	v15 =	vtrunc.f32 v9;
	v16 =	vcvt.f32.s32 v12  }
0x117: {  	v12 =	vsub.f32 v13, v8;
	v13 =	vmin.f32 v14, $1.270000000e+02;
	v14 =	vcvt.f32.s32 v15  }
0x118: {  	v7 =	vsub.f32 v8, v7;
	v8 =	vtrunc.f32 v13;
	v15 =	vshll.u32 v16, $0xE  }
0x119: {  	v8 =	vcvt.f32.s32 v8;
	v18 =	vshll.u32 v14, $0x7;
	v17 =	vadd.s32 v0, v15  }
0x11a: {  	v14 =	vor.u32 v0, v10;
	v16 =	vshll.u32 v11, $0x7;
	v10 =	vadd.s32 v18, v17  }
0x11b: {  	s28 =	simm.s32 $0x400;
	s26 =	simm.s32 $0x80;
	v15 =	vsel vm0, $0x3F800000, v1;
	v11 =	vadd.s32 v14, v18;
	v18 =	vadd.s32 v8, v10  }
.LBB2_10:
0x11c: {  	p0 =	sne.s32 s28, $0x7E00;
	v19 =	vld [tilespmem:s26+$0x4000];
	v13 =	vsub.f32 v13, v2;
	v12 =	vmul.f32 v12, v15;
	v17 =	vor.u32 v16, v17;
	[tilespmem:s24+$0xC070] =	vst v18  }
0x11d: {  	v6 =	vsub.f32 v2, v6;
	v9 =	vsub.f32 v9, v3;
	v7 =	vmul.f32 v15, v7;
	v18 =	vld [tilespmem:s26+$0x2000]  }
0x11e: {  	v15 =	vsub.f32 v3, v5;
	v3 =	vor.u32 v16, v14;
	v5 =	vor.u32 v4, v17;
	[tilespmem:s24+$0x10040] =	vst v12  }
0x11f: {  	v10 =	vor.u32 v4, v10;
	v12 =	vor.u32 v4, v11;
	v2 =	vld [tilespmem:s26+$0x0];
	[tilespmem:s24+$0xC040] =	vst v5;
	v5 =	vadd.s32 v8, v17  }
0x120: {  	v14 =	vadd.s32 v8, v3;
	v4 =	vor.u32 v4, v3;
	v8 =	vadd.s32 v8, v11;
	[tilespmem:s24+$0xC050] =	vst v5  }
0x121: {  	v11 =	vtrunc.f32 v19;
	vm1 =	vge.f32 v19, $0.0e+00;
	vm0 =	vle.f32 v19, $1.280000000e+02;
	[tilespmem:s24+$0xC060] =	vst v10  }
0x122: {  	v5 =	vtrunc.f32 v18;
	v10 =	vcvt.f32.s32 v11;
	vm3 =	vge.f32 v18, $0.0e+00;
	[tilespmem:s24+$0xC020] =	vst v12;
	v3 =	vmovc v18  }
0x123: {  	v5 =	vcvt.f32.s32 v5;
	vm2 =	vle.f32 v3, $1.280000000e+02;
	[tilespmem:s24+$0xC030] =	vst v8  }
0x124: {  	v8 =	vtrunc.f32 v2;
	vm4 =	vgt.s32 v10, $0x0;
	vm5 =	vge.f32 v2, $0.0e+00;
	[tilespmem:s24+$0xC010] =	vst v14  }
0x125: {  	v8 =	vcvt.f32.s32 v8;
	vm6 =	vgt.s32 v5, $0x0;
	v10 =	vnsel vm4, $0x0, v10;
	[tilespmem:s24+$0x10000] =	vst v13  }
0x126: {  	vm3 =	vmand vm5, vm3;
	v5 =	vnsel vm6, $0x0, v5;
	v10 =	vmin.u32 v10, $0x7F;
	[tilespmem:s24+$0x10020] =	vst v9  }
0x127: {  	vm4 =	vgt.s32 v8, $0x0;
	v11 =	vmin.u32 v5, $0x7F;
	v9 =	vcvt.s32.f32 v10;
	[tilespmem:s24+$0x10050] =	vst v7  }
0x128: {  	v7 =	vnsel vm4, $0x0, v8;
	v5 =	vcvt.s32.f32 v11;
	vm4 =	vle.f32 v2, $1.280000000e+02;
	[tilespmem:s24+$0xC000] =	vst v4  }
0x129: {  	v4 =	vmin.u32 v7, $0x7F;
	v7 =	vadd.f32 $1.000000000e+00, v9;
	vm3 =	vmand vm3, vm4;
	[tilespmem:s24+$0x10010] =	vst v6  }
0x12a: {  	v6 =	vcvt.s32.f32 v4;
	v8 =	vadd.f32 $1.000000000e+00, v5;
	vm2 =	vmand vm2, vm3;
	[tilespmem:s24+$0x10030] =	vst v15;
	s24 =	smov.u32 s26  }
0x12b: {  	v12 =	vmin.f32 v7, $1.270000000e+02;
	v7 =	vsub.f32 v19, v9;
	vm1 =	vmand vm1, vm2  }
0x12c: {  	v13 =	vadd.f32 $1.000000000e+00, v6;
	v9 =	vmin.f32 v8, $1.270000000e+02;
	v8 =	vtrunc.f32 v12  }
0x12d: {  	v12 =	vsub.f32 v12, v19;
	v14 =	vtrunc.f32 v9;
	v8 =	vcvt.f32.s32 v8  }
.Ltmp4:
0x12e: {  	v10 =	vshll.u32 v10, $0xE;
	v13 =	vmin.f32 v13, $1.270000000e+02;
	v14 =	vcvt.f32.s32 v14;
	(pc) =	sbr.rel @p0 .LBB2_10-.Ltmp4, $4  }
0x12f: {  	vm0 =	vmand vm0, vm1;
	v15 =	vtrunc.f32 v13;
	v16 =	vshll.u32 v8, $0xE  }
0x130: {  	v8 =	vcvt.f32.s32 v15;
	v18 =	vshll.u32 v14, $0x7;
	v17 =	vadd.s32 v0, v16  }
0x131: {  	v15 =	vsel vm0, $0x3F800000, v1;
	v14 =	vor.u32 v0, v10;
	v10 =	vadd.s32 v18, v17  }
0x132: {  	s26 =	sshra.s32 s28, $0x2;
	s28 =	sadd.s32 $0x200, s28;
	v16 =	vshll.u32 v11, $0x7;
	v11 =	vadd.s32 v14, v18;
	v18 =	vadd.s32 v8, v10  }
0x133: {  	v19 =	vld [tilespmem:s26+$0x4000];
	v12 =	vmul.f32 v12, v15  }
0x134: {  	[tilespmem:s24+$0xC070] =	vst v18;
	v13 =	vsub.f32 v13, v2;
	v17 =	vor.u32 v16, v17  }
0x135: {  	v2 =	vsub.f32 v2, v6;
	v25 =	vsub.f32 v9, v3;
	v7 =	vmul.f32 v15, v7;
	v18 =	vld [tilespmem:s26+$0x2000];
	[tilespmem:s24+$0x10040] =	vst v12  }
0x136: {  	v3 =	vsub.f32 v3, v5;
	v26 =	vor.u32 v16, v14;
	v28 =	vor.u32 v4, v11;
	v12 =	vld [tilespmem:s26+$0x0]  }
0x137: {  	v10 =	vor.u32 v4, v10;
	v32 =	vadd.s32 v8, v11;
	v27 =	vor.u32 v4, v17  }
0x138: {  	v29 =	vadd.s32 v8, v17;
	v5 =	vadd.s32 v8, v26;
	v31 =	vtrunc.f32 v19  }
0x139: {  	vm0 =	vge.f32 v19, $0.0e+00;
	vm15 =	vle.f32 v19, $1.280000000e+02;
	v16 =	vcvt.f32.s32 v31  }
0x13a: {  	v33 =	vtrunc.f32 v18;
	vm1 =	vge.f32 v18, $0.0e+00;
	vm2 =	vle.f32 v18, $1.280000000e+02  }
0x13b: {  	[tilespmem:s24+$0xC040] =	vst v27;
	v11 =	vcvt.f32.s32 v33;
	v34 =	vtrunc.f32 v12;
	vm3 =	vgt.s32 v16, $0x0  }
0x13c: {  	[tilespmem:s24+$0xC050] =	vst v29;
	vm12 =	vge.f32 v12, $0.0e+00;
	vm14 =	vle.f32 v12, $1.280000000e+02;
	v17 =	vcvt.f32.s32 v34  }
0x13d: {  	[tilespmem:s24+$0xC060] =	vst v10;
	vm4 =	vgt.s32 v11, $0x0;
	v16 =	vnsel vm3, $0x0, v16;
	vm1 =	vmand vm12, vm1  }
0x13e: {  	[tilespmem:s24+$0xC020] =	vst v28;
	v11 =	vnsel vm4, $0x0, v11;
	v16 =	vmin.u32 v16, $0x7F;
	vm1 =	vmand vm1, vm14  }
0x13f: {  	[tilespmem:s24+$0xC030] =	vst v32;
	vm13 =	vgt.s32 v17, $0x0;
	v35 =	vmin.u32 v11, $0x7F;
	v36 =	vcvt.s32.f32 v16  }
0x140: {  	[tilespmem:s24+$0xC010] =	vst v5;
	vm1 =	vmand vm2, vm1;
	v37 =	vnsel vm13, $0x0, v17;
	v38 =	vcvt.s32.f32 v35  }
0x141: {  	[tilespmem:s24+$0x10000] =	vst v13;
	vm0 =	vmand vm0, vm1;
	v39 =	vmin.u32 v37, $0x7F;
	v40 =	vadd.f32 $1.000000000e+00, v36  }
0x142: {  	[tilespmem:s24+$0x10020] =	vst v25;
	vm0 =	vmand vm15, vm0;
	v41 =	vcvt.s32.f32 v39;
	v20 =	vadd.f32 $1.000000000e+00, v38  }
0x143: {  	v30 =	vor.u32 v4, v26;
	[tilespmem:s24+$0x10010] =	vst v2;
	v61 =	vsub.f32 v19, v36;
	v2 =	vsel vm0, $0x3F800000, v1  }
0x144: {  	[tilespmem:s24+$0x10050] =	vst v7;
	v42 =	vmin.f32 v40, $1.270000000e+02;
	v43 =	vadd.f32 $1.000000000e+00, v41;
	v44 =	vmin.f32 v20, $1.270000000e+02  }
0x145: {  	[tilespmem:s24+$0xC000] =	vst v30;
	v45 =	vtrunc.f32 v42;
	v47 =	vsub.f32 v42, v19;
	v63 =	vsub.f32 v12, v41  }
0x146: {  	[tilespmem:s24+$0x10030] =	vst v3;
	v46 =	vtrunc.f32 v44;
	v20 =	vcvt.f32.s32 v45;
	v62 =	vsub.f32 v44, v18  }
0x147: {  	v5 =	vmin.f32 v43, $1.270000000e+02;
	v48 =	vcvt.f32.s32 v46;
	v6 =	vmul.f32 v47, v2;
	[tilespmem:s26+$0x10010] =	vst v63  }
0x148: {  	v2 =	vmul.f32 v2, v61;
	v49 =	vtrunc.f32 v5;
	[tilespmem:s26+$0x10020] =	vst v62  }
0x149: {  	v50 =	vshll.u32 v20, $0xE;
	v5 =	vsub.f32 v5, v12;
	v51 =	vcvt.f32.s32 v49;
	[tilespmem:s26+$0x10040] =	vst v6  }
0x14a: {  	v52 =	vshll.u32 v48, $0x7;
	v53 =	vadd.s32 v0, v50;
	[tilespmem:s26+$0x10050] =	vst v2;
	v2 =	vsub.f32 v18, v38  }
0x14b: {  	v3 =	vshll.u32 v35, $0x7;
	v13 =	vadd.s32 v52, v53;
	[tilespmem:s26+$0x10000] =	vst v5  }
0x14c: {  	v8 =	vor.u32 v3, v53;
	v54 =	vadd.s32 v51, v13;
	[tilespmem:s26+$0x10030] =	vst v2  }
0x14d: {  	v55 =	vshll.u32 v16, $0xE;
	v56 =	vor.u32 v39, v8;
	[tilespmem:s26+$0xC070] =	vst v54  }
0x14e: {  	v57 =	vor.u32 v0, v55;
	v8 =	vadd.s32 v51, v8;
	[tilespmem:s26+$0xC040] =	vst v56  }
0x14f: {  	v7 =	vadd.s32 v57, v52;
	v58 =	vor.u32 v39, v13;
	[tilespmem:s26+$0xC050] =	vst v8  }
0x150: {  	v59 =	vor.u32 v39, v7;
	[tilespmem:s26+$0xC060] =	vst v58  }
0x151: {  	v3 =	vor.u32 v3, v57;
	v60 =	vadd.s32 v51, v7;
	[tilespmem:s26+$0xC020] =	vst v59  }
0x152: {  	v4 =	vadd.s32 v51, v3;
	[tilespmem:s26+$0xC030] =	vst v60  }
0x153: {  	v3 =	vor.u32 v39, v3;
	[tilespmem:s26+$0xC010] =	vst v4  }
0x154: {  	[tilespmem:s26+$0xC000] =	vst v3  }
0x155: {  	[tilespmem:s14], [sflag:$0x1] =	stream.indirect.gather [hbm4b:s1+s12], $0x1, s13, s12, $0xb8;
	[tilespmem:$0x18400] =	vst v63  }
.LBB2_12:
0x156: {  	_ =	swait.ge [sflag:s19], $0x2000  }
0x157: {  	[sflag:s19] =	ssyncset.done $0x0  }
0x158: {  	s26 =	simm.s32 $0x0;
	[sflag:s19] =	ssyncadd.s32 $0xFFFFE000  }
0x159: {  	v3 =	vld [tilespmem:s26+$0x12000]  }
0x15a: {  	v4 =	vld [tilespmem:s26+$0x12010]  }
0x15b: {  	v2 =	vld [tilespmem:s26+$0x16000]  }
0x15c: {  	v5 =	vld [tilespmem:s26+$0x16010]  }
0x15d: {  	v6 =	vld [tilespmem:s26+$0x16020]  }
0x15e: {  	v7 =	vld [tilespmem:s26+$0x16030]  }
0x15f: {  	v8 =	vld [tilespmem:s26+$0x16040]  }
0x160: {  	v9 =	vld [tilespmem:s26+$0x16050]  }
0x161: {  	v10 =	vld [tilespmem:s26+$0x16060]  }
0x162: {  	v11 =	vld [tilespmem:s26+$0x16070]  }
0x163: {  	v12 =	vld [tilespmem:s26+$0x12040]  }
0x164: {  	v13 =	vld [tilespmem:s26+$0x12020];
	v14 =	vmul.f32 v2, v3;
	v5 =	vmul.f32 v5, v4  }
0x165: {  	v15 =	vld [tilespmem:s26+$0x12030];
	v6 =	vmul.f32 v6, v3;
	v7 =	vmul.f32 v7, v4  }
0x166: {  	s24 =	simm.s32 $0x80;
	v16 =	vld [tilespmem:s26+$0x12050];
	v8 =	vmul.f32 v8, v3;
	v9 =	vmul.f32 v9, v4  }
0x167: {  	v2 =	vld [tilespmem:s24+$0x12000];
	v3 =	vmul.f32 v10, v3;
	v10 =	vmul.f32 v11, v4  }
0x168: {  	v4 =	vld [tilespmem:s24+$0x12010];
	v11 =	vadd.f32 v5, v14;
	v7 =	vadd.f32 v7, v6  }
0x169: {  	v5 =	vld [tilespmem:s24+$0x16000];
	v8 =	vadd.f32 v9, v8;
	v3 =	vadd.f32 v10, v3  }
0x16a: {  	v6 =	vld [tilespmem:s24+$0x16010];
	v10 =	vmul.f32 v11, v13;
	v11 =	vmul.f32 v7, v15  }
0x16b: {  	v9 =	vld [tilespmem:s24+$0x16030];
	v13 =	vmul.f32 v8, v13;
	v3 =	vmul.f32 v3, v15  }
0x16c: {  	v7 =	vld [tilespmem:s24+$0x16020]  }
0x16d: {  	v8 =	vld [tilespmem:s24+$0x16040];
	v14 =	vadd.f32 v11, v10;
	v13 =	vadd.f32 v3, v13  }
0x16e: {  	v10 =	vld [tilespmem:s24+$0x16050]  }
0x16f: {  	s26 =	simm.s32 $0x400;
	v3 =	vimm.f32 $0.0e+00;
	v11 =	vld [tilespmem:s24+$0x16060];
	v12 =	vmul.f32 v14, v12;
	v13 =	vmul.f32 v13, v16  }
.LBB2_13:
0x170: {  	p0 =	sne.s32 s26, $0x7E00;
	v14 =	vld [tilespmem:s24+$0x16070]  }
0x171: {  	v15 =	vld [tilespmem:s24+$0x12040];
	v12 =	vadd.f32 v13, v12  }
0x172: {  	v5 =	vmul.f32 v5, v2;
	v6 =	vmul.f32 v6, v4;
	v13 =	vld [tilespmem:s24+$0x12020]  }
0x173: {  	v7 =	vmul.f32 v7, v2;
	v9 =	vmul.f32 v9, v4;
	v16 =	vld [tilespmem:s24+$0x12030];
	v3 =	vadd.f32 v12, v3  }
0x174: {  	v8 =	vmul.f32 v8, v2;
	v10 =	vmul.f32 v10, v4;
	v17 =	vld [tilespmem:s24+$0x12050];
	s24 =	sshra.s32 s26, $0x2  }
0x175: {  	v11 =	vmul.f32 v11, v2;
	v2 =	vld [tilespmem:s24+$0x12000];
	v12 =	vmul.f32 v14, v4  }
0x176: {  	v7 =	vadd.f32 v9, v7;
	v14 =	vadd.f32 v6, v5;
	v4 =	vld [tilespmem:s24+$0x12010]  }
0x177: {  	v8 =	vadd.f32 v10, v8;
	v5 =	vld [tilespmem:s24+$0x16000];
	v9 =	vadd.f32 v12, v11  }
0x178: {  	v10 =	vmul.f32 v14, v13;
	v6 =	vld [tilespmem:s24+$0x16010];
	v11 =	vmul.f32 v7, v16  }
.Ltmp5:
0x179: {  	v12 =	vmul.f32 v8, v13;
	v7 =	vld [tilespmem:s24+$0x16020];
	v13 =	vmul.f32 v9, v16;
	(pc) =	sbr.rel @p0 .LBB2_13-.Ltmp5, $4  }
0x17a: {  	v9 =	vld [tilespmem:s24+$0x16030]  }
0x17b: {  	v14 =	vadd.f32 v11, v10;
	v8 =	vld [tilespmem:s24+$0x16040];
	v13 =	vadd.f32 v13, v12  }
0x17c: {  	v10 =	vld [tilespmem:s24+$0x16050]  }
0x17d: {  	s26 =	sadd.s32 $0x200, s26;
	v12 =	vmul.f32 v14, v15;
	v11 =	vld [tilespmem:s24+$0x16060];
	v13 =	vmul.f32 v13, v17  }
0x17e: {  	v14 =	vld [tilespmem:s24+$0x16070];
	_ =	sdelay $0x1  }
0x17f: {  	v15 =	vld [tilespmem:s24+$0x12020];
	v5 =	vmul.f32 v5, v2;
	v6 =	vmul.f32 v6, v4  }
0x180: {  	v16 =	vld [tilespmem:s24+$0x12030];
	v7 =	vmul.f32 v7, v2;
	v9 =	vmul.f32 v9, v4  }
0x181: {  	v8 =	vmul.f32 v8, v2;
	v10 =	vmul.f32 v10, v4  }
0x182: {  	v2 =	vmul.f32 v11, v2;
	v59 =	vmul.f32 v14, v4  }
0x183: {  	v5 =	vadd.f32 v6, v5;
	v60 =	vadd.f32 v9, v7  }
0x184: {  	v61 =	vld [tilespmem:s24+$0x12040];
	v8 =	vadd.f32 v10, v8;
	v2 =	vadd.f32 v59, v2  }
0x185: {  	v62 =	vld [tilespmem:s24+$0x12050];
	v5 =	vmul.f32 v5, v15;
	v6 =	vmul.f32 v60, v16  }
0x186: {  	v8 =	vmul.f32 v8, v15;
	v2 =	vmul.f32 v2, v16;
	_ =	sdelay $0x1  }
0x187: {  	v5 =	vadd.f32 v6, v5;
	v2 =	vadd.f32 v2, v8;
	_ =	sdelay $0x1  }
0x188: {  	v63 =	vadd.f32 v13, v12;
	v5 =	vmul.f32 v5, v61;
	v2 =	vmul.f32 v2, v62;
	_ =	sdelay $0x1  }
0x189: {  	s23 =	sadd.s32 $0x1, s23;
	v3 =	vadd.f32 v63, v3;
	v2 =	vadd.f32 v2, v5  }
0x18a: {  	p0 =	sne.s32 s23, $0x20  }
.Ltmp6:
0x18b: {  	v2 =	vadd.f32 v2, v3;
	(pc) =	sbr.rel @p0 .LBB2_4-.Ltmp6, $3  }
0x18c: {  	_ = 	snop  }
0x18d: {  	v2 =	vmul.f32 $1.562500000e-02, v2;
	_ =	sdelay $0x1  }
0x18e: {  	[tilespmem:s25+$0x18010] =	vst v2  }
0x18f: {  	s22 =	sadd.s32 $0x1, s22  }
0x190: {  	p0 =	sne.s32 s22, s9  }
.Ltmp7:
0x191: {  	_ = 	snop;
	(pc) =	sbr.rel @p0 .LBB2_1-.Ltmp7, $4  }
0x192: {  	[hbm4b:s8+s3] =	stream.linear.scatter [tilespmem:s20], [sflag:$0x5], $0x400, $0x38;
	[tilespmem:$0x18400] =	vst v63  }
0x193: {  	_ =	swait.ge [sflag:s21], $0x400  }
0x194: {  	[sflag:s21] =	ssyncset.done $0x0  }
0x195: {  	[sflag:s21] =	ssyncadd.s32 $0xFFFFFC00  }
0x196: {  	_ =	sfence.sel $0x180000  }
0x197: {  	[bflag:$0x0] =	sbarrier.arrive $0xFFFF  }
0x198: {  	p0 =	sne.s32 s0, $0x0;
	_ =	strace $0x90000047  }
0x199: {  	s0 =	sadd.s32 @!p0 $0x100000, s2;
	[bflag:$0x2] =	sbarrier.arrive $0xFFFF  }
0x19a: {  	[sflag:s0] =	ssyncadd.tile.s32 @!p0 $0x1;
	_ =	shalt  }
.Lfunc_end2:
_tile_overlayer_lowered:
.L_overlay_start_2:
0x19b: {  	(tag) =	ssettag $0x2  }
0x19c: {  	s0 =	rddreg [dreg:$0x0];
	s2 =	stileid.u32  }
0x19d: {  	s1 =	rddreg [dreg:$0x1];
	p0 =	sne.s32 s2, $0x0  }
0x19e: {  	s3 =	rddreg [dreg:$0x2];
	[bflag:$0x3] =	sbarrier.arrive $0xFFFF;
	s2 =	simm.s32 @!p0 $0x1C05  }
0x19f: {  	[timem:s3], [sflag:s2] =	dma.local @!p0 [hbm:s0], s1  }
0x1a0: {  	s0 =	simm.s32 @!p0 $0x5  }
0x1a1: {  	_ =	swait.ge @!p0 [sflag:s0], s1  }
0x1a2: {  	s1 =	ssub.s32 @!p0 $0x0, s1;
	[sflag:s0] =	ssyncset.done @!p0 $0x0  }
0x1a3: {  	[sflag:s0] =	ssyncadd.s32 @!p0 s1  }
0x1a4: {  	[bflag:$0x3] =	sbarrier.arrive $0xFFFF  }
0x1a5: {  	_ =	shalt  }

// kernel: kernel.7.cloned.1.call-start
scs
__scs_entry_jumppad:
0x0: {  	(pc) =	sbr.rel $0x88, $3  }
0x1: {  	(tag) =	ssettag $0x0;
	lr =	simm.s32 $0x1  }
0x2: {  	[smem:$0x3F9E] =	sst lr;
	_ =	strace $0xD0000000  }
0x3: {  	_ = 	snop  }
0x4: {  	_ = 	snop  }
0x5: {  	_ = 	snop  }
0x6: {  	_ = 	snop  }
0x7: {  	_ = 	snop  }
__scs_overlays_trampoline_lowered:
0x8: {  	[smem:$0x3FAD] =	sst s0  }
0x9: {  	[smem:$0x3FAE] =	sst s1  }
0xa: {  	[smem:$0x3FAF] =	sst s2  }
0xb: {  	[smem:$0x3FB0] =	sst s3  }
0xc: {  	[smem:$0x3FB1] =	sst s4  }
0xd: {  	[smem:$0x3FB2] =	sst s5  }
0xe: {  	[smem:$0x3FB3] =	sst s6  }
0xf: {  	[smem:$0x3FB4] =	sst s7  }
0x10: {  	[smem:$0x3FB5] =	sst s8  }
0x11: {  	[smem:$0x3FB6] =	sst s9;
	s0 =	simm.s32 @!p0 $0x0  }
0x12: {  	s1 =	sld [smem:$0x3F9C];
	s0 =	simm.s32 @p0 $0x1  }
0x13: {  	[smem:$0x3FB7] =	sst s0;
	s0 =	simm.s32 @!p1 $0x0  }
0x14: {  	s2 =	sld [smem:$0x3F9B];
	s0 =	simm.s32 @p1 $0x1  }
0x15: {  	[smem:$0x3FB8] =	sst s0;
	s0 =	simm.s32 @!p2 $0x0  }
0x16: {  	s3 =	sld [smem:$0x3FDB];
	s0 =	simm.s32 @p2 $0x1  }
0x17: {  	s4 =	simm.s32 $0x1BF5;
	[smem:$0x3FBA] =	sst s0  }
0x18: {  	s0 =	sld [smem:$0x3F9D];
	_ =	swait.ge [sflag:s4], $0x0  }
0x19: {  	s7 =	sld [smem:$0x3F9E]  }
0x1a: {  	s8 =	sadd.s32 $0xFFFFE003, lr  }
0x1b: {  	s9 =	sadd.s32 $0xFFFFFEF7, lr;
	s5 =	simm.s32 $0xFFFFFFFF;
	p2 =	slt.u32 s8, $0xFFFFF086  }
0x1c: {  	p1 =	slt.u32 s9, $0xF7A;
	s5 =	simm.s32 @!p2 $0x0  }
0x1d: {  	s5 =	simm.s32 @p1 $0x1;
	p0 =	seq.s32 s7, s2  }
0x1e: {  	s7 =	smul.u32 @!p0 $0xF7A, s2;
	p2 =	seq.s32 @!p0 s5, $0x0  }
0x1f: {  	s9 =	smul.u32 $0xF7A, s1;
	s8 =	simm.s32 @!p0 $0x1BF5;
	p2 =	por !p2, p0  }
0x20: {  	[sflag:s8] =	ssyncset.s32 @!p0 $0xFFFFF086;
	s6 =	sadd.s32 @!p0 s3, s7;
	s7 =	simm.s32 @!p0 $0x108  }
0x21: {  	s3 =	sadd.s32 s3, s9;
	s6 =	sadd.s32 @!p0 $0x88, s6;
	s7 =	simm.s32 @p2 $0x1082  }
0x22: {  	[simem:s7], [sflag:s8] =	dma.local @!p0 [hbm:s6], $0xF7A  }
0x23: {  	s9 =	sor.u32 $0xD0000000, s2;
	s6 =	simm.s32 $0x108;
	_ =	swait.ge @!p0 [sflag:s8], $0x0  }
0x24: {  	s3 =	sadd.s32 $0x88, s3;
	s6 =	simm.s32 @!p1 $0x1082;
	[sflag:s4] =	ssyncset.s32 $0xFFFFF086  }
0x25: {  	[simem:s6], [sflag:s4] =	dma.local [hbm:s3], $0xF7A  }
0x26: {  	[smem:$0x3F9E] =	sst s1;
	(tag) =	ssettag s2;
	_ =	strace s9  }
0x27: {  	s1 =	sld [smem:$0x3FAE]  }
0x28: {  	s2 =	sld [smem:$0x3FAF]  }
0x29: {  	s4 =	sld [smem:$0x3FB1]  }
0x2a: {  	p0 =	seq.s32 s5, $0x0;
	s5 =	sld [smem:$0x3FB2]  }
0x2b: {  	s6 =	sld [smem:$0x3FB3]  }
0x2c: {  	s7 =	sld [smem:$0x3FB4]  }
0x2d: {  	s3 =	simm.s32 $0x108;
	s8 =	sld [smem:$0x3FB5]  }
0x2e: {  	s3 =	simm.s32 @!p0 $0x1082;
	s9 =	sld [smem:$0x3FB6]  }
0x2f: {  	lr =	sadd.s32 s0, s3;
	s0 =	sld [smem:$0x3FAD]  }
0x30: {  	s3 =	sld [smem:$0x3FB0]  }
0x31: {  	[smem:$0x3FB9] =	sst s10  }
0x32: {  	s10 =	sld [smem:$0x3FB7];
	_ =	sdelay $0x3  }
0x33: {  	p0 =	seq.s32 s10, $0x1;
	s10 =	sld [smem:$0x3FB9];
	_ =	sdelay $0x3  }
0x34: {  	[smem:$0x3FB9] =	sst s10  }
0x35: {  	s10 =	sld [smem:$0x3FB8];
	_ =	sdelay $0x3  }
0x36: {  	p1 =	seq.s32 s10, $0x1;
	s10 =	sld [smem:$0x3FB9];
	_ =	sdelay $0x3  }
0x37: {  	[smem:$0x3FB9] =	sst s10  }
0x38: {  	s10 =	sld [smem:$0x3FBA]  }
0x39: {  	_ = 	snop;
	(pc) =	sbr.ind lr, $3  }
0x3a: {  	_ = 	snop  }
0x3b: {  	_ = 	snop  }
0x3c: {  	p2 =	seq.s32 s10, $0x1;
	s10 =	sld [smem:$0x3FB9]  }
0x3d: {  	_ =	shalt  }
0x3e: {  	_ =	shalt  }
0x3f: {  	_ =	shalt  }
0x40: {  	_ =	shalt  }
0x41: {  	_ =	shalt  }
0x42: {  	_ =	shalt  }
0x43: {  	_ =	shalt  }
0x44: {  	_ =	shalt  }
0x45: {  	_ =	shalt  }
0x46: {  	_ =	shalt  }
0x47: {  	_ =	shalt  }
0x48: {  	_ =	shalt  }
0x49: {  	_ =	shalt  }
0x4a: {  	_ =	shalt  }
0x4b: {  	_ =	shalt  }
0x4c: {  	_ =	shalt  }
0x4d: {  	_ =	shalt  }
0x4e: {  	_ =	shalt  }
0x4f: {  	_ =	shalt  }
0x50: {  	_ =	shalt  }
0x51: {  	_ =	shalt  }
0x52: {  	_ =	shalt  }
0x53: {  	_ =	shalt  }
0x54: {  	_ =	shalt  }
0x55: {  	_ =	shalt  }
0x56: {  	_ =	shalt  }
0x57: {  	_ =	shalt  }
0x58: {  	_ =	shalt  }
0x59: {  	_ =	shalt  }
0x5a: {  	_ =	shalt  }
0x5b: {  	_ =	shalt  }
0x5c: {  	_ =	shalt  }
0x5d: {  	_ =	shalt  }
0x5e: {  	_ =	shalt  }
0x5f: {  	_ =	shalt  }
0x60: {  	_ =	shalt  }
0x61: {  	_ =	shalt  }
0x62: {  	_ =	shalt  }
0x63: {  	_ =	shalt  }
0x64: {  	_ =	shalt  }
0x65: {  	_ =	shalt  }
0x66: {  	_ =	shalt  }
0x67: {  	_ =	shalt  }
0x68: {  	_ =	shalt  }
0x69: {  	_ =	shalt  }
0x6a: {  	_ =	shalt  }
0x6b: {  	_ =	shalt  }
0x6c: {  	_ =	shalt  }
0x6d: {  	_ =	shalt  }
0x6e: {  	_ =	shalt  }
0x6f: {  	_ =	shalt  }
0x70: {  	_ =	shalt  }
0x71: {  	_ =	shalt  }
0x72: {  	_ =	shalt  }
0x73: {  	_ =	shalt  }
0x74: {  	_ =	shalt  }
0x75: {  	_ =	shalt  }
0x76: {  	_ =	shalt  }
0x77: {  	_ =	shalt  }
0x78: {  	_ =	shalt  }
0x79: {  	_ =	shalt  }
0x7a: {  	_ =	shalt  }
0x7b: {  	_ =	shalt  }
0x7c: {  	_ =	shalt  }
0x7d: {  	_ =	shalt  }
0x7e: {  	_ =	shalt  }
0x7f: {  	_ =	shalt  }
0x80: {  	_ =	shalt  }
0x81: {  	_ =	shalt  }
0x82: {  	_ =	shalt  }
0x83: {  	_ =	shalt  }
0x84: {  	_ =	shalt  }
0x85: {  	_ =	shalt  }
0x86: {  	_ =	shalt  }
0x87: {  	_ =	shalt  }
.Lfunc_end0:
.L_simem_size_0:
called_computation.1_lowered:
.L_overlay_start_0:
0x88: {  	s2 =	sld [smem:$0x3FD9]  }
0x89: {  	s3 =	sld [smem:$0x3FFE];
	_ =	sdelay $0x1  }
0x8a: {  	s1 =	srdreg.scid  }
0x8b: {  	s0 =	sand.u32 $0x1, s1  }
0x8c: {  	s17 =	sshll.u32 s0, $0xA;
	s2 =	sadd.s32 s3, s2  }
0x8d: {  	s2 =	sadd.s32 s2, s17  }
0x8e: {  	[smem:$0x3FC5] =	sst s2  }
0x8f: {  	_ = 	snop  }
0x90: {  	s18 =	sld [smem:$0x3FC9];
	(tm) =	ssettm $0x1  }
0x91: {  	s19 =	sld [smem:$0x3FFB];
	_ =	sdelay $0x3  }
0x92: {  	_ =	strace s19  }
0x93: {  	s2 =	sld [smem:$0x3FFC];
	_ =	sdelay $0x3  }
0x94: {  	_ =	strace s2  }
0x95: {  	s2 =	sld [smem:$0x3FFD];
	_ =	sdelay $0x3  }
0x96: {  	_ =	strace s2  }
0x97: {  	_ =	strace $0x8FFFFFFF  }
0x98: {  	s20 =	sld [smem:$0x3FDB];
	_ =	sdelay $0x1  }
0x99: {  	s4 =	simm.s32 $_scs_section_size  }
0x9a: {  	s5 =	simm.s32 $_size__tile_overlayer_lowered;
	s6 =	simm.s32 $_tile_overlayer_lowered  }
0x9b: {  	s7 =	simm.s32 $0x1BFF;
	s21 =	sshll.u32 s6, $0x1;
	s4 =	sadd.s32 s4, s20  }
0x9c: {  	s22 =	simm.s32 $0x0;
	s5 =	sshll.u32 s5, $0x1;
	s6 =	sadd.s32 s21, s4  }
0x9d: {  	[timem:s22], [sflag:s7] =	dma.local [hbm:s6], s5  }
0x9e: {  	_ =	swait.ge [sflag:s7], s5  }
0x9f: {  	s5 =	ssub.s32 $0x0, s5;
	[sflag:s7] =	ssyncset.done $0x0  }
0xa0: {  	[sflag:s7] =	ssyncadd.s32 s5;
	_ =	sdelay $0x1  }
0xa1: {  	s23 =	simm.s32 $0x1B8B  }
0xa2: {  	_ =	swait.ge [sflag:s23], $0x1  }
0xa3: {  	[sflag:s23] =	ssyncset.done $0x0  }
0xa4: {  	[sflag:s23] =	ssyncadd.s32 $0xFFFFFFFF  }
0xa5: {  	s5 =	sld [smem:$0x0]  }
0xa6: {  	s6 =	sand.u32 $0xFFFFFFFE, s1  }
0xa7: {  	p0 =	sne.s32 s1, s6  }
0xa8: {  	s6 =	sshll.u32 @p0 s6, $0xE  }
0xa9: {  	s6 =	sadd.s32 @p0 $0x11B8D, s6;
	s7 =	sshll.u32 @p0 s5, $0x11  }
0xaa: {  	s6 =	sor.u32 @p0 s7, s6  }
0xab: {  	[sflag:s6] =	ssyncadd.remote.s32 @p0 $0x1;
	_ =	sdelay $0x1  }
0xac: {  	s6 =	simm.s32 @p0 $0x1B8D  }
0xad: {  	_ =	swait.eq @p0 [sflag:s6], $0x1  }
0xae: {  	[sflag:s6] =	ssyncadd.s32 @p0 $0xFFFFFFFF  }
0xaf: {  	s7 =	sshll.u32 @!p0 s1, $0xE  }
0xb0: {  	s7 =	sor.u32 @!p0 $0x4000, s7;
	s6 =	simm.s32 @!p0 $0x1B8D  }
0xb1: {  	s5 =	sshll.u32 @!p0 s5, $0x11;
	s7 =	sadd.s32 @!p0 $0x11B8D, s7;
	_ =	swait.eq @!p0 [sflag:s6], $0x1  }
0xb2: {  	s5 =	sor.u32 @!p0 s5, s7;
	[sflag:s6] =	ssyncadd.s32 @!p0 $0xFFFFFFFF  }
0xb3: {  	s25 =	simm.s32 $0x1B8E;
	s24 =	sld [smem:$0x3FFE];
	[sflag:s5] =	ssyncadd.remote.s32 @!p0 $0x1  }
0xb4: {  	s26 =	simm.s32 $execute0_lowered;
	[smem:$0x3FD2] =	sst s25  }
0xb5: {  	s6 =	sshll.u32 s26, $0x1;
	_ =	strace $0x80000049;
	[dreg:$0x1] =	wrdreg $0xFFFFFFFF  }
0xb6: {  	s28 =	simm.s32 $_size_execute0_lowered;
	s4 =	sadd.s32 s4, s6;
	[dreg:$0x0] =	wrdreg $0x0  }
0xb7: {  	s6 =	sshll.u32 s28, $0x1;
	[dreg:$0x2] =	wrdreg s4  }
0xb8: {  	[dreg:$0x3] =	wrdreg s6  }
0xb9: {  	[dreg:$0x4] =	wrdreg $0xC0  }
0xba: {  	_ =	task [dreg:s22], $0x5FFFF  }
0xbb: {  	[dreg:$0x1] =	wrdreg $0xFFFFFFFF  }
0xbc: {  	[dreg:$0x0] =	wrdreg $0x60  }
0xbd: {  	[dreg:$0x2] =	wrdreg s18  }
0xbe: {  	[dreg:$0x3] =	wrdreg s24  }
0xbf: {  	[dreg:$0x4] =	wrdreg $0xA  }
0xc0: {  	_ =	task.clear_ibuf [dreg:s22], $0x5FFFF;
	_ =	strace $0x90000049  }
0xc1: {  	s29 =	simm.s32 $0xA;
	_ =	strace $0x8000004B  }
0xc2: {  	_ =	swait.ge [sflag:s29], $0x1  }
0xc3: {  	[sflag:s29] =	ssyncadd.s32 $0xFFFFFFFF  }
0xc4: {  	_ =	strace $0x9000004B  }
0xc5: {  	_ =	sfence  }
0xc6: {  	s30 =	sld [smem:$0x0];
	_ =	sdelay $0x2  }
0xc7: {  	s31 =	sshll.u32 s1, $0xD;
	s1 =	sshrl.u32 s1, $0x2  }
0xc8: {  	s4 =	sand.u32 $0x4000, s31;
	s1 =	sadd.s32 s1, s30  }
0xc9: {  	s0 =	sor.u32 s4, s0;
	s1 =	sshll.u32 s1, $0x11  }
0xca: {  	s0 =	sor.u32 s1, s0  }
0xcb: {  	s0 =	sadd.s32 $0x8F2B, s0  }
0xcc: {  	[sflag:s0] =	ssyncadd.remote.s32 $0x1  }
0xcd: {  	_ =	sfence.sel $0xFFFF  }
0xce: {  	[dreg:$0x0] =	wrdreg $0xFFFFFFFF;
	(pc) =	sbr.abs _section_cstart, $3  }
0xcf: {  	[dreg:$0x1] =	wrdreg $0xFFFFFFFF  }
0xd0: {  	_ =	task.clear_ibuf [dreg:s22], $0x2FFFF;
	_ =	strace $0x9FFFFFFF  }
0xd1: {  	(tm) =	ssettm $0x7FFFFFFF  }
tec
execute0_lowered:
.L_overlay_start_1:
0x0: {  	(tag) =	ssettag $0x1  }
0x1: {  	s1 =	rddreg [dreg:$0x0];
	s2 =	srdreg.scid  }
0x2: {  	s0 =	stileid.u32;
	s8 =	rddreg [dreg:$0x1];
	s12 =	simm.s32 $0x2000  }
0x3: {  	s13 =	simm.s32 $0xC000;
	s14 =	simm.s32 $0x14000;
	s15 =	simm.s32 $0x4  }
0x4: {  	s16 =	simm.s32 $0xE000;
	s17 =	simm.s32 $0x16000;
	s18 =	simm.s32 $0x1  }
0x5: {  	s19 =	simm.s32 $0x2;
	s21 =	simm.s32 $0x5;
	s22 =	simm.s32 $0x0  }
0x6: {  	s6 =	sand.u32 $0x1, s2;
	s25 =	sshll.u32 s0, $0x1;
	s7 =	sshrl.u32 s0, $0x3  }
0x7: {  	s2 =	rddreg [dreg:$0x2];
	s3 =	sor.u32 s6, s25;
	s4 =	sshll.u32 s7, $0x4  }
0x8: {  	s5 =	sshll.u32 s7, $0xA;
	s10 =	sshll.u32 s7, $0xE;
	s29 =	ssub.s32 $0x2, s6  }
0x9: {  	s7 =	sshll.u32 s7, $0x15;
	s4 =	ssub.s32 s3, s4;
	s3 =	simm.s32 $0x0  }
0xa: {  	s31 =	sshrl.u32 s29, $0x1;
	s20 =	sor.u32 $0x400000, s7;
	s9 =	sshll.u32 s4, $0x6  }
0xb: {  	s11 =	sshll.u32 s4, $0xA;
	[smem:$0x7FF] =	sst s3;
	s4 =	sadd.s32 s5, s9  }
0xc: {  	v0 =	vmov s20;
	s20 =	simm.s32 $0x18000;
	_ =	strace $0x8000004A;
	s28 =	smul.u32 $0x6000, s4  }
0xd: {  	s26 =	sadd.s32 s10, s11;
	s5 =	sadd.s32 $0x1241400, s8;
	s10 =	simm.s32 $0x6000  }
0xe: {  	s11 =	simm.s32 $0x3;
	s9 =	sshrl.u32 s26, $0x3;
	s30 =	sshrl.u32 s28, $0x3  }
0xf: {  	s8 =	sadd.s32 s9, s8;
	s9 =	ssub.s32 s29, s31;
	s6 =	sadd.s32 s5, s30  }
0x10: {  	v1 =	vimm.f32 $0.0e+00;
	s8 =	sadd.s32 $0x1000, s8;
	s9 =	smax.u32 s9, $0x1;
	s7 =	sadd.s32 $0xC00, s6  }
.LBB2_1:
0x11: {  	[tilespmem:s3], [sflag:$0x3] =	stream.linear.gather [hbm4b:s6+s3], $0x6000, $0x38;
	[tilespmem:$0x18400] =	vst v63  }
0x12: {  	_ = 	snop  }
0x13: {  	[tilespmem:s10], [sflag:$0x4] =	stream.linear.gather [hbm4b:s7+s3], $0x6000, $0x38;
	[tilespmem:$0x18400] =	vst v63  }
0x14: {  	_ =	swait.ge [sflag:s11], $0x6000  }
0x15: {  	[sflag:s11] =	ssyncset.done $0x0  }
0x16: {  	s23 =	simm.s32 $0x0;
	[sflag:s11] =	ssyncadd.s32 $0xFFFFA000  }
0x17: {  	v8 =	vld [tilespmem:s23+$0x4000]  }
0x18: {  	v3 =	vld [tilespmem:s23+$0x2000]  }
0x19: {  	v2 =	vld [tilespmem:s23+$0x0];
	_ =	sdelay $0x2  }
0x1a: {  	v4 =	vtrunc.f32 v8;
	vm1 =	vge.f32 v8, $0.0e+00;
	vm0 =	vle.f32 v8, $1.280000000e+02  }
0x1b: {  	v5 =	vtrunc.f32 v3;
	vm2 =	vge.f32 v3, $0.0e+00;
	v4 =	vcvt.f32.s32 v4  }
0x1c: {  	vm3 =	vle.f32 v3, $1.280000000e+02;
	v6 =	vtrunc.f32 v2;
	v5 =	vcvt.f32.s32 v5  }
0x1d: {  	vm5 =	vge.f32 v2, $0.0e+00;
	vm15 =	vle.f32 v2, $1.280000000e+02;
	vm4 =	vgt.s32 v4, $0x0  }
0x1e: {  	v6 =	vcvt.f32.s32 v6;
	vm6 =	vgt.s32 v5, $0x0;
	v4 =	vnsel vm4, $0x0, v4  }
0x1f: {  	vm2 =	vmand vm5, vm2;
	v5 =	vnsel vm6, $0x0, v5;
	v10 =	vmin.u32 v4, $0x7F  }
0x20: {  	vm14 =	vgt.s32 v6, $0x0;
	v11 =	vmin.u32 v5, $0x7F;
	v7 =	vcvt.s32.f32 v10  }
0x21: {  	vm2 =	vmand vm2, vm15;
	v4 =	vnsel vm14, $0x0, v6;
	v5 =	vcvt.s32.f32 v11  }
0x22: {  	vm2 =	vmand vm3, vm2;
	v4 =	vmin.u32 v4, $0x7F;
	v9 =	vadd.f32 $1.000000000e+00, v7  }
0x23: {  	vm1 =	vmand vm1, vm2;
	v6 =	vcvt.s32.f32 v4;
	v12 =	vadd.f32 $1.000000000e+00, v5  }
0x24: {  	vm0 =	vmand vm0, vm1;
	v13 =	vmin.f32 v9, $1.270000000e+02  }
0x25: {  	v14 =	vadd.f32 $1.000000000e+00, v6;
	v9 =	vmin.f32 v12, $1.270000000e+02;
	v12 =	vtrunc.f32 v13  }
0x26: {  	v10 =	vshll.u32 v10, $0xE;
	v15 =	vtrunc.f32 v9;
	v16 =	vcvt.f32.s32 v12  }
0x27: {  	v12 =	vsub.f32 v13, v8;
	v13 =	vmin.f32 v14, $1.270000000e+02;
	v14 =	vcvt.f32.s32 v15  }
0x28: {  	v7 =	vsub.f32 v8, v7;
	v8 =	vtrunc.f32 v13;
	v15 =	vshll.u32 v16, $0xE  }
0x29: {  	v8 =	vcvt.f32.s32 v8;
	v18 =	vshll.u32 v14, $0x7;
	v17 =	vadd.s32 v0, v15  }
0x2a: {  	v14 =	vor.u32 v0, v10;
	v16 =	vshll.u32 v11, $0x7;
	v10 =	vadd.s32 v18, v17  }
0x2b: {  	s24 =	simm.s32 $0x80;
	s25 =	simm.s32 $0x400;
	v15 =	vsel vm0, $0x3F800000, v1;
	v11 =	vadd.s32 v14, v18;
	v18 =	vadd.s32 v8, v10  }
.LBB2_2:
0x2c: {  	p0 =	sne.s32 s25, $0x7E00;
	v19 =	vld [tilespmem:s24+$0x4000];
	v13 =	vsub.f32 v13, v2;
	v12 =	vmul.f32 v12, v15;
	v17 =	vor.u32 v16, v17;
	[tilespmem:s23+$0xC070] =	vst v18  }
0x2d: {  	v6 =	vsub.f32 v2, v6;
	v9 =	vsub.f32 v9, v3;
	v7 =	vmul.f32 v15, v7;
	v18 =	vld [tilespmem:s24+$0x2000]  }
0x2e: {  	v15 =	vsub.f32 v3, v5;
	v3 =	vor.u32 v16, v14;
	v5 =	vor.u32 v4, v17;
	[tilespmem:s23+$0x10040] =	vst v12  }
0x2f: {  	v10 =	vor.u32 v4, v10;
	v12 =	vor.u32 v4, v11;
	v2 =	vld [tilespmem:s24+$0x0];
	[tilespmem:s23+$0xC040] =	vst v5;
	v5 =	vadd.s32 v8, v17  }
0x30: {  	v14 =	vadd.s32 v8, v3;
	v4 =	vor.u32 v4, v3;
	v8 =	vadd.s32 v8, v11;
	[tilespmem:s23+$0xC050] =	vst v5  }
0x31: {  	v11 =	vtrunc.f32 v19;
	vm1 =	vge.f32 v19, $0.0e+00;
	vm0 =	vle.f32 v19, $1.280000000e+02;
	[tilespmem:s23+$0xC060] =	vst v10  }
0x32: {  	v5 =	vtrunc.f32 v18;
	v10 =	vcvt.f32.s32 v11;
	vm3 =	vge.f32 v18, $0.0e+00;
	[tilespmem:s23+$0xC020] =	vst v12;
	v3 =	vmovc v18  }
0x33: {  	v5 =	vcvt.f32.s32 v5;
	vm2 =	vle.f32 v3, $1.280000000e+02;
	[tilespmem:s23+$0xC030] =	vst v8  }
0x34: {  	v8 =	vtrunc.f32 v2;
	vm4 =	vgt.s32 v10, $0x0;
	vm5 =	vge.f32 v2, $0.0e+00;
	[tilespmem:s23+$0xC010] =	vst v14  }
0x35: {  	v8 =	vcvt.f32.s32 v8;
	vm6 =	vgt.s32 v5, $0x0;
	v10 =	vnsel vm4, $0x0, v10;
	[tilespmem:s23+$0x10000] =	vst v13  }
0x36: {  	vm3 =	vmand vm5, vm3;
	v5 =	vnsel vm6, $0x0, v5;
	v10 =	vmin.u32 v10, $0x7F;
	[tilespmem:s23+$0x10020] =	vst v9  }
0x37: {  	vm4 =	vgt.s32 v8, $0x0;
	v11 =	vmin.u32 v5, $0x7F;
	v9 =	vcvt.s32.f32 v10;
	[tilespmem:s23+$0x10050] =	vst v7  }
0x38: {  	v7 =	vnsel vm4, $0x0, v8;
	v5 =	vcvt.s32.f32 v11;
	vm4 =	vle.f32 v2, $1.280000000e+02;
	[tilespmem:s23+$0xC000] =	vst v4  }
0x39: {  	v4 =	vmin.u32 v7, $0x7F;
	v7 =	vadd.f32 $1.000000000e+00, v9;
	vm3 =	vmand vm3, vm4;
	[tilespmem:s23+$0x10010] =	vst v6  }
0x3a: {  	v6 =	vcvt.s32.f32 v4;
	v8 =	vadd.f32 $1.000000000e+00, v5;
	vm2 =	vmand vm2, vm3;
	[tilespmem:s23+$0x10030] =	vst v15;
	s23 =	smov.u32 s24  }
0x3b: {  	v12 =	vmin.f32 v7, $1.270000000e+02;
	v7 =	vsub.f32 v19, v9;
	vm1 =	vmand vm1, vm2  }
0x3c: {  	v13 =	vadd.f32 $1.000000000e+00, v6;
	v9 =	vmin.f32 v8, $1.270000000e+02;
	v8 =	vtrunc.f32 v12  }
0x3d: {  	v12 =	vsub.f32 v12, v19;
	v14 =	vtrunc.f32 v9;
	v8 =	vcvt.f32.s32 v8  }
.Ltmp0:
0x3e: {  	v10 =	vshll.u32 v10, $0xE;
	v13 =	vmin.f32 v13, $1.270000000e+02;
	v14 =	vcvt.f32.s32 v14;
	(pc) =	sbr.rel @p0 .LBB2_2-.Ltmp0, $4  }
0x3f: {  	vm0 =	vmand vm0, vm1;
	v15 =	vtrunc.f32 v13;
	v16 =	vshll.u32 v8, $0xE  }
0x40: {  	v8 =	vcvt.f32.s32 v15;
	v18 =	vshll.u32 v14, $0x7;
	v17 =	vadd.s32 v0, v16  }
0x41: {  	v15 =	vsel vm0, $0x3F800000, v1;
	v14 =	vor.u32 v0, v10;
	v10 =	vadd.s32 v18, v17  }
0x42: {  	s24 =	sshra.s32 s25, $0x2;
	s25 =	sadd.s32 $0x200, s25;
	v16 =	vshll.u32 v11, $0x7;
	v11 =	vadd.s32 v14, v18;
	v18 =	vadd.s32 v8, v10  }
0x43: {  	v19 =	vld [tilespmem:s24+$0x4000];
	v12 =	vmul.f32 v12, v15  }
0x44: {  	[tilespmem:s23+$0xC070] =	vst v18;
	v13 =	vsub.f32 v13, v2;
	v17 =	vor.u32 v16, v17  }
0x45: {  	v2 =	vsub.f32 v2, v6;
	v25 =	vsub.f32 v9, v3;
	v7 =	vmul.f32 v15, v7;
	v18 =	vld [tilespmem:s24+$0x2000];
	[tilespmem:s23+$0x10040] =	vst v12  }
0x46: {  	v3 =	vsub.f32 v3, v5;
	v26 =	vor.u32 v16, v14;
	v28 =	vor.u32 v4, v11;
	v12 =	vld [tilespmem:s24+$0x0]  }
0x47: {  	v10 =	vor.u32 v4, v10;
	v32 =	vadd.s32 v8, v11;
	v27 =	vor.u32 v4, v17  }
0x48: {  	v29 =	vadd.s32 v8, v17;
	v5 =	vadd.s32 v8, v26;
	v31 =	vtrunc.f32 v19  }
0x49: {  	vm0 =	vge.f32 v19, $0.0e+00;
	vm15 =	vle.f32 v19, $1.280000000e+02;
	v16 =	vcvt.f32.s32 v31  }
0x4a: {  	v33 =	vtrunc.f32 v18;
	vm1 =	vge.f32 v18, $0.0e+00;
	vm2 =	vle.f32 v18, $1.280000000e+02  }
0x4b: {  	[tilespmem:s23+$0xC040] =	vst v27;
	v11 =	vcvt.f32.s32 v33;
	v34 =	vtrunc.f32 v12;
	vm3 =	vgt.s32 v16, $0x0  }
0x4c: {  	[tilespmem:s23+$0xC050] =	vst v29;
	vm12 =	vge.f32 v12, $0.0e+00;
	vm14 =	vle.f32 v12, $1.280000000e+02;
	v17 =	vcvt.f32.s32 v34  }
0x4d: {  	[tilespmem:s23+$0xC060] =	vst v10;
	vm4 =	vgt.s32 v11, $0x0;
	v16 =	vnsel vm3, $0x0, v16;
	vm1 =	vmand vm12, vm1  }
0x4e: {  	[tilespmem:s23+$0xC020] =	vst v28;
	v11 =	vnsel vm4, $0x0, v11;
	v16 =	vmin.u32 v16, $0x7F;
	vm1 =	vmand vm1, vm14  }
0x4f: {  	[tilespmem:s23+$0xC030] =	vst v32;
	vm13 =	vgt.s32 v17, $0x0;
	v35 =	vmin.u32 v11, $0x7F;
	v36 =	vcvt.s32.f32 v16  }
0x50: {  	[tilespmem:s23+$0xC010] =	vst v5;
	vm1 =	vmand vm2, vm1;
	v37 =	vnsel vm13, $0x0, v17;
	v38 =	vcvt.s32.f32 v35  }
0x51: {  	[tilespmem:s23+$0x10000] =	vst v13;
	vm0 =	vmand vm0, vm1;
	v39 =	vmin.u32 v37, $0x7F;
	v40 =	vadd.f32 $1.000000000e+00, v36  }
0x52: {  	[tilespmem:s23+$0x10020] =	vst v25;
	vm0 =	vmand vm15, vm0;
	v41 =	vcvt.s32.f32 v39;
	v20 =	vadd.f32 $1.000000000e+00, v38  }
0x53: {  	v30 =	vor.u32 v4, v26;
	[tilespmem:s23+$0x10010] =	vst v2;
	v61 =	vsub.f32 v19, v36;
	v2 =	vsel vm0, $0x3F800000, v1  }
0x54: {  	[tilespmem:s23+$0x10050] =	vst v7;
	v42 =	vmin.f32 v40, $1.270000000e+02;
	v43 =	vadd.f32 $1.000000000e+00, v41;
	v44 =	vmin.f32 v20, $1.270000000e+02  }
0x55: {  	[tilespmem:s23+$0xC000] =	vst v30;
	v45 =	vtrunc.f32 v42;
	v47 =	vsub.f32 v42, v19;
	v63 =	vsub.f32 v12, v41  }
0x56: {  	[tilespmem:s23+$0x10030] =	vst v3;
	v46 =	vtrunc.f32 v44;
	v20 =	vcvt.f32.s32 v45;
	v62 =	vsub.f32 v44, v18  }
0x57: {  	v5 =	vmin.f32 v43, $1.270000000e+02;
	v48 =	vcvt.f32.s32 v46;
	v6 =	vmul.f32 v47, v2;
	[tilespmem:s24+$0x10010] =	vst v63  }
0x58: {  	v2 =	vmul.f32 v2, v61;
	v49 =	vtrunc.f32 v5;
	[tilespmem:s24+$0x10020] =	vst v62  }
0x59: {  	v50 =	vshll.u32 v20, $0xE;
	v5 =	vsub.f32 v5, v12;
	v51 =	vcvt.f32.s32 v49;
	[tilespmem:s24+$0x10040] =	vst v6  }
0x5a: {  	v52 =	vshll.u32 v48, $0x7;
	v53 =	vadd.s32 v0, v50;
	[tilespmem:s24+$0x10050] =	vst v2;
	v2 =	vsub.f32 v18, v38  }
0x5b: {  	v3 =	vshll.u32 v35, $0x7;
	v13 =	vadd.s32 v52, v53;
	[tilespmem:s24+$0x10000] =	vst v5  }
0x5c: {  	v8 =	vor.u32 v3, v53;
	v54 =	vadd.s32 v51, v13;
	[tilespmem:s24+$0x10030] =	vst v2  }
0x5d: {  	v55 =	vshll.u32 v16, $0xE;
	v56 =	vor.u32 v39, v8;
	[tilespmem:s24+$0xC070] =	vst v54  }
0x5e: {  	v57 =	vor.u32 v0, v55;
	v8 =	vadd.s32 v51, v8;
	[tilespmem:s24+$0xC040] =	vst v56  }
0x5f: {  	v7 =	vadd.s32 v57, v52;
	v58 =	vor.u32 v39, v13;
	[tilespmem:s24+$0xC050] =	vst v8  }
0x60: {  	v59 =	vor.u32 v39, v7;
	[tilespmem:s24+$0xC060] =	vst v58  }
0x61: {  	v3 =	vor.u32 v3, v57;
	v60 =	vadd.s32 v51, v7;
	[tilespmem:s24+$0xC020] =	vst v59  }
0x62: {  	v4 =	vadd.s32 v51, v3;
	[tilespmem:s24+$0xC030] =	vst v60  }
0x63: {  	v3 =	vor.u32 v39, v3;
	[tilespmem:s24+$0xC010] =	vst v4  }
0x64: {  	s23 =	simm.s32 $0x0;
	[tilespmem:s24+$0xC000] =	vst v3  }
0x65: {  	[tilespmem:s14], [sflag:$0x1] =	stream.indirect.gather [hbm4b:s1+s12], $0x1, s13, s12, $0xb8;
	[tilespmem:$0x18400] =	vst v63  }
.LBB2_4:
0x66: {  	s24 =	sshll.u32 s23, $0x1;
	p0 =	seq.s32 s23, $0x1F  }
0x67: {  	s25 =	sadd.s32 @!p0 $0x2, s24  }
0x68: {  	s26 =	sand.u32 @!p0 $0x78, s25  }
0x69: {  	s25 =	sand.u32 @!p0 $0x6, s25;
	s26 =	sadd.s32 @!p0 s26, s4  }
0x6a: {  	s25 =	sor.u32 @!p0 s25, s26  }
0x6b: {  	s25 =	smul.u32 @!p0 $0x6000, s25;
	_ =	sdelay $0x1  }
0x6c: {  	s25 =	sshrl.u32 @!p0 s25, $0x3  }
0x6d: {  	s26 =	simm.s32 @!p0 $0x0;
	s25 =	sadd.s32 @!p0 s5, s25  }
0x6e: {  	[tilespmem:s26], [sflag:$0x3] =	stream.linear.gather @!p0 [hbm4b:s25+s26], $0x6000, $0x38;
	[tilespmem:$0x18400] =	vst v63  }
0x6f: {  	_ =	swait.ge [sflag:s15], $0x6000  }
0x70: {  	[sflag:s15] =	ssyncset.done $0x0  }
0x71: {  	s25 =	simm.s32 $0x0;
	[sflag:s15] =	ssyncadd.s32 $0xFFFFA000  }
0x72: {  	v8 =	vld [tilespmem:s25+$0xA000]  }
0x73: {  	v3 =	vld [tilespmem:s25+$0x8000]  }
0x74: {  	v2 =	vld [tilespmem:s25+$0x6000];
	_ =	sdelay $0x2  }
0x75: {  	v4 =	vtrunc.f32 v8;
	vm1 =	vge.f32 v8, $0.0e+00;
	vm0 =	vle.f32 v8, $1.280000000e+02  }
0x76: {  	v5 =	vtrunc.f32 v3;
	vm2 =	vge.f32 v3, $0.0e+00;
	v4 =	vcvt.f32.s32 v4  }
0x77: {  	vm3 =	vle.f32 v3, $1.280000000e+02;
	v6 =	vtrunc.f32 v2;
	v5 =	vcvt.f32.s32 v5  }
0x78: {  	vm5 =	vge.f32 v2, $0.0e+00;
	vm15 =	vle.f32 v2, $1.280000000e+02;
	vm4 =	vgt.s32 v4, $0x0  }
0x79: {  	v6 =	vcvt.f32.s32 v6;
	vm6 =	vgt.s32 v5, $0x0;
	v4 =	vnsel vm4, $0x0, v4  }
0x7a: {  	vm2 =	vmand vm5, vm2;
	v5 =	vnsel vm6, $0x0, v5;
	v10 =	vmin.u32 v4, $0x7F  }
0x7b: {  	vm14 =	vgt.s32 v6, $0x0;
	v11 =	vmin.u32 v5, $0x7F;
	v7 =	vcvt.s32.f32 v10  }
0x7c: {  	vm2 =	vmand vm2, vm15;
	v4 =	vnsel vm14, $0x0, v6;
	v5 =	vcvt.s32.f32 v11  }
0x7d: {  	vm2 =	vmand vm3, vm2;
	v4 =	vmin.u32 v4, $0x7F;
	v9 =	vadd.f32 $1.000000000e+00, v7  }
0x7e: {  	vm1 =	vmand vm1, vm2;
	v6 =	vcvt.s32.f32 v4;
	v12 =	vadd.f32 $1.000000000e+00, v5  }
0x7f: {  	vm0 =	vmand vm0, vm1;
	v13 =	vmin.f32 v9, $1.270000000e+02  }
0x80: {  	v14 =	vadd.f32 $1.000000000e+00, v6;
	v9 =	vmin.f32 v12, $1.270000000e+02;
	v12 =	vtrunc.f32 v13  }
0x81: {  	v10 =	vshll.u32 v10, $0xE;
	v15 =	vtrunc.f32 v9;
	v16 =	vcvt.f32.s32 v12  }
0x82: {  	v12 =	vsub.f32 v13, v8;
	v13 =	vmin.f32 v14, $1.270000000e+02;
	v14 =	vcvt.f32.s32 v15  }
0x83: {  	v7 =	vsub.f32 v8, v7;
	v8 =	vtrunc.f32 v13;
	v15 =	vshll.u32 v16, $0xE  }
0x84: {  	v8 =	vcvt.f32.s32 v8;
	v18 =	vshll.u32 v14, $0x7;
	v17 =	vadd.s32 v0, v15  }
0x85: {  	v14 =	vor.u32 v0, v10;
	v16 =	vshll.u32 v11, $0x7;
	v10 =	vadd.s32 v18, v17  }
0x86: {  	s28 =	simm.s32 $0x400;
	s26 =	simm.s32 $0x80;
	v15 =	vsel vm0, $0x3F800000, v1;
	v11 =	vadd.s32 v14, v18;
	v18 =	vadd.s32 v8, v10  }
.LBB2_5:
0x87: {  	p1 =	sne.s32 s28, $0x7E00;
	v19 =	vld [tilespmem:s26+$0xA000];
	v13 =	vsub.f32 v13, v2;
	v12 =	vmul.f32 v12, v15;
	v17 =	vor.u32 v16, v17;
	[tilespmem:s25+$0xE070] =	vst v18  }
0x88: {  	v6 =	vsub.f32 v2, v6;
	v9 =	vsub.f32 v9, v3;
	v7 =	vmul.f32 v15, v7;
	v18 =	vld [tilespmem:s26+$0x8000]  }
0x89: {  	v15 =	vsub.f32 v3, v5;
	v3 =	vor.u32 v16, v14;
	v5 =	vor.u32 v4, v17;
	[tilespmem:s25+$0x12040] =	vst v12  }
0x8a: {  	v10 =	vor.u32 v4, v10;
	v12 =	vor.u32 v4, v11;
	v2 =	vld [tilespmem:s26+$0x6000];
	[tilespmem:s25+$0xE040] =	vst v5;
	v5 =	vadd.s32 v8, v17  }
0x8b: {  	v14 =	vadd.s32 v8, v3;
	v4 =	vor.u32 v4, v3;
	v8 =	vadd.s32 v8, v11;
	[tilespmem:s25+$0xE050] =	vst v5  }
0x8c: {  	v11 =	vtrunc.f32 v19;
	vm1 =	vge.f32 v19, $0.0e+00;
	vm0 =	vle.f32 v19, $1.280000000e+02;
	[tilespmem:s25+$0xE060] =	vst v10  }
0x8d: {  	v5 =	vtrunc.f32 v18;
	v10 =	vcvt.f32.s32 v11;
	vm3 =	vge.f32 v18, $0.0e+00;
	[tilespmem:s25+$0xE020] =	vst v12;
	v3 =	vmovc v18  }
0x8e: {  	v5 =	vcvt.f32.s32 v5;
	vm2 =	vle.f32 v3, $1.280000000e+02;
	[tilespmem:s25+$0xE030] =	vst v8  }
0x8f: {  	v8 =	vtrunc.f32 v2;
	vm4 =	vgt.s32 v10, $0x0;
	vm5 =	vge.f32 v2, $0.0e+00;
	[tilespmem:s25+$0xE010] =	vst v14  }
0x90: {  	v8 =	vcvt.f32.s32 v8;
	vm6 =	vgt.s32 v5, $0x0;
	v10 =	vnsel vm4, $0x0, v10;
	[tilespmem:s25+$0x12000] =	vst v13  }
0x91: {  	vm3 =	vmand vm5, vm3;
	v5 =	vnsel vm6, $0x0, v5;
	v10 =	vmin.u32 v10, $0x7F;
	[tilespmem:s25+$0x12020] =	vst v9  }
0x92: {  	vm4 =	vgt.s32 v8, $0x0;
	v11 =	vmin.u32 v5, $0x7F;
	v9 =	vcvt.s32.f32 v10;
	[tilespmem:s25+$0x12050] =	vst v7  }
0x93: {  	v7 =	vnsel vm4, $0x0, v8;
	v5 =	vcvt.s32.f32 v11;
	vm4 =	vle.f32 v2, $1.280000000e+02;
	[tilespmem:s25+$0xE000] =	vst v4  }
0x94: {  	v4 =	vmin.u32 v7, $0x7F;
	v7 =	vadd.f32 $1.000000000e+00, v9;
	vm3 =	vmand vm3, vm4;
	[tilespmem:s25+$0x12010] =	vst v6  }
0x95: {  	v6 =	vcvt.s32.f32 v4;
	v8 =	vadd.f32 $1.000000000e+00, v5;
	vm2 =	vmand vm2, vm3;
	[tilespmem:s25+$0x12030] =	vst v15;
	s25 =	smov.u32 s26  }
0x96: {  	v12 =	vmin.f32 v7, $1.270000000e+02;
	v7 =	vsub.f32 v19, v9;
	vm1 =	vmand vm1, vm2  }
0x97: {  	v13 =	vadd.f32 $1.000000000e+00, v6;
	v9 =	vmin.f32 v8, $1.270000000e+02;
	v8 =	vtrunc.f32 v12  }
0x98: {  	v12 =	vsub.f32 v12, v19;
	v14 =	vtrunc.f32 v9;
	v8 =	vcvt.f32.s32 v8  }
.Ltmp1:
0x99: {  	v10 =	vshll.u32 v10, $0xE;
	v13 =	vmin.f32 v13, $1.270000000e+02;
	v14 =	vcvt.f32.s32 v14;
	(pc) =	sbr.rel @p1 .LBB2_5-.Ltmp1, $4  }
0x9a: {  	vm0 =	vmand vm0, vm1;
	v15 =	vtrunc.f32 v13;
	v16 =	vshll.u32 v8, $0xE  }
0x9b: {  	v8 =	vcvt.f32.s32 v15;
	v18 =	vshll.u32 v14, $0x7;
	v17 =	vadd.s32 v0, v16  }
0x9c: {  	v15 =	vsel vm0, $0x3F800000, v1;
	v14 =	vor.u32 v0, v10;
	v10 =	vadd.s32 v18, v17  }
0x9d: {  	s26 =	sshra.s32 s28, $0x2;
	s28 =	sadd.s32 $0x200, s28;
	v16 =	vshll.u32 v11, $0x7;
	v11 =	vadd.s32 v14, v18;
	v18 =	vadd.s32 v8, v10  }
0x9e: {  	v19 =	vld [tilespmem:s26+$0xA000];
	v12 =	vmul.f32 v12, v15  }
0x9f: {  	[tilespmem:s25+$0xE070] =	vst v18;
	v13 =	vsub.f32 v13, v2;
	v17 =	vor.u32 v16, v17  }
0xa0: {  	v2 =	vsub.f32 v2, v6;
	v6 =	vsub.f32 v9, v3;
	v7 =	vmul.f32 v15, v7;
	v18 =	vld [tilespmem:s26+$0x8000];
	[tilespmem:s25+$0x12040] =	vst v12  }
0xa1: {  	v3 =	vsub.f32 v3, v5;
	v5 =	vor.u32 v16, v14;
	v14 =	vor.u32 v4, v11;
	v12 =	vld [tilespmem:s26+$0x6000]  }
0xa2: {  	v10 =	vor.u32 v4, v10;
	v9 =	vor.u32 v4, v17;
	v15 =	vadd.s32 v8, v17  }
0xa3: {  	v4 =	vor.u32 v4, v5;
	v5 =	vadd.s32 v8, v5;
	v58 =	vtrunc.f32 v19  }
0xa4: {  	v8 =	vadd.s32 v8, v11;
	vm0 =	vge.f32 v19, $0.0e+00;
	v16 =	vcvt.f32.s32 v58  }
0xa5: {  	v11 =	vtrunc.f32 v18;
	vm1 =	vge.f32 v18, $0.0e+00;
	vm2 =	vle.f32 v18, $1.280000000e+02  }
0xa6: {  	v11 =	vcvt.f32.s32 v11;
	v59 =	vtrunc.f32 v12;
	vm3 =	vgt.s32 v16, $0x0  }
0xa7: {  	vm12 =	vge.f32 v12, $0.0e+00;
	vm14 =	vle.f32 v12, $1.280000000e+02;
	v17 =	vcvt.f32.s32 v59  }
0xa8: {  	[tilespmem:s25+$0xE040] =	vst v9;
	vm4 =	vgt.s32 v11, $0x0;
	v16 =	vnsel vm3, $0x0, v16;
	vm1 =	vmand vm12, vm1  }
0xa9: {  	[tilespmem:s25+$0xE050] =	vst v15;
	v11 =	vnsel vm4, $0x0, v11;
	v16 =	vmin.u32 v16, $0x7F;
	vm13 =	vgt.s32 v17, $0x0  }
0xaa: {  	[tilespmem:s25+$0xE060] =	vst v10;
	v9 =	vmin.u32 v11, $0x7F;
	v11 =	vcvt.s32.f32 v16;
	v15 =	vnsel vm13, $0x0, v17  }
0xab: {  	[tilespmem:s25+$0xE020] =	vst v14;
	vm1 =	vmand vm1, vm14;
	v60 =	vcvt.s32.f32 v9;
	v10 =	vmin.u32 v15, $0x7F  }
0xac: {  	[tilespmem:s25+$0xE030] =	vst v8;
	vm1 =	vmand vm2, vm1;
	v15 =	vadd.f32 $1.000000000e+00, v11;
	v14 =	vcvt.s32.f32 v10  }
0xad: {  	[tilespmem:s25+$0xE010] =	vst v5;
	vm15 =	vle.f32 v19, $1.280000000e+02;
	vm0 =	vmand vm0, vm1;
	v20 =	vadd.f32 $1.000000000e+00, v60  }
0xae: {  	[tilespmem:s25+$0x12000] =	vst v13;
	vm0 =	vmand vm15, vm0;
	v8 =	vmin.f32 v15, $1.270000000e+02;
	v5 =	vadd.f32 $1.000000000e+00, v14  }
0xaf: {  	[tilespmem:s25+$0x12020] =	vst v6;
	v15 =	vmin.f32 v20, $1.270000000e+02;
	v61 =	vtrunc.f32 v8;
	v6 =	vsub.f32 v8, v19  }
0xb0: {  	[tilespmem:s25+$0x12010] =	vst v2;
	v2 =	vsel vm0, $0x3F800000, v1;
	v13 =	vtrunc.f32 v15;
	v20 =	vcvt.f32.s32 v61  }
0xb1: {  	[tilespmem:s25+$0x12050] =	vst v7;
	v5 =	vmin.f32 v5, $1.270000000e+02;
	v8 =	vcvt.f32.s32 v13;
	v6 =	vmul.f32 v6, v2  }
0xb2: {  	[tilespmem:s25+$0xE000] =	vst v4;
	v7 =	vtrunc.f32 v5;
	v13 =	vshll.u32 v20, $0xE;
	v5 =	vsub.f32 v5, v12  }
0xb3: {  	[tilespmem:s25+$0x12030] =	vst v3;
	v4 =	vcvt.f32.s32 v7;
	v7 =	vshll.u32 v8, $0x7;
	v8 =	vadd.s32 v0, v13  }
0xb4: {  	v3 =	vshll.u32 v9, $0x7;
	[tilespmem:s26+$0x12040] =	vst v6;
	v13 =	vadd.s32 v7, v8  }
0xb5: {  	v8 =	vor.u32 v3, v8;
	[tilespmem:s26+$0x12000] =	vst v5;
	v9 =	vadd.s32 v4, v13  }
0xb6: {  	v62 =	vor.u32 v10, v8;
	[tilespmem:s26+$0xE070] =	vst v9;
	v9 =	vshll.u32 v16, $0xE  }
0xb7: {  	v8 =	vadd.s32 v4, v8;
	[tilespmem:s26+$0xE040] =	vst v62;
	v6 =	vor.u32 v0, v9  }
0xb8: {  	[tilespmem:s26+$0xE050] =	vst v8;
	v9 =	vor.u32 v10, v13;
	v7 =	vadd.s32 v6, v7  }
0xb9: {  	[tilespmem:s26+$0xE060] =	vst v9;
	v8 =	vor.u32 v10, v7  }
0xba: {  	v3 =	vor.u32 v3, v6;
	v6 =	vadd.s32 v4, v7;
	[tilespmem:s26+$0xE020] =	vst v8  }
0xbb: {  	v7 =	vsub.f32 v19, v11;
	v4 =	vadd.s32 v4, v3;
	[tilespmem:s26+$0xE030] =	vst v6  }
0xbc: {  	v3 =	vor.u32 v10, v3;
	v6 =	vsub.f32 v15, v18;
	[tilespmem:s26+$0xE010] =	vst v4  }
0xbd: {  	[tilespmem:s26+$0xE000] =	vst v3;
	v2 =	vmul.f32 v2, v7  }
0xbe: {  	v4 =	vsub.f32 v12, v14;
	[tilespmem:s26+$0x12020] =	vst v6  }
0xbf: {  	[tilespmem:s26+$0x12050] =	vst v2;
	v2 =	vsub.f32 v18, v60  }
0xc0: {  	[tilespmem:s26+$0x12010] =	vst v4  }
0xc1: {  	[tilespmem:s26+$0x12030] =	vst v2  }
0xc2: {  	[tilespmem:s17], [sflag:$0x2] =	stream.indirect.gather [hbm4b:s1+s12], $0x1, s16, s12, $0xb8;
	[tilespmem:$0x18400] =	vst v63  }
0xc3: {  	_ =	swait.ge [sflag:s18], $0x2000  }
0xc4: {  	[sflag:s18] =	ssyncset.done $0x0  }
0xc5: {  	s31 =	simm.s32 $0x0;
	[sflag:s18] =	ssyncadd.s32 $0xFFFFE000  }
0xc6: {  	v3 =	vld [tilespmem:s31+$0x10000]  }
0xc7: {  	v4 =	vld [tilespmem:s31+$0x10010]  }
0xc8: {  	v2 =	vld [tilespmem:s31+$0x14000]  }
0xc9: {  	v5 =	vld [tilespmem:s31+$0x14010]  }
0xca: {  	v6 =	vld [tilespmem:s31+$0x14020]  }
0xcb: {  	v7 =	vld [tilespmem:s31+$0x14030]  }
0xcc: {  	v8 =	vld [tilespmem:s31+$0x14040]  }
0xcd: {  	v9 =	vld [tilespmem:s31+$0x14050]  }
0xce: {  	v10 =	vld [tilespmem:s31+$0x14060]  }
0xcf: {  	v11 =	vld [tilespmem:s31+$0x14070]  }
0xd0: {  	v12 =	vld [tilespmem:s31+$0x10040]  }
0xd1: {  	v13 =	vld [tilespmem:s31+$0x10020];
	v14 =	vmul.f32 v2, v3;
	v5 =	vmul.f32 v5, v4  }
0xd2: {  	v15 =	vld [tilespmem:s31+$0x10030];
	v6 =	vmul.f32 v6, v3;
	v7 =	vmul.f32 v7, v4  }
0xd3: {  	s25 =	simm.s32 $0x80;
	v63 =	vld [tilespmem:s31+$0x10050];
	v8 =	vmul.f32 v8, v3;
	v9 =	vmul.f32 v9, v4  }
0xd4: {  	v2 =	vld [tilespmem:s25+$0x10000];
	v3 =	vmul.f32 v10, v3;
	v10 =	vmul.f32 v11, v4  }
0xd5: {  	v4 =	vld [tilespmem:s25+$0x10010];
	v11 =	vadd.f32 v5, v14;
	v7 =	vadd.f32 v7, v6  }
0xd6: {  	v5 =	vld [tilespmem:s25+$0x14000];
	v8 =	vadd.f32 v9, v8;
	v3 =	vadd.f32 v10, v3  }
0xd7: {  	v6 =	vld [tilespmem:s25+$0x14010];
	v10 =	vmul.f32 v11, v13;
	v11 =	vmul.f32 v7, v15  }
0xd8: {  	v9 =	vld [tilespmem:s25+$0x14030];
	v13 =	vmul.f32 v8, v13;
	v3 =	vmul.f32 v3, v15  }
0xd9: {  	v7 =	vld [tilespmem:s25+$0x14020]  }
0xda: {  	v8 =	vld [tilespmem:s25+$0x14040];
	v14 =	vadd.f32 v11, v10;
	v13 =	vadd.f32 v3, v13  }
0xdb: {  	v10 =	vld [tilespmem:s25+$0x14050]  }
0xdc: {  	s26 =	simm.s32 $0x400;
	v3 =	vimm.f32 $0.0e+00;
	v11 =	vld [tilespmem:s25+$0x14060];
	v12 =	vmul.f32 v14, v12;
	v13 =	vmul.f32 v13, v63  }
.LBB2_7:
0xdd: {  	p1 =	sne.s32 s26, $0x7E00;
	v14 =	vld [tilespmem:s25+$0x14070]  }
0xde: {  	v15 =	vld [tilespmem:s25+$0x10040];
	v12 =	vadd.f32 v13, v12  }
0xdf: {  	v5 =	vmul.f32 v5, v2;
	v6 =	vmul.f32 v6, v4;
	v13 =	vld [tilespmem:s25+$0x10020]  }
0xe0: {  	v7 =	vmul.f32 v7, v2;
	v9 =	vmul.f32 v9, v4;
	v16 =	vld [tilespmem:s25+$0x10030];
	v3 =	vadd.f32 v12, v3  }
0xe1: {  	v8 =	vmul.f32 v8, v2;
	v10 =	vmul.f32 v10, v4;
	v17 =	vld [tilespmem:s25+$0x10050];
	s25 =	sshra.s32 s26, $0x2  }
0xe2: {  	v11 =	vmul.f32 v11, v2;
	v2 =	vld [tilespmem:s25+$0x10000];
	v12 =	vmul.f32 v14, v4  }
0xe3: {  	v7 =	vadd.f32 v9, v7;
	v14 =	vadd.f32 v6, v5;
	v4 =	vld [tilespmem:s25+$0x10010]  }
0xe4: {  	v8 =	vadd.f32 v10, v8;
	v5 =	vld [tilespmem:s25+$0x14000];
	v9 =	vadd.f32 v12, v11  }
0xe5: {  	v10 =	vmul.f32 v14, v13;
	v6 =	vld [tilespmem:s25+$0x14010];
	v11 =	vmul.f32 v7, v16  }
.Ltmp2:
0xe6: {  	v12 =	vmul.f32 v8, v13;
	v7 =	vld [tilespmem:s25+$0x14020];
	v13 =	vmul.f32 v9, v16;
	(pc) =	sbr.rel @p1 .LBB2_7-.Ltmp2, $4  }
0xe7: {  	v9 =	vld [tilespmem:s25+$0x14030]  }
0xe8: {  	v14 =	vadd.f32 v11, v10;
	v8 =	vld [tilespmem:s25+$0x14040];
	v13 =	vadd.f32 v13, v12  }
0xe9: {  	v10 =	vld [tilespmem:s25+$0x14050]  }
0xea: {  	s26 =	sadd.s32 $0x200, s26;
	v12 =	vmul.f32 v14, v15;
	v11 =	vld [tilespmem:s25+$0x14060];
	v13 =	vmul.f32 v13, v17  }
0xeb: {  	v14 =	vld [tilespmem:s25+$0x14070];
	_ =	sdelay $0x1  }
0xec: {  	v15 =	vld [tilespmem:s25+$0x10020];
	v5 =	vmul.f32 v5, v2;
	v6 =	vmul.f32 v6, v4  }
0xed: {  	v16 =	vld [tilespmem:s25+$0x10030];
	v7 =	vmul.f32 v7, v2;
	v9 =	vmul.f32 v9, v4  }
0xee: {  	v8 =	vmul.f32 v8, v2;
	v10 =	vmul.f32 v10, v4  }
0xef: {  	v2 =	vmul.f32 v11, v2;
	v59 =	vmul.f32 v14, v4  }
0xf0: {  	v5 =	vadd.f32 v6, v5;
	v60 =	vadd.f32 v9, v7  }
0xf1: {  	v61 =	vld [tilespmem:s25+$0x10040];
	v8 =	vadd.f32 v10, v8;
	v2 =	vadd.f32 v59, v2  }
0xf2: {  	v62 =	vld [tilespmem:s25+$0x10050];
	v5 =	vmul.f32 v5, v15;
	v6 =	vmul.f32 v60, v16  }
0xf3: {  	v8 =	vmul.f32 v8, v15;
	v2 =	vmul.f32 v2, v16;
	_ =	sdelay $0x1  }
0xf4: {  	v5 =	vadd.f32 v6, v5;
	v2 =	vadd.f32 v2, v8;
	_ =	sdelay $0x1  }
0xf5: {  	v63 =	vadd.f32 v13, v12;
	v5 =	vmul.f32 v5, v61;
	v2 =	vmul.f32 v2, v62;
	_ =	sdelay $0x1  }
0xf6: {  	v3 =	vadd.f32 v63, v3;
	v2 =	vadd.f32 v2, v5;
	_ =	sdelay $0x1  }
.Ltmp3:
0xf7: {  	v2 =	vadd.f32 v2, v3;
	(pc) =	sbr.rel @p0 .LBB2_12-.Ltmp3, $4  }
0xf8: {  	_ = 	snop  }
0xf9: {  	s31 =	sshll.u32 s23, $0x5;
	v2 =	vmul.f32 $1.562500000e-02, v2  }
0xfa: {  	s25 =	sand.u32 $0x3FFFFFE0, s31  }
0xfb: {  	[tilespmem:s25+$0x18000] =	vst v2  }
0xfc: {  	s24 =	sadd.s32 $0x3, s24  }
0xfd: {  	s26 =	sand.u32 $0x78, s24  }
0xfe: {  	s24 =	sand.u32 $0x7, s24;
	s26 =	sadd.s32 s26, s4  }
0xff: {  	s24 =	sor.u32 s24, s26  }
0x100: {  	s24 =	smul.u32 $0x6000, s24;
	_ =	sdelay $0x1  }
0x101: {  	s24 =	sshrl.u32 s24, $0x3  }
0x102: {  	s31 =	simm.s32 $0x0;
	s24 =	sadd.s32 s5, s24  }
0x103: {  	[tilespmem:s10], [sflag:$0x4] =	stream.linear.gather [hbm4b:s24+s31], $0x6000, $0x38;
	[tilespmem:$0x18400] =	vst v63  }
0x104: {  	_ =	swait.ge [sflag:s11], $0x6000  }
0x105: {  	[sflag:s11] =	ssyncset.done $0x0  }
0x106: {  	s24 =	simm.s32 $0x0;
	[sflag:s11] =	ssyncadd.s32 $0xFFFFA000  }
0x107: {  	v8 =	vld [tilespmem:s24+$0x4000]  }
0x108: {  	v3 =	vld [tilespmem:s24+$0x2000]  }
0x109: {  	v2 =	vld [tilespmem:s24+$0x0];
	_ =	sdelay $0x2  }
0x10a: {  	v4 =	vtrunc.f32 v8;
	vm1 =	vge.f32 v8, $0.0e+00;
	vm0 =	vle.f32 v8, $1.280000000e+02  }
0x10b: {  	v5 =	vtrunc.f32 v3;
	vm2 =	vge.f32 v3, $0.0e+00;
	v4 =	vcvt.f32.s32 v4  }
0x10c: {  	vm3 =	vle.f32 v3, $1.280000000e+02;
	v6 =	vtrunc.f32 v2;
	v5 =	vcvt.f32.s32 v5  }
0x10d: {  	vm5 =	vge.f32 v2, $0.0e+00;
	vm15 =	vle.f32 v2, $1.280000000e+02;
	vm4 =	vgt.s32 v4, $0x0  }
0x10e: {  	v6 =	vcvt.f32.s32 v6;
	vm6 =	vgt.s32 v5, $0x0;
	v4 =	vnsel vm4, $0x0, v4  }
0x10f: {  	vm2 =	vmand vm5, vm2;
	v5 =	vnsel vm6, $0x0, v5;
	v10 =	vmin.u32 v4, $0x7F  }
0x110: {  	vm14 =	vgt.s32 v6, $0x0;
	v11 =	vmin.u32 v5, $0x7F;
	v7 =	vcvt.s32.f32 v10  }
0x111: {  	vm2 =	vmand vm2, vm15;
	v4 =	vnsel vm14, $0x0, v6;
	v5 =	vcvt.s32.f32 v11  }
0x112: {  	vm2 =	vmand vm3, vm2;
	v4 =	vmin.u32 v4, $0x7F;
	v9 =	vadd.f32 $1.000000000e+00, v7  }
0x113: {  	vm1 =	vmand vm1, vm2;
	v6 =	vcvt.s32.f32 v4;
	v12 =	vadd.f32 $1.000000000e+00, v5  }
0x114: {  	vm0 =	vmand vm0, vm1;
	v13 =	vmin.f32 v9, $1.270000000e+02  }
0x115: {  	v14 =	vadd.f32 $1.000000000e+00, v6;
	v9 =	vmin.f32 v12, $1.270000000e+02;
	v12 =	vtrunc.f32 v13  }
0x116: {  	v10 =	vshll.u32 v10, $0xE;
	v15 =	vtrunc.f32 v9;
	v16 =	vcvt.f32.s32 v12  }
0x117: {  	v12 =	vsub.f32 v13, v8;
	v13 =	vmin.f32 v14, $1.270000000e+02;
	v14 =	vcvt.f32.s32 v15  }
0x118: {  	v7 =	vsub.f32 v8, v7;
	v8 =	vtrunc.f32 v13;
	v15 =	vshll.u32 v16, $0xE  }
0x119: {  	v8 =	vcvt.f32.s32 v8;
	v18 =	vshll.u32 v14, $0x7;
	v17 =	vadd.s32 v0, v15  }
0x11a: {  	v14 =	vor.u32 v0, v10;
	v16 =	vshll.u32 v11, $0x7;
	v10 =	vadd.s32 v18, v17  }
0x11b: {  	s28 =	simm.s32 $0x400;
	s26 =	simm.s32 $0x80;
	v15 =	vsel vm0, $0x3F800000, v1;
	v11 =	vadd.s32 v14, v18;
	v18 =	vadd.s32 v8, v10  }
.LBB2_10:
0x11c: {  	p0 =	sne.s32 s28, $0x7E00;
	v19 =	vld [tilespmem:s26+$0x4000];
	v13 =	vsub.f32 v13, v2;
	v12 =	vmul.f32 v12, v15;
	v17 =	vor.u32 v16, v17;
	[tilespmem:s24+$0xC070] =	vst v18  }
0x11d: {  	v6 =	vsub.f32 v2, v6;
	v9 =	vsub.f32 v9, v3;
	v7 =	vmul.f32 v15, v7;
	v18 =	vld [tilespmem:s26+$0x2000]  }
0x11e: {  	v15 =	vsub.f32 v3, v5;
	v3 =	vor.u32 v16, v14;
	v5 =	vor.u32 v4, v17;
	[tilespmem:s24+$0x10040] =	vst v12  }
0x11f: {  	v10 =	vor.u32 v4, v10;
	v12 =	vor.u32 v4, v11;
	v2 =	vld [tilespmem:s26+$0x0];
	[tilespmem:s24+$0xC040] =	vst v5;
	v5 =	vadd.s32 v8, v17  }
0x120: {  	v14 =	vadd.s32 v8, v3;
	v4 =	vor.u32 v4, v3;
	v8 =	vadd.s32 v8, v11;
	[tilespmem:s24+$0xC050] =	vst v5  }
0x121: {  	v11 =	vtrunc.f32 v19;
	vm1 =	vge.f32 v19, $0.0e+00;
	vm0 =	vle.f32 v19, $1.280000000e+02;
	[tilespmem:s24+$0xC060] =	vst v10  }
0x122: {  	v5 =	vtrunc.f32 v18;
	v10 =	vcvt.f32.s32 v11;
	vm3 =	vge.f32 v18, $0.0e+00;
	[tilespmem:s24+$0xC020] =	vst v12;
	v3 =	vmovc v18  }
0x123: {  	v5 =	vcvt.f32.s32 v5;
	vm2 =	vle.f32 v3, $1.280000000e+02;
	[tilespmem:s24+$0xC030] =	vst v8  }
0x124: {  	v8 =	vtrunc.f32 v2;
	vm4 =	vgt.s32 v10, $0x0;
	vm5 =	vge.f32 v2, $0.0e+00;
	[tilespmem:s24+$0xC010] =	vst v14  }
0x125: {  	v8 =	vcvt.f32.s32 v8;
	vm6 =	vgt.s32 v5, $0x0;
	v10 =	vnsel vm4, $0x0, v10;
	[tilespmem:s24+$0x10000] =	vst v13  }
0x126: {  	vm3 =	vmand vm5, vm3;
	v5 =	vnsel vm6, $0x0, v5;
	v10 =	vmin.u32 v10, $0x7F;
	[tilespmem:s24+$0x10020] =	vst v9  }
0x127: {  	vm4 =	vgt.s32 v8, $0x0;
	v11 =	vmin.u32 v5, $0x7F;
	v9 =	vcvt.s32.f32 v10;
	[tilespmem:s24+$0x10050] =	vst v7  }
0x128: {  	v7 =	vnsel vm4, $0x0, v8;
	v5 =	vcvt.s32.f32 v11;
	vm4 =	vle.f32 v2, $1.280000000e+02;
	[tilespmem:s24+$0xC000] =	vst v4  }
0x129: {  	v4 =	vmin.u32 v7, $0x7F;
	v7 =	vadd.f32 $1.000000000e+00, v9;
	vm3 =	vmand vm3, vm4;
	[tilespmem:s24+$0x10010] =	vst v6  }
0x12a: {  	v6 =	vcvt.s32.f32 v4;
	v8 =	vadd.f32 $1.000000000e+00, v5;
	vm2 =	vmand vm2, vm3;
	[tilespmem:s24+$0x10030] =	vst v15;
	s24 =	smov.u32 s26  }
0x12b: {  	v12 =	vmin.f32 v7, $1.270000000e+02;
	v7 =	vsub.f32 v19, v9;
	vm1 =	vmand vm1, vm2  }
0x12c: {  	v13 =	vadd.f32 $1.000000000e+00, v6;
	v9 =	vmin.f32 v8, $1.270000000e+02;
	v8 =	vtrunc.f32 v12  }
0x12d: {  	v12 =	vsub.f32 v12, v19;
	v14 =	vtrunc.f32 v9;
	v8 =	vcvt.f32.s32 v8  }
.Ltmp4:
0x12e: {  	v10 =	vshll.u32 v10, $0xE;
	v13 =	vmin.f32 v13, $1.270000000e+02;
	v14 =	vcvt.f32.s32 v14;
	(pc) =	sbr.rel @p0 .LBB2_10-.Ltmp4, $4  }
0x12f: {  	vm0 =	vmand vm0, vm1;
	v15 =	vtrunc.f32 v13;
	v16 =	vshll.u32 v8, $0xE  }
0x130: {  	v8 =	vcvt.f32.s32 v15;
	v18 =	vshll.u32 v14, $0x7;
	v17 =	vadd.s32 v0, v16  }
0x131: {  	v15 =	vsel vm0, $0x3F800000, v1;
	v14 =	vor.u32 v0, v10;
	v10 =	vadd.s32 v18, v17  }
0x132: {  	s26 =	sshra.s32 s28, $0x2;
	s28 =	sadd.s32 $0x200, s28;
	v16 =	vshll.u32 v11, $0x7;
	v11 =	vadd.s32 v14, v18;
	v18 =	vadd.s32 v8, v10  }
0x133: {  	v19 =	vld [tilespmem:s26+$0x4000];
	v12 =	vmul.f32 v12, v15  }
0x134: {  	[tilespmem:s24+$0xC070] =	vst v18;
	v13 =	vsub.f32 v13, v2;
	v17 =	vor.u32 v16, v17  }
0x135: {  	v2 =	vsub.f32 v2, v6;
	v25 =	vsub.f32 v9, v3;
	v7 =	vmul.f32 v15, v7;
	v18 =	vld [tilespmem:s26+$0x2000];
	[tilespmem:s24+$0x10040] =	vst v12  }
0x136: {  	v3 =	vsub.f32 v3, v5;
	v26 =	vor.u32 v16, v14;
	v28 =	vor.u32 v4, v11;
	v12 =	vld [tilespmem:s26+$0x0]  }
0x137: {  	v10 =	vor.u32 v4, v10;
	v32 =	vadd.s32 v8, v11;
	v27 =	vor.u32 v4, v17  }
0x138: {  	v29 =	vadd.s32 v8, v17;
	v5 =	vadd.s32 v8, v26;
	v31 =	vtrunc.f32 v19  }
0x139: {  	vm0 =	vge.f32 v19, $0.0e+00;
	vm15 =	vle.f32 v19, $1.280000000e+02;
	v16 =	vcvt.f32.s32 v31  }
0x13a: {  	v33 =	vtrunc.f32 v18;
	vm1 =	vge.f32 v18, $0.0e+00;
	vm2 =	vle.f32 v18, $1.280000000e+02  }
0x13b: {  	[tilespmem:s24+$0xC040] =	vst v27;
	v11 =	vcvt.f32.s32 v33;
	v34 =	vtrunc.f32 v12;
	vm3 =	vgt.s32 v16, $0x0  }
0x13c: {  	[tilespmem:s24+$0xC050] =	vst v29;
	vm12 =	vge.f32 v12, $0.0e+00;
	vm14 =	vle.f32 v12, $1.280000000e+02;
	v17 =	vcvt.f32.s32 v34  }
0x13d: {  	[tilespmem:s24+$0xC060] =	vst v10;
	vm4 =	vgt.s32 v11, $0x0;
	v16 =	vnsel vm3, $0x0, v16;
	vm1 =	vmand vm12, vm1  }
0x13e: {  	[tilespmem:s24+$0xC020] =	vst v28;
	v11 =	vnsel vm4, $0x0, v11;
	v16 =	vmin.u32 v16, $0x7F;
	vm1 =	vmand vm1, vm14  }
0x13f: {  	[tilespmem:s24+$0xC030] =	vst v32;
	vm13 =	vgt.s32 v17, $0x0;
	v35 =	vmin.u32 v11, $0x7F;
	v36 =	vcvt.s32.f32 v16  }
0x140: {  	[tilespmem:s24+$0xC010] =	vst v5;
	vm1 =	vmand vm2, vm1;
	v37 =	vnsel vm13, $0x0, v17;
	v38 =	vcvt.s32.f32 v35  }
0x141: {  	[tilespmem:s24+$0x10000] =	vst v13;
	vm0 =	vmand vm0, vm1;
	v39 =	vmin.u32 v37, $0x7F;
	v40 =	vadd.f32 $1.000000000e+00, v36  }
0x142: {  	[tilespmem:s24+$0x10020] =	vst v25;
	vm0 =	vmand vm15, vm0;
	v41 =	vcvt.s32.f32 v39;
	v20 =	vadd.f32 $1.000000000e+00, v38  }
0x143: {  	v30 =	vor.u32 v4, v26;
	[tilespmem:s24+$0x10010] =	vst v2;
	v61 =	vsub.f32 v19, v36;
	v2 =	vsel vm0, $0x3F800000, v1  }
0x144: {  	[tilespmem:s24+$0x10050] =	vst v7;
	v42 =	vmin.f32 v40, $1.270000000e+02;
	v43 =	vadd.f32 $1.000000000e+00, v41;
	v44 =	vmin.f32 v20, $1.270000000e+02  }
0x145: {  	[tilespmem:s24+$0xC000] =	vst v30;
	v45 =	vtrunc.f32 v42;
	v47 =	vsub.f32 v42, v19;
	v63 =	vsub.f32 v12, v41  }
0x146: {  	[tilespmem:s24+$0x10030] =	vst v3;
	v46 =	vtrunc.f32 v44;
	v20 =	vcvt.f32.s32 v45;
	v62 =	vsub.f32 v44, v18  }
0x147: {  	v5 =	vmin.f32 v43, $1.270000000e+02;
	v48 =	vcvt.f32.s32 v46;
	v6 =	vmul.f32 v47, v2;
	[tilespmem:s26+$0x10010] =	vst v63  }
0x148: {  	v2 =	vmul.f32 v2, v61;
	v49 =	vtrunc.f32 v5;
	[tilespmem:s26+$0x10020] =	vst v62  }
0x149: {  	v50 =	vshll.u32 v20, $0xE;
	v5 =	vsub.f32 v5, v12;
	v51 =	vcvt.f32.s32 v49;
	[tilespmem:s26+$0x10040] =	vst v6  }
0x14a: {  	v52 =	vshll.u32 v48, $0x7;
	v53 =	vadd.s32 v0, v50;
	[tilespmem:s26+$0x10050] =	vst v2;
	v2 =	vsub.f32 v18, v38  }
0x14b: {  	v3 =	vshll.u32 v35, $0x7;
	v13 =	vadd.s32 v52, v53;
	[tilespmem:s26+$0x10000] =	vst v5  }
0x14c: {  	v8 =	vor.u32 v3, v53;
	v54 =	vadd.s32 v51, v13;
	[tilespmem:s26+$0x10030] =	vst v2  }
0x14d: {  	v55 =	vshll.u32 v16, $0xE;
	v56 =	vor.u32 v39, v8;
	[tilespmem:s26+$0xC070] =	vst v54  }
0x14e: {  	v57 =	vor.u32 v0, v55;
	v8 =	vadd.s32 v51, v8;
	[tilespmem:s26+$0xC040] =	vst v56  }
0x14f: {  	v7 =	vadd.s32 v57, v52;
	v58 =	vor.u32 v39, v13;
	[tilespmem:s26+$0xC050] =	vst v8  }
0x150: {  	v59 =	vor.u32 v39, v7;
	[tilespmem:s26+$0xC060] =	vst v58  }
0x151: {  	v3 =	vor.u32 v3, v57;
	v60 =	vadd.s32 v51, v7;
	[tilespmem:s26+$0xC020] =	vst v59  }
0x152: {  	v4 =	vadd.s32 v51, v3;
	[tilespmem:s26+$0xC030] =	vst v60  }
0x153: {  	v3 =	vor.u32 v39, v3;
	[tilespmem:s26+$0xC010] =	vst v4  }
0x154: {  	[tilespmem:s26+$0xC000] =	vst v3  }
0x155: {  	[tilespmem:s14], [sflag:$0x1] =	stream.indirect.gather [hbm4b:s1+s12], $0x1, s13, s12, $0xb8;
	[tilespmem:$0x18400] =	vst v63  }
.LBB2_12:
0x156: {  	_ =	swait.ge [sflag:s19], $0x2000  }
0x157: {  	[sflag:s19] =	ssyncset.done $0x0  }
0x158: {  	s26 =	simm.s32 $0x0;
	[sflag:s19] =	ssyncadd.s32 $0xFFFFE000  }
0x159: {  	v3 =	vld [tilespmem:s26+$0x12000]  }
0x15a: {  	v4 =	vld [tilespmem:s26+$0x12010]  }
0x15b: {  	v2 =	vld [tilespmem:s26+$0x16000]  }
0x15c: {  	v5 =	vld [tilespmem:s26+$0x16010]  }
0x15d: {  	v6 =	vld [tilespmem:s26+$0x16020]  }
0x15e: {  	v7 =	vld [tilespmem:s26+$0x16030]  }
0x15f: {  	v8 =	vld [tilespmem:s26+$0x16040]  }
0x160: {  	v9 =	vld [tilespmem:s26+$0x16050]  }
0x161: {  	v10 =	vld [tilespmem:s26+$0x16060]  }
0x162: {  	v11 =	vld [tilespmem:s26+$0x16070]  }
0x163: {  	v12 =	vld [tilespmem:s26+$0x12040]  }
0x164: {  	v13 =	vld [tilespmem:s26+$0x12020];
	v14 =	vmul.f32 v2, v3;
	v5 =	vmul.f32 v5, v4  }
0x165: {  	v15 =	vld [tilespmem:s26+$0x12030];
	v6 =	vmul.f32 v6, v3;
	v7 =	vmul.f32 v7, v4  }
0x166: {  	s24 =	simm.s32 $0x80;
	v16 =	vld [tilespmem:s26+$0x12050];
	v8 =	vmul.f32 v8, v3;
	v9 =	vmul.f32 v9, v4  }
0x167: {  	v2 =	vld [tilespmem:s24+$0x12000];
	v3 =	vmul.f32 v10, v3;
	v10 =	vmul.f32 v11, v4  }
0x168: {  	v4 =	vld [tilespmem:s24+$0x12010];
	v11 =	vadd.f32 v5, v14;
	v7 =	vadd.f32 v7, v6  }
0x169: {  	v5 =	vld [tilespmem:s24+$0x16000];
	v8 =	vadd.f32 v9, v8;
	v3 =	vadd.f32 v10, v3  }
0x16a: {  	v6 =	vld [tilespmem:s24+$0x16010];
	v10 =	vmul.f32 v11, v13;
	v11 =	vmul.f32 v7, v15  }
0x16b: {  	v9 =	vld [tilespmem:s24+$0x16030];
	v13 =	vmul.f32 v8, v13;
	v3 =	vmul.f32 v3, v15  }
0x16c: {  	v7 =	vld [tilespmem:s24+$0x16020]  }
0x16d: {  	v8 =	vld [tilespmem:s24+$0x16040];
	v14 =	vadd.f32 v11, v10;
	v13 =	vadd.f32 v3, v13  }
0x16e: {  	v10 =	vld [tilespmem:s24+$0x16050]  }
0x16f: {  	s26 =	simm.s32 $0x400;
	v3 =	vimm.f32 $0.0e+00;
	v11 =	vld [tilespmem:s24+$0x16060];
	v12 =	vmul.f32 v14, v12;
	v13 =	vmul.f32 v13, v16  }
.LBB2_13:
0x170: {  	p0 =	sne.s32 s26, $0x7E00;
	v14 =	vld [tilespmem:s24+$0x16070]  }
0x171: {  	v15 =	vld [tilespmem:s24+$0x12040];
	v12 =	vadd.f32 v13, v12  }
0x172: {  	v5 =	vmul.f32 v5, v2;
	v6 =	vmul.f32 v6, v4;
	v13 =	vld [tilespmem:s24+$0x12020]  }
0x173: {  	v7 =	vmul.f32 v7, v2;
	v9 =	vmul.f32 v9, v4;
	v16 =	vld [tilespmem:s24+$0x12030];
	v3 =	vadd.f32 v12, v3  }
0x174: {  	v8 =	vmul.f32 v8, v2;
	v10 =	vmul.f32 v10, v4;
	v17 =	vld [tilespmem:s24+$0x12050];
	s24 =	sshra.s32 s26, $0x2  }
0x175: {  	v11 =	vmul.f32 v11, v2;
	v2 =	vld [tilespmem:s24+$0x12000];
	v12 =	vmul.f32 v14, v4  }
0x176: {  	v7 =	vadd.f32 v9, v7;
	v14 =	vadd.f32 v6, v5;
	v4 =	vld [tilespmem:s24+$0x12010]  }
0x177: {  	v8 =	vadd.f32 v10, v8;
	v5 =	vld [tilespmem:s24+$0x16000];
	v9 =	vadd.f32 v12, v11  }
0x178: {  	v10 =	vmul.f32 v14, v13;
	v6 =	vld [tilespmem:s24+$0x16010];
	v11 =	vmul.f32 v7, v16  }
.Ltmp5:
0x179: {  	v12 =	vmul.f32 v8, v13;
	v7 =	vld [tilespmem:s24+$0x16020];
	v13 =	vmul.f32 v9, v16;
	(pc) =	sbr.rel @p0 .LBB2_13-.Ltmp5, $4  }
0x17a: {  	v9 =	vld [tilespmem:s24+$0x16030]  }
0x17b: {  	v14 =	vadd.f32 v11, v10;
	v8 =	vld [tilespmem:s24+$0x16040];
	v13 =	vadd.f32 v13, v12  }
0x17c: {  	v10 =	vld [tilespmem:s24+$0x16050]  }
0x17d: {  	s26 =	sadd.s32 $0x200, s26;
	v12 =	vmul.f32 v14, v15;
	v11 =	vld [tilespmem:s24+$0x16060];
	v13 =	vmul.f32 v13, v17  }
0x17e: {  	v14 =	vld [tilespmem:s24+$0x16070];
	_ =	sdelay $0x1  }
0x17f: {  	v15 =	vld [tilespmem:s24+$0x12020];
	v5 =	vmul.f32 v5, v2;
	v6 =	vmul.f32 v6, v4  }
0x180: {  	v16 =	vld [tilespmem:s24+$0x12030];
	v7 =	vmul.f32 v7, v2;
	v9 =	vmul.f32 v9, v4  }
0x181: {  	v8 =	vmul.f32 v8, v2;
	v10 =	vmul.f32 v10, v4  }
0x182: {  	v2 =	vmul.f32 v11, v2;
	v59 =	vmul.f32 v14, v4  }
0x183: {  	v5 =	vadd.f32 v6, v5;
	v60 =	vadd.f32 v9, v7  }
0x184: {  	v61 =	vld [tilespmem:s24+$0x12040];
	v8 =	vadd.f32 v10, v8;
	v2 =	vadd.f32 v59, v2  }
0x185: {  	v62 =	vld [tilespmem:s24+$0x12050];
	v5 =	vmul.f32 v5, v15;
	v6 =	vmul.f32 v60, v16  }
0x186: {  	v8 =	vmul.f32 v8, v15;
	v2 =	vmul.f32 v2, v16;
	_ =	sdelay $0x1  }
0x187: {  	v5 =	vadd.f32 v6, v5;
	v2 =	vadd.f32 v2, v8;
	_ =	sdelay $0x1  }
0x188: {  	v63 =	vadd.f32 v13, v12;
	v5 =	vmul.f32 v5, v61;
	v2 =	vmul.f32 v2, v62;
	_ =	sdelay $0x1  }
0x189: {  	s23 =	sadd.s32 $0x1, s23;
	v3 =	vadd.f32 v63, v3;
	v2 =	vadd.f32 v2, v5  }
0x18a: {  	p0 =	sne.s32 s23, $0x20  }
.Ltmp6:
0x18b: {  	v2 =	vadd.f32 v2, v3;
	(pc) =	sbr.rel @p0 .LBB2_4-.Ltmp6, $3  }
0x18c: {  	_ = 	snop  }
0x18d: {  	v2 =	vmul.f32 $1.562500000e-02, v2;
	_ =	sdelay $0x1  }
0x18e: {  	[tilespmem:s25+$0x18010] =	vst v2  }
0x18f: {  	s22 =	sadd.s32 $0x1, s22  }
0x190: {  	p0 =	sne.s32 s22, s9  }
.Ltmp7:
0x191: {  	_ = 	snop;
	(pc) =	sbr.rel @p0 .LBB2_1-.Ltmp7, $4  }
0x192: {  	[hbm4b:s8+s3] =	stream.linear.scatter [tilespmem:s20], [sflag:$0x5], $0x400, $0x38;
	[tilespmem:$0x18400] =	vst v63  }
0x193: {  	_ =	swait.ge [sflag:s21], $0x400  }
0x194: {  	[sflag:s21] =	ssyncset.done $0x0  }
0x195: {  	[sflag:s21] =	ssyncadd.s32 $0xFFFFFC00  }
0x196: {  	_ =	sfence.sel $0x180000  }
0x197: {  	[bflag:$0x0] =	sbarrier.arrive $0xFFFF  }
0x198: {  	p0 =	sne.s32 s0, $0x0;
	_ =	strace $0x9000004A  }
0x199: {  	s0 =	sadd.s32 @!p0 $0x100000, s2;
	[bflag:$0x2] =	sbarrier.arrive $0xFFFF  }
0x19a: {  	[sflag:s0] =	ssyncadd.tile.s32 @!p0 $0x1;
	_ =	shalt  }
.Lfunc_end2:
_tile_overlayer_lowered:
.L_overlay_start_2:
0x19b: {  	(tag) =	ssettag $0x2  }
0x19c: {  	s0 =	rddreg [dreg:$0x0];
	s2 =	stileid.u32  }
0x19d: {  	s1 =	rddreg [dreg:$0x1];
	p0 =	sne.s32 s2, $0x0  }
0x19e: {  	s3 =	rddreg [dreg:$0x2];
	[bflag:$0x3] =	sbarrier.arrive $0xFFFF;
	s2 =	simm.s32 @!p0 $0x1C05  }
0x19f: {  	[timem:s3], [sflag:s2] =	dma.local @!p0 [hbm:s0], s1  }
0x1a0: {  	s0 =	simm.s32 @!p0 $0x5  }
0x1a1: {  	_ =	swait.ge @!p0 [sflag:s0], s1  }
0x1a2: {  	s1 =	ssub.s32 @!p0 $0x0, s1;
	[sflag:s0] =	ssyncset.done @!p0 $0x0  }
0x1a3: {  	[sflag:s0] =	ssyncadd.s32 @!p0 s1  }
0x1a4: {  	[bflag:$0x3] =	sbarrier.arrive $0xFFFF  }
0x1a5: {  	_ =	shalt  }

</sc_bundles>
